<compile_context>
chip_gen: v7x
topology: tpu7x:2x2x1
jax: 0.10.2.dev20260603
libtpu: 0.0.44.dev20260713+nightly
codegen_flags: <defaults>
</compile_context>

<pallas_src>
import functools

import jax
import jax.numpy as jnp
from jax import lax
from jax.experimental import pallas as pl
from jax.experimental.pallas import tpu as pltpu
from jax.experimental.pallas import tpu_sc as plsc

NUM_EMB = 1000000
DIM = 64
BATCH = 16384

_NW = 32
_CHUNK = 512
_NCH = 1953
_TAIL = _NCH * _CHUNK
_PIECE = 2048
_WCAP = 2048
_FLUSH = 128
_OUT_ROWS = BATCH + 128


def _build():
    mesh = plsc.VectorSubcoreMesh(core_axis_name="c", subcore_axis_name="s")

    @functools.partial(
        pl.kernel,
        mesh=mesh,
        out_type=jax.ShapeDtypeStruct((_OUT_ROWS, 128), jnp.float32),
        scratch_types=[
            pltpu.VMEM((_PIECE,), jnp.int32),
            pltpu.VMEM((BATCH + 16,), jnp.int32),
            pltpu.VMEM((BATCH + 16,), jnp.int32),
            pltpu.VMEM((_WCAP,), jnp.int32),
            pltpu.VMEM((_WCAP,), jnp.int32),
            pltpu.VMEM((DIM, _CHUNK), jnp.float32),
            pltpu.VMEM((DIM, _CHUNK), jnp.float32),
            pltpu.VMEM((144, 128), jnp.float32),
            pltpu.VMEM((_FLUSH,), jnp.int32),
            pltpu.SemaphoreType.DMA,
            pltpu.SemaphoreType.DMA,
        ],
        compiler_params=pltpu.CompilerParams(needs_layout_passes=False),
    )
    def gather_kernel(
        table_t_hbm, ids_hbm, out_hbm,
        piece_v, me_v, mp_v, we_v, wp_v, chunk0_v, chunk1_v, brows_v, bidx_v,
        sem0, sem1,
    ):
        wid = lax.axis_index("s") * 2 + lax.axis_index("c")
        lanes = lax.iota(jnp.int32, 16)

        def start_chunk(c, buf, sem):
            g = c * _NW + wid
            coff = pl.multiple_of(g * _CHUNK, 128)
            pltpu.async_copy(table_t_hbm.at[:, pl.ds(coff, _CHUNK)], buf, sem)

        ncw = jnp.where(wid < _NCH % _NW, _NCH // _NW + 1, _NCH // _NW)

        start_chunk(0, chunk0_v, sem0)
        start_chunk(1, chunk1_v, sem1)

        def flush(rc):
            sl = rc + lanes
            sm = sl < _FLUSH
            plsc.store_scatter(
                bidx_v, [jnp.minimum(sl, _FLUSH - 1)], BATCH + lanes, mask=sm
            )
            pltpu.sync_copy(brows_v.at[pl.ds(0, _FLUSH)], out_hbm.at[bidx_v])
            return jnp.int32(0)

        def scan_piece(s, mcnt):
            pltpu.sync_copy(ids_hbm.at[pl.ds(s * _PIECE, _PIECE)], piece_v)

            def scan_vec(i, mcnt):
                e = plsc.load_gather(piece_v, [i * 16 + lanes])
                pos = s * _PIECE + i * 16 + lanes
                m = (e >> 9) % _NW == wid
                plsc.store_compressed(me_v.at[pl.ds(mcnt, 16)], e, mask=m)
                plsc.store_compressed(mp_v.at[pl.ds(mcnt, 16)], pos, mask=m)
                cnt = plsc.all_reduce_population_count(m)
                return mcnt + cnt[0]

            return lax.fori_loop(0, _PIECE // 16, scan_vec, mcnt)

        mcnt = lax.fori_loop(0, BATCH // _PIECE, scan_piece, jnp.int32(0))
        mvecs = (mcnt + 15) >> 4

        def process_chunk(c, buf, sem, rc):
            g = c * _NW + wid
            coff = g * _CHUNK

            def rescan(i, carry):
                cm, skip = carry
                k = i * 16 + lanes
                kc = jnp.minimum(k, BATCH - 1)
                e = plsc.load_gather(me_v, [kc])
                p = plsc.load_gather(mp_v, [kc])
                m = (k < mcnt) & ((e >> 9) == g)
                mi = m.astype(jnp.int32)
                cs = plsc.cumsum(mi)
                widx = cm + cs - 1 - skip
                wm = m & (widx >= 0) & (widx < _WCAP)
                plsc.store_scatter(we_v, [widx], e, mask=wm)
                plsc.store_scatter(wp_v, [widx], p, mask=wm)
                return cm + cs[15], skip

            def do_groups(wcnt, rc):
                def group(j, rc):
                    rc = lax.cond(rc >= _FLUSH - 16, flush, lambda r: r, rc)
                    k = j * 16 + lanes
                    kv = k < wcnt
                    kc = jnp.minimum(k, _WCAP - 1)
                    e = plsc.load_gather(we_v, [kc])
                    p = plsc.load_gather(wp_v, [kc])
                    e_loc = jnp.where(kv, e - coff, 0)
                    kvi = kv.astype(jnp.int32)
                    kcs = plsc.cumsum(kvi)
                    slot = jnp.where(kv, rc + kcs - 1, _FLUSH + lanes)
                    plsc.store_scatter(
                        bidx_v, [jnp.minimum(slot, _FLUSH - 1)], p, mask=kv
                    )
                    for f in range(DIM):
                        fv = jnp.full((16,), f, jnp.int32)
                        vals = plsc.load_gather(buf, [fv, e_loc])
                        plsc.store_scatter(brows_v, [slot, fv], vals)
                    return rc + kcs[15]

                return lax.fori_loop(0, (wcnt + 15) >> 4, group, rc)

            cm, _ = lax.fori_loop(0, mvecs, rescan, (jnp.int32(0), jnp.int32(0)))
            pltpu.make_async_copy(
                table_t_hbm.at[:, pl.ds(0, _CHUNK)], buf, sem
            ).wait()
            rc = do_groups(jnp.minimum(cm, _WCAP), rc)

            def extra_pass(carry):
                skip, rc = carry
                lax.fori_loop(0, mvecs, rescan, (jnp.int32(0), skip))
                rc = do_groups(jnp.minimum(cm - skip, _WCAP), rc)
                return skip + _WCAP, rc

            def more(carry):
                skip, _ = carry
                return skip < cm

            _, rc = lax.while_loop(more, extra_pass, (jnp.int32(_WCAP), rc))
            return rc

        def pair(p, rc):
            for par, buf, sem in ((0, chunk0_v, sem0), (1, chunk1_v, sem1)):
                c = 2 * p + par

                def run(rc, buf=buf, sem=sem, c=c):
                    new_rc = process_chunk(c, buf, sem, rc)

                    @pl.when(c + 2 < ncw)
                    def _():
                        start_chunk(c + 2, buf, sem)

                    return new_rc

                rc = lax.cond(c < ncw, run, lambda r: r, rc)
            return rc

        rc = lax.fori_loop(0, (_NCH // _NW + 2) // 2, pair, jnp.int32(0))

        def pad_strip(q, carry):
            sl = rc + q * 16 + lanes
            sm = sl < _FLUSH
            plsc.store_scatter(
                bidx_v, [jnp.minimum(sl, _FLUSH - 1)], BATCH + q * 16 + lanes,
                mask=sm,
            )
            return carry

        @pl.when(rc > 0)
        def _():
            lax.fori_loop(0, _FLUSH // 16, pad_strip, jnp.int32(0))
            pltpu.sync_copy(brows_v.at[pl.ds(0, _FLUSH)], out_hbm.at[bidx_v])

    return gather_kernel


_GATHER = _build()


def kernel(ids, table):
    ids32 = ids.astype(jnp.int32)
    out_w = _GATHER(table.T, ids32)
    out = out_w[:BATCH, :DIM]
    tail = lax.slice(table, (_TAIL, 0), (NUM_EMB, DIM))
    tvals = jnp.take(tail, jnp.clip(ids32 - _TAIL, 0, NUM_EMB - _TAIL - 1), axis=0)
    return jnp.where((ids32 >= _TAIL)[:, None], tvals, out)

# --- scband reference (transcript-rebuilt; emitter-appended) ---
"""Pipeline reference for scband-gather-fn-10471130268335 (READ-ONLY COPY).

The authoritative reference and input builder live on the scoring server;
editing this copy changes nothing except your own understanding.
"""

import jax, jax.numpy as jnp
import numpy as np

NUM_EMBEDDINGS = 1000000
EMBEDDING_DIM = 64
BATCH = 16384

def setup_inputs(seed: int = 0) -> dict:
    key = jax.random.key(seed)
    k_ids, k_table = jax.random.split(key)
    ids = jax.random.randint(k_ids, (BATCH,), 0, NUM_EMBEDDINGS, dtype=jnp.int64 if jax.config.jax_enable_x64 else jnp.int32)
    table = jax.random.normal(k_table, (NUM_EMBEDDINGS, EMBEDDING_DIM), dtype=jnp.float32) * 0.02
    return {"ids": ids, "table": table}

def reference(ids, table):
    # WholeMemoryEmbeddingModule gather with force_dtype=float32:
    # a plain row-gather from the embedding table, cast to float32.
    x_feat = jnp.take(table, ids, axis=0).astype(jnp.float32)
    return x_feat

if __name__ == "__main__":
    import jax
    _d = setup_inputs()
    print(jax.jit(kernel)(*tuple(_d.values())))

</pallas_src>

<mosaic_0001>
#map = affine_map<(d0, d1) -> (0, 0)>
#map1 = affine_map<(d0, d1) -> (0)>
module attributes {stable_mosaic.version = 14 : i64} {
  func.func @gather_kernel(%arg0: i32, %arg1: i32, %arg2: memref<64x1000000xf32, #tpu.memory_space<hbm>>, %arg3: memref<16384xi32, #tpu.memory_space<hbm>>, %arg4: memref<16512x128xf32, #tpu.memory_space<hbm>>, %arg5: memref<2048xi32, #tpu.memory_space<vmem>>, %arg6: memref<16400xi32, #tpu.memory_space<vmem>>, %arg7: memref<16400xi32, #tpu.memory_space<vmem>>, %arg8: memref<2048xi32, #tpu.memory_space<vmem>>, %arg9: memref<2048xi32, #tpu.memory_space<vmem>>, %arg10: memref<64x512xf32, #tpu.memory_space<vmem>>, %arg11: memref<64x512xf32, #tpu.memory_space<vmem>>, %arg12: memref<144x128xf32, #tpu.memory_space<vmem>>, %arg13: memref<128xi32, #tpu.memory_space<vmem>>, %arg14: memref<!tpu.dma_semaphore, #tpu.memory_space<semaphore_mem>>, %arg15: memref<!tpu.dma_semaphore, #tpu.memory_space<semaphore_mem>>) attributes {dimension_semantics = [#tpu.dimension_semantics<core_parallel>, #tpu.dimension_semantics<subcore_parallel>], iteration_bounds = array<i64: 2, 16>, scalar_prefetch = 0 : i64, scratch_operands = 11 : i64, tpu.core_type = #tpu.core_type<sc_vector_subcore>, window_params = [{transform_indices = #map}, {transform_indices = #map1}, {transform_indices = #map}]} {
    %mul3A = arith.constant 2 : i32
    %mul3A_0 = arith.muli %arg1, %mul3A : i32
    %add3A = arith.addi %mul3A_0, %arg0 : i32
    %iota3A = tpu.iota {dimensions = array<i32: 0>} : vector<16xi32>
    %lt3A = arith.constant 1 : i32
    %lt3A_1 = arith.cmpi slt, %add3A, %lt3A : i32
    %jit3A = arith.constant 62 : i32
    %jit3A_2 = arith.constant 61 : i32
    %select_n3A = arith.select %lt3A_1, %jit3A, %jit3A_2 : i32
    %add3A_3 = arith.constant 0 : i32
    %add3A_4 = arith.addi %add3A_3, %add3A : i32
    %mul3A_5 = arith.constant 512 : i32
    %mul3A_6 = arith.muli %add3A_4, %mul3A_5 : i32
    %multiple_of3A = tpu.assume_multiple %mul3A_6, 128 : i32
    %dma_start3A = arith.constant 0 : i32
    %dma_start3A_7 = tpu.memref_slice %arg2[%dma_start3A, %multiple_of3A] : memref<64x1000000xf32, #tpu.memory_space<hbm>> -> memref<64x512xf32, #tpu.memory_space<hbm>>
    %dma_start3A_8 = arith.constant 0 : i32
    %dma_start3A_9 = tpu.memref_slice %arg2[%dma_start3A_8, %multiple_of3A] : memref<64x1000000xf32, #tpu.memory_space<hbm>> -> memref<64x512xf32, #tpu.memory_space<hbm>>
    tpu.enqueue_dma source(%dma_start3A_9 : memref<64x512xf32, #tpu.memory_space<hbm>>) target(%arg10 : memref<64x512xf32, #tpu.memory_space<vmem>>) target_semaphore(%arg14 : memref<!tpu.dma_semaphore, #tpu.memory_space<semaphore_mem>>)
    %add3A_10 = arith.constant 32 : i32
    %add3A_11 = arith.addi %add3A_10, %add3A : i32
    %mul3A_12 = arith.constant 512 : i32
    %mul3A_13 = arith.muli %add3A_11, %mul3A_12 : i32
    %multiple_of3A_14 = tpu.assume_multiple %mul3A_13, 128 : i32
    %dma_start3A_15 = arith.constant 0 : i32
    %dma_start3A_16 = tpu.memref_slice %arg2[%dma_start3A_15, %multiple_of3A_14] : memref<64x1000000xf32, #tpu.memory_space<hbm>> -> memref<64x512xf32, #tpu.memory_space<hbm>>
    %dma_start3A_17 = arith.constant 0 : i32
    %dma_start3A_18 = tpu.memref_slice %arg2[%dma_start3A_17, %multiple_of3A_14] : memref<64x1000000xf32, #tpu.memory_space<hbm>> -> memref<64x512xf32, #tpu.memory_space<hbm>>
    tpu.enqueue_dma source(%dma_start3A_18 : memref<64x512xf32, #tpu.memory_space<hbm>>) target(%arg11 : memref<64x512xf32, #tpu.memory_space<vmem>>) target_semaphore(%arg15 : memref<!tpu.dma_semaphore, #tpu.memory_space<semaphore_mem>>)
    %scan3A = arith.constant 0 : i32
    %scan3A_19 = arith.constant 0 : i32
    %scan3A_20 = arith.constant 8 : i32
    %scan3A_21 = arith.addi %scan3A_19, %scan3A_20 : i32
    %scan3A_22 = arith.constant 1 : i32
    %scan3A_23 = scf.for %scan3A_37 = %scan3A_19 to %scan3A_21 step %scan3A_22 iter_args(%scan3A_38 = %scan3A) -> (i32)  : i32 {
      %mul3A_39 = arith.constant 2048 : i32
      %mul3A_40 = arith.muli %scan3A_37, %mul3A_39 : i32
      "tpu.region"() ({
        %run_scoped3A = tpu.sem_alloc : memref<!tpu.dma_semaphore, #tpu.memory_space<semaphore_mem>>
        %dma_start3A_47 = tpu.memref_slice %arg3[%mul3A_40] : memref<16384xi32, #tpu.memory_space<hbm>> -> memref<2048xi32, #tpu.memory_space<hbm>>
        %dma_start3A_48 = tpu.memref_slice %arg3[%mul3A_40] : memref<16384xi32, #tpu.memory_space<hbm>> -> memref<2048xi32, #tpu.memory_space<hbm>>
        tpu.enqueue_dma source(%dma_start3A_48 : memref<2048xi32, #tpu.memory_space<hbm>>) target(%arg5 : memref<2048xi32, #tpu.memory_space<vmem>>) target_semaphore(%run_scoped3A : memref<!tpu.dma_semaphore, #tpu.memory_space<semaphore_mem>>)
        %dma_wait3A = tpu.memref_slice %arg3[%mul3A_40] : memref<16384xi32, #tpu.memory_space<hbm>> -> memref<2048xi32, #tpu.memory_space<hbm>>
        %dma_wait3A_49 = tpu.memref_slice %arg3[%mul3A_40] : memref<16384xi32, #tpu.memory_space<hbm>> -> memref<2048xi32, #tpu.memory_space<hbm>>
        tpu.wait_dma2 semaphore(%run_scoped3A : memref<!tpu.dma_semaphore, #tpu.memory_space<semaphore_mem>>) src(%dma_wait3A_49 : memref<2048xi32, #tpu.memory_space<hbm>>) dst(%arg5 : memref<2048xi32, #tpu.memory_space<vmem>>)
        tpu.yield
      }) : () -> ()
      %scan3A_41 = arith.constant 0 : i32
      %scan3A_42 = arith.constant 128 : i32
      %scan3A_43 = arith.addi %scan3A_41, %scan3A_42 : i32
      %scan3A_44 = arith.constant 1 : i32
      %scan3A_45 = scf.for %scan3A_47 = %scan3A_41 to %scan3A_43 step %scan3A_44 iter_args(%scan3A_48 = %scan3A_38) -> (i32)  : i32 {
        %mul3A_49 = arith.constant 16 : i32
        %mul3A_50 = arith.muli %scan3A_47, %mul3A_49 : i32
        %add3A_51 = vector.broadcast %mul3A_50 : i32 to vector<16xi32>
        %add3A_52 = arith.addi %add3A_51, %iota3A : vector<16xi32>
        %gather3A = tpu.vector_load_idx %arg5[%add3A_52] : memref<2048xi32, #tpu.memory_space<vmem>>[vector<16xi32>], vector<16xi32>,
        %mul3A_53 = arith.constant 2048 : i32
        %mul3A_54 = arith.muli %scan3A_37, %mul3A_53 : i32
        %mul3A_55 = arith.constant 16 : i32
        %mul3A_56 = arith.muli %scan3A_47, %mul3A_55 : i32
        %add3A_57 = arith.addi %mul3A_54, %mul3A_56 : i32
        %add3A_58 = vector.broadcast %add3A_57 : i32 to vector<16xi32>
        %add3A_59 = arith.addi %add3A_58, %iota3A : vector<16xi32>
        %shift_right_arithmetic3A_60 = arith.constant 9 : i32
        %shift_right_arithmetic3A_61 = vector.broadcast %shift_right_arithmetic3A_60 : i32 to vector<16xi32>
        %shift_right_arithmetic3A_62 = arith.shrsi %gather3A, %shift_right_arithmetic3A_61 : vector<16xi32>
        %jit3A_63 = arith.constant 32 : i32
        %eq3A = arith.constant 0 : i32
        %eq3A_64 = arith.cmpi eq, %jit3A_63, %eq3A : i32
        %jit3A_65 = arith.constant 1 : i32
        %select_n3A_66 = arith.select %eq3A_64, %jit3A_65, %jit3A_63 : i32
        %rem3A = vector.broadcast %select_n3A_66 : i32 to vector<16xi32>
        %rem3A_67 = arith.remsi %shift_right_arithmetic3A_62, %rem3A : vector<16xi32>
        %ne3A = arith.constant 0 : i32
        %ne3A_68 = vector.broadcast %ne3A : i32 to vector<16xi32>
        %ne3A_69 = arith.cmpi ne, %rem3A_67, %ne3A_68 : vector<16xi32>
        %lt3A_70 = arith.constant 0 : i32
        %lt3A_71 = vector.broadcast %lt3A_70 : i32 to vector<16xi32>
        %lt3A_72 = arith.cmpi slt, %rem3A_67, %lt3A_71 : vector<16xi32>
        %lt3A_73 = arith.constant 0 : i32
        %lt3A_74 = arith.cmpi slt, %select_n3A_66, %lt3A_73 : i32
        %ne3A_75 = vector.broadcast %lt3A_74 : i1 to vector<16xi1>
        %ne3A_76 = vector.broadcast %ne3A_75 : vector<16xi1> to vector<16xi1>
        %ne3A_77 = arith.xori %lt3A_72, %ne3A_76 : vector<16xi1>
        %and3A = arith.andi %ne3A_77, %ne3A_69 : vector<16xi1>
        %add3A_78 = vector.broadcast %select_n3A_66 : i32 to vector<16xi32>
        %add3A_79 = arith.addi %rem3A_67, %add3A_78 : vector<16xi32>
        %select_n3A_80 = arith.select %and3A, %add3A_79, %rem3A_67 : vector<16xi1>, vector<16xi32>
        %eq3A_81 = vector.broadcast %add3A : i32 to vector<16xi32>
        %eq3A_82 = arith.cmpi eq, %select_n3A_80, %eq3A_81 : vector<16xi32>
        %swap3A = arith.index_cast %scan3A_48 : i32 to index
        %swap3A_83 = tpu.vector_load %arg6[%swap3A] masked %eq3A_82 {strides = array<i32>} : memref<16400xi32, #tpu.memory_space<vmem>>, vector<16xi32>, vector<16xi1>
        tpu.vector_store %arg6[%swap3A], %gather3A masked %eq3A_82 {strides = array<i32>} : memref<16400xi32, #tpu.memory_space<vmem>>, vector<16xi32>, vector<16xi1>
        %swap3A_84 = arith.index_cast %scan3A_48 : i32 to index
        %swap3A_85 = tpu.vector_load %arg7[%swap3A_84] masked %eq3A_82 {strides = array<i32>} : memref<16400xi32, #tpu.memory_space<vmem>>, vector<16xi32>, vector<16xi1>
        tpu.vector_store %arg7[%swap3A_84], %add3A_59 masked %eq3A_82 {strides = array<i32>} : memref<16400xi32, #tpu.memory_space<vmem>>, vector<16xi32>, vector<16xi1>
        %all_reduce_population_count3A = tpu.all_reduce %eq3A_82 {dim = 0 : i64, kind = #tpu.reduction_kind<sum>} : vector<16xi1> -> vector<16xi32>
        %slice3A = vector.extract_strided_slice %all_reduce_population_count3A {offsets = [0], sizes = [1], strides = [1]} : vector<16xi32> to vector<1xi32>
        %squeeze3A = vector.extract %slice3A[0] : i32 from vector<1xi32>
        %add3A_86 = arith.addi %scan3A_48, %squeeze3A : i32
        scf.yield %add3A_86 : i32
      }
      %scan3A_46 = arith.constant 128 : i32
      scf.yield %scan3A_45 : i32
    }
    %scan3A_24 = arith.constant 8 : i32
    %add3A_25 = arith.constant 15 : i32
    %add3A_26 = arith.addi %scan3A_23, %add3A_25 : i32
    %shift_right_arithmetic3A = arith.constant 4 : i32
    %shift_right_arithmetic3A_27 = arith.shrsi %add3A_26, %shift_right_arithmetic3A : i32
    %scan3A_28 = arith.constant 0 : i32
    %scan3A_29 = arith.constant 0 : i32
    %scan3A_30 = arith.constant 31 : i32
    %scan3A_31 = arith.addi %scan3A_29, %scan3A_30 : i32
    %scan3A_32 = arith.constant 1 : i32
    %scan3A_33 = scf.for %scan3A_37 = %scan3A_29 to %scan3A_31 step %scan3A_32 iter_args(%scan3A_38 = %scan3A_28) -> (i32)  : i32 {
      %mul3A_39 = arith.constant 2 : i32
      %mul3A_40 = arith.muli %mul3A_39, %scan3A_37 : i32
      %add3A_41 = arith.constant 0 : i32
      %add3A_42 = arith.addi %mul3A_40, %add3A_41 : i32
      %lt3A_43 = arith.cmpi slt, %add3A_42, %select_n3A : i32
      %convert_element_type3A_44 = arith.extui %lt3A_43 : i1 to i32
      %cond3A_45 = arith.constant 0 : i32
      %cond3A_46 = arith.cmpi ne, %convert_element_type3A_44, %cond3A_45 : i32
      %cond3A_47 = scf.if %cond3A_46 -> (i32) {
        %mul3A_57 = arith.constant 32 : i32
        %mul3A_58 = arith.muli %add3A_42, %mul3A_57 : i32
        %add3A_59 = arith.addi %mul3A_58, %add3A : i32
        %mul3A_60 = arith.constant 512 : i32
        %mul3A_61 = arith.muli %add3A_59, %mul3A_60 : i32
        %while3A = arith.constant 0 : i32
        %while3A_62 = arith.constant 0 : i32
        %while3A_63 = arith.constant 0 : i32
        %while3A_64 = arith.subi %shift_right_arithmetic3A_27, %while3A_62 : i32
        %while3A_65 = arith.addi %while3A_62, %while3A_64 : i32
        %while3A_66 = arith.constant 1 : i32
        %while3A_67 = arith.divsi %while3A_64, %while3A_66 : i32
        %while3A_68 = arith.muli %while3A_67, %while3A_66 : i32
        %while3A_69 = arith.addi %while3A_62, %while3A_68 : i32
        %while3A_70 = arith.constant 1 : i32
        %while3A_71 = scf.for %while3A_103 = %while3A_62 to %while3A_69 step %while3A_70 iter_args(%while3A_104 = %while3A_63) -> (i32)  : i32 {
          %mul3A_105 = arith.constant 16 : i32
          %mul3A_106 = arith.muli %while3A_103, %mul3A_105 : i32
          %add3A_107 = vector.broadcast %mul3A_106 : i32 to vector<16xi32>
          %add3A_108 = arith.addi %add3A_107, %iota3A : vector<16xi32>
          %min3A_109 = arith.constant 16383 : i32
          %min3A_110 = vector.broadcast %min3A_109 : i32 to vector<16xi32>
          %min3A_111 = arith.minsi %add3A_108, %min3A_110 : vector<16xi32>
          %gather3A = tpu.vector_load_idx %arg6[%min3A_111] : memref<16400xi32, #tpu.memory_space<vmem>>[vector<16xi32>], vector<16xi32>,
          %gather3A_112 = tpu.vector_load_idx %arg7[%min3A_111] : memref<16400xi32, #tpu.memory_space<vmem>>[vector<16xi32>], vector<16xi32>,
          %lt3A_113 = vector.broadcast %scan3A_23 : i32 to vector<16xi32>
          %lt3A_114 = arith.cmpi slt, %add3A_108, %lt3A_113 : vector<16xi32>
          %shift_right_arithmetic3A_115 = arith.constant 9 : i32
          %shift_right_arithmetic3A_116 = vector.broadcast %shift_right_arithmetic3A_115 : i32 to vector<16xi32>
          %shift_right_arithmetic3A_117 = arith.shrsi %gather3A, %shift_right_arithmetic3A_116 : vector<16xi32>
          %eq3A = vector.broadcast %add3A_59 : i32 to vector<16xi32>
          %eq3A_118 = arith.cmpi eq, %shift_right_arithmetic3A_117, %eq3A : vector<16xi32>
          %and3A = arith.andi %lt3A_114, %eq3A_118 : vector<16xi1>
          %convert_element_type3A_119 = arith.extui %and3A : vector<16xi1> to vector<16xi32>
          %broadcast_in_dim3A = arith.constant true
          %broadcast_in_dim3A_120 = vector.broadcast %broadcast_in_dim3A : i1 to vector<16xi1>
          %masked_cumsum3A = tpu.scan <sum>, %convert_element_type3A_119 masked %broadcast_in_dim3A_120 : vector<16xi32>, vector<16xi1> -> vector<16xi32>
          %add3A_121 = vector.broadcast %while3A_104 : i32 to vector<16xi32>
          %add3A_122 = arith.addi %add3A_121, %masked_cumsum3A : vector<16xi32>
          %sub3A = arith.constant 1 : i32
          %sub3A_123 = vector.broadcast %sub3A : i32 to vector<16xi32>
          %sub3A_124 = arith.subi %add3A_122, %sub3A_123 : vector<16xi32>
          %sub3A_125 = vector.broadcast %while3A : i32 to vector<16xi32>
          %sub3A_126 = arith.subi %sub3A_124, %sub3A_125 : vector<16xi32>
          %ge3A = arith.constant 0 : i32
          %ge3A_127 = vector.broadcast %ge3A : i32 to vector<16xi32>
          %ge3A_128 = arith.cmpi sge, %sub3A_126, %ge3A_127 : vector<16xi32>
          %and3A_129 = arith.andi %and3A, %ge3A_128 : vector<16xi1>
          %lt3A_130 = arith.constant 2048 : i32
          %lt3A_131 = vector.broadcast %lt3A_130 : i32 to vector<16xi32>
          %lt3A_132 = arith.cmpi slt, %sub3A_126, %lt3A_131 : vector<16xi32>
          %and3A_133 = arith.andi %and3A_129, %lt3A_132 : vector<16xi1>
          tpu.vector_store_idx %arg8[%sub3A_126], %gather3A masked %and3A_133 : memref<2048xi32, #tpu.memory_space<vmem>>[vector<16xi32>], vector<16xi32>, vector<16xi1>
          tpu.vector_store_idx %arg9[%sub3A_126], %gather3A_112 masked %and3A_133 : memref<2048xi32, #tpu.memory_space<vmem>>[vector<16xi32>], vector<16xi32>, vector<16xi1>
          %slice3A = vector.extract_strided_slice %masked_cumsum3A {offsets = [15], sizes = [1], strides = [1]} : vector<16xi32> to vector<1xi32>
          %squeeze3A = vector.extract %slice3A[0] : i32 from vector<1xi32>
          %add3A_134 = arith.addi %while3A_104, %squeeze3A : i32
          scf.yield %add3A_134 : i32
        }
        %while3A_72 = arith.constant 1 : i32
        %while3A_73 = scf.for %while3A_103 = %while3A_69 to %while3A_65 step %while3A_72 iter_args(%while3A_104 = %while3A_71) -> (i32)  : i32 {
          %mul3A_105 = arith.constant 16 : i32
          %mul3A_106 = arith.muli %while3A_103, %mul3A_105 : i32
          %add3A_107 = vector.broadcast %mul3A_106 : i32 to vector<16xi32>
          %add3A_108 = arith.addi %add3A_107, %iota3A : vector<16xi32>
          %min3A_109 = arith.constant 16383 : i32
          %min3A_110 = vector.broadcast %min3A_109 : i32 to vector<16xi32>
          %min3A_111 = arith.minsi %add3A_108, %min3A_110 : vector<16xi32>
          %gather3A = tpu.vector_load_idx %arg6[%min3A_111] : memref<16400xi32, #tpu.memory_space<vmem>>[vector<16xi32>], vector<16xi32>,
          %gather3A_112 = tpu.vector_load_idx %arg7[%min3A_111] : memref<16400xi32, #tpu.memory_space<vmem>>[vector<16xi32>], vector<16xi32>,
          %lt3A_113 = vector.broadcast %scan3A_23 : i32 to vector<16xi32>
          %lt3A_114 = arith.cmpi slt, %add3A_108, %lt3A_113 : vector<16xi32>
          %shift_right_arithmetic3A_115 = arith.constant 9 : i32
          %shift_right_arithmetic3A_116 = vector.broadcast %shift_right_arithmetic3A_115 : i32 to vector<16xi32>
          %shift_right_arithmetic3A_117 = arith.shrsi %gather3A, %shift_right_arithmetic3A_116 : vector<16xi32>
          %eq3A = vector.broadcast %add3A_59 : i32 to vector<16xi32>
          %eq3A_118 = arith.cmpi eq, %shift_right_arithmetic3A_117, %eq3A : vector<16xi32>
          %and3A = arith.andi %lt3A_114, %eq3A_118 : vector<16xi1>
          %convert_element_type3A_119 = arith.extui %and3A : vector<16xi1> to vector<16xi32>
          %broadcast_in_dim3A = arith.constant true
          %broadcast_in_dim3A_120 = vector.broadcast %broadcast_in_dim3A : i1 to vector<16xi1>
          %masked_cumsum3A = tpu.scan <sum>, %convert_element_type3A_119 masked %broadcast_in_dim3A_120 : vector<16xi32>, vector<16xi1> -> vector<16xi32>
          %add3A_121 = vector.broadcast %while3A_104 : i32 to vector<16xi32>
          %add3A_122 = arith.addi %add3A_121, %masked_cumsum3A : vector<16xi32>
          %sub3A = arith.constant 1 : i32
          %sub3A_123 = vector.broadcast %sub3A : i32 to vector<16xi32>
          %sub3A_124 = arith.subi %add3A_122, %sub3A_123 : vector<16xi32>
          %sub3A_125 = vector.broadcast %while3A : i32 to vector<16xi32>
          %sub3A_126 = arith.subi %sub3A_124, %sub3A_125 : vector<16xi32>
          %ge3A = arith.constant 0 : i32
          %ge3A_127 = vector.broadcast %ge3A : i32 to vector<16xi32>
          %ge3A_128 = arith.cmpi sge, %sub3A_126, %ge3A_127 : vector<16xi32>
          %and3A_129 = arith.andi %and3A, %ge3A_128 : vector<16xi1>
          %lt3A_130 = arith.constant 2048 : i32
          %lt3A_131 = vector.broadcast %lt3A_130 : i32 to vector<16xi32>
          %lt3A_132 = arith.cmpi slt, %sub3A_126, %lt3A_131 : vector<16xi32>
          %and3A_133 = arith.andi %and3A_129, %lt3A_132 : vector<16xi1>
          tpu.vector_store_idx %arg8[%sub3A_126], %gather3A masked %and3A_133 : memref<2048xi32, #tpu.memory_space<vmem>>[vector<16xi32>], vector<16xi32>, vector<16xi1>
          tpu.vector_store_idx %arg9[%sub3A_126], %gather3A_112 masked %and3A_133 : memref<2048xi32, #tpu.memory_space<vmem>>[vector<16xi32>], vector<16xi32>, vector<16xi1>
          %slice3A = vector.extract_strided_slice %masked_cumsum3A {offsets = [15], sizes = [1], strides = [1]} : vector<16xi32> to vector<1xi32>
          %squeeze3A = vector.extract %slice3A[0] : i32 from vector<1xi32>
          %add3A_134 = arith.addi %while3A_104, %squeeze3A : i32
          scf.yield %add3A_134 : i32
        }
        %dma_wait3A = arith.constant 0 : i32
        %dma_wait3A_74 = arith.constant 0 : i32
        %dma_wait3A_75 = tpu.memref_slice %arg2[%dma_wait3A, %dma_wait3A_74] : memref<64x1000000xf32, #tpu.memory_space<hbm>> -> memref<64x512xf32, #tpu.memory_space<hbm>>
        %dma_wait3A_76 = arith.constant 0 : i32
        %dma_wait3A_77 = arith.constant 0 : i32
        %dma_wait3A_78 = tpu.memref_slice %arg2[%dma_wait3A_76, %dma_wait3A_77] : memref<64x1000000xf32, #tpu.memory_space<hbm>> -> memref<64x512xf32, #tpu.memory_space<hbm>>
        tpu.wait_dma2 semaphore(%arg14 : memref<!tpu.dma_semaphore, #tpu.memory_space<semaphore_mem>>) src(%dma_wait3A_78 : memref<64x512xf32, #tpu.memory_space<hbm>>) dst(%arg10 : memref<64x512xf32, #tpu.memory_space<vmem>>)
        %min3A = arith.constant 2048 : i32
        %min3A_79 = arith.minsi %while3A_73, %min3A : i32
        %add3A_80 = arith.constant 15 : i32
        %add3A_81 = arith.addi %min3A_79, %add3A_80 : i32
        %shift_right_arithmetic3A_82 = arith.constant 4 : i32
        %shift_right_arithmetic3A_83 = arith.shrsi %add3A_81, %shift_right_arithmetic3A_82 : i32
        %while3A_84 = arith.constant 0 : i32
        %while3A_85 = arith.subi %shift_right_arithmetic3A_83, %while3A_84 : i32
        %while3A_86 = arith.addi %while3A_84, %while3A_85 : i32
        %while3A_87 = arith.constant 1 : i32
        %while3A_88 = arith.divsi %while3A_85, %while3A_87 : i32
        %while3A_89 = arith.muli %while3A_88, %while3A_87 : i32
        %while3A_90 = arith.addi %while3A_84, %while3A_89 : i32
        %while3A_91 = arith.constant 1 : i32
        %while3A_92 = scf.for %while3A_103 = %while3A_84 to %while3A_90 step %while3A_91 iter_args(%while3A_104 = %scan3A_38) -> (i32)  : i32 {
          %ge3A = arith.constant 112 : i32
          %ge3A_105 = arith.cmpi sge, %while3A_104, %ge3A : i32
          %convert_element_type3A_106 = arith.extui %ge3A_105 : i1 to i32
          %cond3A_107 = arith.constant 0 : i32
          %cond3A_108 = arith.cmpi ne, %convert_element_type3A_106, %cond3A_107 : i32
          %cond3A_109 = scf.if %cond3A_108 -> (i32) {
            %add3A_331 = vector.broadcast %while3A_104 : i32 to vector<16xi32>
            %add3A_332 = arith.addi %add3A_331, %iota3A : vector<16xi32>
            %lt3A_333 = arith.constant 128 : i32
            %lt3A_334 = vector.broadcast %lt3A_333 : i32 to vector<16xi32>
            %lt3A_335 = arith.cmpi slt, %add3A_332, %lt3A_334 : vector<16xi32>
            %min3A_336 = arith.constant 127 : i32
            %min3A_337 = vector.broadcast %min3A_336 : i32 to vector<16xi32>
            %min3A_338 = arith.minsi %add3A_332, %min3A_337 : vector<16xi32>
            %add3A_339 = arith.constant 16384 : i32
            %add3A_340 = vector.broadcast %add3A_339 : i32 to vector<16xi32>
            %add3A_341 = arith.addi %add3A_340, %iota3A : vector<16xi32>
            tpu.vector_store_idx %arg13[%min3A_338], %add3A_341 masked %lt3A_335 : memref<128xi32, #tpu.memory_space<vmem>>[vector<16xi32>], vector<16xi32>, vector<16xi1>
            "tpu.region"() ({
              %run_scoped3A = tpu.sem_alloc : memref<!tpu.dma_semaphore, #tpu.memory_space<semaphore_mem>>
              %dma_start3A_343 = arith.constant 0 : i32
              %dma_start3A_344 = arith.constant 0 : i32
              %dma_start3A_345 = tpu.memref_slice %arg12[%dma_start3A_343, %dma_start3A_344] : memref<144x128xf32, #tpu.memory_space<vmem>> -> memref<128x128xf32, #tpu.memory_space<vmem>>
              %dma_start3A_346 = arith.constant 0 : i32
              %dma_start3A_347 = arith.constant 0 : i32
              %dma_start3A_348 = tpu.memref_slice %arg4[%dma_start3A_346, %dma_start3A_347] : memref<16512x128xf32, #tpu.memory_space<hbm>> -> memref<16512x128xf32, #tpu.memory_space<hbm>>
              tpu.enqueue_indirect_dma source(%dma_start3A_345 : memref<128x128xf32, #tpu.memory_space<vmem>>) target(%dma_start3A_348 : memref<16512x128xf32, #tpu.memory_space<hbm>>) offsets(%arg13 : memref<128xi32, #tpu.memory_space<vmem>>) semaphore(%run_scoped3A : memref<!tpu.dma_semaphore, #tpu.memory_space<semaphore_mem>>)
              %dma_wait3A_349 = arith.constant 0 : i32
              %dma_wait3A_350 = arith.constant 0 : i32
              %dma_wait3A_351 = tpu.memref_slice %arg12[%dma_wait3A_349, %dma_wait3A_350] : memref<144x128xf32, #tpu.memory_space<vmem>> -> memref<128x128xf32, #tpu.memory_space<vmem>>
              %dma_wait3A_352 = arith.constant 0 : i32
              %dma_wait3A_353 = arith.constant 0 : i32
              %dma_wait3A_354 = tpu.memref_slice %arg4[%dma_wait3A_352, %dma_wait3A_353] : memref<16512x128xf32, #tpu.memory_space<hbm>> -> memref<16512x128xf32, #tpu.memory_space<hbm>>
              tpu.wait_indirect_dma semaphore(%run_scoped3A : memref<!tpu.dma_semaphore, #tpu.memory_space<semaphore_mem>>) src(%dma_wait3A_351 : memref<128x128xf32, #tpu.memory_space<vmem>>) dst(%dma_wait3A_354 : memref<16512x128xf32, #tpu.memory_space<hbm>>)
              tpu.yield
            }) : () -> ()
            %cond3A_342 = arith.constant 0 : i32
            scf.yield %cond3A_342 : i32
          } else {
            scf.yield %while3A_104 : i32
          }
          %mul3A_110 = arith.constant 16 : i32
          %mul3A_111 = arith.muli %while3A_103, %mul3A_110 : i32
          %add3A_112 = vector.broadcast %mul3A_111 : i32 to vector<16xi32>
          %add3A_113 = arith.addi %add3A_112, %iota3A : vector<16xi32>
          %lt3A_114 = vector.broadcast %min3A_79 : i32 to vector<16xi32>
          %lt3A_115 = arith.cmpi slt, %add3A_113, %lt3A_114 : vector<16xi32>
          %min3A_116 = arith.constant 2047 : i32
          %min3A_117 = vector.broadcast %min3A_116 : i32 to vector<16xi32>
          %min3A_118 = arith.minsi %add3A_113, %min3A_117 : vector<16xi32>
          %gather3A = tpu.vector_load_idx %arg8[%min3A_118] : memref<2048xi32, #tpu.memory_space<vmem>>[vector<16xi32>], vector<16xi32>,
          %gather3A_119 = tpu.vector_load_idx %arg9[%min3A_118] : memref<2048xi32, #tpu.memory_space<vmem>>[vector<16xi32>], vector<16xi32>,
          %sub3A = vector.broadcast %mul3A_61 : i32 to vector<16xi32>
          %sub3A_120 = arith.subi %gather3A, %sub3A : vector<16xi32>
          %jit3A_121 = arith.constant 0 : i32
          %broadcast_in_dim3A = vector.broadcast %jit3A_121 : i32 to vector<16xi32>
          %select_n3A_122 = arith.select %lt3A_115, %sub3A_120, %broadcast_in_dim3A : vector<16xi1>, vector<16xi32>
          %convert_element_type3A_123 = arith.extui %lt3A_115 : vector<16xi1> to vector<16xi32>
          %broadcast_in_dim3A_124 = arith.constant true
          %broadcast_in_dim3A_125 = vector.broadcast %broadcast_in_dim3A_124 : i1 to vector<16xi1>
          %masked_cumsum3A = tpu.scan <sum>, %convert_element_type3A_123 masked %broadcast_in_dim3A_125 : vector<16xi32>, vector<16xi1> -> vector<16xi32>
          %add3A_126 = vector.broadcast %cond3A_109 : i32 to vector<16xi32>
          %add3A_127 = arith.addi %add3A_126, %masked_cumsum3A : vector<16xi32>
          %sub3A_128 = arith.constant 1 : i32
          %sub3A_129 = vector.broadcast %sub3A_128 : i32 to vector<16xi32>
          %sub3A_130 = arith.subi %add3A_127, %sub3A_129 : vector<16xi32>
          %add3A_131 = arith.constant 128 : i32
          %add3A_132 = vector.broadcast %add3A_131 : i32 to vector<16xi32>
          %add3A_133 = arith.addi %add3A_132, %iota3A : vector<16xi32>
          %select_n3A_134 = arith.select %lt3A_115, %sub3A_130, %add3A_133 : vector<16xi1>, vector<16xi32>
          %min3A_135 = arith.constant 127 : i32
          %min3A_136 = vector.broadcast %min3A_135 : i32 to vector<16xi32>
          %min3A_137 = arith.minsi %select_n3A_134, %min3A_136 : vector<16xi32>
          tpu.vector_store_idx %arg13[%min3A_137], %gather3A_119 masked %lt3A_115 : memref<128xi32, #tpu.memory_space<vmem>>[vector<16xi32>], vector<16xi32>, vector<16xi1>
          %broadcast_in_dim3A_138 = arith.constant 0 : i32
          %broadcast_in_dim3A_139 = vector.broadcast %broadcast_in_dim3A_138 : i32 to vector<16xi32>
          %gather3A_140 = tpu.vector_load_idx %arg10[%broadcast_in_dim3A_139, %select_n3A_122] : memref<64x512xf32, #tpu.memory_space<vmem>>[vector<16xi32>, vector<16xi32>], vector<16xf32>,
          tpu.vector_store_idx %arg12[%select_n3A_134, %broadcast_in_dim3A_139], %gather3A_140 : memref<144x128xf32, #tpu.memory_space<vmem>>[vector<16xi32>, vector<16xi32>], vector<16xf32>,
          %broadcast_in_dim3A_141 = arith.constant 1 : i32
          %broadcast_in_dim3A_142 = vector.broadcast %broadcast_in_dim3A_141 : i32 to vector<16xi32>
          %gather3A_143 = tpu.vector_load_idx %arg10[%broadcast_in_dim3A_142, %select_n3A_122] : memref<64x512xf32, #tpu.memory_space<vmem>>[vector<16xi32>, vector<16xi32>], vector<16xf32>,
          tpu.vector_store_idx %arg12[%select_n3A_134, %broadcast_in_dim3A_142], %gather3A_143 : memref<144x128xf32, #tpu.memory_space<vmem>>[vector<16xi32>, vector<16xi32>], vector<16xf32>,
          %broadcast_in_dim3A_144 = arith.constant 2 : i32
          %broadcast_in_dim3A_145 = vector.broadcast %broadcast_in_dim3A_144 : i32 to vector<16xi32>
          %gather3A_146 = tpu.vector_load_idx %arg10[%broadcast_in_dim3A_145, %select_n3A_122] : memref<64x512xf32, #tpu.memory_space<vmem>>[vector<16xi32>, vector<16xi32>], vector<16xf32>,
          tpu.vector_store_idx %arg12[%select_n3A_134, %broadcast_in_dim3A_145], %gather3A_146 : memref<144x128xf32, #tpu.memory_space<vmem>>[vector<16xi32>, vector<16xi32>], vector<16xf32>,
          %broadcast_in_dim3A_147 = arith.constant 3 : i32
          %broadcast_in_dim3A_148 = vector.broadcast %broadcast_in_dim3A_147 : i32 to vector<16xi32>
          %gather3A_149 = tpu.vector_load_idx %arg10[%broadcast_in_dim3A_148, %select_n3A_122] : memref<64x512xf32, #tpu.memory_space<vmem>>[vector<16xi32>, vector<16xi32>], vector<16xf32>,
          tpu.vector_store_idx %arg12[%select_n3A_134, %broadcast_in_dim3A_148], %gather3A_149 : memref<144x128xf32, #tpu.memory_space<vmem>>[vector<16xi32>, vector<16xi32>], vector<16xf32>,
          %broadcast_in_dim3A_150 = arith.constant 4 : i32
          %broadcast_in_dim3A_151 = vector.broadcast %broadcast_in_dim3A_150 : i32 to vector<16xi32>
          %gather3A_152 = tpu.vector_load_idx %arg10[%broadcast_in_dim3A_151, %select_n3A_122] : memref<64x512xf32, #tpu.memory_space<vmem>>[vector<16xi32>, vector<16xi32>], vector<16xf32>,
          tpu.vector_store_idx %arg12[%select_n3A_134, %broadcast_in_dim3A_151], %gather3A_152 : memref<144x128xf32, #tpu.memory_space<vmem>>[vector<16xi32>, vector<16xi32>], vector<16xf32>,
          %broadcast_in_dim3A_153 = arith.constant 5 : i32
          %broadcast_in_dim3A_154 = vector.broadcast %broadcast_in_dim3A_153 : i32 to vector<16xi32>
          %gather3A_155 = tpu.vector_load_idx %arg10[%broadcast_in_dim3A_154, %select_n3A_122] : memref<64x512xf32, #tpu.memory_space<vmem>>[vector<16xi32>, vector<16xi32>], vector<16xf32>,
          tpu.vector_store_idx %arg12[%select_n3A_134, %broadcast_in_dim3A_154], %gather3A_155 : memref<144x128xf32, #tpu.memory_space<vmem>>[vector<16xi32>, vector<16xi32>], vector<16xf32>,
          %broadcast_in_dim3A_156 = arith.constant 6 : i32
          %broadcast_in_dim3A_157 = vector.broadcast %broadcast_in_dim3A_156 : i32 to vector<16xi32>
          %gather3A_158 = tpu.vector_load_idx %arg10[%broadcast_in_dim3A_157, %select_n3A_122] : memref<64x512xf32, #tpu.memory_space<vmem>>[vector<16xi32>, vector<16xi32>], vector<16xf32>,
          tpu.vector_store_idx %arg12[%select_n3A_134, %broadcast_in_dim3A_157], %gather3A_158 : memref<144x128xf32, #tpu.memory_space<vmem>>[vector<16xi32>, vector<16xi32>], vector<16xf32>,
          %broadcast_in_dim3A_159 = arith.constant 7 : i32
          %broadcast_in_dim3A_160 = vector.broadcast %broadcast_in_dim3A_159 : i32 to vector<16xi32>
          %gather3A_161 = tpu.vector_load_idx %arg10[%broadcast_in_dim3A_160, %select_n3A_122] : memref<64x512xf32, #tpu.memory_space<vmem>>[vector<16xi32>, vector<16xi32>], vector<16xf32>,
          tpu.vector_store_idx %arg12[%select_n3A_134, %broadcast_in_dim3A_160], %gather3A_161 : memref<144x128xf32, #tpu.memory_space<vmem>>[vector<16xi32>, vector<16xi32>], vector<16xf32>,
          %broadcast_in_dim3A_162 = arith.constant 8 : i32
          %broadcast_in_dim3A_163 = vector.broadcast %broadcast_in_dim3A_162 : i32 to vector<16xi32>
          %gather3A_164 = tpu.vector_load_idx %arg10[%broadcast_in_dim3A_163, %select_n3A_122] : memref<64x512xf32, #tpu.memory_space<vmem>>[vector<16xi32>, vector<16xi32>], vector<16xf32>,
          tpu.vector_store_idx %arg12[%select_n3A_134, %broadcast_in_dim3A_163], %gather3A_164 : memref<144x128xf32, #tpu.memory_space<vmem>>[vector<16xi32>, vector<16xi32>], vector<16xf32>,
          %broadcast_in_dim3A_165 = arith.constant 9 : i32
          %broadcast_in_dim3A_166 = vector.broadcast %broadcast_in_dim3A_165 : i32 to vector<16xi32>
          %gather3A_167 = tpu.vector_load_idx %arg10[%broadcast_in_dim3A_166, %select_n3A_122] : memref<64x512xf32, #tpu.memory_space<vmem>>[vector<16xi32>, vector<16xi32>], vector<16xf32>,
          tpu.vector_store_idx %arg12[%select_n3A_134, %broadcast_in_dim3A_166], %gather3A_167 : memref<144x128xf32, #tpu.memory_space<vmem>>[vector<16xi32>, vector<16xi32>], vector<16xf32>,
          %broadcast_in_dim3A_168 = arith.constant 10 : i32
          %broadcast_in_dim3A_169 = vector.broadcast %broadcast_in_dim3A_168 : i32 to vector<16xi32>
          %gather3A_170 = tpu.vector_load_idx %arg10[%broadcast_in_dim3A_169, %select_n3A_122] : memref<64x512xf32, #tpu.memory_space<vmem>>[vector<16xi32>, vector<16xi32>], vector<16xf32>,
          tpu.vector_store_idx %arg12[%select_n3A_134, %broadcast_in_dim3A_169], %gather3A_170 : memref<144x128xf32, #tpu.memory_space<vmem>>[vector<16xi32>, vector<16xi32>], vector<16xf32>,
          %broadcast_in_dim3A_171 = arith.constant 11 : i32
          %broadcast_in_dim3A_172 = vector.broadcast %broadcast_in_dim3A_171 : i32 to vector<16xi32>
          %gather3A_173 = tpu.vector_load_idx %arg10[%broadcast_in_dim3A_172, %select_n3A_122] : memref<64x512xf32, #tpu.memory_space<vmem>>[vector<16xi32>, vector<16xi32>], vector<16xf32>,
          tpu.vector_store_idx %arg12[%select_n3A_134, %broadcast_in_dim3A_172], %gather3A_173 : memref<144x128xf32, #tpu.memory_space<vmem>>[vector<16xi32>, vector<16xi32>], vector<16xf32>,
          %broadcast_in_dim3A_174 = arith.constant 12 : i32
          %broadcast_in_dim3A_175 = vector.broadcast %broadcast_in_dim3A_174 : i32 to vector<16xi32>
          %gather3A_176 = tpu.vector_load_idx %arg10[%broadcast_in_dim3A_175, %select_n3A_122] : memref<64x512xf32, #tpu.memory_space<vmem>>[vector<16xi32>, vector<16xi32>], vector<16xf32>,
          tpu.vector_store_idx %arg12[%select_n3A_134, %broadcast_in_dim3A_175], %gather3A_176 : memref<144x128xf32, #tpu.memory_space<vmem>>[vector<16xi32>, vector<16xi32>], vector<16xf32>,
          %broadcast_in_dim3A_177 = arith.constant 13 : i32
          %broadcast_in_dim3A_178 = vector.broadcast %broadcast_in_dim3A_177 : i32 to vector<16xi32>
          %gather3A_179 = tpu.vector_load_idx %arg10[%broadcast_in_dim3A_178, %select_n3A_122] : memref<64x512xf32, #tpu.memory_space<vmem>>[vector<16xi32>, vector<16xi32>], vector<16xf32>,
          tpu.vector_store_idx %arg12[%select_n3A_134, %broadcast_in_dim3A_178], %gather3A_179 : memref<144x128xf32, #tpu.memory_space<vmem>>[vector<16xi32>, vector<16xi32>], vector<16xf32>,
          %broadcast_in_dim3A_180 = arith.constant 14 : i32
          %broadcast_in_dim3A_181 = vector.broadcast %broadcast_in_dim3A_180 : i32 to vector<16xi32>
          %gather3A_182 = tpu.vector_load_idx %arg10[%broadcast_in_dim3A_181, %select_n3A_122] : memref<64x512xf32, #tpu.memory_space<vmem>>[vector<16xi32>, vector<16xi32>], vector<16xf32>,
          tpu.vector_store_idx %arg12[%select_n3A_134, %broadcast_in_dim3A_181], %gather3A_182 : memref<144x128xf32, #tpu.memory_space<vmem>>[vector<16xi32>, vector<16xi32>], vector<16xf32>,
          %broadcast_in_dim3A_183 = arith.constant 15 : i32
          %broadcast_in_dim3A_184 = vector.broadcast %broadcast_in_dim3A_183 : i32 to vector<16xi32>
          %gather3A_185 = tpu.vector_load_idx %arg10[%broadcast_in_dim3A_184, %select_n3A_122] : memref<64x512xf32, #tpu.memory_space<vmem>>[vector<16xi32>, vector<16xi32>], vector<16xf32>,
          tpu.vector_store_idx %arg12[%select_n3A_134, %broadcast_in_dim3A_184], %gather3A_185 : memref<144x128xf32, #tpu.memory_space<vmem>>[vector<16xi32>, vector<16xi32>], vector<16xf32>,
          %broadcast_in_dim3A_186 = arith.constant 16 : i32
          %broadcast_in_dim3A_187 = vector.broadcast %broadcast_in_dim3A_186 : i32 to vector<16xi32>
          %gather3A_188 = tpu.vector_load_idx %arg10[%broadcast_in_dim3A_187, %select_n3A_122] : memref<64x512xf32, #tpu.memory_space<vmem>>[vector<16xi32>, vector<16xi32>], vector<16xf32>,
          tpu.vector_store_idx %arg12[%select_n3A_134, %broadcast_in_dim3A_187], %gather3A_188 : memref<144x128xf32, #tpu.memory_space<vmem>>[vector<16xi32>, vector<16xi32>], vector<16xf32>,
          %broadcast_in_dim3A_189 = arith.constant 17 : i32
          %broadcast_in_dim3A_190 = vector.broadcast %broadcast_in_dim3A_189 : i32 to vector<16xi32>
          %gather3A_191 = tpu.vector_load_idx %arg10[%broadcast_in_dim3A_190, %select_n3A_122] : memref<64x512xf32, #tpu.memory_space<vmem>>[vector<16xi32>, vector<16xi32>], vector<16xf32>,
          tpu.vector_store_idx %arg12[%select_n3A_134, %broadcast_in_dim3A_190], %gather3A_191 : memref<144x128xf32, #tpu.memory_space<vmem>>[vector<16xi32>, vector<16xi32>], vector<16xf32>,
          %broadcast_in_dim3A_192 = arith.constant 18 : i32
          %broadcast_in_dim3A_193 = vector.broadcast %broadcast_in_dim3A_192 : i32 to vector<16xi32>
          %gather3A_194 = tpu.vector_load_idx %arg10[%broadcast_in_dim3A_193, %select_n3A_122] : memref<64x512xf32, #tpu.memory_space<vmem>>[vector<16xi32>, vector<16xi32>], vector<16xf32>,
          tpu.vector_store_idx %arg12[%select_n3A_134, %broadcast_in_dim3A_193], %gather3A_194 : memref<144x128xf32, #tpu.memory_space<vmem>>[vector<16xi32>, vector<16xi32>], vector<16xf32>,
          %broadcast_in_dim3A_195 = arith.constant 19 : i32
          %broadcast_in_dim3A_196 = vector.broadcast %broadcast_in_dim3A_195 : i32 to vector<16xi32>
          %gather3A_197 = tpu.vector_load_idx %arg10[%broadcast_in_dim3A_196, %select_n3A_122] : memref<64x512xf32, #tpu.memory_space<vmem>>[vector<16xi32>, vector<16xi32>], vector<16xf32>,
          tpu.vector_store_idx %arg12[%select_n3A_134, %broadcast_in_dim3A_196], %gather3A_197 : memref<144x128xf32, #tpu.memory_space<vmem>>[vector<16xi32>, vector<16xi32>], vector<16xf32>,
          %broadcast_in_dim3A_198 = arith.constant 20 : i32
          %broadcast_in_dim3A_199 = vector.broadcast %broadcast_in_dim3A_198 : i32 to vector<16xi32>
          %gather3A_200 = tpu.vector_load_idx %arg10[%broadcast_in_dim3A_199, %select_n3A_122] : memref<64x512xf32, #tpu.memory_space<vmem>>[vector<16xi32>, vector<16xi32>], vector<16xf32>,
          tpu.vector_store_idx %arg12[%select_n3A_134, %broadcast_in_dim3A_199], %gather3A_200 : memref<144x128xf32, #tpu.memory_space<vmem>>[vector<16xi32>, vector<16xi32>], vector<16xf32>,
          %broadcast_in_dim3A_201 = arith.constant 21 : i32
          %broadcast_in_dim3A_202 = vector.broadcast %broadcast_in_dim3A_201 : i32 to vector<16xi32>
          %gather3A_203 = tpu.vector_load_idx %arg10[%broadcast_in_dim3A_202, %select_n3A_122] : memref<64x512xf32, #tpu.memory_space<vmem>>[vector<16xi32>, vector<16xi32>], vector<16xf32>,
          tpu.vector_store_idx %arg12[%select_n3A_134, %broadcast_in_dim3A_202], %gather3A_203 : memref<144x128xf32, #tpu.memory_space<vmem>>[vector<16xi32>, vector<16xi32>], vector<16xf32>,
          %broadcast_in_dim3A_204 = arith.constant 22 : i32
          %broadcast_in_dim3A_205 = vector.broadcast %broadcast_in_dim3A_204 : i32 to vector<16xi32>
          %gather3A_206 = tpu.vector_load_idx %arg10[%broadcast_in_dim3A_205, %select_n3A_122] : memref<64x512xf32, #tpu.memory_space<vmem>>[vector<16xi32>, vector<16xi32>], vector<16xf32>,
          tpu.vector_store_idx %arg12[%select_n3A_134, %broadcast_in_dim3A_205], %gather3A_206 : memref<144x128xf32, #tpu.memory_space<vmem>>[vector<16xi32>, vector<16xi32>], vector<16xf32>,
          %broadcast_in_dim3A_207 = arith.constant 23 : i32
          %broadcast_in_dim3A_208 = vector.broadcast %broadcast_in_dim3A_207 : i32 to vector<16xi32>
          %gather3A_209 = tpu.vector_load_idx %arg10[%broadcast_in_dim3A_208, %select_n3A_122] : memref<64x512xf32, #tpu.memory_space<vmem>>[vector<16xi32>, vector<16xi32>], vector<16xf32>,
          tpu.vector_store_idx %arg12[%select_n3A_134, %broadcast_in_dim3A_208], %gather3A_209 : memref<144x128xf32, #tpu.memory_space<vmem>>[vector<16xi32>, vector<16xi32>], vector<16xf32>,
          %broadcast_in_dim3A_210 = arith.constant 24 : i32
          %broadcast_in_dim3A_211 = vector.broadcast %broadcast_in_dim3A_210 : i32 to vector<16xi32>
          %gather3A_212 = tpu.vector_load_idx %arg10[%broadcast_in_dim3A_211, %select_n3A_122] : memref<64x512xf32, #tpu.memory_space<vmem>>[vector<16xi32>, vector<16xi32>], vector<16xf32>,
          tpu.vector_store_idx %arg12[%select_n3A_134, %broadcast_in_dim3A_211], %gather3A_212 : memref<144x128xf32, #tpu.memory_space<vmem>>[vector<16xi32>, vector<16xi32>], vector<16xf32>,
          %broadcast_in_dim3A_213 = arith.constant 25 : i32
          %broadcast_in_dim3A_214 = vector.broadcast %broadcast_in_dim3A_213 : i32 to vector<16xi32>
          %gather3A_215 = tpu.vector_load_idx %arg10[%broadcast_in_dim3A_214, %select_n3A_122] : memref<64x512xf32, #tpu.memory_space<vmem>>[vector<16xi32>, vector<16xi32>], vector<16xf32>,
          tpu.vector_store_idx %arg12[%select_n3A_134, %broadcast_in_dim3A_214], %gather3A_215 : memref<144x128xf32, #tpu.memory_space<vmem>>[vector<16xi32>, vector<16xi32>], vector<16xf32>,
          %broadcast_in_dim3A_216 = arith.constant 26 : i32
          %broadcast_in_dim3A_217 = vector.broadcast %broadcast_in_dim3A_216 : i32 to vector<16xi32>
          %gather3A_218 = tpu.vector_load_idx %arg10[%broadcast_in_dim3A_217, %select_n3A_122] : memref<64x512xf32, #tpu.memory_space<vmem>>[vector<16xi32>, vector<16xi32>], vector<16xf32>,
          tpu.vector_store_idx %arg12[%select_n3A_134, %broadcast_in_dim3A_217], %gather3A_218 : memref<144x128xf32, #tpu.memory_space<vmem>>[vector<16xi32>, vector<16xi32>], vector<16xf32>,
          %broadcast_in_dim3A_219 = arith.constant 27 : i32
          %broadcast_in_dim3A_220 = vector.broadcast %broadcast_in_dim3A_219 : i32 to vector<16xi32>
          %gather3A_221 = tpu.vector_load_idx %arg10[%broadcast_in_dim3A_220, %select_n3A_122] : memref<64x512xf32, #tpu.memory_space<vmem>>[vector<16xi32>, vector<16xi32>], vector<16xf32>,
          tpu.vector_store_idx %arg12[%select_n3A_134, %broadcast_in_dim3A_220], %gather3A_221 : memref<144x128xf32, #tpu.memory_space<vmem>>[vector<16xi32>, vector<16xi32>], vector<16xf32>,
          %broadcast_in_dim3A_222 = arith.constant 28 : i32
          %broadcast_in_dim3A_223 = vector.broadcast %broadcast_in_dim3A_222 : i32 to vector<16xi32>
          %gather3A_224 = tpu.vector_load_idx %arg10[%broadcast_in_dim3A_223, %select_n3A_122] : memref<64x512xf32, #tpu.memory_space<vmem>>[vector<16xi32>, vector<16xi32>], vector<16xf32>,
          tpu.vector_store_idx %arg12[%select_n3A_134, %broadcast_in_dim3A_223], %gather3A_224 : memref<144x128xf32, #tpu.memory_space<vmem>>[vector<16xi32>, vector<16xi32>], vector<16xf32>,
          %broadcast_in_dim3A_225 = arith.constant 29 : i32
          %broadcast_in_dim3A_226 = vector.broadcast %broadcast_in_dim3A_225 : i32 to vector<16xi32>
          %gather3A_227 = tpu.vector_load_idx %arg10[%broadcast_in_dim3A_226, %select_n3A_122] : memref<64x512xf32, #tpu.memory_space<vmem>>[vector<16xi32>, vector<16xi32>], vector<16xf32>,
          tpu.vector_store_idx %arg12[%select_n3A_134, %broadcast_in_dim3A_226], %gather3A_227 : memref<144x128xf32, #tpu.memory_space<vmem>>[vector<16xi32>, vector<16xi32>], vector<16xf32>,
          %broadcast_in_dim3A_228 = arith.constant 30 : i32
          %broadcast_in_dim3A_229 = vector.broadcast %broadcast_in_dim3A_228 : i32 to vector<16xi32>
          %gather3A_230 = tpu.vector_load_idx %arg10[%broadcast_in_dim3A_229, %select_n3A_122] : memref<64x512xf32, #tpu.memory_space<vmem>>[vector<16xi32>, vector<16xi32>], vector<16xf32>,
          tpu.vector_store_idx %arg12[%select_n3A_134, %broadcast_in_dim3A_229], %gather3A_230 : memref<144x128xf32, #tpu.memory_space<vmem>>[vector<16xi32>, vector<16xi32>], vector<16xf32>,
          %broadcast_in_dim3A_231 = arith.constant 31 : i32
          %broadcast_in_dim3A_232 = vector.broadcast %broadcast_in_dim3A_231 : i32 to vector<16xi32>
          %gather3A_233 = tpu.vector_load_idx %arg10[%broadcast_in_dim3A_232, %select_n3A_122] : memref<64x512xf32, #tpu.memory_space<vmem>>[vector<16xi32>, vector<16xi32>], vector<16xf32>,
          tpu.vector_store_idx %arg12[%select_n3A_134, %broadcast_in_dim3A_232], %gather3A_233 : memref<144x128xf32, #tpu.memory_space<vmem>>[vector<16xi32>, vector<16xi32>], vector<16xf32>,
          %broadcast_in_dim3A_234 = arith.constant 32 : i32
          %broadcast_in_dim3A_235 = vector.broadcast %broadcast_in_dim3A_234 : i32 to vector<16xi32>
          %gather3A_236 = tpu.vector_load_idx %arg10[%broadcast_in_dim3A_235, %select_n3A_122] : memref<64x512xf32, #tpu.memory_space<vmem>>[vector<16xi32>, vector<16xi32>], vector<16xf32>,
          tpu.vector_store_idx %arg12[%select_n3A_134, %broadcast_in_dim3A_235], %gather3A_236 : memref<144x128xf32, #tpu.memory_space<vmem>>[vector<16xi32>, vector<16xi32>], vector<16xf32>,
          %broadcast_in_dim3A_237 = arith.constant 33 : i32
          %broadcast_in_dim3A_238 = vector.broadcast %broadcast_in_dim3A_237 : i32 to vector<16xi32>
          %gather3A_239 = tpu.vector_load_idx %arg10[%broadcast_in_dim3A_238, %select_n3A_122] : memref<64x512xf32, #tpu.memory_space<vmem>>[vector<16xi32>, vector<16xi32>], vector<16xf32>,
          tpu.vector_store_idx %arg12[%select_n3A_134, %broadcast_in_dim3A_238], %gather3A_239 : memref<144x128xf32, #tpu.memory_space<vmem>>[vector<16xi32>, vector<16xi32>], vector<16xf32>,
          %broadcast_in_dim3A_240 = arith.constant 34 : i32
          %broadcast_in_dim3A_241 = vector.broadcast %broadcast_in_dim3A_240 : i32 to vector<16xi32>
          %gather3A_242 = tpu.vector_load_idx %arg10[%broadcast_in_dim3A_241, %select_n3A_122] : memref<64x512xf32, #tpu.memory_space<vmem>>[vector<16xi32>, vector<16xi32>], vector<16xf32>,
          tpu.vector_store_idx %arg12[%select_n3A_134, %broadcast_in_dim3A_241], %gather3A_242 : memref<144x128xf32, #tpu.memory_space<vmem>>[vector<16xi32>, vector<16xi32>], vector<16xf32>,
          %broadcast_in_dim3A_243 = arith.constant 35 : i32
          %broadcast_in_dim3A_244 = vector.broadcast %broadcast_in_dim3A_243 : i32 to vector<16xi32>
          %gather3A_245 = tpu.vector_load_idx %arg10[%broadcast_in_dim3A_244, %select_n3A_122] : memref<64x512xf32, #tpu.memory_space<vmem>>[vector<16xi32>, vector<16xi32>], vector<16xf32>,
          tpu.vector_store_idx %arg12[%select_n3A_134, %broadcast_in_dim3A_244], %gather3A_245 : memref<144x128xf32, #tpu.memory_space<vmem>>[vector<16xi32>, vector<16xi32>], vector<16xf32>,
          %broadcast_in_dim3A_246 = arith.constant 36 : i32
          %broadcast_in_dim3A_247 = vector.broadcast %broadcast_in_dim3A_246 : i32 to vector<16xi32>
          %gather3A_248 = tpu.vector_load_idx %arg10[%broadcast_in_dim3A_247, %select_n3A_122] : memref<64x512xf32, #tpu.memory_space<vmem>>[vector<16xi32>, vector<16xi32>], vector<16xf32>,
          tpu.vector_store_idx %arg12[%select_n3A_134, %broadcast_in_dim3A_247], %gather3A_248 : memref<144x128xf32, #tpu.memory_space<vmem>>[vector<16xi32>, vector<16xi32>], vector<16xf32>,
          %broadcast_in_dim3A_249 = arith.constant 37 : i32
          %broadcast_in_dim3A_250 = vector.broadcast %broadcast_in_dim3A_249 : i32 to vector<16xi32>
          %gather3A_251 = tpu.vector_load_idx %arg10[%broadcast_in_dim3A_250, %select_n3A_122] : memref<64x512xf32, #tpu.memory_space<vmem>>[vector<16xi32>, vector<16xi32>], vector<16xf32>,
          tpu.vector_store_idx %arg12[%select_n3A_134, %broadcast_in_dim3A_250], %gather3A_251 : memref<144x128xf32, #tpu.memory_space<vmem>>[vector<16xi32>, vector<16xi32>], vector<16xf32>,
          %broadcast_in_dim3A_252 = arith.constant 38 : i32
          %broadcast_in_dim3A_253 = vector.broadcast %broadcast_in_dim3A_252 : i32 to vector<16xi32>
          %gather3A_254 = tpu.vector_load_idx %arg10[%broadcast_in_dim3A_253, %select_n3A_122] : memref<64x512xf32, #tpu.memory_space<vmem>>[vector<16xi32>, vector<16xi32>], vector<16xf32>,
          tpu.vector_store_idx %arg12[%select_n3A_134, %broadcast_in_dim3A_253], %gather3A_254 : memref<144x128xf32, #tpu.memory_space<vmem>>[vector<16xi32>, vector<16xi32>], vector<16xf32>,
          %broadcast_in_dim3A_255 = arith.constant 39 : i32
          %broadcast_in_dim3A_256 = vector.broadcast %broadcast_in_dim3A_255 : i32 to vector<16xi32>
          %gather3A_257 = tpu.vector_load_idx %arg10[%broadcast_in_dim3A_256, %select_n3A_122] : memref<64x512xf32, #tpu.memory_space<vmem>>[vector<16xi32>, vector<16xi32>], vector<16xf32>,
          tpu.vector_store_idx %arg12[%select_n3A_134, %broadcast_in_dim3A_256], %gather3A_257 : memref<144x128xf32, #tpu.memory_space<vmem>>[vector<16xi32>, vector<16xi32>], vector<16xf32>,
          %broadcast_in_dim3A_258 = arith.constant 40 : i32
          %broadcast_in_dim3A_259 = vector.broadcast %broadcast_in_dim3A_258 : i32 to vector<16xi32>
          %gather3A_260 = tpu.vector_load_idx %arg10[%broadcast_in_dim3A_259, %select_n3A_122] : memref<64x512xf32, #tpu.memory_space<vmem>>[vector<16xi32>, vector<16xi32>], vector<16xf32>,
          tpu.vector_store_idx %arg12[%select_n3A_134, %broadcast_in_dim3A_259], %gather3A_260 : memref<144x128xf32, #tpu.memory_space<vmem>>[vector<16xi32>, vector<16xi32>], vector<16xf32>,
          %broadcast_in_dim3A_261 = arith.constant 41 : i32
          %broadcast_in_dim3A_262 = vector.broadcast %broadcast_in_dim3A_261 : i32 to vector<16xi32>
          %gather3A_263 = tpu.vector_load_idx %arg10[%broadcast_in_dim3A_262, %select_n3A_122] : memref<64x512xf32, #tpu.memory_space<vmem>>[vector<16xi32>, vector<16xi32>], vector<16xf32>,
          tpu.vector_store_idx %arg12[%select_n3A_134, %broadcast_in_dim3A_262], %gather3A_263 : memref<144x128xf32, #tpu.memory_space<vmem>>[vector<16xi32>, vector<16xi32>], vector<16xf32>,
          %broadcast_in_dim3A_264 = arith.constant 42 : i32
          %broadcast_in_dim3A_265 = vector.broadcast %broadcast_in_dim3A_264 : i32 to vector<16xi32>
          %gather3A_266 = tpu.vector_load_idx %arg10[%broadcast_in_dim3A_265, %select_n3A_122] : memref<64x512xf32, #tpu.memory_space<vmem>>[vector<16xi32>, vector<16xi32>], vector<16xf32>,
          tpu.vector_store_idx %arg12[%select_n3A_134, %broadcast_in_dim3A_265], %gather3A_266 : memref<144x128xf32, #tpu.memory_space<vmem>>[vector<16xi32>, vector<16xi32>], vector<16xf32>,
          %broadcast_in_dim3A_267 = arith.constant 43 : i32
          %broadcast_in_dim3A_268 = vector.broadcast %broadcast_in_dim3A_267 : i32 to vector<16xi32>
          %gather3A_269 = tpu.vector_load_idx %arg10[%broadcast_in_dim3A_268, %select_n3A_122] : memref<64x512xf32, #tpu.memory_space<vmem>>[vector<16xi32>, vector<16xi32>], vector<16xf32>,
          tpu.vector_store_idx %arg12[%select_n3A_134, %broadcast_in_dim3A_268], %gather3A_269 : memref<144x128xf32, #tpu.memory_space<vmem>>[vector<16xi32>, vector<16xi32>], vector<16xf32>,
          %broadcast_in_dim3A_270 = arith.constant 44 : i32
          %broadcast_in_dim3A_271 = vector.broadcast %broadcast_in_dim3A_270 : i32 to vector<16xi32>
          %gather3A_272 = tpu.vector_load_idx %arg10[%broadcast_in_dim3A_271, %select_n3A_122] : memref<64x512xf32, #tpu.memory_space<vmem>>[vector<16xi32>, vector<16xi32>], vector<16xf32>,
          tpu.vector_store_idx %arg12[%select_n3A_134, %broadcast_in_dim3A_271], %gather3A_272 : memref<144x128xf32, #tpu.memory_space<vmem>>[vector<16xi32>, vector<16xi32>], vector<16xf32>,
          %broadcast_in_dim3A_273 = arith.constant 45 : i32
          %broadcast_in_dim3A_274 = vector.broadcast %broadcast_in_dim3A_273 : i32 to vector<16xi32>
          %gather3A_275 = tpu.vector_load_idx %arg10[%broadcast_in_dim3A_274, %select_n3A_122] : memref<64x512xf32, #tpu.memory_space<vmem>>[vector<16xi32>, vector<16xi32>], vector<16xf32>,
          tpu.vector_store_idx %arg12[%select_n3A_134, %broadcast_in_dim3A_274], %gather3A_275 : memref<144x128xf32, #tpu.memory_space<vmem>>[vector<16xi32>, vector<16xi32>], vector<16xf32>,
          %broadcast_in_dim3A_276 = arith.constant 46 : i32
          %broadcast_in_dim3A_277 = vector.broadcast %broadcast_in_dim3A_276 : i32 to vector<16xi32>
          %gather3A_278 = tpu.vector_load_idx %arg10[%broadcast_in_dim3A_277, %select_n3A_122] : memref<64x512xf32, #tpu.memory_space<vmem>>[vector<16xi32>, vector<16xi32>], vector<16xf32>,
          tpu.vector_store_idx %arg12[%select_n3A_134, %broadcast_in_dim3A_277], %gather3A_278 : memref<144x128xf32, #tpu.memory_space<vmem>>[vector<16xi32>, vector<16xi32>], vector<16xf32>,
          %broadcast_in_dim3A_279 = arith.constant 47 : i32
          %broadcast_in_dim3A_280 = vector.broadcast %broadcast_in_dim3A_279 : i32 to vector<16xi32>
          %gather3A_281 = tpu.vector_load_idx %arg10[%broadcast_in_dim3A_280, %select_n3A_122] : memref<64x512xf32, #tpu.memory_space<vmem>>[vector<16xi32>, vector<16xi32>], vector<16xf32>,
          tpu.vector_store_idx %arg12[%select_n3A_134, %broadcast_in_dim3A_280], %gather3A_281 : memref<144x128xf32, #tpu.memory_space<vmem>>[vector<16xi32>, vector<16xi32>], vector<16xf32>,
          %broadcast_in_dim3A_282 = arith.constant 48 : i32
          %broadcast_in_dim3A_283 = vector.broadcast %broadcast_in_dim3A_282 : i32 to vector<16xi32>
          %gather3A_284 = tpu.vector_load_idx %arg10[%broadcast_in_dim3A_283, %select_n3A_122] : memref<64x512xf32, #tpu.memory_space<vmem>>[vector<16xi32>, vector<16xi32>], vector<16xf32>,
          tpu.vector_store_idx %arg12[%select_n3A_134, %broadcast_in_dim3A_283], %gather3A_284 : memref<144x128xf32, #tpu.memory_space<vmem>>[vector<16xi32>, vector<16xi32>], vector<16xf32>,
          %broadcast_in_dim3A_285 = arith.constant 49 : i32
          %broadcast_in_dim3A_286 = vector.broadcast %broadcast_in_dim3A_285 : i32 to vector<16xi32>
          %gather3A_287 = tpu.vector_load_idx %arg10[%broadcast_in_dim3A_286, %select_n3A_122] : memref<64x512xf32, #tpu.memory_space<vmem>>[vector<16xi32>, vector<16xi32>], vector<16xf32>,
          tpu.vector_store_idx %arg12[%select_n3A_134, %broadcast_in_dim3A_286], %gather3A_287 : memref<144x128xf32, #tpu.memory_space<vmem>>[vector<16xi32>, vector<16xi32>], vector<16xf32>,
          %broadcast_in_dim3A_288 = arith.constant 50 : i32
          %broadcast_in_dim3A_289 = vector.broadcast %broadcast_in_dim3A_288 : i32 to vector<16xi32>
          %gather3A_290 = tpu.vector_load_idx %arg10[%broadcast_in_dim3A_289, %select_n3A_122] : memref<64x512xf32, #tpu.memory_space<vmem>>[vector<16xi32>, vector<16xi32>], vector<16xf32>,
          tpu.vector_store_idx %arg12[%select_n3A_134, %broadcast_in_dim3A_289], %gather3A_290 : memref<144x128xf32, #tpu.memory_space<vmem>>[vector<16xi32>, vector<16xi32>], vector<16xf32>,
          %broadcast_in_dim3A_291 = arith.constant 51 : i32
          %broadcast_in_dim3A_292 = vector.broadcast %broadcast_in_dim3A_291 : i32 to vector<16xi32>
          %gather3A_293 = tpu.vector_load_idx %arg10[%broadcast_in_dim3A_292, %select_n3A_122] : memref<64x512xf32, #tpu.memory_space<vmem>>[vector<16xi32>, vector<16xi32>], vector<16xf32>,
          tpu.vector_store_idx %arg12[%select_n3A_134, %broadcast_in_dim3A_292], %gather3A_293 : memref<144x128xf32, #tpu.memory_space<vmem>>[vector<16xi32>, vector<16xi32>], vector<16xf32>,
          %broadcast_in_dim3A_294 = arith.constant 52 : i32
          %broadcast_in_dim3A_295 = vector.broadcast %broadcast_in_dim3A_294 : i32 to vector<16xi32>
          %gather3A_296 = tpu.vector_load_idx %arg10[%broadcast_in_dim3A_295, %select_n3A_122] : memref<64x512xf32, #tpu.memory_space<vmem>>[vector<16xi32>, vector<16xi32>], vector<16xf32>,
          tpu.vector_store_idx %arg12[%select_n3A_134, %broadcast_in_dim3A_295], %gather3A_296 : memref<144x128xf32, #tpu.memory_space<vmem>>[vector<16xi32>, vector<16xi32>], vector<16xf32>,
          %broadcast_in_dim3A_297 = arith.constant 53 : i32
          %broadcast_in_dim3A_298 = vector.broadcast %broadcast_in_dim3A_297 : i32 to vector<16xi32>
          %gather3A_299 = tpu.vector_load_idx %arg10[%broadcast_in_dim3A_298, %select_n3A_122] : memref<64x512xf32, #tpu.memory_space<vmem>>[vector<16xi32>, vector<16xi32>], vector<16xf32>,
          tpu.vector_store_idx %arg12[%select_n3A_134, %broadcast_in_dim3A_298], %gather3A_299 : memref<144x128xf32, #tpu.memory_space<vmem>>[vector<16xi32>, vector<16xi32>], vector<16xf32>,
          %broadcast_in_dim3A_300 = arith.constant 54 : i32
          %broadcast_in_dim3A_301 = vector.broadcast %broadcast_in_dim3A_300 : i32 to vector<16xi32>
          %gather3A_302 = tpu.vector_load_idx %arg10[%broadcast_in_dim3A_301, %select_n3A_122] : memref<64x512xf32, #tpu.memory_space<vmem>>[vector<16xi32>, vector<16xi32>], vector<16xf32>,
          tpu.vector_store_idx %arg12[%select_n3A_134, %broadcast_in_dim3A_301], %gather3A_302 : memref<144x128xf32, #tpu.memory_space<vmem>>[vector<16xi32>, vector<16xi32>], vector<16xf32>,
          %broadcast_in_dim3A_303 = arith.constant 55 : i32
          %broadcast_in_dim3A_304 = vector.broadcast %broadcast_in_dim3A_303 : i32 to vector<16xi32>
          %gather3A_305 = tpu.vector_load_idx %arg10[%broadcast_in_dim3A_304, %select_n3A_122] : memref<64x512xf32, #tpu.memory_space<vmem>>[vector<16xi32>, vector<16xi32>], vector<16xf32>,
          tpu.vector_store_idx %arg12[%select_n3A_134, %broadcast_in_dim3A_304], %gather3A_305 : memref<144x128xf32, #tpu.memory_space<vmem>>[vector<16xi32>, vector<16xi32>], vector<16xf32>,
          %broadcast_in_dim3A_306 = arith.constant 56 : i32
          %broadcast_in_dim3A_307 = vector.broadcast %broadcast_in_dim3A_306 : i32 to vector<16xi32>
          %gather3A_308 = tpu.vector_load_idx %arg10[%broadcast_in_dim3A_307, %select_n3A_122] : memref<64x512xf32, #tpu.memory_space<vmem>>[vector<16xi32>, vector<16xi32>], vector<16xf32>,
          tpu.vector_store_idx %arg12[%select_n3A_134, %broadcast_in_dim3A_307], %gather3A_308 : memref<144x128xf32, #tpu.memory_space<vmem>>[vector<16xi32>, vector<16xi32>], vector<16xf32>,
          %broadcast_in_dim3A_309 = arith.constant 57 : i32
          %broadcast_in_dim3A_310 = vector.broadcast %broadcast_in_dim3A_309 : i32 to vector<16xi32>
          %gather3A_311 = tpu.vector_load_idx %arg10[%broadcast_in_dim3A_310, %select_n3A_122] : memref<64x512xf32, #tpu.memory_space<vmem>>[vector<16xi32>, vector<16xi32>], vector<16xf32>,
          tpu.vector_store_idx %arg12[%select_n3A_134, %broadcast_in_dim3A_310], %gather3A_311 : memref<144x128xf32, #tpu.memory_space<vmem>>[vector<16xi32>, vector<16xi32>], vector<16xf32>,
          %broadcast_in_dim3A_312 = arith.constant 58 : i32
          %broadcast_in_dim3A_313 = vector.broadcast %broadcast_in_dim3A_312 : i32 to vector<16xi32>
          %gather3A_314 = tpu.vector_load_idx %arg10[%broadcast_in_dim3A_313, %select_n3A_122] : memref<64x512xf32, #tpu.memory_space<vmem>>[vector<16xi32>, vector<16xi32>], vector<16xf32>,
          tpu.vector_store_idx %arg12[%select_n3A_134, %broadcast_in_dim3A_313], %gather3A_314 : memref<144x128xf32, #tpu.memory_space<vmem>>[vector<16xi32>, vector<16xi32>], vector<16xf32>,
          %broadcast_in_dim3A_315 = arith.constant 59 : i32
          %broadcast_in_dim3A_316 = vector.broadcast %broadcast_in_dim3A_315 : i32 to vector<16xi32>
          %gather3A_317 = tpu.vector_load_idx %arg10[%broadcast_in_dim3A_316, %select_n3A_122] : memref<64x512xf32, #tpu.memory_space<vmem>>[vector<16xi32>, vector<16xi32>], vector<16xf32>,
          tpu.vector_store_idx %arg12[%select_n3A_134, %broadcast_in_dim3A_316], %gather3A_317 : memref<144x128xf32, #tpu.memory_space<vmem>>[vector<16xi32>, vector<16xi32>], vector<16xf32>,
          %broadcast_in_dim3A_318 = arith.constant 60 : i32
          %broadcast_in_dim3A_319 = vector.broadcast %broadcast_in_dim3A_318 : i32 to vector<16xi32>
          %gather3A_320 = tpu.vector_load_idx %arg10[%broadcast_in_dim3A_319, %select_n3A_122] : memref<64x512xf32, #tpu.memory_space<vmem>>[vector<16xi32>, vector<16xi32>], vector<16xf32>,
          tpu.vector_store_idx %arg12[%select_n3A_134, %broadcast_in_dim3A_319], %gather3A_320 : memref<144x128xf32, #tpu.memory_space<vmem>>[vector<16xi32>, vector<16xi32>], vector<16xf32>,
          %broadcast_in_dim3A_321 = arith.constant 61 : i32
          %broadcast_in_dim3A_322 = vector.broadcast %broadcast_in_dim3A_321 : i32 to vector<16xi32>
          %gather3A_323 = tpu.vector_load_idx %arg10[%broadcast_in_dim3A_322, %select_n3A_122] : memref<64x512xf32, #tpu.memory_space<vmem>>[vector<16xi32>, vector<16xi32>], vector<16xf32>,
          tpu.vector_store_idx %arg12[%select_n3A_134, %broadcast_in_dim3A_322], %gather3A_323 : memref<144x128xf32, #tpu.memory_space<vmem>>[vector<16xi32>, vector<16xi32>], vector<16xf32>,
          %broadcast_in_dim3A_324 = arith.constant 62 : i32
          %broadcast_in_dim3A_325 = vector.broadcast %broadcast_in_dim3A_324 : i32 to vector<16xi32>
          %gather3A_326 = tpu.vector_load_idx %arg10[%broadcast_in_dim3A_325, %select_n3A_122] : memref<64x512xf32, #tpu.memory_space<vmem>>[vector<16xi32>, vector<16xi32>], vector<16xf32>,
          tpu.vector_store_idx %arg12[%select_n3A_134, %broadcast_in_dim3A_325], %gather3A_326 : memref<144x128xf32, #tpu.memory_space<vmem>>[vector<16xi32>, vector<16xi32>], vector<16xf32>,
          %broadcast_in_dim3A_327 = arith.constant 63 : i32
          %broadcast_in_dim3A_328 = vector.broadcast %broadcast_in_dim3A_327 : i32 to vector<16xi32>
          %gather3A_329 = tpu.vector_load_idx %arg10[%broadcast_in_dim3A_328, %select_n3A_122] : memref<64x512xf32, #tpu.memory_space<vmem>>[vector<16xi32>, vector<16xi32>], vector<16xf32>,
          tpu.vector_store_idx %arg12[%select_n3A_134, %broadcast_in_dim3A_328], %gather3A_329 : memref<144x128xf32, #tpu.memory_space<vmem>>[vector<16xi32>, vector<16xi32>], vector<16xf32>,
          %slice3A = vector.extract_strided_slice %masked_cumsum3A {offsets = [15], sizes = [1], strides = [1]} : vector<16xi32> to vector<1xi32>
          %squeeze3A = vector.extract %slice3A[0] : i32 from vector<1xi32>
          %add3A_330 = arith.addi %cond3A_109, %squeeze3A : i32
          scf.yield %add3A_330 : i32
        }
        %while3A_93 = arith.constant 1 : i32
        %while3A_94 = scf.for %while3A_103 = %while3A_90 to %while3A_86 step %while3A_93 iter_args(%while3A_104 = %while3A_92) -> (i32)  : i32 {
          %ge3A = arith.constant 112 : i32
          %ge3A_105 = arith.cmpi sge, %while3A_104, %ge3A : i32
          %convert_element_type3A_106 = arith.extui %ge3A_105 : i1 to i32
          %cond3A_107 = arith.constant 0 : i32
          %cond3A_108 = arith.cmpi ne, %convert_element_type3A_106, %cond3A_107 : i32
          %cond3A_109 = scf.if %cond3A_108 -> (i32) {
            %add3A_331 = vector.broadcast %while3A_104 : i32 to vector<16xi32>
            %add3A_332 = arith.addi %add3A_331, %iota3A : vector<16xi32>
            %lt3A_333 = arith.constant 128 : i32
            %lt3A_334 = vector.broadcast %lt3A_333 : i32 to vector<16xi32>
            %lt3A_335 = arith.cmpi slt, %add3A_332, %lt3A_334 : vector<16xi32>
            %min3A_336 = arith.constant 127 : i32
            %min3A_337 = vector.broadcast %min3A_336 : i32 to vector<16xi32>
            %min3A_338 = arith.minsi %add3A_332, %min3A_337 : vector<16xi32>
            %add3A_339 = arith.constant 16384 : i32
            %add3A_340 = vector.broadcast %add3A_339 : i32 to vector<16xi32>
            %add3A_341 = arith.addi %add3A_340, %iota3A : vector<16xi32>
            tpu.vector_store_idx %arg13[%min3A_338], %add3A_341 masked %lt3A_335 : memref<128xi32, #tpu.memory_space<vmem>>[vector<16xi32>], vector<16xi32>, vector<16xi1>
            "tpu.region"() ({
              %run_scoped3A = tpu.sem_alloc : memref<!tpu.dma_semaphore, #tpu.memory_space<semaphore_mem>>
              %dma_start3A_343 = arith.constant 0 : i32
              %dma_start3A_344 = arith.constant 0 : i32
              %dma_start3A_345 = tpu.memref_slice %arg12[%dma_start3A_343, %dma_start3A_344] : memref<144x128xf32, #tpu.memory_space<vmem>> -> memref<128x128xf32, #tpu.memory_space<vmem>>
              %dma_start3A_346 = arith.constant 0 : i32
              %dma_start3A_347 = arith.constant 0 : i32
              %dma_start3A_348 = tpu.memref_slice %arg4[%dma_start3A_346, %dma_start3A_347] : memref<16512x128xf32, #tpu.memory_space<hbm>> -> memref<16512x128xf32, #tpu.memory_space<hbm>>
              tpu.enqueue_indirect_dma source(%dma_start3A_345 : memref<128x128xf32, #tpu.memory_space<vmem>>) target(%dma_start3A_348 : memref<16512x128xf32, #tpu.memory_space<hbm>>) offsets(%arg13 : memref<128xi32, #tpu.memory_space<vmem>>) semaphore(%run_scoped3A : memref<!tpu.dma_semaphore, #tpu.memory_space<semaphore_mem>>)
              %dma_wait3A_349 = arith.constant 0 : i32
              %dma_wait3A_350 = arith.constant 0 : i32
              %dma_wait3A_351 = tpu.memref_slice %arg12[%dma_wait3A_349, %dma_wait3A_350] : memref<144x128xf32, #tpu.memory_space<vmem>> -> memref<128x128xf32, #tpu.memory_space<vmem>>
              %dma_wait3A_352 = arith.constant 0 : i32
              %dma_wait3A_353 = arith.constant 0 : i32
              %dma_wait3A_354 = tpu.memref_slice %arg4[%dma_wait3A_352, %dma_wait3A_353] : memref<16512x128xf32, #tpu.memory_space<hbm>> -> memref<16512x128xf32, #tpu.memory_space<hbm>>
              tpu.wait_indirect_dma semaphore(%run_scoped3A : memref<!tpu.dma_semaphore, #tpu.memory_space<semaphore_mem>>) src(%dma_wait3A_351 : memref<128x128xf32, #tpu.memory_space<vmem>>) dst(%dma_wait3A_354 : memref<16512x128xf32, #tpu.memory_space<hbm>>)
              tpu.yield
            }) : () -> ()
            %cond3A_342 = arith.constant 0 : i32
            scf.yield %cond3A_342 : i32
          } else {
            scf.yield %while3A_104 : i32
          }
          %mul3A_110 = arith.constant 16 : i32
          %mul3A_111 = arith.muli %while3A_103, %mul3A_110 : i32
          %add3A_112 = vector.broadcast %mul3A_111 : i32 to vector<16xi32>
          %add3A_113 = arith.addi %add3A_112, %iota3A : vector<16xi32>
          %lt3A_114 = vector.broadcast %min3A_79 : i32 to vector<16xi32>
          %lt3A_115 = arith.cmpi slt, %add3A_113, %lt3A_114 : vector<16xi32>
          %min3A_116 = arith.constant 2047 : i32
          %min3A_117 = vector.broadcast %min3A_116 : i32 to vector<16xi32>
          %min3A_118 = arith.minsi %add3A_113, %min3A_117 : vector<16xi32>
          %gather3A = tpu.vector_load_idx %arg8[%min3A_118] : memref<2048xi32, #tpu.memory_space<vmem>>[vector<16xi32>], vector<16xi32>,
          %gather3A_119 = tpu.vector_load_idx %arg9[%min3A_118] : memref<2048xi32, #tpu.memory_space<vmem>>[vector<16xi32>], vector<16xi32>,
          %sub3A = vector.broadcast %mul3A_61 : i32 to vector<16xi32>
          %sub3A_120 = arith.subi %gather3A, %sub3A : vector<16xi32>
          %jit3A_121 = arith.constant 0 : i32
          %broadcast_in_dim3A = vector.broadcast %jit3A_121 : i32 to vector<16xi32>
          %select_n3A_122 = arith.select %lt3A_115, %sub3A_120, %broadcast_in_dim3A : vector<16xi1>, vector<16xi32>
          %convert_element_type3A_123 = arith.extui %lt3A_115 : vector<16xi1> to vector<16xi32>
          %broadcast_in_dim3A_124 = arith.constant true
          %broadcast_in_dim3A_125 = vector.broadcast %broadcast_in_dim3A_124 : i1 to vector<16xi1>
          %masked_cumsum3A = tpu.scan <sum>, %convert_element_type3A_123 masked %broadcast_in_dim3A_125 : vector<16xi32>, vector<16xi1> -> vector<16xi32>
          %add3A_126 = vector.broadcast %cond3A_109 : i32 to vector<16xi32>
          %add3A_127 = arith.addi %add3A_126, %masked_cumsum3A : vector<16xi32>
          %sub3A_128 = arith.constant 1 : i32
          %sub3A_129 = vector.broadcast %sub3A_128 : i32 to vector<16xi32>
          %sub3A_130 = arith.subi %add3A_127, %sub3A_129 : vector<16xi32>
          %add3A_131 = arith.constant 128 : i32
          %add3A_132 = vector.broadcast %add3A_131 : i32 to vector<16xi32>
          %add3A_133 = arith.addi %add3A_132, %iota3A : vector<16xi32>
          %select_n3A_134 = arith.select %lt3A_115, %sub3A_130, %add3A_133 : vector<16xi1>, vector<16xi32>
          %min3A_135 = arith.constant 127 : i32
          %min3A_136 = vector.broadcast %min3A_135 : i32 to vector<16xi32>
          %min3A_137 = arith.minsi %select_n3A_134, %min3A_136 : vector<16xi32>
          tpu.vector_store_idx %arg13[%min3A_137], %gather3A_119 masked %lt3A_115 : memref<128xi32, #tpu.memory_space<vmem>>[vector<16xi32>], vector<16xi32>, vector<16xi1>
          %broadcast_in_dim3A_138 = arith.constant 0 : i32
          %broadcast_in_dim3A_139 = vector.broadcast %broadcast_in_dim3A_138 : i32 to vector<16xi32>
          %gather3A_140 = tpu.vector_load_idx %arg10[%broadcast_in_dim3A_139, %select_n3A_122] : memref<64x512xf32, #tpu.memory_space<vmem>>[vector<16xi32>, vector<16xi32>], vector<16xf32>,
          tpu.vector_store_idx %arg12[%select_n3A_134, %broadcast_in_dim3A_139], %gather3A_140 : memref<144x128xf32, #tpu.memory_space<vmem>>[vector<16xi32>, vector<16xi32>], vector<16xf32>,
          %broadcast_in_dim3A_141 = arith.constant 1 : i32
          %broadcast_in_dim3A_142 = vector.broadcast %broadcast_in_dim3A_141 : i32 to vector<16xi32>
          %gather3A_143 = tpu.vector_load_idx %arg10[%broadcast_in_dim3A_142, %select_n3A_122] : memref<64x512xf32, #tpu.memory_space<vmem>>[vector<16xi32>, vector<16xi32>], vector<16xf32>,
          tpu.vector_store_idx %arg12[%select_n3A_134, %broadcast_in_dim3A_142], %gather3A_143 : memref<144x128xf32, #tpu.memory_space<vmem>>[vector<16xi32>, vector<16xi32>], vector<16xf32>,
          %broadcast_in_dim3A_144 = arith.constant 2 : i32
          %broadcast_in_dim3A_145 = vector.broadcast %broadcast_in_dim3A_144 : i32 to vector<16xi32>
          %gather3A_146 = tpu.vector_load_idx %arg10[%broadcast_in_dim3A_145, %select_n3A_122] : memref<64x512xf32, #tpu.memory_space<vmem>>[vector<16xi32>, vector<16xi32>], vector<16xf32>,
          tpu.vector_store_idx %arg12[%select_n3A_134, %broadcast_in_dim3A_145], %gather3A_146 : memref<144x128xf32, #tpu.memory_space<vmem>>[vector<16xi32>, vector<16xi32>], vector<16xf32>,
          %broadcast_in_dim3A_147 = arith.constant 3 : i32
          %broadcast_in_dim3A_148 = vector.broadcast %broadcast_in_dim3A_147 : i32 to vector<16xi32>
          %gather3A_149 = tpu.vector_load_idx %arg10[%broadcast_in_dim3A_148, %select_n3A_122] : memref<64x512xf32, #tpu.memory_space<vmem>>[vector<16xi32>, vector<16xi32>], vector<16xf32>,
          tpu.vector_store_idx %arg12[%select_n3A_134, %broadcast_in_dim3A_148], %gather3A_149 : memref<144x128xf32, #tpu.memory_space<vmem>>[vector<16xi32>, vector<16xi32>], vector<16xf32>,
          %broadcast_in_dim3A_150 = arith.constant 4 : i32
          %broadcast_in_dim3A_151 = vector.broadcast %broadcast_in_dim3A_150 : i32 to vector<16xi32>
          %gather3A_152 = tpu.vector_load_idx %arg10[%broadcast_in_dim3A_151, %select_n3A_122] : memref<64x512xf32, #tpu.memory_space<vmem>>[vector<16xi32>, vector<16xi32>], vector<16xf32>,
          tpu.vector_store_idx %arg12[%select_n3A_134, %broadcast_in_dim3A_151], %gather3A_152 : memref<144x128xf32, #tpu.memory_space<vmem>>[vector<16xi32>, vector<16xi32>], vector<16xf32>,
          %broadcast_in_dim3A_153 = arith.constant 5 : i32
          %broadcast_in_dim3A_154 = vector.broadcast %broadcast_in_dim3A_153 : i32 to vector<16xi32>
          %gather3A_155 = tpu.vector_load_idx %arg10[%broadcast_in_dim3A_154, %select_n3A_122] : memref<64x512xf32, #tpu.memory_space<vmem>>[vector<16xi32>, vector<16xi32>], vector<16xf32>,
          tpu.vector_store_idx %arg12[%select_n3A_134, %broadcast_in_dim3A_154], %gather3A_155 : memref<144x128xf32, #tpu.memory_space<vmem>>[vector<16xi32>, vector<16xi32>], vector<16xf32>,
          %broadcast_in_dim3A_156 = arith.constant 6 : i32
          %broadcast_in_dim3A_157 = vector.broadcast %broadcast_in_dim3A_156 : i32 to vector<16xi32>
          %gather3A_158 = tpu.vector_load_idx %arg10[%broadcast_in_dim3A_157, %select_n3A_122] : memref<64x512xf32, #tpu.memory_space<vmem>>[vector<16xi32>, vector<16xi32>], vector<16xf32>,
          tpu.vector_store_idx %arg12[%select_n3A_134, %broadcast_in_dim3A_157], %gather3A_158 : memref<144x128xf32, #tpu.memory_space<vmem>>[vector<16xi32>, vector<16xi32>], vector<16xf32>,
          %broadcast_in_dim3A_159 = arith.constant 7 : i32
          %broadcast_in_dim3A_160 = vector.broadcast %broadcast_in_dim3A_159 : i32 to vector<16xi32>
          %gather3A_161 = tpu.vector_load_idx %arg10[%broadcast_in_dim3A_160, %select_n3A_122] : memref<64x512xf32, #tpu.memory_space<vmem>>[vector<16xi32>, vector<16xi32>], vector<16xf32>,
          tpu.vector_store_idx %arg12[%select_n3A_134, %broadcast_in_dim3A_160], %gather3A_161 : memref<144x128xf32, #tpu.memory_space<vmem>>[vector<16xi32>, vector<16xi32>], vector<16xf32>,
          %broadcast_in_dim3A_162 = arith.constant 8 : i32
          %broadcast_in_dim3A_163 = vector.broadcast %broadcast_in_dim3A_162 : i32 to vector<16xi32>
          %gather3A_164 = tpu.vector_load_idx %arg10[%broadcast_in_dim3A_163, %select_n3A_122] : memref<64x512xf32, #tpu.memory_space<vmem>>[vector<16xi32>, vector<16xi32>], vector<16xf32>,
          tpu.vector_store_idx %arg12[%select_n3A_134, %broadcast_in_dim3A_163], %gather3A_164 : memref<144x128xf32, #tpu.memory_space<vmem>>[vector<16xi32>, vector<16xi32>], vector<16xf32>,
          %broadcast_in_dim3A_165 = arith.constant 9 : i32
          %broadcast_in_dim3A_166 = vector.broadcast %broadcast_in_dim3A_165 : i32 to vector<16xi32>
          %gather3A_167 = tpu.vector_load_idx %arg10[%broadcast_in_dim3A_166, %select_n3A_122] : memref<64x512xf32, #tpu.memory_space<vmem>>[vector<16xi32>, vector<16xi32>], vector<16xf32>,
          tpu.vector_store_idx %arg12[%select_n3A_134, %broadcast_in_dim3A_166], %gather3A_167 : memref<144x128xf32, #tpu.memory_space<vmem>>[vector<16xi32>, vector<16xi32>], vector<16xf32>,
          %broadcast_in_dim3A_168 = arith.constant 10 : i32
          %broadcast_in_dim3A_169 = vector.broadcast %broadcast_in_dim3A_168 : i32 to vector<16xi32>
          %gather3A_170 = tpu.vector_load_idx %arg10[%broadcast_in_dim3A_169, %select_n3A_122] : memref<64x512xf32, #tpu.memory_space<vmem>>[vector<16xi32>, vector<16xi32>], vector<16xf32>,
          tpu.vector_store_idx %arg12[%select_n3A_134, %broadcast_in_dim3A_169], %gather3A_170 : memref<144x128xf32, #tpu.memory_space<vmem>>[vector<16xi32>, vector<16xi32>], vector<16xf32>,
          %broadcast_in_dim3A_171 = arith.constant 11 : i32
          %broadcast_in_dim3A_172 = vector.broadcast %broadcast_in_dim3A_171 : i32 to vector<16xi32>
          %gather3A_173 = tpu.vector_load_idx %arg10[%broadcast_in_dim3A_172, %select_n3A_122] : memref<64x512xf32, #tpu.memory_space<vmem>>[vector<16xi32>, vector<16xi32>], vector<16xf32>,
          tpu.vector_store_idx %arg12[%select_n3A_134, %broadcast_in_dim3A_172], %gather3A_173 : memref<144x128xf32, #tpu.memory_space<vmem>>[vector<16xi32>, vector<16xi32>], vector<16xf32>,
          %broadcast_in_dim3A_174 = arith.constant 12 : i32
          %broadcast_in_dim3A_175 = vector.broadcast %broadcast_in_dim3A_174 : i32 to vector<16xi32>
          %gather3A_176 = tpu.vector_load_idx %arg10[%broadcast_in_dim3A_175, %select_n3A_122] : memref<64x512xf32, #tpu.memory_space<vmem>>[vector<16xi32>, vector<16xi32>], vector<16xf32>,
          tpu.vector_store_idx %arg12[%select_n3A_134, %broadcast_in_dim3A_175], %gather3A_176 : memref<144x128xf32, #tpu.memory_space<vmem>>[vector<16xi32>, vector<16xi32>], vector<16xf32>,
          %broadcast_in_dim3A_177 = arith.constant 13 : i32
          %broadcast_in_dim3A_178 = vector.broadcast %broadcast_in_dim3A_177 : i32 to vector<16xi32>
          %gather3A_179 = tpu.vector_load_idx %arg10[%broadcast_in_dim3A_178, %select_n3A_122] : memref<64x512xf32, #tpu.memory_space<vmem>>[vector<16xi32>, vector<16xi32>], vector<16xf32>,
          tpu.vector_store_idx %arg12[%select_n3A_134, %broadcast_in_dim3A_178], %gather3A_179 : memref<144x128xf32, #tpu.memory_space<vmem>>[vector<16xi32>, vector<16xi32>], vector<16xf32>,
          %broadcast_in_dim3A_180 = arith.constant 14 : i32
          %broadcast_in_dim3A_181 = vector.broadcast %broadcast_in_dim3A_180 : i32 to vector<16xi32>
          %gather3A_182 = tpu.vector_load_idx %arg10[%broadcast_in_dim3A_181, %select_n3A_122] : memref<64x512xf32, #tpu.memory_space<vmem>>[vector<16xi32>, vector<16xi32>], vector<16xf32>,
          tpu.vector_store_idx %arg12[%select_n3A_134, %broadcast_in_dim3A_181], %gather3A_182 : memref<144x128xf32, #tpu.memory_space<vmem>>[vector<16xi32>, vector<16xi32>], vector<16xf32>,
          %broadcast_in_dim3A_183 = arith.constant 15 : i32
          %broadcast_in_dim3A_184 = vector.broadcast %broadcast_in_dim3A_183 : i32 to vector<16xi32>
          %gather3A_185 = tpu.vector_load_idx %arg10[%broadcast_in_dim3A_184, %select_n3A_122] : memref<64x512xf32, #tpu.memory_space<vmem>>[vector<16xi32>, vector<16xi32>], vector<16xf32>,
          tpu.vector_store_idx %arg12[%select_n3A_134, %broadcast_in_dim3A_184], %gather3A_185 : memref<144x128xf32, #tpu.memory_space<vmem>>[vector<16xi32>, vector<16xi32>], vector<16xf32>,
          %broadcast_in_dim3A_186 = arith.constant 16 : i32
          %broadcast_in_dim3A_187 = vector.broadcast %broadcast_in_dim3A_186 : i32 to vector<16xi32>
          %gather3A_188 = tpu.vector_load_idx %arg10[%broadcast_in_dim3A_187, %select_n3A_122] : memref<64x512xf32, #tpu.memory_space<vmem>>[vector<16xi32>, vector<16xi32>], vector<16xf32>,
          tpu.vector_store_idx %arg12[%select_n3A_134, %broadcast_in_dim3A_187], %gather3A_188 : memref<144x128xf32, #tpu.memory_space<vmem>>[vector<16xi32>, vector<16xi32>], vector<16xf32>,
          %broadcast_in_dim3A_189 = arith.constant 17 : i32
          %broadcast_in_dim3A_190 = vector.broadcast %broadcast_in_dim3A_189 : i32 to vector<16xi32>
          %gather3A_191 = tpu.vector_load_idx %arg10[%broadcast_in_dim3A_190, %select_n3A_122] : memref<64x512xf32, #tpu.memory_space<vmem>>[vector<16xi32>, vector<16xi32>], vector<16xf32>,
          tpu.vector_store_idx %arg12[%select_n3A_134, %broadcast_in_dim3A_190], %gather3A_191 : memref<144x128xf32, #tpu.memory_space<vmem>>[vector<16xi32>, vector<16xi32>], vector<16xf32>,
          %broadcast_in_dim3A_192 = arith.constant 18 : i32
          %broadcast_in_dim3A_193 = vector.broadcast %broadcast_in_dim3A_192 : i32 to vector<16xi32>
          %gather3A_194 = tpu.vector_load_idx %arg10[%broadcast_in_dim3A_193, %select_n3A_122] : memref<64x512xf32, #tpu.memory_space<vmem>>[vector<16xi32>, vector<16xi32>], vector<16xf32>,
          tpu.vector_store_idx %arg12[%select_n3A_134, %broadcast_in_dim3A_193], %gather3A_194 : memref<144x128xf32, #tpu.memory_space<vmem>>[vector<16xi32>, vector<16xi32>], vector<16xf32>,
          %broadcast_in_dim3A_195 = arith.constant 19 : i32
          %broadcast_in_dim3A_196 = vector.broadcast %broadcast_in_dim3A_195 : i32 to vector<16xi32>
          %gather3A_197 = tpu.vector_load_idx %arg10[%broadcast_in_dim3A_196, %select_n3A_122] : memref<64x512xf32, #tpu.memory_space<vmem>>[vector<16xi32>, vector<16xi32>], vector<16xf32>,
          tpu.vector_store_idx %arg12[%select_n3A_134, %broadcast_in_dim3A_196], %gather3A_197 : memref<144x128xf32, #tpu.memory_space<vmem>>[vector<16xi32>, vector<16xi32>], vector<16xf32>,
          %broadcast_in_dim3A_198 = arith.constant 20 : i32
          %broadcast_in_dim3A_199 = vector.broadcast %broadcast_in_dim3A_198 : i32 to vector<16xi32>
          %gather3A_200 = tpu.vector_load_idx %arg10[%broadcast_in_dim3A_199, %select_n3A_122] : memref<64x512xf32, #tpu.memory_space<vmem>>[vector<16xi32>, vector<16xi32>], vector<16xf32>,
          tpu.vector_store_idx %arg12[%select_n3A_134, %broadcast_in_dim3A_199], %gather3A_200 : memref<144x128xf32, #tpu.memory_space<vmem>>[vector<16xi32>, vector<16xi32>], vector<16xf32>,
          %broadcast_in_dim3A_201 = arith.constant 21 : i32
          %broadcast_in_dim3A_202 = vector.broadcast %broadcast_in_dim3A_201 : i32 to vector<16xi32>
          %gather3A_203 = tpu.vector_load_idx %arg10[%broadcast_in_dim3A_202, %select_n3A_122] : memref<64x512xf32, #tpu.memory_space<vmem>>[vector<16xi32>, vector<16xi32>], vector<16xf32>,
          tpu.vector_store_idx %arg12[%select_n3A_134, %broadcast_in_dim3A_202], %gather3A_203 : memref<144x128xf32, #tpu.memory_space<vmem>>[vector<16xi32>, vector<16xi32>], vector<16xf32>,
          %broadcast_in_dim3A_204 = arith.constant 22 : i32
          %broadcast_in_dim3A_205 = vector.broadcast %broadcast_in_dim3A_204 : i32 to vector<16xi32>
          %gather3A_206 = tpu.vector_load_idx %arg10[%broadcast_in_dim3A_205, %select_n3A_122] : memref<64x512xf32, #tpu.memory_space<vmem>>[vector<16xi32>, vector<16xi32>], vector<16xf32>,
          tpu.vector_store_idx %arg12[%select_n3A_134, %broadcast_in_dim3A_205], %gather3A_206 : memref<144x128xf32, #tpu.memory_space<vmem>>[vector<16xi32>, vector<16xi32>], vector<16xf32>,
          %broadcast_in_dim3A_207 = arith.constant 23 : i32
          %broadcast_in_dim3A_208 = vector.broadcast %broadcast_in_dim3A_207 : i32 to vector<16xi32>
          %gather3A_209 = tpu.vector_load_idx %arg10[%broadcast_in_dim3A_208, %select_n3A_122] : memref<64x512xf32, #tpu.memory_space<vmem>>[vector<16xi32>, vector<16xi32>], vector<16xf32>,
          tpu.vector_store_idx %arg12[%select_n3A_134, %broadcast_in_dim3A_208], %gather3A_209 : memref<144x128xf32, #tpu.memory_space<vmem>>[vector<16xi32>, vector<16xi32>], vector<16xf32>,
          %broadcast_in_dim3A_210 = arith.constant 24 : i32
          %broadcast_in_dim3A_211 = vector.broadcast %broadcast_in_dim3A_210 : i32 to vector<16xi32>
          %gather3A_212 = tpu.vector_load_idx %arg10[%broadcast_in_dim3A_211, %select_n3A_122] : memref<64x512xf32, #tpu.memory_space<vmem>>[vector<16xi32>, vector<16xi32>], vector<16xf32>,
          tpu.vector_store_idx %arg12[%select_n3A_134, %broadcast_in_dim3A_211], %gather3A_212 : memref<144x128xf32, #tpu.memory_space<vmem>>[vector<16xi32>, vector<16xi32>], vector<16xf32>,
          %broadcast_in_dim3A_213 = arith.constant 25 : i32
          %broadcast_in_dim3A_214 = vector.broadcast %broadcast_in_dim3A_213 : i32 to vector<16xi32>
          %gather3A_215 = tpu.vector_load_idx %arg10[%broadcast_in_dim3A_214, %select_n3A_122] : memref<64x512xf32, #tpu.memory_space<vmem>>[vector<16xi32>, vector<16xi32>], vector<16xf32>,
          tpu.vector_store_idx %arg12[%select_n3A_134, %broadcast_in_dim3A_214], %gather3A_215 : memref<144x128xf32, #tpu.memory_space<vmem>>[vector<16xi32>, vector<16xi32>], vector<16xf32>,
          %broadcast_in_dim3A_216 = arith.constant 26 : i32
          %broadcast_in_dim3A_217 = vector.broadcast %broadcast_in_dim3A_216 : i32 to vector<16xi32>
          %gather3A_218 = tpu.vector_load_idx %arg10[%broadcast_in_dim3A_217, %select_n3A_122] : memref<64x512xf32, #tpu.memory_space<vmem>>[vector<16xi32>, vector<16xi32>], vector<16xf32>,
          tpu.vector_store_idx %arg12[%select_n3A_134, %broadcast_in_dim3A_217], %gather3A_218 : memref<144x128xf32, #tpu.memory_space<vmem>>[vector<16xi32>, vector<16xi32>], vector<16xf32>,
          %broadcast_in_dim3A_219 = arith.constant 27 : i32
          %broadcast_in_dim3A_220 = vector.broadcast %broadcast_in_dim3A_219 : i32 to vector<16xi32>
          %gather3A_221 = tpu.vector_load_idx %arg10[%broadcast_in_dim3A_220, %select_n3A_122] : memref<64x512xf32, #tpu.memory_space<vmem>>[vector<16xi32>, vector<16xi32>], vector<16xf32>,
          tpu.vector_store_idx %arg12[%select_n3A_134, %broadcast_in_dim3A_220], %gather3A_221 : memref<144x128xf32, #tpu.memory_space<vmem>>[vector<16xi32>, vector<16xi32>], vector<16xf32>,
          %broadcast_in_dim3A_222 = arith.constant 28 : i32
          %broadcast_in_dim3A_223 = vector.broadcast %broadcast_in_dim3A_222 : i32 to vector<16xi32>
          %gather3A_224 = tpu.vector_load_idx %arg10[%broadcast_in_dim3A_223, %select_n3A_122] : memref<64x512xf32, #tpu.memory_space<vmem>>[vector<16xi32>, vector<16xi32>], vector<16xf32>,
          tpu.vector_store_idx %arg12[%select_n3A_134, %broadcast_in_dim3A_223], %gather3A_224 : memref<144x128xf32, #tpu.memory_space<vmem>>[vector<16xi32>, vector<16xi32>], vector<16xf32>,
          %broadcast_in_dim3A_225 = arith.constant 29 : i32
          %broadcast_in_dim3A_226 = vector.broadcast %broadcast_in_dim3A_225 : i32 to vector<16xi32>
          %gather3A_227 = tpu.vector_load_idx %arg10[%broadcast_in_dim3A_226, %select_n3A_122] : memref<64x512xf32, #tpu.memory_space<vmem>>[vector<16xi32>, vector<16xi32>], vector<16xf32>,
          tpu.vector_store_idx %arg12[%select_n3A_134, %broadcast_in_dim3A_226], %gather3A_227 : memref<144x128xf32, #tpu.memory_space<vmem>>[vector<16xi32>, vector<16xi32>], vector<16xf32>,
          %broadcast_in_dim3A_228 = arith.constant 30 : i32
          %broadcast_in_dim3A_229 = vector.broadcast %broadcast_in_dim3A_228 : i32 to vector<16xi32>
          %gather3A_230 = tpu.vector_load_idx %arg10[%broadcast_in_dim3A_229, %select_n3A_122] : memref<64x512xf32, #tpu.memory_space<vmem>>[vector<16xi32>, vector<16xi32>], vector<16xf32>,
          tpu.vector_store_idx %arg12[%select_n3A_134, %broadcast_in_dim3A_229], %gather3A_230 : memref<144x128xf32, #tpu.memory_space<vmem>>[vector<16xi32>, vector<16xi32>], vector<16xf32>,
          %broadcast_in_dim3A_231 = arith.constant 31 : i32
          %broadcast_in_dim3A_232 = vector.broadcast %broadcast_in_dim3A_231 : i32 to vector<16xi32>
          %gather3A_233 = tpu.vector_load_idx %arg10[%broadcast_in_dim3A_232, %select_n3A_122] : memref<64x512xf32, #tpu.memory_space<vmem>>[vector<16xi32>, vector<16xi32>], vector<16xf32>,
          tpu.vector_store_idx %arg12[%select_n3A_134, %broadcast_in_dim3A_232], %gather3A_233 : memref<144x128xf32, #tpu.memory_space<vmem>>[vector<16xi32>, vector<16xi32>], vector<16xf32>,
          %broadcast_in_dim3A_234 = arith.constant 32 : i32
          %broadcast_in_dim3A_235 = vector.broadcast %broadcast_in_dim3A_234 : i32 to vector<16xi32>
          %gather3A_236 = tpu.vector_load_idx %arg10[%broadcast_in_dim3A_235, %select_n3A_122] : memref<64x512xf32, #tpu.memory_space<vmem>>[vector<16xi32>, vector<16xi32>], vector<16xf32>,
          tpu.vector_store_idx %arg12[%select_n3A_134, %broadcast_in_dim3A_235], %gather3A_236 : memref<144x128xf32, #tpu.memory_space<vmem>>[vector<16xi32>, vector<16xi32>], vector<16xf32>,
          %broadcast_in_dim3A_237 = arith.constant 33 : i32
          %broadcast_in_dim3A_238 = vector.broadcast %broadcast_in_dim3A_237 : i32 to vector<16xi32>
          %gather3A_239 = tpu.vector_load_idx %arg10[%broadcast_in_dim3A_238, %select_n3A_122] : memref<64x512xf32, #tpu.memory_space<vmem>>[vector<16xi32>, vector<16xi32>], vector<16xf32>,
          tpu.vector_store_idx %arg12[%select_n3A_134, %broadcast_in_dim3A_238], %gather3A_239 : memref<144x128xf32, #tpu.memory_space<vmem>>[vector<16xi32>, vector<16xi32>], vector<16xf32>,
          %broadcast_in_dim3A_240 = arith.constant 34 : i32
          %broadcast_in_dim3A_241 = vector.broadcast %broadcast_in_dim3A_240 : i32 to vector<16xi32>
          %gather3A_242 = tpu.vector_load_idx %arg10[%broadcast_in_dim3A_241, %select_n3A_122] : memref<64x512xf32, #tpu.memory_space<vmem>>[vector<16xi32>, vector<16xi32>], vector<16xf32>,
          tpu.vector_store_idx %arg12[%select_n3A_134, %broadcast_in_dim3A_241], %gather3A_242 : memref<144x128xf32, #tpu.memory_space<vmem>>[vector<16xi32>, vector<16xi32>], vector<16xf32>,
          %broadcast_in_dim3A_243 = arith.constant 35 : i32
          %broadcast_in_dim3A_244 = vector.broadcast %broadcast_in_dim3A_243 : i32 to vector<16xi32>
          %gather3A_245 = tpu.vector_load_idx %arg10[%broadcast_in_dim3A_244, %select_n3A_122] : memref<64x512xf32, #tpu.memory_space<vmem>>[vector<16xi32>, vector<16xi32>], vector<16xf32>,
          tpu.vector_store_idx %arg12[%select_n3A_134, %broadcast_in_dim3A_244], %gather3A_245 : memref<144x128xf32, #tpu.memory_space<vmem>>[vector<16xi32>, vector<16xi32>], vector<16xf32>,
          %broadcast_in_dim3A_246 = arith.constant 36 : i32
          %broadcast_in_dim3A_247 = vector.broadcast %broadcast_in_dim3A_246 : i32 to vector<16xi32>
          %gather3A_248 = tpu.vector_load_idx %arg10[%broadcast_in_dim3A_247, %select_n3A_122] : memref<64x512xf32, #tpu.memory_space<vmem>>[vector<16xi32>, vector<16xi32>], vector<16xf32>,
          tpu.vector_store_idx %arg12[%select_n3A_134, %broadcast_in_dim3A_247], %gather3A_248 : memref<144x128xf32, #tpu.memory_space<vmem>>[vector<16xi32>, vector<16xi32>], vector<16xf32>,
          %broadcast_in_dim3A_249 = arith.constant 37 : i32
          %broadcast_in_dim3A_250 = vector.broadcast %broadcast_in_dim3A_249 : i32 to vector<16xi32>
          %gather3A_251 = tpu.vector_load_idx %arg10[%broadcast_in_dim3A_250, %select_n3A_122] : memref<64x512xf32, #tpu.memory_space<vmem>>[vector<16xi32>, vector<16xi32>], vector<16xf32>,
          tpu.vector_store_idx %arg12[%select_n3A_134, %broadcast_in_dim3A_250], %gather3A_251 : memref<144x128xf32, #tpu.memory_space<vmem>>[vector<16xi32>, vector<16xi32>], vector<16xf32>,
          %broadcast_in_dim3A_252 = arith.constant 38 : i32
          %broadcast_in_dim3A_253 = vector.broadcast %broadcast_in_dim3A_252 : i32 to vector<16xi32>
          %gather3A_254 = tpu.vector_load_idx %arg10[%broadcast_in_dim3A_253, %select_n3A_122] : memref<64x512xf32, #tpu.memory_space<vmem>>[vector<16xi32>, vector<16xi32>], vector<16xf32>,
          tpu.vector_store_idx %arg12[%select_n3A_134, %broadcast_in_dim3A_253], %gather3A_254 : memref<144x128xf32, #tpu.memory_space<vmem>>[vector<16xi32>, vector<16xi32>], vector<16xf32>,
          %broadcast_in_dim3A_255 = arith.constant 39 : i32
          %broadcast_in_dim3A_256 = vector.broadcast %broadcast_in_dim3A_255 : i32 to vector<16xi32>
          %gather3A_257 = tpu.vector_load_idx %arg10[%broadcast_in_dim3A_256, %select_n3A_122] : memref<64x512xf32, #tpu.memory_space<vmem>>[vector<16xi32>, vector<16xi32>], vector<16xf32>,
          tpu.vector_store_idx %arg12[%select_n3A_134, %broadcast_in_dim3A_256], %gather3A_257 : memref<144x128xf32, #tpu.memory_space<vmem>>[vector<16xi32>, vector<16xi32>], vector<16xf32>,
          %broadcast_in_dim3A_258 = arith.constant 40 : i32
          %broadcast_in_dim3A_259 = vector.broadcast %broadcast_in_dim3A_258 : i32 to vector<16xi32>
          %gather3A_260 = tpu.vector_load_idx %arg10[%broadcast_in_dim3A_259, %select_n3A_122] : memref<64x512xf32, #tpu.memory_space<vmem>>[vector<16xi32>, vector<16xi32>], vector<16xf32>,
          tpu.vector_store_idx %arg12[%select_n3A_134, %broadcast_in_dim3A_259], %gather3A_260 : memref<144x128xf32, #tpu.memory_space<vmem>>[vector<16xi32>, vector<16xi32>], vector<16xf32>,
          %broadcast_in_dim3A_261 = arith.constant 41 : i32
          %broadcast_in_dim3A_262 = vector.broadcast %broadcast_in_dim3A_261 : i32 to vector<16xi32>
          %gather3A_263 = tpu.vector_load_idx %arg10[%broadcast_in_dim3A_262, %select_n3A_122] : memref<64x512xf32, #tpu.memory_space<vmem>>[vector<16xi32>, vector<16xi32>], vector<16xf32>,
          tpu.vector_store_idx %arg12[%select_n3A_134, %broadcast_in_dim3A_262], %gather3A_263 : memref<144x128xf32, #tpu.memory_space<vmem>>[vector<16xi32>, vector<16xi32>], vector<16xf32>,
          %broadcast_in_dim3A_264 = arith.constant 42 : i32
          %broadcast_in_dim3A_265 = vector.broadcast %broadcast_in_dim3A_264 : i32 to vector<16xi32>
          %gather3A_266 = tpu.vector_load_idx %arg10[%broadcast_in_dim3A_265, %select_n3A_122] : memref<64x512xf32, #tpu.memory_space<vmem>>[vector<16xi32>, vector<16xi32>], vector<16xf32>,
          tpu.vector_store_idx %arg12[%select_n3A_134, %broadcast_in_dim3A_265], %gather3A_266 : memref<144x128xf32, #tpu.memory_space<vmem>>[vector<16xi32>, vector<16xi32>], vector<16xf32>,
          %broadcast_in_dim3A_267 = arith.constant 43 : i32
          %broadcast_in_dim3A_268 = vector.broadcast %broadcast_in_dim3A_267 : i32 to vector<16xi32>
          %gather3A_269 = tpu.vector_load_idx %arg10[%broadcast_in_dim3A_268, %select_n3A_122] : memref<64x512xf32, #tpu.memory_space<vmem>>[vector<16xi32>, vector<16xi32>], vector<16xf32>,
          tpu.vector_store_idx %arg12[%select_n3A_134, %broadcast_in_dim3A_268], %gather3A_269 : memref<144x128xf32, #tpu.memory_space<vmem>>[vector<16xi32>, vector<16xi32>], vector<16xf32>,
          %broadcast_in_dim3A_270 = arith.constant 44 : i32
          %broadcast_in_dim3A_271 = vector.broadcast %broadcast_in_dim3A_270 : i32 to vector<16xi32>
          %gather3A_272 = tpu.vector_load_idx %arg10[%broadcast_in_dim3A_271, %select_n3A_122] : memref<64x512xf32, #tpu.memory_space<vmem>>[vector<16xi32>, vector<16xi32>], vector<16xf32>,
          tpu.vector_store_idx %arg12[%select_n3A_134, %broadcast_in_dim3A_271], %gather3A_272 : memref<144x128xf32, #tpu.memory_space<vmem>>[vector<16xi32>, vector<16xi32>], vector<16xf32>,
          %broadcast_in_dim3A_273 = arith.constant 45 : i32
          %broadcast_in_dim3A_274 = vector.broadcast %broadcast_in_dim3A_273 : i32 to vector<16xi32>
          %gather3A_275 = tpu.vector_load_idx %arg10[%broadcast_in_dim3A_274, %select_n3A_122] : memref<64x512xf32, #tpu.memory_space<vmem>>[vector<16xi32>, vector<16xi32>], vector<16xf32>,
          tpu.vector_store_idx %arg12[%select_n3A_134, %broadcast_in_dim3A_274], %gather3A_275 : memref<144x128xf32, #tpu.memory_space<vmem>>[vector<16xi32>, vector<16xi32>], vector<16xf32>,
          %broadcast_in_dim3A_276 = arith.constant 46 : i32
          %broadcast_in_dim3A_277 = vector.broadcast %broadcast_in_dim3A_276 : i32 to vector<16xi32>
          %gather3A_278 = tpu.vector_load_idx %arg10[%broadcast_in_dim3A_277, %select_n3A_122] : memref<64x512xf32, #tpu.memory_space<vmem>>[vector<16xi32>, vector<16xi32>], vector<16xf32>,
          tpu.vector_store_idx %arg12[%select_n3A_134, %broadcast_in_dim3A_277], %gather3A_278 : memref<144x128xf32, #tpu.memory_space<vmem>>[vector<16xi32>, vector<16xi32>], vector<16xf32>,
          %broadcast_in_dim3A_279 = arith.constant 47 : i32
          %broadcast_in_dim3A_280 = vector.broadcast %broadcast_in_dim3A_279 : i32 to vector<16xi32>
          %gather3A_281 = tpu.vector_load_idx %arg10[%broadcast_in_dim3A_280, %select_n3A_122] : memref<64x512xf32, #tpu.memory_space<vmem>>[vector<16xi32>, vector<16xi32>], vector<16xf32>,
          tpu.vector_store_idx %arg12[%select_n3A_134, %broadcast_in_dim3A_280], %gather3A_281 : memref<144x128xf32, #tpu.memory_space<vmem>>[vector<16xi32>, vector<16xi32>], vector<16xf32>,
          %broadcast_in_dim3A_282 = arith.constant 48 : i32
          %broadcast_in_dim3A_283 = vector.broadcast %broadcast_in_dim3A_282 : i32 to vector<16xi32>
          %gather3A_284 = tpu.vector_load_idx %arg10[%broadcast_in_dim3A_283, %select_n3A_122] : memref<64x512xf32, #tpu.memory_space<vmem>>[vector<16xi32>, vector<16xi32>], vector<16xf32>,
          tpu.vector_store_idx %arg12[%select_n3A_134, %broadcast_in_dim3A_283], %gather3A_284 : memref<144x128xf32, #tpu.memory_space<vmem>>[vector<16xi32>, vector<16xi32>], vector<16xf32>,
          %broadcast_in_dim3A_285 = arith.constant 49 : i32
          %broadcast_in_dim3A_286 = vector.broadcast %broadcast_in_dim3A_285 : i32 to vector<16xi32>
          %gather3A_287 = tpu.vector_load_idx %arg10[%broadcast_in_dim3A_286, %select_n3A_122] : memref<64x512xf32, #tpu.memory_space<vmem>>[vector<16xi32>, vector<16xi32>], vector<16xf32>,
          tpu.vector_store_idx %arg12[%select_n3A_134, %broadcast_in_dim3A_286], %gather3A_287 : memref<144x128xf32, #tpu.memory_space<vmem>>[vector<16xi32>, vector<16xi32>], vector<16xf32>,
          %broadcast_in_dim3A_288 = arith.constant 50 : i32
          %broadcast_in_dim3A_289 = vector.broadcast %broadcast_in_dim3A_288 : i32 to vector<16xi32>
          %gather3A_290 = tpu.vector_load_idx %arg10[%broadcast_in_dim3A_289, %select_n3A_122] : memref<64x512xf32, #tpu.memory_space<vmem>>[vector<16xi32>, vector<16xi32>], vector<16xf32>,
          tpu.vector_store_idx %arg12[%select_n3A_134, %broadcast_in_dim3A_289], %gather3A_290 : memref<144x128xf32, #tpu.memory_space<vmem>>[vector<16xi32>, vector<16xi32>], vector<16xf32>,
          %broadcast_in_dim3A_291 = arith.constant 51 : i32
          %broadcast_in_dim3A_292 = vector.broadcast %broadcast_in_dim3A_291 : i32 to vector<16xi32>
          %gather3A_293 = tpu.vector_load_idx %arg10[%broadcast_in_dim3A_292, %select_n3A_122] : memref<64x512xf32, #tpu.memory_space<vmem>>[vector<16xi32>, vector<16xi32>], vector<16xf32>,
          tpu.vector_store_idx %arg12[%select_n3A_134, %broadcast_in_dim3A_292], %gather3A_293 : memref<144x128xf32, #tpu.memory_space<vmem>>[vector<16xi32>, vector<16xi32>], vector<16xf32>,
          %broadcast_in_dim3A_294 = arith.constant 52 : i32
          %broadcast_in_dim3A_295 = vector.broadcast %broadcast_in_dim3A_294 : i32 to vector<16xi32>
          %gather3A_296 = tpu.vector_load_idx %arg10[%broadcast_in_dim3A_295, %select_n3A_122] : memref<64x512xf32, #tpu.memory_space<vmem>>[vector<16xi32>, vector<16xi32>], vector<16xf32>,
          tpu.vector_store_idx %arg12[%select_n3A_134, %broadcast_in_dim3A_295], %gather3A_296 : memref<144x128xf32, #tpu.memory_space<vmem>>[vector<16xi32>, vector<16xi32>], vector<16xf32>,
          %broadcast_in_dim3A_297 = arith.constant 53 : i32
          %broadcast_in_dim3A_298 = vector.broadcast %broadcast_in_dim3A_297 : i32 to vector<16xi32>
          %gather3A_299 = tpu.vector_load_idx %arg10[%broadcast_in_dim3A_298, %select_n3A_122] : memref<64x512xf32, #tpu.memory_space<vmem>>[vector<16xi32>, vector<16xi32>], vector<16xf32>,
          tpu.vector_store_idx %arg12[%select_n3A_134, %broadcast_in_dim3A_298], %gather3A_299 : memref<144x128xf32, #tpu.memory_space<vmem>>[vector<16xi32>, vector<16xi32>], vector<16xf32>,
          %broadcast_in_dim3A_300 = arith.constant 54 : i32
          %broadcast_in_dim3A_301 = vector.broadcast %broadcast_in_dim3A_300 : i32 to vector<16xi32>
          %gather3A_302 = tpu.vector_load_idx %arg10[%broadcast_in_dim3A_301, %select_n3A_122] : memref<64x512xf32, #tpu.memory_space<vmem>>[vector<16xi32>, vector<16xi32>], vector<16xf32>,
          tpu.vector_store_idx %arg12[%select_n3A_134, %broadcast_in_dim3A_301], %gather3A_302 : memref<144x128xf32, #tpu.memory_space<vmem>>[vector<16xi32>, vector<16xi32>], vector<16xf32>,
          %broadcast_in_dim3A_303 = arith.constant 55 : i32
          %broadcast_in_dim3A_304 = vector.broadcast %broadcast_in_dim3A_303 : i32 to vector<16xi32>
          %gather3A_305 = tpu.vector_load_idx %arg10[%broadcast_in_dim3A_304, %select_n3A_122] : memref<64x512xf32, #tpu.memory_space<vmem>>[vector<16xi32>, vector<16xi32>], vector<16xf32>,
          tpu.vector_store_idx %arg12[%select_n3A_134, %broadcast_in_dim3A_304], %gather3A_305 : memref<144x128xf32, #tpu.memory_space<vmem>>[vector<16xi32>, vector<16xi32>], vector<16xf32>,
          %broadcast_in_dim3A_306 = arith.constant 56 : i32
          %broadcast_in_dim3A_307 = vector.broadcast %broadcast_in_dim3A_306 : i32 to vector<16xi32>
          %gather3A_308 = tpu.vector_load_idx %arg10[%broadcast_in_dim3A_307, %select_n3A_122] : memref<64x512xf32, #tpu.memory_space<vmem>>[vector<16xi32>, vector<16xi32>], vector<16xf32>,
          tpu.vector_store_idx %arg12[%select_n3A_134, %broadcast_in_dim3A_307], %gather3A_308 : memref<144x128xf32, #tpu.memory_space<vmem>>[vector<16xi32>, vector<16xi32>], vector<16xf32>,
          %broadcast_in_dim3A_309 = arith.constant 57 : i32
          %broadcast_in_dim3A_310 = vector.broadcast %broadcast_in_dim3A_309 : i32 to vector<16xi32>
          %gather3A_311 = tpu.vector_load_idx %arg10[%broadcast_in_dim3A_310, %select_n3A_122] : memref<64x512xf32, #tpu.memory_space<vmem>>[vector<16xi32>, vector<16xi32>], vector<16xf32>,
          tpu.vector_store_idx %arg12[%select_n3A_134, %broadcast_in_dim3A_310], %gather3A_311 : memref<144x128xf32, #tpu.memory_space<vmem>>[vector<16xi32>, vector<16xi32>], vector<16xf32>,
          %broadcast_in_dim3A_312 = arith.constant 58 : i32
          %broadcast_in_dim3A_313 = vector.broadcast %broadcast_in_dim3A_312 : i32 to vector<16xi32>
          %gather3A_314 = tpu.vector_load_idx %arg10[%broadcast_in_dim3A_313, %select_n3A_122] : memref<64x512xf32, #tpu.memory_space<vmem>>[vector<16xi32>, vector<16xi32>], vector<16xf32>,
          tpu.vector_store_idx %arg12[%select_n3A_134, %broadcast_in_dim3A_313], %gather3A_314 : memref<144x128xf32, #tpu.memory_space<vmem>>[vector<16xi32>, vector<16xi32>], vector<16xf32>,
          %broadcast_in_dim3A_315 = arith.constant 59 : i32
          %broadcast_in_dim3A_316 = vector.broadcast %broadcast_in_dim3A_315 : i32 to vector<16xi32>
          %gather3A_317 = tpu.vector_load_idx %arg10[%broadcast_in_dim3A_316, %select_n3A_122] : memref<64x512xf32, #tpu.memory_space<vmem>>[vector<16xi32>, vector<16xi32>], vector<16xf32>,
          tpu.vector_store_idx %arg12[%select_n3A_134, %broadcast_in_dim3A_316], %gather3A_317 : memref<144x128xf32, #tpu.memory_space<vmem>>[vector<16xi32>, vector<16xi32>], vector<16xf32>,
          %broadcast_in_dim3A_318 = arith.constant 60 : i32
          %broadcast_in_dim3A_319 = vector.broadcast %broadcast_in_dim3A_318 : i32 to vector<16xi32>
          %gather3A_320 = tpu.vector_load_idx %arg10[%broadcast_in_dim3A_319, %select_n3A_122] : memref<64x512xf32, #tpu.memory_space<vmem>>[vector<16xi32>, vector<16xi32>], vector<16xf32>,
          tpu.vector_store_idx %arg12[%select_n3A_134, %broadcast_in_dim3A_319], %gather3A_320 : memref<144x128xf32, #tpu.memory_space<vmem>>[vector<16xi32>, vector<16xi32>], vector<16xf32>,
          %broadcast_in_dim3A_321 = arith.constant 61 : i32
          %broadcast_in_dim3A_322 = vector.broadcast %broadcast_in_dim3A_321 : i32 to vector<16xi32>
          %gather3A_323 = tpu.vector_load_idx %arg10[%broadcast_in_dim3A_322, %select_n3A_122] : memref<64x512xf32, #tpu.memory_space<vmem>>[vector<16xi32>, vector<16xi32>], vector<16xf32>,
          tpu.vector_store_idx %arg12[%select_n3A_134, %broadcast_in_dim3A_322], %gather3A_323 : memref<144x128xf32, #tpu.memory_space<vmem>>[vector<16xi32>, vector<16xi32>], vector<16xf32>,
          %broadcast_in_dim3A_324 = arith.constant 62 : i32
          %broadcast_in_dim3A_325 = vector.broadcast %broadcast_in_dim3A_324 : i32 to vector<16xi32>
          %gather3A_326 = tpu.vector_load_idx %arg10[%broadcast_in_dim3A_325, %select_n3A_122] : memref<64x512xf32, #tpu.memory_space<vmem>>[vector<16xi32>, vector<16xi32>], vector<16xf32>,
          tpu.vector_store_idx %arg12[%select_n3A_134, %broadcast_in_dim3A_325], %gather3A_326 : memref<144x128xf32, #tpu.memory_space<vmem>>[vector<16xi32>, vector<16xi32>], vector<16xf32>,
          %broadcast_in_dim3A_327 = arith.constant 63 : i32
          %broadcast_in_dim3A_328 = vector.broadcast %broadcast_in_dim3A_327 : i32 to vector<16xi32>
          %gather3A_329 = tpu.vector_load_idx %arg10[%broadcast_in_dim3A_328, %select_n3A_122] : memref<64x512xf32, #tpu.memory_space<vmem>>[vector<16xi32>, vector<16xi32>], vector<16xf32>,
          tpu.vector_store_idx %arg12[%select_n3A_134, %broadcast_in_dim3A_328], %gather3A_329 : memref<144x128xf32, #tpu.memory_space<vmem>>[vector<16xi32>, vector<16xi32>], vector<16xf32>,
          %slice3A = vector.extract_strided_slice %masked_cumsum3A {offsets = [15], sizes = [1], strides = [1]} : vector<16xi32> to vector<1xi32>
          %squeeze3A = vector.extract %slice3A[0] : i32 from vector<1xi32>
          %add3A_330 = arith.addi %cond3A_109, %squeeze3A : i32
          scf.yield %add3A_330 : i32
        }
        %while3A_95 = arith.constant 2048 : i32
        %while3A_96:2 = scf.while (%while3A_103 = %while3A_95, %while3A_104 = %while3A_94) : (i32, i32) -> (i32, i32) {
          %lt3A_105 = arith.cmpi slt, %while3A_103, %while3A_73 : i32
          scf.condition(%lt3A_105) %while3A_103, %while3A_104 : i32, i32
        } do {
        ^bb0(%while3A_103: i32, %while3A_104: i32):
          %while3A_105 = arith.constant 0 : i32
          %while3A_106 = arith.constant 0 : i32
          %while3A_107 = arith.subi %shift_right_arithmetic3A_27, %while3A_105 : i32
          %while3A_108 = arith.addi %while3A_105, %while3A_107 : i32
          %while3A_109 = arith.constant 1 : i32
          %while3A_110 = arith.divsi %while3A_107, %while3A_109 : i32
          %while3A_111 = arith.muli %while3A_110, %while3A_109 : i32
          %while3A_112 = arith.addi %while3A_105, %while3A_111 : i32
          %while3A_113 = arith.constant 1 : i32
          %while3A_114 = scf.for %while3A_136 = %while3A_105 to %while3A_112 step %while3A_113 iter_args(%while3A_137 = %while3A_106) -> (i32)  : i32 {
            %mul3A_138 = arith.constant 16 : i32
            %mul3A_139 = arith.muli %while3A_136, %mul3A_138 : i32
            %add3A_140 = vector.broadcast %mul3A_139 : i32 to vector<16xi32>
            %add3A_141 = arith.addi %add3A_140, %iota3A : vector<16xi32>
            %min3A_142 = arith.constant 16383 : i32
            %min3A_143 = vector.broadcast %min3A_142 : i32 to vector<16xi32>
            %min3A_144 = arith.minsi %add3A_141, %min3A_143 : vector<16xi32>
            %gather3A = tpu.vector_load_idx %arg6[%min3A_144] : memref<16400xi32, #tpu.memory_space<vmem>>[vector<16xi32>], vector<16xi32>,
            %gather3A_145 = tpu.vector_load_idx %arg7[%min3A_144] : memref<16400xi32, #tpu.memory_space<vmem>>[vector<16xi32>], vector<16xi32>,
            %lt3A_146 = vector.broadcast %scan3A_23 : i32 to vector<16xi32>
            %lt3A_147 = arith.cmpi slt, %add3A_141, %lt3A_146 : vector<16xi32>
            %shift_right_arithmetic3A_148 = arith.constant 9 : i32
            %shift_right_arithmetic3A_149 = vector.broadcast %shift_right_arithmetic3A_148 : i32 to vector<16xi32>
            %shift_right_arithmetic3A_150 = arith.shrsi %gather3A, %shift_right_arithmetic3A_149 : vector<16xi32>
            %eq3A = vector.broadcast %add3A_59 : i32 to vector<16xi32>
            %eq3A_151 = arith.cmpi eq, %shift_right_arithmetic3A_150, %eq3A : vector<16xi32>
            %and3A = arith.andi %lt3A_147, %eq3A_151 : vector<16xi1>
            %convert_element_type3A_152 = arith.extui %and3A : vector<16xi1> to vector<16xi32>
            %broadcast_in_dim3A = arith.constant true
            %broadcast_in_dim3A_153 = vector.broadcast %broadcast_in_dim3A : i1 to vector<16xi1>
            %masked_cumsum3A = tpu.scan <sum>, %convert_element_type3A_152 masked %broadcast_in_dim3A_153 : vector<16xi32>, vector<16xi1> -> vector<16xi32>
            %add3A_154 = vector.broadcast %while3A_137 : i32 to vector<16xi32>
            %add3A_155 = arith.addi %add3A_154, %masked_cumsum3A : vector<16xi32>
            %sub3A_156 = arith.constant 1 : i32
            %sub3A_157 = vector.broadcast %sub3A_156 : i32 to vector<16xi32>
            %sub3A_158 = arith.subi %add3A_155, %sub3A_157 : vector<16xi32>
            %sub3A_159 = vector.broadcast %while3A_103 : i32 to vector<16xi32>
            %sub3A_160 = arith.subi %sub3A_158, %sub3A_159 : vector<16xi32>
            %ge3A = arith.constant 0 : i32
            %ge3A_161 = vector.broadcast %ge3A : i32 to vector<16xi32>
            %ge3A_162 = arith.cmpi sge, %sub3A_160, %ge3A_161 : vector<16xi32>
            %and3A_163 = arith.andi %and3A, %ge3A_162 : vector<16xi1>
            %lt3A_164 = arith.constant 2048 : i32
            %lt3A_165 = vector.broadcast %lt3A_164 : i32 to vector<16xi32>
            %lt3A_166 = arith.cmpi slt, %sub3A_160, %lt3A_165 : vector<16xi32>
            %and3A_167 = arith.andi %and3A_163, %lt3A_166 : vector<16xi1>
            tpu.vector_store_idx %arg8[%sub3A_160], %gather3A masked %and3A_167 : memref<2048xi32, #tpu.memory_space<vmem>>[vector<16xi32>], vector<16xi32>, vector<16xi1>
            tpu.vector_store_idx %arg9[%sub3A_160], %gather3A_145 masked %and3A_167 : memref<2048xi32, #tpu.memory_space<vmem>>[vector<16xi32>], vector<16xi32>, vector<16xi1>
            %slice3A = vector.extract_strided_slice %masked_cumsum3A {offsets = [15], sizes = [1], strides = [1]} : vector<16xi32> to vector<1xi32>
            %squeeze3A = vector.extract %slice3A[0] : i32 from vector<1xi32>
            %add3A_168 = arith.addi %while3A_137, %squeeze3A : i32
            scf.yield %add3A_168 : i32
          }
          %while3A_115 = arith.constant 1 : i32
          %while3A_116 = scf.for %while3A_136 = %while3A_112 to %while3A_108 step %while3A_115 iter_args(%while3A_137 = %while3A_114) -> (i32)  : i32 {
            %mul3A_138 = arith.constant 16 : i32
            %mul3A_139 = arith.muli %while3A_136, %mul3A_138 : i32
            %add3A_140 = vector.broadcast %mul3A_139 : i32 to vector<16xi32>
            %add3A_141 = arith.addi %add3A_140, %iota3A : vector<16xi32>
            %min3A_142 = arith.constant 16383 : i32
            %min3A_143 = vector.broadcast %min3A_142 : i32 to vector<16xi32>
            %min3A_144 = arith.minsi %add3A_141, %min3A_143 : vector<16xi32>
            %gather3A = tpu.vector_load_idx %arg6[%min3A_144] : memref<16400xi32, #tpu.memory_space<vmem>>[vector<16xi32>], vector<16xi32>,
            %gather3A_145 = tpu.vector_load_idx %arg7[%min3A_144] : memref<16400xi32, #tpu.memory_space<vmem>>[vector<16xi32>], vector<16xi32>,
            %lt3A_146 = vector.broadcast %scan3A_23 : i32 to vector<16xi32>
            %lt3A_147 = arith.cmpi slt, %add3A_141, %lt3A_146 : vector<16xi32>
            %shift_right_arithmetic3A_148 = arith.constant 9 : i32
            %shift_right_arithmetic3A_149 = vector.broadcast %shift_right_arithmetic3A_148 : i32 to vector<16xi32>
            %shift_right_arithmetic3A_150 = arith.shrsi %gather3A, %shift_right_arithmetic3A_149 : vector<16xi32>
            %eq3A = vector.broadcast %add3A_59 : i32 to vector<16xi32>
            %eq3A_151 = arith.cmpi eq, %shift_right_arithmetic3A_150, %eq3A : vector<16xi32>
            %and3A = arith.andi %lt3A_147, %eq3A_151 : vector<16xi1>
            %convert_element_type3A_152 = arith.extui %and3A : vector<16xi1> to vector<16xi32>
            %broadcast_in_dim3A = arith.constant true
            %broadcast_in_dim3A_153 = vector.broadcast %broadcast_in_dim3A : i1 to vector<16xi1>
            %masked_cumsum3A = tpu.scan <sum>, %convert_element_type3A_152 masked %broadcast_in_dim3A_153 : vector<16xi32>, vector<16xi1> -> vector<16xi32>
            %add3A_154 = vector.broadcast %while3A_137 : i32 to vector<16xi32>
            %add3A_155 = arith.addi %add3A_154, %masked_cumsum3A : vector<16xi32>
            %sub3A_156 = arith.constant 1 : i32
            %sub3A_157 = vector.broadcast %sub3A_156 : i32 to vector<16xi32>
            %sub3A_158 = arith.subi %add3A_155, %sub3A_157 : vector<16xi32>
            %sub3A_159 = vector.broadcast %while3A_103 : i32 to vector<16xi32>
            %sub3A_160 = arith.subi %sub3A_158, %sub3A_159 : vector<16xi32>
            %ge3A = arith.constant 0 : i32
            %ge3A_161 = vector.broadcast %ge3A : i32 to vector<16xi32>
            %ge3A_162 = arith.cmpi sge, %sub3A_160, %ge3A_161 : vector<16xi32>
            %and3A_163 = arith.andi %and3A, %ge3A_162 : vector<16xi1>
            %lt3A_164 = arith.constant 2048 : i32
            %lt3A_165 = vector.broadcast %lt3A_164 : i32 to vector<16xi32>
            %lt3A_166 = arith.cmpi slt, %sub3A_160, %lt3A_165 : vector<16xi32>
            %and3A_167 = arith.andi %and3A_163, %lt3A_166 : vector<16xi1>
            tpu.vector_store_idx %arg8[%sub3A_160], %gather3A masked %and3A_167 : memref<2048xi32, #tpu.memory_space<vmem>>[vector<16xi32>], vector<16xi32>, vector<16xi1>
            tpu.vector_store_idx %arg9[%sub3A_160], %gather3A_145 masked %and3A_167 : memref<2048xi32, #tpu.memory_space<vmem>>[vector<16xi32>], vector<16xi32>, vector<16xi1>
            %slice3A = vector.extract_strided_slice %masked_cumsum3A {offsets = [15], sizes = [1], strides = [1]} : vector<16xi32> to vector<1xi32>
            %squeeze3A = vector.extract %slice3A[0] : i32 from vector<1xi32>
            %add3A_168 = arith.addi %while3A_137, %squeeze3A : i32
            scf.yield %add3A_168 : i32
          }
          %sub3A = arith.subi %while3A_73, %while3A_103 : i32
          %min3A_117 = arith.constant 2048 : i32
          %min3A_118 = arith.minsi %sub3A, %min3A_117 : i32
          %add3A_119 = arith.constant 15 : i32
          %add3A_120 = arith.addi %min3A_118, %add3A_119 : i32
          %shift_right_arithmetic3A_121 = arith.constant 4 : i32
          %shift_right_arithmetic3A_122 = arith.shrsi %add3A_120, %shift_right_arithmetic3A_121 : i32
          %while3A_123 = arith.constant 0 : i32
          %while3A_124 = arith.subi %shift_right_arithmetic3A_122, %while3A_123 : i32
          %while3A_125 = arith.addi %while3A_123, %while3A_124 : i32
          %while3A_126 = arith.constant 1 : i32
          %while3A_127 = arith.divsi %while3A_124, %while3A_126 : i32
          %while3A_128 = arith.muli %while3A_127, %while3A_126 : i32
          %while3A_129 = arith.addi %while3A_123, %while3A_128 : i32
          %while3A_130 = arith.constant 1 : i32
          %while3A_131 = scf.for %while3A_136 = %while3A_123 to %while3A_129 step %while3A_130 iter_args(%while3A_137 = %while3A_104) -> (i32)  : i32 {
            %ge3A = arith.constant 112 : i32
            %ge3A_138 = arith.cmpi sge, %while3A_137, %ge3A : i32
            %convert_element_type3A_139 = arith.extui %ge3A_138 : i1 to i32
            %cond3A_140 = arith.constant 0 : i32
            %cond3A_141 = arith.cmpi ne, %convert_element_type3A_139, %cond3A_140 : i32
            %cond3A_142 = scf.if %cond3A_141 -> (i32) {
              %add3A_365 = vector.broadcast %while3A_137 : i32 to vector<16xi32>
              %add3A_366 = arith.addi %add3A_365, %iota3A : vector<16xi32>
              %lt3A_367 = arith.constant 128 : i32
              %lt3A_368 = vector.broadcast %lt3A_367 : i32 to vector<16xi32>
              %lt3A_369 = arith.cmpi slt, %add3A_366, %lt3A_368 : vector<16xi32>
              %min3A_370 = arith.constant 127 : i32
              %min3A_371 = vector.broadcast %min3A_370 : i32 to vector<16xi32>
              %min3A_372 = arith.minsi %add3A_366, %min3A_371 : vector<16xi32>
              %add3A_373 = arith.constant 16384 : i32
              %add3A_374 = vector.broadcast %add3A_373 : i32 to vector<16xi32>
              %add3A_375 = arith.addi %add3A_374, %iota3A : vector<16xi32>
              tpu.vector_store_idx %arg13[%min3A_372], %add3A_375 masked %lt3A_369 : memref<128xi32, #tpu.memory_space<vmem>>[vector<16xi32>], vector<16xi32>, vector<16xi1>
              "tpu.region"() ({
                %run_scoped3A = tpu.sem_alloc : memref<!tpu.dma_semaphore, #tpu.memory_space<semaphore_mem>>
                %dma_start3A_377 = arith.constant 0 : i32
                %dma_start3A_378 = arith.constant 0 : i32
                %dma_start3A_379 = tpu.memref_slice %arg12[%dma_start3A_377, %dma_start3A_378] : memref<144x128xf32, #tpu.memory_space<vmem>> -> memref<128x128xf32, #tpu.memory_space<vmem>>
                %dma_start3A_380 = arith.constant 0 : i32
                %dma_start3A_381 = arith.constant 0 : i32
                %dma_start3A_382 = tpu.memref_slice %arg4[%dma_start3A_380, %dma_start3A_381] : memref<16512x128xf32, #tpu.memory_space<hbm>> -> memref<16512x128xf32, #tpu.memory_space<hbm>>
                tpu.enqueue_indirect_dma source(%dma_start3A_379 : memref<128x128xf32, #tpu.memory_space<vmem>>) target(%dma_start3A_382 : memref<16512x128xf32, #tpu.memory_space<hbm>>) offsets(%arg13 : memref<128xi32, #tpu.memory_space<vmem>>) semaphore(%run_scoped3A : memref<!tpu.dma_semaphore, #tpu.memory_space<semaphore_mem>>)
                %dma_wait3A_383 = arith.constant 0 : i32
                %dma_wait3A_384 = arith.constant 0 : i32
                %dma_wait3A_385 = tpu.memref_slice %arg12[%dma_wait3A_383, %dma_wait3A_384] : memref<144x128xf32, #tpu.memory_space<vmem>> -> memref<128x128xf32, #tpu.memory_space<vmem>>
                %dma_wait3A_386 = arith.constant 0 : i32
                %dma_wait3A_387 = arith.constant 0 : i32
                %dma_wait3A_388 = tpu.memref_slice %arg4[%dma_wait3A_386, %dma_wait3A_387] : memref<16512x128xf32, #tpu.memory_space<hbm>> -> memref<16512x128xf32, #tpu.memory_space<hbm>>
                tpu.wait_indirect_dma semaphore(%run_scoped3A : memref<!tpu.dma_semaphore, #tpu.memory_space<semaphore_mem>>) src(%dma_wait3A_385 : memref<128x128xf32, #tpu.memory_space<vmem>>) dst(%dma_wait3A_388 : memref<16512x128xf32, #tpu.memory_space<hbm>>)
                tpu.yield
              }) : () -> ()
              %cond3A_376 = arith.constant 0 : i32
              scf.yield %cond3A_376 : i32
            } else {
              scf.yield %while3A_137 : i32
            }
            %mul3A_143 = arith.constant 16 : i32
            %mul3A_144 = arith.muli %while3A_136, %mul3A_143 : i32
            %add3A_145 = vector.broadcast %mul3A_144 : i32 to vector<16xi32>
            %add3A_146 = arith.addi %add3A_145, %iota3A : vector<16xi32>
            %lt3A_147 = vector.broadcast %min3A_118 : i32 to vector<16xi32>
            %lt3A_148 = arith.cmpi slt, %add3A_146, %lt3A_147 : vector<16xi32>
            %min3A_149 = arith.constant 2047 : i32
            %min3A_150 = vector.broadcast %min3A_149 : i32 to vector<16xi32>
            %min3A_151 = arith.minsi %add3A_146, %min3A_150 : vector<16xi32>
            %gather3A = tpu.vector_load_idx %arg8[%min3A_151] : memref<2048xi32, #tpu.memory_space<vmem>>[vector<16xi32>], vector<16xi32>,
            %gather3A_152 = tpu.vector_load_idx %arg9[%min3A_151] : memref<2048xi32, #tpu.memory_space<vmem>>[vector<16xi32>], vector<16xi32>,
            %sub3A_153 = vector.broadcast %mul3A_61 : i32 to vector<16xi32>
            %sub3A_154 = arith.subi %gather3A, %sub3A_153 : vector<16xi32>
            %jit3A_155 = arith.constant 0 : i32
            %broadcast_in_dim3A = vector.broadcast %jit3A_155 : i32 to vector<16xi32>
            %select_n3A_156 = arith.select %lt3A_148, %sub3A_154, %broadcast_in_dim3A : vector<16xi1>, vector<16xi32>
            %convert_element_type3A_157 = arith.extui %lt3A_148 : vector<16xi1> to vector<16xi32>
            %broadcast_in_dim3A_158 = arith.constant true
            %broadcast_in_dim3A_159 = vector.broadcast %broadcast_in_dim3A_158 : i1 to vector<16xi1>
            %masked_cumsum3A = tpu.scan <sum>, %convert_element_type3A_157 masked %broadcast_in_dim3A_159 : vector<16xi32>, vector<16xi1> -> vector<16xi32>
            %add3A_160 = vector.broadcast %cond3A_142 : i32 to vector<16xi32>
            %add3A_161 = arith.addi %add3A_160, %masked_cumsum3A : vector<16xi32>
            %sub3A_162 = arith.constant 1 : i32
            %sub3A_163 = vector.broadcast %sub3A_162 : i32 to vector<16xi32>
            %sub3A_164 = arith.subi %add3A_161, %sub3A_163 : vector<16xi32>
            %add3A_165 = arith.constant 128 : i32
            %add3A_166 = vector.broadcast %add3A_165 : i32 to vector<16xi32>
            %add3A_167 = arith.addi %add3A_166, %iota3A : vector<16xi32>
            %select_n3A_168 = arith.select %lt3A_148, %sub3A_164, %add3A_167 : vector<16xi1>, vector<16xi32>
            %min3A_169 = arith.constant 127 : i32
            %min3A_170 = vector.broadcast %min3A_169 : i32 to vector<16xi32>
            %min3A_171 = arith.minsi %select_n3A_168, %min3A_170 : vector<16xi32>
            tpu.vector_store_idx %arg13[%min3A_171], %gather3A_152 masked %lt3A_148 : memref<128xi32, #tpu.memory_space<vmem>>[vector<16xi32>], vector<16xi32>, vector<16xi1>
            %broadcast_in_dim3A_172 = arith.constant 0 : i32
            %broadcast_in_dim3A_173 = vector.broadcast %broadcast_in_dim3A_172 : i32 to vector<16xi32>
            %gather3A_174 = tpu.vector_load_idx %arg10[%broadcast_in_dim3A_173, %select_n3A_156] : memref<64x512xf32, #tpu.memory_space<vmem>>[vector<16xi32>, vector<16xi32>], vector<16xf32>,
            tpu.vector_store_idx %arg12[%select_n3A_168, %broadcast_in_dim3A_173], %gather3A_174 : memref<144x128xf32, #tpu.memory_space<vmem>>[vector<16xi32>, vector<16xi32>], vector<16xf32>,
            %broadcast_in_dim3A_175 = arith.constant 1 : i32
            %broadcast_in_dim3A_176 = vector.broadcast %broadcast_in_dim3A_175 : i32 to vector<16xi32>
            %gather3A_177 = tpu.vector_load_idx %arg10[%broadcast_in_dim3A_176, %select_n3A_156] : memref<64x512xf32, #tpu.memory_space<vmem>>[vector<16xi32>, vector<16xi32>], vector<16xf32>,
            tpu.vector_store_idx %arg12[%select_n3A_168, %broadcast_in_dim3A_176], %gather3A_177 : memref<144x128xf32, #tpu.memory_space<vmem>>[vector<16xi32>, vector<16xi32>], vector<16xf32>,
            %broadcast_in_dim3A_178 = arith.constant 2 : i32
            %broadcast_in_dim3A_179 = vector.broadcast %broadcast_in_dim3A_178 : i32 to vector<16xi32>
            %gather3A_180 = tpu.vector_load_idx %arg10[%broadcast_in_dim3A_179, %select_n3A_156] : memref<64x512xf32, #tpu.memory_space<vmem>>[vector<16xi32>, vector<16xi32>], vector<16xf32>,
            tpu.vector_store_idx %arg12[%select_n3A_168, %broadcast_in_dim3A_179], %gather3A_180 : memref<144x128xf32, #tpu.memory_space<vmem>>[vector<16xi32>, vector<16xi32>], vector<16xf32>,
            %broadcast_in_dim3A_181 = arith.constant 3 : i32
            %broadcast_in_dim3A_182 = vector.broadcast %broadcast_in_dim3A_181 : i32 to vector<16xi32>
            %gather3A_183 = tpu.vector_load_idx %arg10[%broadcast_in_dim3A_182, %select_n3A_156] : memref<64x512xf32, #tpu.memory_space<vmem>>[vector<16xi32>, vector<16xi32>], vector<16xf32>,
            tpu.vector_store_idx %arg12[%select_n3A_168, %broadcast_in_dim3A_182], %gather3A_183 : memref<144x128xf32, #tpu.memory_space<vmem>>[vector<16xi32>, vector<16xi32>], vector<16xf32>,
            %broadcast_in_dim3A_184 = arith.constant 4 : i32
            %broadcast_in_dim3A_185 = vector.broadcast %broadcast_in_dim3A_184 : i32 to vector<16xi32>
            %gather3A_186 = tpu.vector_load_idx %arg10[%broadcast_in_dim3A_185, %select_n3A_156] : memref<64x512xf32, #tpu.memory_space<vmem>>[vector<16xi32>, vector<16xi32>], vector<16xf32>,
            tpu.vector_store_idx %arg12[%select_n3A_168, %broadcast_in_dim3A_185], %gather3A_186 : memref<144x128xf32, #tpu.memory_space<vmem>>[vector<16xi32>, vector<16xi32>], vector<16xf32>,
            %broadcast_in_dim3A_187 = arith.constant 5 : i32
            %broadcast_in_dim3A_188 = vector.broadcast %broadcast_in_dim3A_187 : i32 to vector<16xi32>
            %gather3A_189 = tpu.vector_load_idx %arg10[%broadcast_in_dim3A_188, %select_n3A_156] : memref<64x512xf32, #tpu.memory_space<vmem>>[vector<16xi32>, vector<16xi32>], vector<16xf32>,
            tpu.vector_store_idx %arg12[%select_n3A_168, %broadcast_in_dim3A_188], %gather3A_189 : memref<144x128xf32, #tpu.memory_space<vmem>>[vector<16xi32>, vector<16xi32>], vector<16xf32>,
            %broadcast_in_dim3A_190 = arith.constant 6 : i32
            %broadcast_in_dim3A_191 = vector.broadcast %broadcast_in_dim3A_190 : i32 to vector<16xi32>
            %gather3A_192 = tpu.vector_load_idx %arg10[%broadcast_in_dim3A_191, %select_n3A_156] : memref<64x512xf32, #tpu.memory_space<vmem>>[vector<16xi32>, vector<16xi32>], vector<16xf32>,
            tpu.vector_store_idx %arg12[%select_n3A_168, %broadcast_in_dim3A_191], %gather3A_192 : memref<144x128xf32, #tpu.memory_space<vmem>>[vector<16xi32>, vector<16xi32>], vector<16xf32>,
            %broadcast_in_dim3A_193 = arith.constant 7 : i32
            %broadcast_in_dim3A_194 = vector.broadcast %broadcast_in_dim3A_193 : i32 to vector<16xi32>
            %gather3A_195 = tpu.vector_load_idx %arg10[%broadcast_in_dim3A_194, %select_n3A_156] : memref<64x512xf32, #tpu.memory_space<vmem>>[vector<16xi32>, vector<16xi32>], vector<16xf32>,
            tpu.vector_store_idx %arg12[%select_n3A_168, %broadcast_in_dim3A_194], %gather3A_195 : memref<144x128xf32, #tpu.memory_space<vmem>>[vector<16xi32>, vector<16xi32>], vector<16xf32>,
            %broadcast_in_dim3A_196 = arith.constant 8 : i32
            %broadcast_in_dim3A_197 = vector.broadcast %broadcast_in_dim3A_196 : i32 to vector<16xi32>
            %gather3A_198 = tpu.vector_load_idx %arg10[%broadcast_in_dim3A_197, %select_n3A_156] : memref<64x512xf32, #tpu.memory_space<vmem>>[vector<16xi32>, vector<16xi32>], vector<16xf32>,
            tpu.vector_store_idx %arg12[%select_n3A_168, %broadcast_in_dim3A_197], %gather3A_198 : memref<144x128xf32, #tpu.memory_space<vmem>>[vector<16xi32>, vector<16xi32>], vector<16xf32>,
            %broadcast_in_dim3A_199 = arith.constant 9 : i32
            %broadcast_in_dim3A_200 = vector.broadcast %broadcast_in_dim3A_199 : i32 to vector<16xi32>
            %gather3A_201 = tpu.vector_load_idx %arg10[%broadcast_in_dim3A_200, %select_n3A_156] : memref<64x512xf32, #tpu.memory_space<vmem>>[vector<16xi32>, vector<16xi32>], vector<16xf32>,
            tpu.vector_store_idx %arg12[%select_n3A_168, %broadcast_in_dim3A_200], %gather3A_201 : memref<144x128xf32, #tpu.memory_space<vmem>>[vector<16xi32>, vector<16xi32>], vector<16xf32>,
            %broadcast_in_dim3A_202 = arith.constant 10 : i32
            %broadcast_in_dim3A_203 = vector.broadcast %broadcast_in_dim3A_202 : i32 to vector<16xi32>
            %gather3A_204 = tpu.vector_load_idx %arg10[%broadcast_in_dim3A_203, %select_n3A_156] : memref<64x512xf32, #tpu.memory_space<vmem>>[vector<16xi32>, vector<16xi32>], vector<16xf32>,
            tpu.vector_store_idx %arg12[%select_n3A_168, %broadcast_in_dim3A_203], %gather3A_204 : memref<144x128xf32, #tpu.memory_space<vmem>>[vector<16xi32>, vector<16xi32>], vector<16xf32>,
            %broadcast_in_dim3A_205 = arith.constant 11 : i32
            %broadcast_in_dim3A_206 = vector.broadcast %broadcast_in_dim3A_205 : i32 to vector<16xi32>
            %gather3A_207 = tpu.vector_load_idx %arg10[%broadcast_in_dim3A_206, %select_n3A_156] : memref<64x512xf32, #tpu.memory_space<vmem>>[vector<16xi32>, vector<16xi32>], vector<16xf32>,
            tpu.vector_store_idx %arg12[%select_n3A_168, %broadcast_in_dim3A_206], %gather3A_207 : memref<144x128xf32, #tpu.memory_space<vmem>>[vector<16xi32>, vector<16xi32>], vector<16xf32>,
            %broadcast_in_dim3A_208 = arith.constant 12 : i32
            %broadcast_in_dim3A_209 = vector.broadcast %broadcast_in_dim3A_208 : i32 to vector<16xi32>
            %gather3A_210 = tpu.vector_load_idx %arg10[%broadcast_in_dim3A_209, %select_n3A_156] : memref<64x512xf32, #tpu.memory_space<vmem>>[vector<16xi32>, vector<16xi32>], vector<16xf32>,
            tpu.vector_store_idx %arg12[%select_n3A_168, %broadcast_in_dim3A_209], %gather3A_210 : memref<144x128xf32, #tpu.memory_space<vmem>>[vector<16xi32>, vector<16xi32>], vector<16xf32>,
            %broadcast_in_dim3A_211 = arith.constant 13 : i32
            %broadcast_in_dim3A_212 = vector.broadcast %broadcast_in_dim3A_211 : i32 to vector<16xi32>
            %gather3A_213 = tpu.vector_load_idx %arg10[%broadcast_in_dim3A_212, %select_n3A_156] : memref<64x512xf32, #tpu.memory_space<vmem>>[vector<16xi32>, vector<16xi32>], vector<16xf32>,
            tpu.vector_store_idx %arg12[%select_n3A_168, %broadcast_in_dim3A_212], %gather3A_213 : memref<144x128xf32, #tpu.memory_space<vmem>>[vector<16xi32>, vector<16xi32>], vector<16xf32>,
            %broadcast_in_dim3A_214 = arith.constant 14 : i32
            %broadcast_in_dim3A_215 = vector.broadcast %broadcast_in_dim3A_214 : i32 to vector<16xi32>
            %gather3A_216 = tpu.vector_load_idx %arg10[%broadcast_in_dim3A_215, %select_n3A_156] : memref<64x512xf32, #tpu.memory_space<vmem>>[vector<16xi32>, vector<16xi32>], vector<16xf32>,
            tpu.vector_store_idx %arg12[%select_n3A_168, %broadcast_in_dim3A_215], %gather3A_216 : memref<144x128xf32, #tpu.memory_space<vmem>>[vector<16xi32>, vector<16xi32>], vector<16xf32>,
            %broadcast_in_dim3A_217 = arith.constant 15 : i32
            %broadcast_in_dim3A_218 = vector.broadcast %broadcast_in_dim3A_217 : i32 to vector<16xi32>
            %gather3A_219 = tpu.vector_load_idx %arg10[%broadcast_in_dim3A_218, %select_n3A_156] : memref<64x512xf32, #tpu.memory_space<vmem>>[vector<16xi32>, vector<16xi32>], vector<16xf32>,
            tpu.vector_store_idx %arg12[%select_n3A_168, %broadcast_in_dim3A_218], %gather3A_219 : memref<144x128xf32, #tpu.memory_space<vmem>>[vector<16xi32>, vector<16xi32>], vector<16xf32>,
            %broadcast_in_dim3A_220 = arith.constant 16 : i32
            %broadcast_in_dim3A_221 = vector.broadcast %broadcast_in_dim3A_220 : i32 to vector<16xi32>
            %gather3A_222 = tpu.vector_load_idx %arg10[%broadcast_in_dim3A_221, %select_n3A_156] : memref<64x512xf32, #tpu.memory_space<vmem>>[vector<16xi32>, vector<16xi32>], vector<16xf32>,
            tpu.vector_store_idx %arg12[%select_n3A_168, %broadcast_in_dim3A_221], %gather3A_222 : memref<144x128xf32, #tpu.memory_space<vmem>>[vector<16xi32>, vector<16xi32>], vector<16xf32>,
            %broadcast_in_dim3A_223 = arith.constant 17 : i32
            %broadcast_in_dim3A_224 = vector.broadcast %broadcast_in_dim3A_223 : i32 to vector<16xi32>
            %gather3A_225 = tpu.vector_load_idx %arg10[%broadcast_in_dim3A_224, %select_n3A_156] : memref<64x512xf32, #tpu.memory_space<vmem>>[vector<16xi32>, vector<16xi32>], vector<16xf32>,
            tpu.vector_store_idx %arg12[%select_n3A_168, %broadcast_in_dim3A_224], %gather3A_225 : memref<144x128xf32, #tpu.memory_space<vmem>>[vector<16xi32>, vector<16xi32>], vector<16xf32>,
            %broadcast_in_dim3A_226 = arith.constant 18 : i32
            %broadcast_in_dim3A_227 = vector.broadcast %broadcast_in_dim3A_226 : i32 to vector<16xi32>
            %gather3A_228 = tpu.vector_load_idx %arg10[%broadcast_in_dim3A_227, %select_n3A_156] : memref<64x512xf32, #tpu.memory_space<vmem>>[vector<16xi32>, vector<16xi32>], vector<16xf32>,
            tpu.vector_store_idx %arg12[%select_n3A_168, %broadcast_in_dim3A_227], %gather3A_228 : memref<144x128xf32, #tpu.memory_space<vmem>>[vector<16xi32>, vector<16xi32>], vector<16xf32>,
            %broadcast_in_dim3A_229 = arith.constant 19 : i32
            %broadcast_in_dim3A_230 = vector.broadcast %broadcast_in_dim3A_229 : i32 to vector<16xi32>
            %gather3A_231 = tpu.vector_load_idx %arg10[%broadcast_in_dim3A_230, %select_n3A_156] : memref<64x512xf32, #tpu.memory_space<vmem>>[vector<16xi32>, vector<16xi32>], vector<16xf32>,
            tpu.vector_store_idx %arg12[%select_n3A_168, %broadcast_in_dim3A_230], %gather3A_231 : memref<144x128xf32, #tpu.memory_space<vmem>>[vector<16xi32>, vector<16xi32>], vector<16xf32>,
            %broadcast_in_dim3A_232 = arith.constant 20 : i32
            %broadcast_in_dim3A_233 = vector.broadcast %broadcast_in_dim3A_232 : i32 to vector<16xi32>
            %gather3A_234 = tpu.vector_load_idx %arg10[%broadcast_in_dim3A_233, %select_n3A_156] : memref<64x512xf32, #tpu.memory_space<vmem>>[vector<16xi32>, vector<16xi32>], vector<16xf32>,
            tpu.vector_store_idx %arg12[%select_n3A_168, %broadcast_in_dim3A_233], %gather3A_234 : memref<144x128xf32, #tpu.memory_space<vmem>>[vector<16xi32>, vector<16xi32>], vector<16xf32>,
            %broadcast_in_dim3A_235 = arith.constant 21 : i32
            %broadcast_in_dim3A_236 = vector.broadcast %broadcast_in_dim3A_235 : i32 to vector<16xi32>
            %gather3A_237 = tpu.vector_load_idx %arg10[%broadcast_in_dim3A_236, %select_n3A_156] : memref<64x512xf32, #tpu.memory_space<vmem>>[vector<16xi32>, vector<16xi32>], vector<16xf32>,
            tpu.vector_store_idx %arg12[%select_n3A_168, %broadcast_in_dim3A_236], %gather3A_237 : memref<144x128xf32, #tpu.memory_space<vmem>>[vector<16xi32>, vector<16xi32>], vector<16xf32>,
            %broadcast_in_dim3A_238 = arith.constant 22 : i32
            %broadcast_in_dim3A_239 = vector.broadcast %broadcast_in_dim3A_238 : i32 to vector<16xi32>
            %gather3A_240 = tpu.vector_load_idx %arg10[%broadcast_in_dim3A_239, %select_n3A_156] : memref<64x512xf32, #tpu.memory_space<vmem>>[vector<16xi32>, vector<16xi32>], vector<16xf32>,
            tpu.vector_store_idx %arg12[%select_n3A_168, %broadcast_in_dim3A_239], %gather3A_240 : memref<144x128xf32, #tpu.memory_space<vmem>>[vector<16xi32>, vector<16xi32>], vector<16xf32>,
            %broadcast_in_dim3A_241 = arith.constant 23 : i32
            %broadcast_in_dim3A_242 = vector.broadcast %broadcast_in_dim3A_241 : i32 to vector<16xi32>
            %gather3A_243 = tpu.vector_load_idx %arg10[%broadcast_in_dim3A_242, %select_n3A_156] : memref<64x512xf32, #tpu.memory_space<vmem>>[vector<16xi32>, vector<16xi32>], vector<16xf32>,
            tpu.vector_store_idx %arg12[%select_n3A_168, %broadcast_in_dim3A_242], %gather3A_243 : memref<144x128xf32, #tpu.memory_space<vmem>>[vector<16xi32>, vector<16xi32>], vector<16xf32>,
            %broadcast_in_dim3A_244 = arith.constant 24 : i32
            %broadcast_in_dim3A_245 = vector.broadcast %broadcast_in_dim3A_244 : i32 to vector<16xi32>
            %gather3A_246 = tpu.vector_load_idx %arg10[%broadcast_in_dim3A_245, %select_n3A_156] : memref<64x512xf32, #tpu.memory_space<vmem>>[vector<16xi32>, vector<16xi32>], vector<16xf32>,
            tpu.vector_store_idx %arg12[%select_n3A_168, %broadcast_in_dim3A_245], %gather3A_246 : memref<144x128xf32, #tpu.memory_space<vmem>>[vector<16xi32>, vector<16xi32>], vector<16xf32>,
            %broadcast_in_dim3A_247 = arith.constant 25 : i32
            %broadcast_in_dim3A_248 = vector.broadcast %broadcast_in_dim3A_247 : i32 to vector<16xi32>
            %gather3A_249 = tpu.vector_load_idx %arg10[%broadcast_in_dim3A_248, %select_n3A_156] : memref<64x512xf32, #tpu.memory_space<vmem>>[vector<16xi32>, vector<16xi32>], vector<16xf32>,
            tpu.vector_store_idx %arg12[%select_n3A_168, %broadcast_in_dim3A_248], %gather3A_249 : memref<144x128xf32, #tpu.memory_space<vmem>>[vector<16xi32>, vector<16xi32>], vector<16xf32>,
            %broadcast_in_dim3A_250 = arith.constant 26 : i32
            %broadcast_in_dim3A_251 = vector.broadcast %broadcast_in_dim3A_250 : i32 to vector<16xi32>
            %gather3A_252 = tpu.vector_load_idx %arg10[%broadcast_in_dim3A_251, %select_n3A_156] : memref<64x512xf32, #tpu.memory_space<vmem>>[vector<16xi32>, vector<16xi32>], vector<16xf32>,
            tpu.vector_store_idx %arg12[%select_n3A_168, %broadcast_in_dim3A_251], %gather3A_252 : memref<144x128xf32, #tpu.memory_space<vmem>>[vector<16xi32>, vector<16xi32>], vector<16xf32>,
            %broadcast_in_dim3A_253 = arith.constant 27 : i32
            %broadcast_in_dim3A_254 = vector.broadcast %broadcast_in_dim3A_253 : i32 to vector<16xi32>
            %gather3A_255 = tpu.vector_load_idx %arg10[%broadcast_in_dim3A_254, %select_n3A_156] : memref<64x512xf32, #tpu.memory_space<vmem>>[vector<16xi32>, vector<16xi32>], vector<16xf32>,
            tpu.vector_store_idx %arg12[%select_n3A_168, %broadcast_in_dim3A_254], %gather3A_255 : memref<144x128xf32, #tpu.memory_space<vmem>>[vector<16xi32>, vector<16xi32>], vector<16xf32>,
            %broadcast_in_dim3A_256 = arith.constant 28 : i32
            %broadcast_in_dim3A_257 = vector.broadcast %broadcast_in_dim3A_256 : i32 to vector<16xi32>
            %gather3A_258 = tpu.vector_load_idx %arg10[%broadcast_in_dim3A_257, %select_n3A_156] : memref<64x512xf32, #tpu.memory_space<vmem>>[vector<16xi32>, vector<16xi32>], vector<16xf32>,
            tpu.vector_store_idx %arg12[%select_n3A_168, %broadcast_in_dim3A_257], %gather3A_258 : memref<144x128xf32, #tpu.memory_space<vmem>>[vector<16xi32>, vector<16xi32>], vector<16xf32>,
            %broadcast_in_dim3A_259 = arith.constant 29 : i32
            %broadcast_in_dim3A_260 = vector.broadcast %broadcast_in_dim3A_259 : i32 to vector<16xi32>
            %gather3A_261 = tpu.vector_load_idx %arg10[%broadcast_in_dim3A_260, %select_n3A_156] : memref<64x512xf32, #tpu.memory_space<vmem>>[vector<16xi32>, vector<16xi32>], vector<16xf32>,
            tpu.vector_store_idx %arg12[%select_n3A_168, %broadcast_in_dim3A_260], %gather3A_261 : memref<144x128xf32, #tpu.memory_space<vmem>>[vector<16xi32>, vector<16xi32>], vector<16xf32>,
            %broadcast_in_dim3A_262 = arith.constant 30 : i32
            %broadcast_in_dim3A_263 = vector.broadcast %broadcast_in_dim3A_262 : i32 to vector<16xi32>
            %gather3A_264 = tpu.vector_load_idx %arg10[%broadcast_in_dim3A_263, %select_n3A_156] : memref<64x512xf32, #tpu.memory_space<vmem>>[vector<16xi32>, vector<16xi32>], vector<16xf32>,
            tpu.vector_store_idx %arg12[%select_n3A_168, %broadcast_in_dim3A_263], %gather3A_264 : memref<144x128xf32, #tpu.memory_space<vmem>>[vector<16xi32>, vector<16xi32>], vector<16xf32>,
            %broadcast_in_dim3A_265 = arith.constant 31 : i32
            %broadcast_in_dim3A_266 = vector.broadcast %broadcast_in_dim3A_265 : i32 to vector<16xi32>
            %gather3A_267 = tpu.vector_load_idx %arg10[%broadcast_in_dim3A_266, %select_n3A_156] : memref<64x512xf32, #tpu.memory_space<vmem>>[vector<16xi32>, vector<16xi32>], vector<16xf32>,
            tpu.vector_store_idx %arg12[%select_n3A_168, %broadcast_in_dim3A_266], %gather3A_267 : memref<144x128xf32, #tpu.memory_space<vmem>>[vector<16xi32>, vector<16xi32>], vector<16xf32>,
            %broadcast_in_dim3A_268 = arith.constant 32 : i32
            %broadcast_in_dim3A_269 = vector.broadcast %broadcast_in_dim3A_268 : i32 to vector<16xi32>
            %gather3A_270 = tpu.vector_load_idx %arg10[%broadcast_in_dim3A_269, %select_n3A_156] : memref<64x512xf32, #tpu.memory_space<vmem>>[vector<16xi32>, vector<16xi32>], vector<16xf32>,
            tpu.vector_store_idx %arg12[%select_n3A_168, %broadcast_in_dim3A_269], %gather3A_270 : memref<144x128xf32, #tpu.memory_space<vmem>>[vector<16xi32>, vector<16xi32>], vector<16xf32>,
            %broadcast_in_dim3A_271 = arith.constant 33 : i32
            %broadcast_in_dim3A_272 = vector.broadcast %broadcast_in_dim3A_271 : i32 to vector<16xi32>
            %gather3A_273 = tpu.vector_load_idx %arg10[%broadcast_in_dim3A_272, %select_n3A_156] : memref<64x512xf32, #tpu.memory_space<vmem>>[vector<16xi32>, vector<16xi32>], vector<16xf32>,
            tpu.vector_store_idx %arg12[%select_n3A_168, %broadcast_in_dim3A_272], %gather3A_273 : memref<144x128xf32, #tpu.memory_space<vmem>>[vector<16xi32>, vector<16xi32>], vector<16xf32>,
            %broadcast_in_dim3A_274 = arith.constant 34 : i32
            %broadcast_in_dim3A_275 = vector.broadcast %broadcast_in_dim3A_274 : i32 to vector<16xi32>
            %gather3A_276 = tpu.vector_load_idx %arg10[%broadcast_in_dim3A_275, %select_n3A_156] : memref<64x512xf32, #tpu.memory_space<vmem>>[vector<16xi32>, vector<16xi32>], vector<16xf32>,
            tpu.vector_store_idx %arg12[%select_n3A_168, %broadcast_in_dim3A_275], %gather3A_276 : memref<144x128xf32, #tpu.memory_space<vmem>>[vector<16xi32>, vector<16xi32>], vector<16xf32>,
            %broadcast_in_dim3A_277 = arith.constant 35 : i32
            %broadcast_in_dim3A_278 = vector.broadcast %broadcast_in_dim3A_277 : i32 to vector<16xi32>
            %gather3A_279 = tpu.vector_load_idx %arg10[%broadcast_in_dim3A_278, %select_n3A_156] : memref<64x512xf32, #tpu.memory_space<vmem>>[vector<16xi32>, vector<16xi32>], vector<16xf32>,
            tpu.vector_store_idx %arg12[%select_n3A_168, %broadcast_in_dim3A_278], %gather3A_279 : memref<144x128xf32, #tpu.memory_space<vmem>>[vector<16xi32>, vector<16xi32>], vector<16xf32>,
            %broadcast_in_dim3A_280 = arith.constant 36 : i32
            %broadcast_in_dim3A_281 = vector.broadcast %broadcast_in_dim3A_280 : i32 to vector<16xi32>
            %gather3A_282 = tpu.vector_load_idx %arg10[%broadcast_in_dim3A_281, %select_n3A_156] : memref<64x512xf32, #tpu.memory_space<vmem>>[vector<16xi32>, vector<16xi32>], vector<16xf32>,
            tpu.vector_store_idx %arg12[%select_n3A_168, %broadcast_in_dim3A_281], %gather3A_282 : memref<144x128xf32, #tpu.memory_space<vmem>>[vector<16xi32>, vector<16xi32>], vector<16xf32>,
            %broadcast_in_dim3A_283 = arith.constant 37 : i32
            %broadcast_in_dim3A_284 = vector.broadcast %broadcast_in_dim3A_283 : i32 to vector<16xi32>
            %gather3A_285 = tpu.vector_load_idx %arg10[%broadcast_in_dim3A_284, %select_n3A_156] : memref<64x512xf32, #tpu.memory_space<vmem>>[vector<16xi32>, vector<16xi32>], vector<16xf32>,
            tpu.vector_store_idx %arg12[%select_n3A_168, %broadcast_in_dim3A_284], %gather3A_285 : memref<144x128xf32, #tpu.memory_space<vmem>>[vector<16xi32>, vector<16xi32>], vector<16xf32>,
            %broadcast_in_dim3A_286 = arith.constant 38 : i32
            %broadcast_in_dim3A_287 = vector.broadcast %broadcast_in_dim3A_286 : i32 to vector<16xi32>
            %gather3A_288 = tpu.vector_load_idx %arg10[%broadcast_in_dim3A_287, %select_n3A_156] : memref<64x512xf32, #tpu.memory_space<vmem>>[vector<16xi32>, vector<16xi32>], vector<16xf32>,
            tpu.vector_store_idx %arg12[%select_n3A_168, %broadcast_in_dim3A_287], %gather3A_288 : memref<144x128xf32, #tpu.memory_space<vmem>>[vector<16xi32>, vector<16xi32>], vector<16xf32>,
            %broadcast_in_dim3A_289 = arith.constant 39 : i32
            %broadcast_in_dim3A_290 = vector.broadcast %broadcast_in_dim3A_289 : i32 to vector<16xi32>
            %gather3A_291 = tpu.vector_load_idx %arg10[%broadcast_in_dim3A_290, %select_n3A_156] : memref<64x512xf32, #tpu.memory_space<vmem>>[vector<16xi32>, vector<16xi32>], vector<16xf32>,
            tpu.vector_store_idx %arg12[%select_n3A_168, %broadcast_in_dim3A_290], %gather3A_291 : memref<144x128xf32, #tpu.memory_space<vmem>>[vector<16xi32>, vector<16xi32>], vector<16xf32>,
            %broadcast_in_dim3A_292 = arith.constant 40 : i32
            %broadcast_in_dim3A_293 = vector.broadcast %broadcast_in_dim3A_292 : i32 to vector<16xi32>
            %gather3A_294 = tpu.vector_load_idx %arg10[%broadcast_in_dim3A_293, %select_n3A_156] : memref<64x512xf32, #tpu.memory_space<vmem>>[vector<16xi32>, vector<16xi32>], vector<16xf32>,
            tpu.vector_store_idx %arg12[%select_n3A_168, %broadcast_in_dim3A_293], %gather3A_294 : memref<144x128xf32, #tpu.memory_space<vmem>>[vector<16xi32>, vector<16xi32>], vector<16xf32>,
            %broadcast_in_dim3A_295 = arith.constant 41 : i32
            %broadcast_in_dim3A_296 = vector.broadcast %broadcast_in_dim3A_295 : i32 to vector<16xi32>
            %gather3A_297 = tpu.vector_load_idx %arg10[%broadcast_in_dim3A_296, %select_n3A_156] : memref<64x512xf32, #tpu.memory_space<vmem>>[vector<16xi32>, vector<16xi32>], vector<16xf32>,
            tpu.vector_store_idx %arg12[%select_n3A_168, %broadcast_in_dim3A_296], %gather3A_297 : memref<144x128xf32, #tpu.memory_space<vmem>>[vector<16xi32>, vector<16xi32>], vector<16xf32>,
            %broadcast_in_dim3A_298 = arith.constant 42 : i32
            %broadcast_in_dim3A_299 = vector.broadcast %broadcast_in_dim3A_298 : i32 to vector<16xi32>
            %gather3A_300 = tpu.vector_load_idx %arg10[%broadcast_in_dim3A_299, %select_n3A_156] : memref<64x512xf32, #tpu.memory_space<vmem>>[vector<16xi32>, vector<16xi32>], vector<16xf32>,
            tpu.vector_store_idx %arg12[%select_n3A_168, %broadcast_in_dim3A_299], %gather3A_300 : memref<144x128xf32, #tpu.memory_space<vmem>>[vector<16xi32>, vector<16xi32>], vector<16xf32>,
            %broadcast_in_dim3A_301 = arith.constant 43 : i32
            %broadcast_in_dim3A_302 = vector.broadcast %broadcast_in_dim3A_301 : i32 to vector<16xi32>
            %gather3A_303 = tpu.vector_load_idx %arg10[%broadcast_in_dim3A_302, %select_n3A_156] : memref<64x512xf32, #tpu.memory_space<vmem>>[vector<16xi32>, vector<16xi32>], vector<16xf32>,
            tpu.vector_store_idx %arg12[%select_n3A_168, %broadcast_in_dim3A_302], %gather3A_303 : memref<144x128xf32, #tpu.memory_space<vmem>>[vector<16xi32>, vector<16xi32>], vector<16xf32>,
            %broadcast_in_dim3A_304 = arith.constant 44 : i32
            %broadcast_in_dim3A_305 = vector.broadcast %broadcast_in_dim3A_304 : i32 to vector<16xi32>
            %gather3A_306 = tpu.vector_load_idx %arg10[%broadcast_in_dim3A_305, %select_n3A_156] : memref<64x512xf32, #tpu.memory_space<vmem>>[vector<16xi32>, vector<16xi32>], vector<16xf32>,
            tpu.vector_store_idx %arg12[%select_n3A_168, %broadcast_in_dim3A_305], %gather3A_306 : memref<144x128xf32, #tpu.memory_space<vmem>>[vector<16xi32>, vector<16xi32>], vector<16xf32>,
            %broadcast_in_dim3A_307 = arith.constant 45 : i32
            %broadcast_in_dim3A_308 = vector.broadcast %broadcast_in_dim3A_307 : i32 to vector<16xi32>
            %gather3A_309 = tpu.vector_load_idx %arg10[%broadcast_in_dim3A_308, %select_n3A_156] : memref<64x512xf32, #tpu.memory_space<vmem>>[vector<16xi32>, vector<16xi32>], vector<16xf32>,
            tpu.vector_store_idx %arg12[%select_n3A_168, %broadcast_in_dim3A_308], %gather3A_309 : memref<144x128xf32, #tpu.memory_space<vmem>>[vector<16xi32>, vector<16xi32>], vector<16xf32>,
            %broadcast_in_dim3A_310 = arith.constant 46 : i32
            %broadcast_in_dim3A_311 = vector.broadcast %broadcast_in_dim3A_310 : i32 to vector<16xi32>
            %gather3A_312 = tpu.vector_load_idx %arg10[%broadcast_in_dim3A_311, %select_n3A_156] : memref<64x512xf32, #tpu.memory_space<vmem>>[vector<16xi32>, vector<16xi32>], vector<16xf32>,
            tpu.vector_store_idx %arg12[%select_n3A_168, %broadcast_in_dim3A_311], %gather3A_312 : memref<144x128xf32, #tpu.memory_space<vmem>>[vector<16xi32>, vector<16xi32>], vector<16xf32>,
            %broadcast_in_dim3A_313 = arith.constant 47 : i32
            %broadcast_in_dim3A_314 = vector.broadcast %broadcast_in_dim3A_313 : i32 to vector<16xi32>
            %gather3A_315 = tpu.vector_load_idx %arg10[%broadcast_in_dim3A_314, %select_n3A_156] : memref<64x512xf32, #tpu.memory_space<vmem>>[vector<16xi32>, vector<16xi32>], vector<16xf32>,
            tpu.vector_store_idx %arg12[%select_n3A_168, %broadcast_in_dim3A_314], %gather3A_315 : memref<144x128xf32, #tpu.memory_space<vmem>>[vector<16xi32>, vector<16xi32>], vector<16xf32>,
            %broadcast_in_dim3A_316 = arith.constant 48 : i32
            %broadcast_in_dim3A_317 = vector.broadcast %broadcast_in_dim3A_316 : i32 to vector<16xi32>
            %gather3A_318 = tpu.vector_load_idx %arg10[%broadcast_in_dim3A_317, %select_n3A_156] : memref<64x512xf32, #tpu.memory_space<vmem>>[vector<16xi32>, vector<16xi32>], vector<16xf32>,
            tpu.vector_store_idx %arg12[%select_n3A_168, %broadcast_in_dim3A_317], %gather3A_318 : memref<144x128xf32, #tpu.memory_space<vmem>>[vector<16xi32>, vector<16xi32>], vector<16xf32>,
            %broadcast_in_dim3A_319 = arith.constant 49 : i32
            %broadcast_in_dim3A_320 = vector.broadcast %broadcast_in_dim3A_319 : i32 to vector<16xi32>
            %gather3A_321 = tpu.vector_load_idx %arg10[%broadcast_in_dim3A_320, %select_n3A_156] : memref<64x512xf32, #tpu.memory_space<vmem>>[vector<16xi32>, vector<16xi32>], vector<16xf32>,
            tpu.vector_store_idx %arg12[%select_n3A_168, %broadcast_in_dim3A_320], %gather3A_321 : memref<144x128xf32, #tpu.memory_space<vmem>>[vector<16xi32>, vector<16xi32>], vector<16xf32>,
            %broadcast_in_dim3A_322 = arith.constant 50 : i32
            %broadcast_in_dim3A_323 = vector.broadcast %broadcast_in_dim3A_322 : i32 to vector<16xi32>
            %gather3A_324 = tpu.vector_load_idx %arg10[%broadcast_in_dim3A_323, %select_n3A_156] : memref<64x512xf32, #tpu.memory_space<vmem>>[vector<16xi32>, vector<16xi32>], vector<16xf32>,
            tpu.vector_store_idx %arg12[%select_n3A_168, %broadcast_in_dim3A_323], %gather3A_324 : memref<144x128xf32, #tpu.memory_space<vmem>>[vector<16xi32>, vector<16xi32>], vector<16xf32>,
            %broadcast_in_dim3A_325 = arith.constant 51 : i32
            %broadcast_in_dim3A_326 = vector.broadcast %broadcast_in_dim3A_325 : i32 to vector<16xi32>
            %gather3A_327 = tpu.vector_load_idx %arg10[%broadcast_in_dim3A_326, %select_n3A_156] : memref<64x512xf32, #tpu.memory_space<vmem>>[vector<16xi32>, vector<16xi32>], vector<16xf32>,
            tpu.vector_store_idx %arg12[%select_n3A_168, %broadcast_in_dim3A_326], %gather3A_327 : memref<144x128xf32, #tpu.memory_space<vmem>>[vector<16xi32>, vector<16xi32>], vector<16xf32>,
            %broadcast_in_dim3A_328 = arith.constant 52 : i32
            %broadcast_in_dim3A_329 = vector.broadcast %broadcast_in_dim3A_328 : i32 to vector<16xi32>
            %gather3A_330 = tpu.vector_load_idx %arg10[%broadcast_in_dim3A_329, %select_n3A_156] : memref<64x512xf32, #tpu.memory_space<vmem>>[vector<16xi32>, vector<16xi32>], vector<16xf32>,
            tpu.vector_store_idx %arg12[%select_n3A_168, %broadcast_in_dim3A_329], %gather3A_330 : memref<144x128xf32, #tpu.memory_space<vmem>>[vector<16xi32>, vector<16xi32>], vector<16xf32>,
            %broadcast_in_dim3A_331 = arith.constant 53 : i32
            %broadcast_in_dim3A_332 = vector.broadcast %broadcast_in_dim3A_331 : i32 to vector<16xi32>
            %gather3A_333 = tpu.vector_load_idx %arg10[%broadcast_in_dim3A_332, %select_n3A_156] : memref<64x512xf32, #tpu.memory_space<vmem>>[vector<16xi32>, vector<16xi32>], vector<16xf32>,
            tpu.vector_store_idx %arg12[%select_n3A_168, %broadcast_in_dim3A_332], %gather3A_333 : memref<144x128xf32, #tpu.memory_space<vmem>>[vector<16xi32>, vector<16xi32>], vector<16xf32>,
            %broadcast_in_dim3A_334 = arith.constant 54 : i32
            %broadcast_in_dim3A_335 = vector.broadcast %broadcast_in_dim3A_334 : i32 to vector<16xi32>
            %gather3A_336 = tpu.vector_load_idx %arg10[%broadcast_in_dim3A_335, %select_n3A_156] : memref<64x512xf32, #tpu.memory_space<vmem>>[vector<16xi32>, vector<16xi32>], vector<16xf32>,
            tpu.vector_store_idx %arg12[%select_n3A_168, %broadcast_in_dim3A_335], %gather3A_336 : memref<144x128xf32, #tpu.memory_space<vmem>>[vector<16xi32>, vector<16xi32>], vector<16xf32>,
            %broadcast_in_dim3A_337 = arith.constant 55 : i32
            %broadcast_in_dim3A_338 = vector.broadcast %broadcast_in_dim3A_337 : i32 to vector<16xi32>
            %gather3A_339 = tpu.vector_load_idx %arg10[%broadcast_in_dim3A_338, %select_n3A_156] : memref<64x512xf32, #tpu.memory_space<vmem>>[vector<16xi32>, vector<16xi32>], vector<16xf32>,
            tpu.vector_store_idx %arg12[%select_n3A_168, %broadcast_in_dim3A_338], %gather3A_339 : memref<144x128xf32, #tpu.memory_space<vmem>>[vector<16xi32>, vector<16xi32>], vector<16xf32>,
            %broadcast_in_dim3A_340 = arith.constant 56 : i32
            %broadcast_in_dim3A_341 = vector.broadcast %broadcast_in_dim3A_340 : i32 to vector<16xi32>
            %gather3A_342 = tpu.vector_load_idx %arg10[%broadcast_in_dim3A_341, %select_n3A_156] : memref<64x512xf32, #tpu.memory_space<vmem>>[vector<16xi32>, vector<16xi32>], vector<16xf32>,
            tpu.vector_store_idx %arg12[%select_n3A_168, %broadcast_in_dim3A_341], %gather3A_342 : memref<144x128xf32, #tpu.memory_space<vmem>>[vector<16xi32>, vector<16xi32>], vector<16xf32>,
            %broadcast_in_dim3A_343 = arith.constant 57 : i32
            %broadcast_in_dim3A_344 = vector.broadcast %broadcast_in_dim3A_343 : i32 to vector<16xi32>
            %gather3A_345 = tpu.vector_load_idx %arg10[%broadcast_in_dim3A_344, %select_n3A_156] : memref<64x512xf32, #tpu.memory_space<vmem>>[vector<16xi32>, vector<16xi32>], vector<16xf32>,
            tpu.vector_store_idx %arg12[%select_n3A_168, %broadcast_in_dim3A_344], %gather3A_345 : memref<144x128xf32, #tpu.memory_space<vmem>>[vector<16xi32>, vector<16xi32>], vector<16xf32>,
            %broadcast_in_dim3A_346 = arith.constant 58 : i32
            %broadcast_in_dim3A_347 = vector.broadcast %broadcast_in_dim3A_346 : i32 to vector<16xi32>
            %gather3A_348 = tpu.vector_load_idx %arg10[%broadcast_in_dim3A_347, %select_n3A_156] : memref<64x512xf32, #tpu.memory_space<vmem>>[vector<16xi32>, vector<16xi32>], vector<16xf32>,
            tpu.vector_store_idx %arg12[%select_n3A_168, %broadcast_in_dim3A_347], %gather3A_348 : memref<144x128xf32, #tpu.memory_space<vmem>>[vector<16xi32>, vector<16xi32>], vector<16xf32>,
            %broadcast_in_dim3A_349 = arith.constant 59 : i32
            %broadcast_in_dim3A_350 = vector.broadcast %broadcast_in_dim3A_349 : i32 to vector<16xi32>
            %gather3A_351 = tpu.vector_load_idx %arg10[%broadcast_in_dim3A_350, %select_n3A_156] : memref<64x512xf32, #tpu.memory_space<vmem>>[vector<16xi32>, vector<16xi32>], vector<16xf32>,
            tpu.vector_store_idx %arg12[%select_n3A_168, %broadcast_in_dim3A_350], %gather3A_351 : memref<144x128xf32, #tpu.memory_space<vmem>>[vector<16xi32>, vector<16xi32>], vector<16xf32>,
            %broadcast_in_dim3A_352 = arith.constant 60 : i32
            %broadcast_in_dim3A_353 = vector.broadcast %broadcast_in_dim3A_352 : i32 to vector<16xi32>
            %gather3A_354 = tpu.vector_load_idx %arg10[%broadcast_in_dim3A_353, %select_n3A_156] : memref<64x512xf32, #tpu.memory_space<vmem>>[vector<16xi32>, vector<16xi32>], vector<16xf32>,
            tpu.vector_store_idx %arg12[%select_n3A_168, %broadcast_in_dim3A_353], %gather3A_354 : memref<144x128xf32, #tpu.memory_space<vmem>>[vector<16xi32>, vector<16xi32>], vector<16xf32>,
            %broadcast_in_dim3A_355 = arith.constant 61 : i32
            %broadcast_in_dim3A_356 = vector.broadcast %broadcast_in_dim3A_355 : i32 to vector<16xi32>
            %gather3A_357 = tpu.vector_load_idx %arg10[%broadcast_in_dim3A_356, %select_n3A_156] : memref<64x512xf32, #tpu.memory_space<vmem>>[vector<16xi32>, vector<16xi32>], vector<16xf32>,
            tpu.vector_store_idx %arg12[%select_n3A_168, %broadcast_in_dim3A_356], %gather3A_357 : memref<144x128xf32, #tpu.memory_space<vmem>>[vector<16xi32>, vector<16xi32>], vector<16xf32>,
            %broadcast_in_dim3A_358 = arith.constant 62 : i32
            %broadcast_in_dim3A_359 = vector.broadcast %broadcast_in_dim3A_358 : i32 to vector<16xi32>
            %gather3A_360 = tpu.vector_load_idx %arg10[%broadcast_in_dim3A_359, %select_n3A_156] : memref<64x512xf32, #tpu.memory_space<vmem>>[vector<16xi32>, vector<16xi32>], vector<16xf32>,
            tpu.vector_store_idx %arg12[%select_n3A_168, %broadcast_in_dim3A_359], %gather3A_360 : memref<144x128xf32, #tpu.memory_space<vmem>>[vector<16xi32>, vector<16xi32>], vector<16xf32>,
            %broadcast_in_dim3A_361 = arith.constant 63 : i32
            %broadcast_in_dim3A_362 = vector.broadcast %broadcast_in_dim3A_361 : i32 to vector<16xi32>
            %gather3A_363 = tpu.vector_load_idx %arg10[%broadcast_in_dim3A_362, %select_n3A_156] : memref<64x512xf32, #tpu.memory_space<vmem>>[vector<16xi32>, vector<16xi32>], vector<16xf32>,
            tpu.vector_store_idx %arg12[%select_n3A_168, %broadcast_in_dim3A_362], %gather3A_363 : memref<144x128xf32, #tpu.memory_space<vmem>>[vector<16xi32>, vector<16xi32>], vector<16xf32>,
            %slice3A = vector.extract_strided_slice %masked_cumsum3A {offsets = [15], sizes = [1], strides = [1]} : vector<16xi32> to vector<1xi32>
            %squeeze3A = vector.extract %slice3A[0] : i32 from vector<1xi32>
            %add3A_364 = arith.addi %cond3A_142, %squeeze3A : i32
            scf.yield %add3A_364 : i32
          }
          %while3A_132 = arith.constant 1 : i32
          %while3A_133 = scf.for %while3A_136 = %while3A_129 to %while3A_125 step %while3A_132 iter_args(%while3A_137 = %while3A_131) -> (i32)  : i32 {
            %ge3A = arith.constant 112 : i32
            %ge3A_138 = arith.cmpi sge, %while3A_137, %ge3A : i32
            %convert_element_type3A_139 = arith.extui %ge3A_138 : i1 to i32
            %cond3A_140 = arith.constant 0 : i32
            %cond3A_141 = arith.cmpi ne, %convert_element_type3A_139, %cond3A_140 : i32
            %cond3A_142 = scf.if %cond3A_141 -> (i32) {
              %add3A_365 = vector.broadcast %while3A_137 : i32 to vector<16xi32>
              %add3A_366 = arith.addi %add3A_365, %iota3A : vector<16xi32>
              %lt3A_367 = arith.constant 128 : i32
              %lt3A_368 = vector.broadcast %lt3A_367 : i32 to vector<16xi32>
              %lt3A_369 = arith.cmpi slt, %add3A_366, %lt3A_368 : vector<16xi32>
              %min3A_370 = arith.constant 127 : i32
              %min3A_371 = vector.broadcast %min3A_370 : i32 to vector<16xi32>
              %min3A_372 = arith.minsi %add3A_366, %min3A_371 : vector<16xi32>
              %add3A_373 = arith.constant 16384 : i32
              %add3A_374 = vector.broadcast %add3A_373 : i32 to vector<16xi32>
              %add3A_375 = arith.addi %add3A_374, %iota3A : vector<16xi32>
              tpu.vector_store_idx %arg13[%min3A_372], %add3A_375 masked %lt3A_369 : memref<128xi32, #tpu.memory_space<vmem>>[vector<16xi32>], vector<16xi32>, vector<16xi1>
              "tpu.region"() ({
                %run_scoped3A = tpu.sem_alloc : memref<!tpu.dma_semaphore, #tpu.memory_space<semaphore_mem>>
                %dma_start3A_377 = arith.constant 0 : i32
                %dma_start3A_378 = arith.constant 0 : i32
                %dma_start3A_379 = tpu.memref_slice %arg12[%dma_start3A_377, %dma_start3A_378] : memref<144x128xf32, #tpu.memory_space<vmem>> -> memref<128x128xf32, #tpu.memory_space<vmem>>
                %dma_start3A_380 = arith.constant 0 : i32
                %dma_start3A_381 = arith.constant 0 : i32
                %dma_start3A_382 = tpu.memref_slice %arg4[%dma_start3A_380, %dma_start3A_381] : memref<16512x128xf32, #tpu.memory_space<hbm>> -> memref<16512x128xf32, #tpu.memory_space<hbm>>
                tpu.enqueue_indirect_dma source(%dma_start3A_379 : memref<128x128xf32, #tpu.memory_space<vmem>>) target(%dma_start3A_382 : memref<16512x128xf32, #tpu.memory_space<hbm>>) offsets(%arg13 : memref<128xi32, #tpu.memory_space<vmem>>) semaphore(%run_scoped3A : memref<!tpu.dma_semaphore, #tpu.memory_space<semaphore_mem>>)
                %dma_wait3A_383 = arith.constant 0 : i32
                %dma_wait3A_384 = arith.constant 0 : i32
                %dma_wait3A_385 = tpu.memref_slice %arg12[%dma_wait3A_383, %dma_wait3A_384] : memref<144x128xf32, #tpu.memory_space<vmem>> -> memref<128x128xf32, #tpu.memory_space<vmem>>
                %dma_wait3A_386 = arith.constant 0 : i32
                %dma_wait3A_387 = arith.constant 0 : i32
                %dma_wait3A_388 = tpu.memref_slice %arg4[%dma_wait3A_386, %dma_wait3A_387] : memref<16512x128xf32, #tpu.memory_space<hbm>> -> memref<16512x128xf32, #tpu.memory_space<hbm>>
                tpu.wait_indirect_dma semaphore(%run_scoped3A : memref<!tpu.dma_semaphore, #tpu.memory_space<semaphore_mem>>) src(%dma_wait3A_385 : memref<128x128xf32, #tpu.memory_space<vmem>>) dst(%dma_wait3A_388 : memref<16512x128xf32, #tpu.memory_space<hbm>>)
                tpu.yield
              }) : () -> ()
              %cond3A_376 = arith.constant 0 : i32
              scf.yield %cond3A_376 : i32
            } else {
              scf.yield %while3A_137 : i32
            }
            %mul3A_143 = arith.constant 16 : i32
            %mul3A_144 = arith.muli %while3A_136, %mul3A_143 : i32
            %add3A_145 = vector.broadcast %mul3A_144 : i32 to vector<16xi32>
            %add3A_146 = arith.addi %add3A_145, %iota3A : vector<16xi32>
            %lt3A_147 = vector.broadcast %min3A_118 : i32 to vector<16xi32>
            %lt3A_148 = arith.cmpi slt, %add3A_146, %lt3A_147 : vector<16xi32>
            %min3A_149 = arith.constant 2047 : i32
            %min3A_150 = vector.broadcast %min3A_149 : i32 to vector<16xi32>
            %min3A_151 = arith.minsi %add3A_146, %min3A_150 : vector<16xi32>
            %gather3A = tpu.vector_load_idx %arg8[%min3A_151] : memref<2048xi32, #tpu.memory_space<vmem>>[vector<16xi32>], vector<16xi32>,
            %gather3A_152 = tpu.vector_load_idx %arg9[%min3A_151] : memref<2048xi32, #tpu.memory_space<vmem>>[vector<16xi32>], vector<16xi32>,
            %sub3A_153 = vector.broadcast %mul3A_61 : i32 to vector<16xi32>
            %sub3A_154 = arith.subi %gather3A, %sub3A_153 : vector<16xi32>
            %jit3A_155 = arith.constant 0 : i32
            %broadcast_in_dim3A = vector.broadcast %jit3A_155 : i32 to vector<16xi32>
            %select_n3A_156 = arith.select %lt3A_148, %sub3A_154, %broadcast_in_dim3A : vector<16xi1>, vector<16xi32>
            %convert_element_type3A_157 = arith.extui %lt3A_148 : vector<16xi1> to vector<16xi32>
            %broadcast_in_dim3A_158 = arith.constant true
            %broadcast_in_dim3A_159 = vector.broadcast %broadcast_in_dim3A_158 : i1 to vector<16xi1>
            %masked_cumsum3A = tpu.scan <sum>, %convert_element_type3A_157 masked %broadcast_in_dim3A_159 : vector<16xi32>, vector<16xi1> -> vector<16xi32>
            %add3A_160 = vector.broadcast %cond3A_142 : i32 to vector<16xi32>
            %add3A_161 = arith.addi %add3A_160, %masked_cumsum3A : vector<16xi32>
            %sub3A_162 = arith.constant 1 : i32
            %sub3A_163 = vector.broadcast %sub3A_162 : i32 to vector<16xi32>
            %sub3A_164 = arith.subi %add3A_161, %sub3A_163 : vector<16xi32>
            %add3A_165 = arith.constant 128 : i32
            %add3A_166 = vector.broadcast %add3A_165 : i32 to vector<16xi32>
            %add3A_167 = arith.addi %add3A_166, %iota3A : vector<16xi32>
            %select_n3A_168 = arith.select %lt3A_148, %sub3A_164, %add3A_167 : vector<16xi1>, vector<16xi32>
            %min3A_169 = arith.constant 127 : i32
            %min3A_170 = vector.broadcast %min3A_169 : i32 to vector<16xi32>
            %min3A_171 = arith.minsi %select_n3A_168, %min3A_170 : vector<16xi32>
            tpu.vector_store_idx %arg13[%min3A_171], %gather3A_152 masked %lt3A_148 : memref<128xi32, #tpu.memory_space<vmem>>[vector<16xi32>], vector<16xi32>, vector<16xi1>
            %broadcast_in_dim3A_172 = arith.constant 0 : i32
            %broadcast_in_dim3A_173 = vector.broadcast %broadcast_in_dim3A_172 : i32 to vector<16xi32>
            %gather3A_174 = tpu.vector_load_idx %arg10[%broadcast_in_dim3A_173, %select_n3A_156] : memref<64x512xf32, #tpu.memory_space<vmem>>[vector<16xi32>, vector<16xi32>], vector<16xf32>,
            tpu.vector_store_idx %arg12[%select_n3A_168, %broadcast_in_dim3A_173], %gather3A_174 : memref<144x128xf32, #tpu.memory_space<vmem>>[vector<16xi32>, vector<16xi32>], vector<16xf32>,
            %broadcast_in_dim3A_175 = arith.constant 1 : i32
            %broadcast_in_dim3A_176 = vector.broadcast %broadcast_in_dim3A_175 : i32 to vector<16xi32>
            %gather3A_177 = tpu.vector_load_idx %arg10[%broadcast_in_dim3A_176, %select_n3A_156] : memref<64x512xf32, #tpu.memory_space<vmem>>[vector<16xi32>, vector<16xi32>], vector<16xf32>,
            tpu.vector_store_idx %arg12[%select_n3A_168, %broadcast_in_dim3A_176], %gather3A_177 : memref<144x128xf32, #tpu.memory_space<vmem>>[vector<16xi32>, vector<16xi32>], vector<16xf32>,
            %broadcast_in_dim3A_178 = arith.constant 2 : i32
            %broadcast_in_dim3A_179 = vector.broadcast %broadcast_in_dim3A_178 : i32 to vector<16xi32>
            %gather3A_180 = tpu.vector_load_idx %arg10[%broadcast_in_dim3A_179, %select_n3A_156] : memref<64x512xf32, #tpu.memory_space<vmem>>[vector<16xi32>, vector<16xi32>], vector<16xf32>,
            tpu.vector_store_idx %arg12[%select_n3A_168, %broadcast_in_dim3A_179], %gather3A_180 : memref<144x128xf32, #tpu.memory_space<vmem>>[vector<16xi32>, vector<16xi32>], vector<16xf32>,
            %broadcast_in_dim3A_181 = arith.constant 3 : i32
            %broadcast_in_dim3A_182 = vector.broadcast %broadcast_in_dim3A_181 : i32 to vector<16xi32>
            %gather3A_183 = tpu.vector_load_idx %arg10[%broadcast_in_dim3A_182, %select_n3A_156] : memref<64x512xf32, #tpu.memory_space<vmem>>[vector<16xi32>, vector<16xi32>], vector<16xf32>,
            tpu.vector_store_idx %arg12[%select_n3A_168, %broadcast_in_dim3A_182], %gather3A_183 : memref<144x128xf32, #tpu.memory_space<vmem>>[vector<16xi32>, vector<16xi32>], vector<16xf32>,
            %broadcast_in_dim3A_184 = arith.constant 4 : i32
            %broadcast_in_dim3A_185 = vector.broadcast %broadcast_in_dim3A_184 : i32 to vector<16xi32>
            %gather3A_186 = tpu.vector_load_idx %arg10[%broadcast_in_dim3A_185, %select_n3A_156] : memref<64x512xf32, #tpu.memory_space<vmem>>[vector<16xi32>, vector<16xi32>], vector<16xf32>,
            tpu.vector_store_idx %arg12[%select_n3A_168, %broadcast_in_dim3A_185], %gather3A_186 : memref<144x128xf32, #tpu.memory_space<vmem>>[vector<16xi32>, vector<16xi32>], vector<16xf32>,
            %broadcast_in_dim3A_187 = arith.constant 5 : i32
            %broadcast_in_dim3A_188 = vector.broadcast %broadcast_in_dim3A_187 : i32 to vector<16xi32>
            %gather3A_189 = tpu.vector_load_idx %arg10[%broadcast_in_dim3A_188, %select_n3A_156] : memref<64x512xf32, #tpu.memory_space<vmem>>[vector<16xi32>, vector<16xi32>], vector<16xf32>,
            tpu.vector_store_idx %arg12[%select_n3A_168, %broadcast_in_dim3A_188], %gather3A_189 : memref<144x128xf32, #tpu.memory_space<vmem>>[vector<16xi32>, vector<16xi32>], vector<16xf32>,
            %broadcast_in_dim3A_190 = arith.constant 6 : i32
            %broadcast_in_dim3A_191 = vector.broadcast %broadcast_in_dim3A_190 : i32 to vector<16xi32>
            %gather3A_192 = tpu.vector_load_idx %arg10[%broadcast_in_dim3A_191, %select_n3A_156] : memref<64x512xf32, #tpu.memory_space<vmem>>[vector<16xi32>, vector<16xi32>], vector<16xf32>,
            tpu.vector_store_idx %arg12[%select_n3A_168, %broadcast_in_dim3A_191], %gather3A_192 : memref<144x128xf32, #tpu.memory_space<vmem>>[vector<16xi32>, vector<16xi32>], vector<16xf32>,
            %broadcast_in_dim3A_193 = arith.constant 7 : i32
            %broadcast_in_dim3A_194 = vector.broadcast %broadcast_in_dim3A_193 : i32 to vector<16xi32>
            %gather3A_195 = tpu.vector_load_idx %arg10[%broadcast_in_dim3A_194, %select_n3A_156] : memref<64x512xf32, #tpu.memory_space<vmem>>[vector<16xi32>, vector<16xi32>], vector<16xf32>,
            tpu.vector_store_idx %arg12[%select_n3A_168, %broadcast_in_dim3A_194], %gather3A_195 : memref<144x128xf32, #tpu.memory_space<vmem>>[vector<16xi32>, vector<16xi32>], vector<16xf32>,
            %broadcast_in_dim3A_196 = arith.constant 8 : i32
            %broadcast_in_dim3A_197 = vector.broadcast %broadcast_in_dim3A_196 : i32 to vector<16xi32>
            %gather3A_198 = tpu.vector_load_idx %arg10[%broadcast_in_dim3A_197, %select_n3A_156] : memref<64x512xf32, #tpu.memory_space<vmem>>[vector<16xi32>, vector<16xi32>], vector<16xf32>,
            tpu.vector_store_idx %arg12[%select_n3A_168, %broadcast_in_dim3A_197], %gather3A_198 : memref<144x128xf32, #tpu.memory_space<vmem>>[vector<16xi32>, vector<16xi32>], vector<16xf32>,
            %broadcast_in_dim3A_199 = arith.constant 9 : i32
            %broadcast_in_dim3A_200 = vector.broadcast %broadcast_in_dim3A_199 : i32 to vector<16xi32>
            %gather3A_201 = tpu.vector_load_idx %arg10[%broadcast_in_dim3A_200, %select_n3A_156] : memref<64x512xf32, #tpu.memory_space<vmem>>[vector<16xi32>, vector<16xi32>], vector<16xf32>,
            tpu.vector_store_idx %arg12[%select_n3A_168, %broadcast_in_dim3A_200], %gather3A_201 : memref<144x128xf32, #tpu.memory_space<vmem>>[vector<16xi32>, vector<16xi32>], vector<16xf32>,
            %broadcast_in_dim3A_202 = arith.constant 10 : i32
            %broadcast_in_dim3A_203 = vector.broadcast %broadcast_in_dim3A_202 : i32 to vector<16xi32>
            %gather3A_204 = tpu.vector_load_idx %arg10[%broadcast_in_dim3A_203, %select_n3A_156] : memref<64x512xf32, #tpu.memory_space<vmem>>[vector<16xi32>, vector<16xi32>], vector<16xf32>,
            tpu.vector_store_idx %arg12[%select_n3A_168, %broadcast_in_dim3A_203], %gather3A_204 : memref<144x128xf32, #tpu.memory_space<vmem>>[vector<16xi32>, vector<16xi32>], vector<16xf32>,
            %broadcast_in_dim3A_205 = arith.constant 11 : i32
            %broadcast_in_dim3A_206 = vector.broadcast %broadcast_in_dim3A_205 : i32 to vector<16xi32>
            %gather3A_207 = tpu.vector_load_idx %arg10[%broadcast_in_dim3A_206, %select_n3A_156] : memref<64x512xf32, #tpu.memory_space<vmem>>[vector<16xi32>, vector<16xi32>], vector<16xf32>,
            tpu.vector_store_idx %arg12[%select_n3A_168, %broadcast_in_dim3A_206], %gather3A_207 : memref<144x128xf32, #tpu.memory_space<vmem>>[vector<16xi32>, vector<16xi32>], vector<16xf32>,
            %broadcast_in_dim3A_208 = arith.constant 12 : i32
            %broadcast_in_dim3A_209 = vector.broadcast %broadcast_in_dim3A_208 : i32 to vector<16xi32>
            %gather3A_210 = tpu.vector_load_idx %arg10[%broadcast_in_dim3A_209, %select_n3A_156] : memref<64x512xf32, #tpu.memory_space<vmem>>[vector<16xi32>, vector<16xi32>], vector<16xf32>,
            tpu.vector_store_idx %arg12[%select_n3A_168, %broadcast_in_dim3A_209], %gather3A_210 : memref<144x128xf32, #tpu.memory_space<vmem>>[vector<16xi32>, vector<16xi32>], vector<16xf32>,
            %broadcast_in_dim3A_211 = arith.constant 13 : i32
            %broadcast_in_dim3A_212 = vector.broadcast %broadcast_in_dim3A_211 : i32 to vector<16xi32>
            %gather3A_213 = tpu.vector_load_idx %arg10[%broadcast_in_dim3A_212, %select_n3A_156] : memref<64x512xf32, #tpu.memory_space<vmem>>[vector<16xi32>, vector<16xi32>], vector<16xf32>,
            tpu.vector_store_idx %arg12[%select_n3A_168, %broadcast_in_dim3A_212], %gather3A_213 : memref<144x128xf32, #tpu.memory_space<vmem>>[vector<16xi32>, vector<16xi32>], vector<16xf32>,
            %broadcast_in_dim3A_214 = arith.constant 14 : i32
            %broadcast_in_dim3A_215 = vector.broadcast %broadcast_in_dim3A_214 : i32 to vector<16xi32>
            %gather3A_216 = tpu.vector_load_idx %arg10[%broadcast_in_dim3A_215, %select_n3A_156] : memref<64x512xf32, #tpu.memory_space<vmem>>[vector<16xi32>, vector<16xi32>], vector<16xf32>,
            tpu.vector_store_idx %arg12[%select_n3A_168, %broadcast_in_dim3A_215], %gather3A_216 : memref<144x128xf32, #tpu.memory_space<vmem>>[vector<16xi32>, vector<16xi32>], vector<16xf32>,
            %broadcast_in_dim3A_217 = arith.constant 15 : i32
            %broadcast_in_dim3A_218 = vector.broadcast %broadcast_in_dim3A_217 : i32 to vector<16xi32>
            %gather3A_219 = tpu.vector_load_idx %arg10[%broadcast_in_dim3A_218, %select_n3A_156] : memref<64x512xf32, #tpu.memory_space<vmem>>[vector<16xi32>, vector<16xi32>], vector<16xf32>,
            tpu.vector_store_idx %arg12[%select_n3A_168, %broadcast_in_dim3A_218], %gather3A_219 : memref<144x128xf32, #tpu.memory_space<vmem>>[vector<16xi32>, vector<16xi32>], vector<16xf32>,
            %broadcast_in_dim3A_220 = arith.constant 16 : i32
            %broadcast_in_dim3A_221 = vector.broadcast %broadcast_in_dim3A_220 : i32 to vector<16xi32>
            %gather3A_222 = tpu.vector_load_idx %arg10[%broadcast_in_dim3A_221, %select_n3A_156] : memref<64x512xf32, #tpu.memory_space<vmem>>[vector<16xi32>, vector<16xi32>], vector<16xf32>,
            tpu.vector_store_idx %arg12[%select_n3A_168, %broadcast_in_dim3A_221], %gather3A_222 : memref<144x128xf32, #tpu.memory_space<vmem>>[vector<16xi32>, vector<16xi32>], vector<16xf32>,
            %broadcast_in_dim3A_223 = arith.constant 17 : i32
            %broadcast_in_dim3A_224 = vector.broadcast %broadcast_in_dim3A_223 : i32 to vector<16xi32>
            %gather3A_225 = tpu.vector_load_idx %arg10[%broadcast_in_dim3A_224, %select_n3A_156] : memref<64x512xf32, #tpu.memory_space<vmem>>[vector<16xi32>, vector<16xi32>], vector<16xf32>,
            tpu.vector_store_idx %arg12[%select_n3A_168, %broadcast_in_dim3A_224], %gather3A_225 : memref<144x128xf32, #tpu.memory_space<vmem>>[vector<16xi32>, vector<16xi32>], vector<16xf32>,
            %broadcast_in_dim3A_226 = arith.constant 18 : i32
            %broadcast_in_dim3A_227 = vector.broadcast %broadcast_in_dim3A_226 : i32 to vector<16xi32>
            %gather3A_228 = tpu.vector_load_idx %arg10[%broadcast_in_dim3A_227, %select_n3A_156] : memref<64x512xf32, #tpu.memory_space<vmem>>[vector<16xi32>, vector<16xi32>], vector<16xf32>,
            tpu.vector_store_idx %arg12[%select_n3A_168, %broadcast_in_dim3A_227], %gather3A_228 : memref<144x128xf32, #tpu.memory_space<vmem>>[vector<16xi32>, vector<16xi32>], vector<16xf32>,
            %broadcast_in_dim3A_229 = arith.constant 19 : i32
            %broadcast_in_dim3A_230 = vector.broadcast %broadcast_in_dim3A_229 : i32 to vector<16xi32>
            %gather3A_231 = tpu.vector_load_idx %arg10[%broadcast_in_dim3A_230, %select_n3A_156] : memref<64x512xf32, #tpu.memory_space<vmem>>[vector<16xi32>, vector<16xi32>], vector<16xf32>,
            tpu.vector_store_idx %arg12[%select_n3A_168, %broadcast_in_dim3A_230], %gather3A_231 : memref<144x128xf32, #tpu.memory_space<vmem>>[vector<16xi32>, vector<16xi32>], vector<16xf32>,
            %broadcast_in_dim3A_232 = arith.constant 20 : i32
            %broadcast_in_dim3A_233 = vector.broadcast %broadcast_in_dim3A_232 : i32 to vector<16xi32>
            %gather3A_234 = tpu.vector_load_idx %arg10[%broadcast_in_dim3A_233, %select_n3A_156] : memref<64x512xf32, #tpu.memory_space<vmem>>[vector<16xi32>, vector<16xi32>], vector<16xf32>,
            tpu.vector_store_idx %arg12[%select_n3A_168, %broadcast_in_dim3A_233], %gather3A_234 : memref<144x128xf32, #tpu.memory_space<vmem>>[vector<16xi32>, vector<16xi32>], vector<16xf32>,
            %broadcast_in_dim3A_235 = arith.constant 21 : i32
            %broadcast_in_dim3A_236 = vector.broadcast %broadcast_in_dim3A_235 : i32 to vector<16xi32>
            %gather3A_237 = tpu.vector_load_idx %arg10[%broadcast_in_dim3A_236, %select_n3A_156] : memref<64x512xf32, #tpu.memory_space<vmem>>[vector<16xi32>, vector<16xi32>], vector<16xf32>,
            tpu.vector_store_idx %arg12[%select_n3A_168, %broadcast_in_dim3A_236], %gather3A_237 : memref<144x128xf32, #tpu.memory_space<vmem>>[vector<16xi32>, vector<16xi32>], vector<16xf32>,
            %broadcast_in_dim3A_238 = arith.constant 22 : i32
            %broadcast_in_dim3A_239 = vector.broadcast %broadcast_in_dim3A_238 : i32 to vector<16xi32>
            %gather3A_240 = tpu.vector_load_idx %arg10[%broadcast_in_dim3A_239, %select_n3A_156] : memref<64x512xf32, #tpu.memory_space<vmem>>[vector<16xi32>, vector<16xi32>], vector<16xf32>,
            tpu.vector_store_idx %arg12[%select_n3A_168, %broadcast_in_dim3A_239], %gather3A_240 : memref<144x128xf32, #tpu.memory_space<vmem>>[vector<16xi32>, vector<16xi32>], vector<16xf32>,
            %broadcast_in_dim3A_241 = arith.constant 23 : i32
            %broadcast_in_dim3A_242 = vector.broadcast %broadcast_in_dim3A_241 : i32 to vector<16xi32>
            %gather3A_243 = tpu.vector_load_idx %arg10[%broadcast_in_dim3A_242, %select_n3A_156] : memref<64x512xf32, #tpu.memory_space<vmem>>[vector<16xi32>, vector<16xi32>], vector<16xf32>,
            tpu.vector_store_idx %arg12[%select_n3A_168, %broadcast_in_dim3A_242], %gather3A_243 : memref<144x128xf32, #tpu.memory_space<vmem>>[vector<16xi32>, vector<16xi32>], vector<16xf32>,
            %broadcast_in_dim3A_244 = arith.constant 24 : i32
            %broadcast_in_dim3A_245 = vector.broadcast %broadcast_in_dim3A_244 : i32 to vector<16xi32>
            %gather3A_246 = tpu.vector_load_idx %arg10[%broadcast_in_dim3A_245, %select_n3A_156] : memref<64x512xf32, #tpu.memory_space<vmem>>[vector<16xi32>, vector<16xi32>], vector<16xf32>,
            tpu.vector_store_idx %arg12[%select_n3A_168, %broadcast_in_dim3A_245], %gather3A_246 : memref<144x128xf32, #tpu.memory_space<vmem>>[vector<16xi32>, vector<16xi32>], vector<16xf32>,
            %broadcast_in_dim3A_247 = arith.constant 25 : i32
            %broadcast_in_dim3A_248 = vector.broadcast %broadcast_in_dim3A_247 : i32 to vector<16xi32>
            %gather3A_249 = tpu.vector_load_idx %arg10[%broadcast_in_dim3A_248, %select_n3A_156] : memref<64x512xf32, #tpu.memory_space<vmem>>[vector<16xi32>, vector<16xi32>], vector<16xf32>,
            tpu.vector_store_idx %arg12[%select_n3A_168, %broadcast_in_dim3A_248], %gather3A_249 : memref<144x128xf32, #tpu.memory_space<vmem>>[vector<16xi32>, vector<16xi32>], vector<16xf32>,
            %broadcast_in_dim3A_250 = arith.constant 26 : i32
            %broadcast_in_dim3A_251 = vector.broadcast %broadcast_in_dim3A_250 : i32 to vector<16xi32>
            %gather3A_252 = tpu.vector_load_idx %arg10[%broadcast_in_dim3A_251, %select_n3A_156] : memref<64x512xf32, #tpu.memory_space<vmem>>[vector<16xi32>, vector<16xi32>], vector<16xf32>,
            tpu.vector_store_idx %arg12[%select_n3A_168, %broadcast_in_dim3A_251], %gather3A_252 : memref<144x128xf32, #tpu.memory_space<vmem>>[vector<16xi32>, vector<16xi32>], vector<16xf32>,
            %broadcast_in_dim3A_253 = arith.constant 27 : i32
            %broadcast_in_dim3A_254 = vector.broadcast %broadcast_in_dim3A_253 : i32 to vector<16xi32>
            %gather3A_255 = tpu.vector_load_idx %arg10[%broadcast_in_dim3A_254, %select_n3A_156] : memref<64x512xf32, #tpu.memory_space<vmem>>[vector<16xi32>, vector<16xi32>], vector<16xf32>,
            tpu.vector_store_idx %arg12[%select_n3A_168, %broadcast_in_dim3A_254], %gather3A_255 : memref<144x128xf32, #tpu.memory_space<vmem>>[vector<16xi32>, vector<16xi32>], vector<16xf32>,
            %broadcast_in_dim3A_256 = arith.constant 28 : i32
            %broadcast_in_dim3A_257 = vector.broadcast %broadcast_in_dim3A_256 : i32 to vector<16xi32>
            %gather3A_258 = tpu.vector_load_idx %arg10[%broadcast_in_dim3A_257, %select_n3A_156] : memref<64x512xf32, #tpu.memory_space<vmem>>[vector<16xi32>, vector<16xi32>], vector<16xf32>,
            tpu.vector_store_idx %arg12[%select_n3A_168, %broadcast_in_dim3A_257], %gather3A_258 : memref<144x128xf32, #tpu.memory_space<vmem>>[vector<16xi32>, vector<16xi32>], vector<16xf32>,
            %broadcast_in_dim3A_259 = arith.constant 29 : i32
            %broadcast_in_dim3A_260 = vector.broadcast %broadcast_in_dim3A_259 : i32 to vector<16xi32>
            %gather3A_261 = tpu.vector_load_idx %arg10[%broadcast_in_dim3A_260, %select_n3A_156] : memref<64x512xf32, #tpu.memory_space<vmem>>[vector<16xi32>, vector<16xi32>], vector<16xf32>,
            tpu.vector_store_idx %arg12[%select_n3A_168, %broadcast_in_dim3A_260], %gather3A_261 : memref<144x128xf32, #tpu.memory_space<vmem>>[vector<16xi32>, vector<16xi32>], vector<16xf32>,
            %broadcast_in_dim3A_262 = arith.constant 30 : i32
            %broadcast_in_dim3A_263 = vector.broadcast %broadcast_in_dim3A_262 : i32 to vector<16xi32>
            %gather3A_264 = tpu.vector_load_idx %arg10[%broadcast_in_dim3A_263, %select_n3A_156] : memref<64x512xf32, #tpu.memory_space<vmem>>[vector<16xi32>, vector<16xi32>], vector<16xf32>,
            tpu.vector_store_idx %arg12[%select_n3A_168, %broadcast_in_dim3A_263], %gather3A_264 : memref<144x128xf32, #tpu.memory_space<vmem>>[vector<16xi32>, vector<16xi32>], vector<16xf32>,
            %broadcast_in_dim3A_265 = arith.constant 31 : i32
            %broadcast_in_dim3A_266 = vector.broadcast %broadcast_in_dim3A_265 : i32 to vector<16xi32>
            %gather3A_267 = tpu.vector_load_idx %arg10[%broadcast_in_dim3A_266, %select_n3A_156] : memref<64x512xf32, #tpu.memory_space<vmem>>[vector<16xi32>, vector<16xi32>], vector<16xf32>,
            tpu.vector_store_idx %arg12[%select_n3A_168, %broadcast_in_dim3A_266], %gather3A_267 : memref<144x128xf32, #tpu.memory_space<vmem>>[vector<16xi32>, vector<16xi32>], vector<16xf32>,
            %broadcast_in_dim3A_268 = arith.constant 32 : i32
            %broadcast_in_dim3A_269 = vector.broadcast %broadcast_in_dim3A_268 : i32 to vector<16xi32>
            %gather3A_270 = tpu.vector_load_idx %arg10[%broadcast_in_dim3A_269, %select_n3A_156] : memref<64x512xf32, #tpu.memory_space<vmem>>[vector<16xi32>, vector<16xi32>], vector<16xf32>,
            tpu.vector_store_idx %arg12[%select_n3A_168, %broadcast_in_dim3A_269], %gather3A_270 : memref<144x128xf32, #tpu.memory_space<vmem>>[vector<16xi32>, vector<16xi32>], vector<16xf32>,
            %broadcast_in_dim3A_271 = arith.constant 33 : i32
            %broadcast_in_dim3A_272 = vector.broadcast %broadcast_in_dim3A_271 : i32 to vector<16xi32>
            %gather3A_273 = tpu.vector_load_idx %arg10[%broadcast_in_dim3A_272, %select_n3A_156] : memref<64x512xf32, #tpu.memory_space<vmem>>[vector<16xi32>, vector<16xi32>], vector<16xf32>,
            tpu.vector_store_idx %arg12[%select_n3A_168, %broadcast_in_dim3A_272], %gather3A_273 : memref<144x128xf32, #tpu.memory_space<vmem>>[vector<16xi32>, vector<16xi32>], vector<16xf32>,
            %broadcast_in_dim3A_274 = arith.constant 34 : i32
            %broadcast_in_dim3A_275 = vector.broadcast %broadcast_in_dim3A_274 : i32 to vector<16xi32>
            %gather3A_276 = tpu.vector_load_idx %arg10[%broadcast_in_dim3A_275, %select_n3A_156] : memref<64x512xf32, #tpu.memory_space<vmem>>[vector<16xi32>, vector<16xi32>], vector<16xf32>,
            tpu.vector_store_idx %arg12[%select_n3A_168, %broadcast_in_dim3A_275], %gather3A_276 : memref<144x128xf32, #tpu.memory_space<vmem>>[vector<16xi32>, vector<16xi32>], vector<16xf32>,
            %broadcast_in_dim3A_277 = arith.constant 35 : i32
            %broadcast_in_dim3A_278 = vector.broadcast %broadcast_in_dim3A_277 : i32 to vector<16xi32>
            %gather3A_279 = tpu.vector_load_idx %arg10[%broadcast_in_dim3A_278, %select_n3A_156] : memref<64x512xf32, #tpu.memory_space<vmem>>[vector<16xi32>, vector<16xi32>], vector<16xf32>,
            tpu.vector_store_idx %arg12[%select_n3A_168, %broadcast_in_dim3A_278], %gather3A_279 : memref<144x128xf32, #tpu.memory_space<vmem>>[vector<16xi32>, vector<16xi32>], vector<16xf32>,
            %broadcast_in_dim3A_280 = arith.constant 36 : i32
            %broadcast_in_dim3A_281 = vector.broadcast %broadcast_in_dim3A_280 : i32 to vector<16xi32>
            %gather3A_282 = tpu.vector_load_idx %arg10[%broadcast_in_dim3A_281, %select_n3A_156] : memref<64x512xf32, #tpu.memory_space<vmem>>[vector<16xi32>, vector<16xi32>], vector<16xf32>,
            tpu.vector_store_idx %arg12[%select_n3A_168, %broadcast_in_dim3A_281], %gather3A_282 : memref<144x128xf32, #tpu.memory_space<vmem>>[vector<16xi32>, vector<16xi32>], vector<16xf32>,
            %broadcast_in_dim3A_283 = arith.constant 37 : i32
            %broadcast_in_dim3A_284 = vector.broadcast %broadcast_in_dim3A_283 : i32 to vector<16xi32>
            %gather3A_285 = tpu.vector_load_idx %arg10[%broadcast_in_dim3A_284, %select_n3A_156] : memref<64x512xf32, #tpu.memory_space<vmem>>[vector<16xi32>, vector<16xi32>], vector<16xf32>,
            tpu.vector_store_idx %arg12[%select_n3A_168, %broadcast_in_dim3A_284], %gather3A_285 : memref<144x128xf32, #tpu.memory_space<vmem>>[vector<16xi32>, vector<16xi32>], vector<16xf32>,
            %broadcast_in_dim3A_286 = arith.constant 38 : i32
            %broadcast_in_dim3A_287 = vector.broadcast %broadcast_in_dim3A_286 : i32 to vector<16xi32>
            %gather3A_288 = tpu.vector_load_idx %arg10[%broadcast_in_dim3A_287, %select_n3A_156] : memref<64x512xf32, #tpu.memory_space<vmem>>[vector<16xi32>, vector<16xi32>], vector<16xf32>,
            tpu.vector_store_idx %arg12[%select_n3A_168, %broadcast_in_dim3A_287], %gather3A_288 : memref<144x128xf32, #tpu.memory_space<vmem>>[vector<16xi32>, vector<16xi32>], vector<16xf32>,
            %broadcast_in_dim3A_289 = arith.constant 39 : i32
            %broadcast_in_dim3A_290 = vector.broadcast %broadcast_in_dim3A_289 : i32 to vector<16xi32>
            %gather3A_291 = tpu.vector_load_idx %arg10[%broadcast_in_dim3A_290, %select_n3A_156] : memref<64x512xf32, #tpu.memory_space<vmem>>[vector<16xi32>, vector<16xi32>], vector<16xf32>,
            tpu.vector_store_idx %arg12[%select_n3A_168, %broadcast_in_dim3A_290], %gather3A_291 : memref<144x128xf32, #tpu.memory_space<vmem>>[vector<16xi32>, vector<16xi32>], vector<16xf32>,
            %broadcast_in_dim3A_292 = arith.constant 40 : i32
            %broadcast_in_dim3A_293 = vector.broadcast %broadcast_in_dim3A_292 : i32 to vector<16xi32>
            %gather3A_294 = tpu.vector_load_idx %arg10[%broadcast_in_dim3A_293, %select_n3A_156] : memref<64x512xf32, #tpu.memory_space<vmem>>[vector<16xi32>, vector<16xi32>], vector<16xf32>,
            tpu.vector_store_idx %arg12[%select_n3A_168, %broadcast_in_dim3A_293], %gather3A_294 : memref<144x128xf32, #tpu.memory_space<vmem>>[vector<16xi32>, vector<16xi32>], vector<16xf32>,
            %broadcast_in_dim3A_295 = arith.constant 41 : i32
            %broadcast_in_dim3A_296 = vector.broadcast %broadcast_in_dim3A_295 : i32 to vector<16xi32>
            %gather3A_297 = tpu.vector_load_idx %arg10[%broadcast_in_dim3A_296, %select_n3A_156] : memref<64x512xf32, #tpu.memory_space<vmem>>[vector<16xi32>, vector<16xi32>], vector<16xf32>,
            tpu.vector_store_idx %arg12[%select_n3A_168, %broadcast_in_dim3A_296], %gather3A_297 : memref<144x128xf32, #tpu.memory_space<vmem>>[vector<16xi32>, vector<16xi32>], vector<16xf32>,
            %broadcast_in_dim3A_298 = arith.constant 42 : i32
            %broadcast_in_dim3A_299 = vector.broadcast %broadcast_in_dim3A_298 : i32 to vector<16xi32>
            %gather3A_300 = tpu.vector_load_idx %arg10[%broadcast_in_dim3A_299, %select_n3A_156] : memref<64x512xf32, #tpu.memory_space<vmem>>[vector<16xi32>, vector<16xi32>], vector<16xf32>,
            tpu.vector_store_idx %arg12[%select_n3A_168, %broadcast_in_dim3A_299], %gather3A_300 : memref<144x128xf32, #tpu.memory_space<vmem>>[vector<16xi32>, vector<16xi32>], vector<16xf32>,
            %broadcast_in_dim3A_301 = arith.constant 43 : i32
            %broadcast_in_dim3A_302 = vector.broadcast %broadcast_in_dim3A_301 : i32 to vector<16xi32>
            %gather3A_303 = tpu.vector_load_idx %arg10[%broadcast_in_dim3A_302, %select_n3A_156] : memref<64x512xf32, #tpu.memory_space<vmem>>[vector<16xi32>, vector<16xi32>], vector<16xf32>,
            tpu.vector_store_idx %arg12[%select_n3A_168, %broadcast_in_dim3A_302], %gather3A_303 : memref<144x128xf32, #tpu.memory_space<vmem>>[vector<16xi32>, vector<16xi32>], vector<16xf32>,
            %broadcast_in_dim3A_304 = arith.constant 44 : i32
            %broadcast_in_dim3A_305 = vector.broadcast %broadcast_in_dim3A_304 : i32 to vector<16xi32>
            %gather3A_306 = tpu.vector_load_idx %arg10[%broadcast_in_dim3A_305, %select_n3A_156] : memref<64x512xf32, #tpu.memory_space<vmem>>[vector<16xi32>, vector<16xi32>], vector<16xf32>,
            tpu.vector_store_idx %arg12[%select_n3A_168, %broadcast_in_dim3A_305], %gather3A_306 : memref<144x128xf32, #tpu.memory_space<vmem>>[vector<16xi32>, vector<16xi32>], vector<16xf32>,
            %broadcast_in_dim3A_307 = arith.constant 45 : i32
            %broadcast_in_dim3A_308 = vector.broadcast %broadcast_in_dim3A_307 : i32 to vector<16xi32>
            %gather3A_309 = tpu.vector_load_idx %arg10[%broadcast_in_dim3A_308, %select_n3A_156] : memref<64x512xf32, #tpu.memory_space<vmem>>[vector<16xi32>, vector<16xi32>], vector<16xf32>,
            tpu.vector_store_idx %arg12[%select_n3A_168, %broadcast_in_dim3A_308], %gather3A_309 : memref<144x128xf32, #tpu.memory_space<vmem>>[vector<16xi32>, vector<16xi32>], vector<16xf32>,
            %broadcast_in_dim3A_310 = arith.constant 46 : i32
            %broadcast_in_dim3A_311 = vector.broadcast %broadcast_in_dim3A_310 : i32 to vector<16xi32>
            %gather3A_312 = tpu.vector_load_idx %arg10[%broadcast_in_dim3A_311, %select_n3A_156] : memref<64x512xf32, #tpu.memory_space<vmem>>[vector<16xi32>, vector<16xi32>], vector<16xf32>,
            tpu.vector_store_idx %arg12[%select_n3A_168, %broadcast_in_dim3A_311], %gather3A_312 : memref<144x128xf32, #tpu.memory_space<vmem>>[vector<16xi32>, vector<16xi32>], vector<16xf32>,
            %broadcast_in_dim3A_313 = arith.constant 47 : i32
            %broadcast_in_dim3A_314 = vector.broadcast %broadcast_in_dim3A_313 : i32 to vector<16xi32>
            %gather3A_315 = tpu.vector_load_idx %arg10[%broadcast_in_dim3A_314, %select_n3A_156] : memref<64x512xf32, #tpu.memory_space<vmem>>[vector<16xi32>, vector<16xi32>], vector<16xf32>,
            tpu.vector_store_idx %arg12[%select_n3A_168, %broadcast_in_dim3A_314], %gather3A_315 : memref<144x128xf32, #tpu.memory_space<vmem>>[vector<16xi32>, vector<16xi32>], vector<16xf32>,
            %broadcast_in_dim3A_316 = arith.constant 48 : i32
            %broadcast_in_dim3A_317 = vector.broadcast %broadcast_in_dim3A_316 : i32 to vector<16xi32>
            %gather3A_318 = tpu.vector_load_idx %arg10[%broadcast_in_dim3A_317, %select_n3A_156] : memref<64x512xf32, #tpu.memory_space<vmem>>[vector<16xi32>, vector<16xi32>], vector<16xf32>,
            tpu.vector_store_idx %arg12[%select_n3A_168, %broadcast_in_dim3A_317], %gather3A_318 : memref<144x128xf32, #tpu.memory_space<vmem>>[vector<16xi32>, vector<16xi32>], vector<16xf32>,
            %broadcast_in_dim3A_319 = arith.constant 49 : i32
            %broadcast_in_dim3A_320 = vector.broadcast %broadcast_in_dim3A_319 : i32 to vector<16xi32>
            %gather3A_321 = tpu.vector_load_idx %arg10[%broadcast_in_dim3A_320, %select_n3A_156] : memref<64x512xf32, #tpu.memory_space<vmem>>[vector<16xi32>, vector<16xi32>], vector<16xf32>,
            tpu.vector_store_idx %arg12[%select_n3A_168, %broadcast_in_dim3A_320], %gather3A_321 : memref<144x128xf32, #tpu.memory_space<vmem>>[vector<16xi32>, vector<16xi32>], vector<16xf32>,
            %broadcast_in_dim3A_322 = arith.constant 50 : i32
            %broadcast_in_dim3A_323 = vector.broadcast %broadcast_in_dim3A_322 : i32 to vector<16xi32>
            %gather3A_324 = tpu.vector_load_idx %arg10[%broadcast_in_dim3A_323, %select_n3A_156] : memref<64x512xf32, #tpu.memory_space<vmem>>[vector<16xi32>, vector<16xi32>], vector<16xf32>,
            tpu.vector_store_idx %arg12[%select_n3A_168, %broadcast_in_dim3A_323], %gather3A_324 : memref<144x128xf32, #tpu.memory_space<vmem>>[vector<16xi32>, vector<16xi32>], vector<16xf32>,
            %broadcast_in_dim3A_325 = arith.constant 51 : i32
            %broadcast_in_dim3A_326 = vector.broadcast %broadcast_in_dim3A_325 : i32 to vector<16xi32>
            %gather3A_327 = tpu.vector_load_idx %arg10[%broadcast_in_dim3A_326, %select_n3A_156] : memref<64x512xf32, #tpu.memory_space<vmem>>[vector<16xi32>, vector<16xi32>], vector<16xf32>,
            tpu.vector_store_idx %arg12[%select_n3A_168, %broadcast_in_dim3A_326], %gather3A_327 : memref<144x128xf32, #tpu.memory_space<vmem>>[vector<16xi32>, vector<16xi32>], vector<16xf32>,
            %broadcast_in_dim3A_328 = arith.constant 52 : i32
            %broadcast_in_dim3A_329 = vector.broadcast %broadcast_in_dim3A_328 : i32 to vector<16xi32>
            %gather3A_330 = tpu.vector_load_idx %arg10[%broadcast_in_dim3A_329, %select_n3A_156] : memref<64x512xf32, #tpu.memory_space<vmem>>[vector<16xi32>, vector<16xi32>], vector<16xf32>,
            tpu.vector_store_idx %arg12[%select_n3A_168, %broadcast_in_dim3A_329], %gather3A_330 : memref<144x128xf32, #tpu.memory_space<vmem>>[vector<16xi32>, vector<16xi32>], vector<16xf32>,
            %broadcast_in_dim3A_331 = arith.constant 53 : i32
            %broadcast_in_dim3A_332 = vector.broadcast %broadcast_in_dim3A_331 : i32 to vector<16xi32>
            %gather3A_333 = tpu.vector_load_idx %arg10[%broadcast_in_dim3A_332, %select_n3A_156] : memref<64x512xf32, #tpu.memory_space<vmem>>[vector<16xi32>, vector<16xi32>], vector<16xf32>,
            tpu.vector_store_idx %arg12[%select_n3A_168, %broadcast_in_dim3A_332], %gather3A_333 : memref<144x128xf32, #tpu.memory_space<vmem>>[vector<16xi32>, vector<16xi32>], vector<16xf32>,
            %broadcast_in_dim3A_334 = arith.constant 54 : i32
            %broadcast_in_dim3A_335 = vector.broadcast %broadcast_in_dim3A_334 : i32 to vector<16xi32>
            %gather3A_336 = tpu.vector_load_idx %arg10[%broadcast_in_dim3A_335, %select_n3A_156] : memref<64x512xf32, #tpu.memory_space<vmem>>[vector<16xi32>, vector<16xi32>], vector<16xf32>,
            tpu.vector_store_idx %arg12[%select_n3A_168, %broadcast_in_dim3A_335], %gather3A_336 : memref<144x128xf32, #tpu.memory_space<vmem>>[vector<16xi32>, vector<16xi32>], vector<16xf32>,
            %broadcast_in_dim3A_337 = arith.constant 55 : i32
            %broadcast_in_dim3A_338 = vector.broadcast %broadcast_in_dim3A_337 : i32 to vector<16xi32>
            %gather3A_339 = tpu.vector_load_idx %arg10[%broadcast_in_dim3A_338, %select_n3A_156] : memref<64x512xf32, #tpu.memory_space<vmem>>[vector<16xi32>, vector<16xi32>], vector<16xf32>,
            tpu.vector_store_idx %arg12[%select_n3A_168, %broadcast_in_dim3A_338], %gather3A_339 : memref<144x128xf32, #tpu.memory_space<vmem>>[vector<16xi32>, vector<16xi32>], vector<16xf32>,
            %broadcast_in_dim3A_340 = arith.constant 56 : i32
            %broadcast_in_dim3A_341 = vector.broadcast %broadcast_in_dim3A_340 : i32 to vector<16xi32>
            %gather3A_342 = tpu.vector_load_idx %arg10[%broadcast_in_dim3A_341, %select_n3A_156] : memref<64x512xf32, #tpu.memory_space<vmem>>[vector<16xi32>, vector<16xi32>], vector<16xf32>,
            tpu.vector_store_idx %arg12[%select_n3A_168, %broadcast_in_dim3A_341], %gather3A_342 : memref<144x128xf32, #tpu.memory_space<vmem>>[vector<16xi32>, vector<16xi32>], vector<16xf32>,
            %broadcast_in_dim3A_343 = arith.constant 57 : i32
            %broadcast_in_dim3A_344 = vector.broadcast %broadcast_in_dim3A_343 : i32 to vector<16xi32>
            %gather3A_345 = tpu.vector_load_idx %arg10[%broadcast_in_dim3A_344, %select_n3A_156] : memref<64x512xf32, #tpu.memory_space<vmem>>[vector<16xi32>, vector<16xi32>], vector<16xf32>,
            tpu.vector_store_idx %arg12[%select_n3A_168, %broadcast_in_dim3A_344], %gather3A_345 : memref<144x128xf32, #tpu.memory_space<vmem>>[vector<16xi32>, vector<16xi32>], vector<16xf32>,
            %broadcast_in_dim3A_346 = arith.constant 58 : i32
            %broadcast_in_dim3A_347 = vector.broadcast %broadcast_in_dim3A_346 : i32 to vector<16xi32>
            %gather3A_348 = tpu.vector_load_idx %arg10[%broadcast_in_dim3A_347, %select_n3A_156] : memref<64x512xf32, #tpu.memory_space<vmem>>[vector<16xi32>, vector<16xi32>], vector<16xf32>,
            tpu.vector_store_idx %arg12[%select_n3A_168, %broadcast_in_dim3A_347], %gather3A_348 : memref<144x128xf32, #tpu.memory_space<vmem>>[vector<16xi32>, vector<16xi32>], vector<16xf32>,
            %broadcast_in_dim3A_349 = arith.constant 59 : i32
            %broadcast_in_dim3A_350 = vector.broadcast %broadcast_in_dim3A_349 : i32 to vector<16xi32>
            %gather3A_351 = tpu.vector_load_idx %arg10[%broadcast_in_dim3A_350, %select_n3A_156] : memref<64x512xf32, #tpu.memory_space<vmem>>[vector<16xi32>, vector<16xi32>], vector<16xf32>,
            tpu.vector_store_idx %arg12[%select_n3A_168, %broadcast_in_dim3A_350], %gather3A_351 : memref<144x128xf32, #tpu.memory_space<vmem>>[vector<16xi32>, vector<16xi32>], vector<16xf32>,
            %broadcast_in_dim3A_352 = arith.constant 60 : i32
            %broadcast_in_dim3A_353 = vector.broadcast %broadcast_in_dim3A_352 : i32 to vector<16xi32>
            %gather3A_354 = tpu.vector_load_idx %arg10[%broadcast_in_dim3A_353, %select_n3A_156] : memref<64x512xf32, #tpu.memory_space<vmem>>[vector<16xi32>, vector<16xi32>], vector<16xf32>,
            tpu.vector_store_idx %arg12[%select_n3A_168, %broadcast_in_dim3A_353], %gather3A_354 : memref<144x128xf32, #tpu.memory_space<vmem>>[vector<16xi32>, vector<16xi32>], vector<16xf32>,
            %broadcast_in_dim3A_355 = arith.constant 61 : i32
            %broadcast_in_dim3A_356 = vector.broadcast %broadcast_in_dim3A_355 : i32 to vector<16xi32>
            %gather3A_357 = tpu.vector_load_idx %arg10[%broadcast_in_dim3A_356, %select_n3A_156] : memref<64x512xf32, #tpu.memory_space<vmem>>[vector<16xi32>, vector<16xi32>], vector<16xf32>,
            tpu.vector_store_idx %arg12[%select_n3A_168, %broadcast_in_dim3A_356], %gather3A_357 : memref<144x128xf32, #tpu.memory_space<vmem>>[vector<16xi32>, vector<16xi32>], vector<16xf32>,
            %broadcast_in_dim3A_358 = arith.constant 62 : i32
            %broadcast_in_dim3A_359 = vector.broadcast %broadcast_in_dim3A_358 : i32 to vector<16xi32>
            %gather3A_360 = tpu.vector_load_idx %arg10[%broadcast_in_dim3A_359, %select_n3A_156] : memref<64x512xf32, #tpu.memory_space<vmem>>[vector<16xi32>, vector<16xi32>], vector<16xf32>,
            tpu.vector_store_idx %arg12[%select_n3A_168, %broadcast_in_dim3A_359], %gather3A_360 : memref<144x128xf32, #tpu.memory_space<vmem>>[vector<16xi32>, vector<16xi32>], vector<16xf32>,
            %broadcast_in_dim3A_361 = arith.constant 63 : i32
            %broadcast_in_dim3A_362 = vector.broadcast %broadcast_in_dim3A_361 : i32 to vector<16xi32>
            %gather3A_363 = tpu.vector_load_idx %arg10[%broadcast_in_dim3A_362, %select_n3A_156] : memref<64x512xf32, #tpu.memory_space<vmem>>[vector<16xi32>, vector<16xi32>], vector<16xf32>,
            tpu.vector_store_idx %arg12[%select_n3A_168, %broadcast_in_dim3A_362], %gather3A_363 : memref<144x128xf32, #tpu.memory_space<vmem>>[vector<16xi32>, vector<16xi32>], vector<16xf32>,
            %slice3A = vector.extract_strided_slice %masked_cumsum3A {offsets = [15], sizes = [1], strides = [1]} : vector<16xi32> to vector<1xi32>
            %squeeze3A = vector.extract %slice3A[0] : i32 from vector<1xi32>
            %add3A_364 = arith.addi %cond3A_142, %squeeze3A : i32
            scf.yield %add3A_364 : i32
          }
          %add3A_134 = arith.constant 2048 : i32
          %add3A_135 = arith.addi %while3A_103, %add3A_134 : i32
          scf.yield %add3A_135, %while3A_133 : i32, i32
        }
        %add3A_97 = arith.constant 2 : i32
        %add3A_98 = arith.addi %add3A_42, %add3A_97 : i32
        %lt3A_99 = arith.cmpi slt, %add3A_98, %select_n3A : i32
        %convert_element_type3A_100 = arith.extui %lt3A_99 : i1 to i32
        %cond3A_101 = arith.constant 0 : i32
        %cond3A_102 = arith.cmpi ne, %convert_element_type3A_100, %cond3A_101 : i32
        scf.if %cond3A_102 {
          %add3A_103 = arith.constant 2 : i32
          %add3A_104 = arith.addi %add3A_42, %add3A_103 : i32
          %mul3A_105 = arith.constant 32 : i32
          %mul3A_106 = arith.muli %add3A_104, %mul3A_105 : i32
          %add3A_107 = arith.addi %mul3A_106, %add3A : i32
          %mul3A_108 = arith.constant 512 : i32
          %mul3A_109 = arith.muli %add3A_107, %mul3A_108 : i32
          %multiple_of3A_110 = tpu.assume_multiple %mul3A_109, 128 : i32
          %dma_start3A_111 = arith.constant 0 : i32
          %dma_start3A_112 = tpu.memref_slice %arg2[%dma_start3A_111, %multiple_of3A_110] : memref<64x1000000xf32, #tpu.memory_space<hbm>> -> memref<64x512xf32, #tpu.memory_space<hbm>>
          %dma_start3A_113 = arith.constant 0 : i32
          %dma_start3A_114 = tpu.memref_slice %arg2[%dma_start3A_113, %multiple_of3A_110] : memref<64x1000000xf32, #tpu.memory_space<hbm>> -> memref<64x512xf32, #tpu.memory_space<hbm>>
          tpu.enqueue_dma source(%dma_start3A_114 : memref<64x512xf32, #tpu.memory_space<hbm>>) target(%arg10 : memref<64x512xf32, #tpu.memory_space<vmem>>) target_semaphore(%arg14 : memref<!tpu.dma_semaphore, #tpu.memory_space<semaphore_mem>>)
        } else {
        }
        scf.yield %while3A_96#1 : i32
      } else {
        scf.yield %scan3A_38 : i32
      }
      %mul3A_48 = arith.constant 2 : i32
      %mul3A_49 = arith.muli %mul3A_48, %scan3A_37 : i32
      %add3A_50 = arith.constant 1 : i32
      %add3A_51 = arith.addi %mul3A_49, %add3A_50 : i32
      %lt3A_52 = arith.cmpi slt, %add3A_51, %select_n3A : i32
      %convert_element_type3A_53 = arith.extui %lt3A_52 : i1 to i32
      %cond3A_54 = arith.constant 0 : i32
      %cond3A_55 = arith.cmpi ne, %convert_element_type3A_53, %cond3A_54 : i32
      %cond3A_56 = scf.if %cond3A_55 -> (i32) {
        %mul3A_57 = arith.constant 32 : i32
        %mul3A_58 = arith.muli %add3A_51, %mul3A_57 : i32
        %add3A_59 = arith.addi %mul3A_58, %add3A : i32
        %mul3A_60 = arith.constant 512 : i32
        %mul3A_61 = arith.muli %add3A_59, %mul3A_60 : i32
        %while3A = arith.constant 0 : i32
        %while3A_62 = arith.constant 0 : i32
        %while3A_63 = arith.constant 0 : i32
        %while3A_64 = arith.subi %shift_right_arithmetic3A_27, %while3A_62 : i32
        %while3A_65 = arith.addi %while3A_62, %while3A_64 : i32
        %while3A_66 = arith.constant 1 : i32
        %while3A_67 = arith.divsi %while3A_64, %while3A_66 : i32
        %while3A_68 = arith.muli %while3A_67, %while3A_66 : i32
        %while3A_69 = arith.addi %while3A_62, %while3A_68 : i32
        %while3A_70 = arith.constant 1 : i32
        %while3A_71 = scf.for %while3A_103 = %while3A_62 to %while3A_69 step %while3A_70 iter_args(%while3A_104 = %while3A_63) -> (i32)  : i32 {
          %mul3A_105 = arith.constant 16 : i32
          %mul3A_106 = arith.muli %while3A_103, %mul3A_105 : i32
          %add3A_107 = vector.broadcast %mul3A_106 : i32 to vector<16xi32>
          %add3A_108 = arith.addi %add3A_107, %iota3A : vector<16xi32>
          %min3A_109 = arith.constant 16383 : i32
          %min3A_110 = vector.broadcast %min3A_109 : i32 to vector<16xi32>
          %min3A_111 = arith.minsi %add3A_108, %min3A_110 : vector<16xi32>
          %gather3A = tpu.vector_load_idx %arg6[%min3A_111] : memref<16400xi32, #tpu.memory_space<vmem>>[vector<16xi32>], vector<16xi32>,
          %gather3A_112 = tpu.vector_load_idx %arg7[%min3A_111] : memref<16400xi32, #tpu.memory_space<vmem>>[vector<16xi32>], vector<16xi32>,
          %lt3A_113 = vector.broadcast %scan3A_23 : i32 to vector<16xi32>
          %lt3A_114 = arith.cmpi slt, %add3A_108, %lt3A_113 : vector<16xi32>
          %shift_right_arithmetic3A_115 = arith.constant 9 : i32
          %shift_right_arithmetic3A_116 = vector.broadcast %shift_right_arithmetic3A_115 : i32 to vector<16xi32>
          %shift_right_arithmetic3A_117 = arith.shrsi %gather3A, %shift_right_arithmetic3A_116 : vector<16xi32>
          %eq3A = vector.broadcast %add3A_59 : i32 to vector<16xi32>
          %eq3A_118 = arith.cmpi eq, %shift_right_arithmetic3A_117, %eq3A : vector<16xi32>
          %and3A = arith.andi %lt3A_114, %eq3A_118 : vector<16xi1>
          %convert_element_type3A_119 = arith.extui %and3A : vector<16xi1> to vector<16xi32>
          %broadcast_in_dim3A = arith.constant true
          %broadcast_in_dim3A_120 = vector.broadcast %broadcast_in_dim3A : i1 to vector<16xi1>
          %masked_cumsum3A = tpu.scan <sum>, %convert_element_type3A_119 masked %broadcast_in_dim3A_120 : vector<16xi32>, vector<16xi1> -> vector<16xi32>
          %add3A_121 = vector.broadcast %while3A_104 : i32 to vector<16xi32>
          %add3A_122 = arith.addi %add3A_121, %masked_cumsum3A : vector<16xi32>
          %sub3A = arith.constant 1 : i32
          %sub3A_123 = vector.broadcast %sub3A : i32 to vector<16xi32>
          %sub3A_124 = arith.subi %add3A_122, %sub3A_123 : vector<16xi32>
          %sub3A_125 = vector.broadcast %while3A : i32 to vector<16xi32>
          %sub3A_126 = arith.subi %sub3A_124, %sub3A_125 : vector<16xi32>
          %ge3A = arith.constant 0 : i32
          %ge3A_127 = vector.broadcast %ge3A : i32 to vector<16xi32>
          %ge3A_128 = arith.cmpi sge, %sub3A_126, %ge3A_127 : vector<16xi32>
          %and3A_129 = arith.andi %and3A, %ge3A_128 : vector<16xi1>
          %lt3A_130 = arith.constant 2048 : i32
          %lt3A_131 = vector.broadcast %lt3A_130 : i32 to vector<16xi32>
          %lt3A_132 = arith.cmpi slt, %sub3A_126, %lt3A_131 : vector<16xi32>
          %and3A_133 = arith.andi %and3A_129, %lt3A_132 : vector<16xi1>
          tpu.vector_store_idx %arg8[%sub3A_126], %gather3A masked %and3A_133 : memref<2048xi32, #tpu.memory_space<vmem>>[vector<16xi32>], vector<16xi32>, vector<16xi1>
          tpu.vector_store_idx %arg9[%sub3A_126], %gather3A_112 masked %and3A_133 : memref<2048xi32, #tpu.memory_space<vmem>>[vector<16xi32>], vector<16xi32>, vector<16xi1>
          %slice3A = vector.extract_strided_slice %masked_cumsum3A {offsets = [15], sizes = [1], strides = [1]} : vector<16xi32> to vector<1xi32>
          %squeeze3A = vector.extract %slice3A[0] : i32 from vector<1xi32>
          %add3A_134 = arith.addi %while3A_104, %squeeze3A : i32
          scf.yield %add3A_134 : i32
        }
        %while3A_72 = arith.constant 1 : i32
        %while3A_73 = scf.for %while3A_103 = %while3A_69 to %while3A_65 step %while3A_72 iter_args(%while3A_104 = %while3A_71) -> (i32)  : i32 {
          %mul3A_105 = arith.constant 16 : i32
          %mul3A_106 = arith.muli %while3A_103, %mul3A_105 : i32
          %add3A_107 = vector.broadcast %mul3A_106 : i32 to vector<16xi32>
          %add3A_108 = arith.addi %add3A_107, %iota3A : vector<16xi32>
          %min3A_109 = arith.constant 16383 : i32
          %min3A_110 = vector.broadcast %min3A_109 : i32 to vector<16xi32>
          %min3A_111 = arith.minsi %add3A_108, %min3A_110 : vector<16xi32>
          %gather3A = tpu.vector_load_idx %arg6[%min3A_111] : memref<16400xi32, #tpu.memory_space<vmem>>[vector<16xi32>], vector<16xi32>,
          %gather3A_112 = tpu.vector_load_idx %arg7[%min3A_111] : memref<16400xi32, #tpu.memory_space<vmem>>[vector<16xi32>], vector<16xi32>,
          %lt3A_113 = vector.broadcast %scan3A_23 : i32 to vector<16xi32>
          %lt3A_114 = arith.cmpi slt, %add3A_108, %lt3A_113 : vector<16xi32>
          %shift_right_arithmetic3A_115 = arith.constant 9 : i32
          %shift_right_arithmetic3A_116 = vector.broadcast %shift_right_arithmetic3A_115 : i32 to vector<16xi32>
          %shift_right_arithmetic3A_117 = arith.shrsi %gather3A, %shift_right_arithmetic3A_116 : vector<16xi32>
          %eq3A = vector.broadcast %add3A_59 : i32 to vector<16xi32>
          %eq3A_118 = arith.cmpi eq, %shift_right_arithmetic3A_117, %eq3A : vector<16xi32>
          %and3A = arith.andi %lt3A_114, %eq3A_118 : vector<16xi1>
          %convert_element_type3A_119 = arith.extui %and3A : vector<16xi1> to vector<16xi32>
          %broadcast_in_dim3A = arith.constant true
          %broadcast_in_dim3A_120 = vector.broadcast %broadcast_in_dim3A : i1 to vector<16xi1>
          %masked_cumsum3A = tpu.scan <sum>, %convert_element_type3A_119 masked %broadcast_in_dim3A_120 : vector<16xi32>, vector<16xi1> -> vector<16xi32>
          %add3A_121 = vector.broadcast %while3A_104 : i32 to vector<16xi32>
          %add3A_122 = arith.addi %add3A_121, %masked_cumsum3A : vector<16xi32>
          %sub3A = arith.constant 1 : i32
          %sub3A_123 = vector.broadcast %sub3A : i32 to vector<16xi32>
          %sub3A_124 = arith.subi %add3A_122, %sub3A_123 : vector<16xi32>
          %sub3A_125 = vector.broadcast %while3A : i32 to vector<16xi32>
          %sub3A_126 = arith.subi %sub3A_124, %sub3A_125 : vector<16xi32>
          %ge3A = arith.constant 0 : i32
          %ge3A_127 = vector.broadcast %ge3A : i32 to vector<16xi32>
          %ge3A_128 = arith.cmpi sge, %sub3A_126, %ge3A_127 : vector<16xi32>
          %and3A_129 = arith.andi %and3A, %ge3A_128 : vector<16xi1>
          %lt3A_130 = arith.constant 2048 : i32
          %lt3A_131 = vector.broadcast %lt3A_130 : i32 to vector<16xi32>
          %lt3A_132 = arith.cmpi slt, %sub3A_126, %lt3A_131 : vector<16xi32>
          %and3A_133 = arith.andi %and3A_129, %lt3A_132 : vector<16xi1>
          tpu.vector_store_idx %arg8[%sub3A_126], %gather3A masked %and3A_133 : memref<2048xi32, #tpu.memory_space<vmem>>[vector<16xi32>], vector<16xi32>, vector<16xi1>
          tpu.vector_store_idx %arg9[%sub3A_126], %gather3A_112 masked %and3A_133 : memref<2048xi32, #tpu.memory_space<vmem>>[vector<16xi32>], vector<16xi32>, vector<16xi1>
          %slice3A = vector.extract_strided_slice %masked_cumsum3A {offsets = [15], sizes = [1], strides = [1]} : vector<16xi32> to vector<1xi32>
          %squeeze3A = vector.extract %slice3A[0] : i32 from vector<1xi32>
          %add3A_134 = arith.addi %while3A_104, %squeeze3A : i32
          scf.yield %add3A_134 : i32
        }
        %dma_wait3A = arith.constant 0 : i32
        %dma_wait3A_74 = arith.constant 0 : i32
        %dma_wait3A_75 = tpu.memref_slice %arg2[%dma_wait3A, %dma_wait3A_74] : memref<64x1000000xf32, #tpu.memory_space<hbm>> -> memref<64x512xf32, #tpu.memory_space<hbm>>
        %dma_wait3A_76 = arith.constant 0 : i32
        %dma_wait3A_77 = arith.constant 0 : i32
        %dma_wait3A_78 = tpu.memref_slice %arg2[%dma_wait3A_76, %dma_wait3A_77] : memref<64x1000000xf32, #tpu.memory_space<hbm>> -> memref<64x512xf32, #tpu.memory_space<hbm>>
        tpu.wait_dma2 semaphore(%arg15 : memref<!tpu.dma_semaphore, #tpu.memory_space<semaphore_mem>>) src(%dma_wait3A_78 : memref<64x512xf32, #tpu.memory_space<hbm>>) dst(%arg11 : memref<64x512xf32, #tpu.memory_space<vmem>>)
        %min3A = arith.constant 2048 : i32
        %min3A_79 = arith.minsi %while3A_73, %min3A : i32
        %add3A_80 = arith.constant 15 : i32
        %add3A_81 = arith.addi %min3A_79, %add3A_80 : i32
        %shift_right_arithmetic3A_82 = arith.constant 4 : i32
        %shift_right_arithmetic3A_83 = arith.shrsi %add3A_81, %shift_right_arithmetic3A_82 : i32
        %while3A_84 = arith.constant 0 : i32
        %while3A_85 = arith.subi %shift_right_arithmetic3A_83, %while3A_84 : i32
        %while3A_86 = arith.addi %while3A_84, %while3A_85 : i32
        %while3A_87 = arith.constant 1 : i32
        %while3A_88 = arith.divsi %while3A_85, %while3A_87 : i32
        %while3A_89 = arith.muli %while3A_88, %while3A_87 : i32
        %while3A_90 = arith.addi %while3A_84, %while3A_89 : i32
        %while3A_91 = arith.constant 1 : i32
        %while3A_92 = scf.for %while3A_103 = %while3A_84 to %while3A_90 step %while3A_91 iter_args(%while3A_104 = %cond3A_47) -> (i32)  : i32 {
          %ge3A = arith.constant 112 : i32
          %ge3A_105 = arith.cmpi sge, %while3A_104, %ge3A : i32
          %convert_element_type3A_106 = arith.extui %ge3A_105 : i1 to i32
          %cond3A_107 = arith.constant 0 : i32
          %cond3A_108 = arith.cmpi ne, %convert_element_type3A_106, %cond3A_107 : i32
          %cond3A_109 = scf.if %cond3A_108 -> (i32) {
            %add3A_331 = vector.broadcast %while3A_104 : i32 to vector<16xi32>
            %add3A_332 = arith.addi %add3A_331, %iota3A : vector<16xi32>
            %lt3A_333 = arith.constant 128 : i32
            %lt3A_334 = vector.broadcast %lt3A_333 : i32 to vector<16xi32>
            %lt3A_335 = arith.cmpi slt, %add3A_332, %lt3A_334 : vector<16xi32>
            %min3A_336 = arith.constant 127 : i32
            %min3A_337 = vector.broadcast %min3A_336 : i32 to vector<16xi32>
            %min3A_338 = arith.minsi %add3A_332, %min3A_337 : vector<16xi32>
            %add3A_339 = arith.constant 16384 : i32
            %add3A_340 = vector.broadcast %add3A_339 : i32 to vector<16xi32>
            %add3A_341 = arith.addi %add3A_340, %iota3A : vector<16xi32>
            tpu.vector_store_idx %arg13[%min3A_338], %add3A_341 masked %lt3A_335 : memref<128xi32, #tpu.memory_space<vmem>>[vector<16xi32>], vector<16xi32>, vector<16xi1>
            "tpu.region"() ({
              %run_scoped3A = tpu.sem_alloc : memref<!tpu.dma_semaphore, #tpu.memory_space<semaphore_mem>>
              %dma_start3A_343 = arith.constant 0 : i32
              %dma_start3A_344 = arith.constant 0 : i32
              %dma_start3A_345 = tpu.memref_slice %arg12[%dma_start3A_343, %dma_start3A_344] : memref<144x128xf32, #tpu.memory_space<vmem>> -> memref<128x128xf32, #tpu.memory_space<vmem>>
              %dma_start3A_346 = arith.constant 0 : i32
              %dma_start3A_347 = arith.constant 0 : i32
              %dma_start3A_348 = tpu.memref_slice %arg4[%dma_start3A_346, %dma_start3A_347] : memref<16512x128xf32, #tpu.memory_space<hbm>> -> memref<16512x128xf32, #tpu.memory_space<hbm>>
              tpu.enqueue_indirect_dma source(%dma_start3A_345 : memref<128x128xf32, #tpu.memory_space<vmem>>) target(%dma_start3A_348 : memref<16512x128xf32, #tpu.memory_space<hbm>>) offsets(%arg13 : memref<128xi32, #tpu.memory_space<vmem>>) semaphore(%run_scoped3A : memref<!tpu.dma_semaphore, #tpu.memory_space<semaphore_mem>>)
              %dma_wait3A_349 = arith.constant 0 : i32
              %dma_wait3A_350 = arith.constant 0 : i32
              %dma_wait3A_351 = tpu.memref_slice %arg12[%dma_wait3A_349, %dma_wait3A_350] : memref<144x128xf32, #tpu.memory_space<vmem>> -> memref<128x128xf32, #tpu.memory_space<vmem>>
              %dma_wait3A_352 = arith.constant 0 : i32
              %dma_wait3A_353 = arith.constant 0 : i32
              %dma_wait3A_354 = tpu.memref_slice %arg4[%dma_wait3A_352, %dma_wait3A_353] : memref<16512x128xf32, #tpu.memory_space<hbm>> -> memref<16512x128xf32, #tpu.memory_space<hbm>>
              tpu.wait_indirect_dma semaphore(%run_scoped3A : memref<!tpu.dma_semaphore, #tpu.memory_space<semaphore_mem>>) src(%dma_wait3A_351 : memref<128x128xf32, #tpu.memory_space<vmem>>) dst(%dma_wait3A_354 : memref<16512x128xf32, #tpu.memory_space<hbm>>)
              tpu.yield
            }) : () -> ()
            %cond3A_342 = arith.constant 0 : i32
            scf.yield %cond3A_342 : i32
          } else {
            scf.yield %while3A_104 : i32
          }
          %mul3A_110 = arith.constant 16 : i32
          %mul3A_111 = arith.muli %while3A_103, %mul3A_110 : i32
          %add3A_112 = vector.broadcast %mul3A_111 : i32 to vector<16xi32>
          %add3A_113 = arith.addi %add3A_112, %iota3A : vector<16xi32>
          %lt3A_114 = vector.broadcast %min3A_79 : i32 to vector<16xi32>
          %lt3A_115 = arith.cmpi slt, %add3A_113, %lt3A_114 : vector<16xi32>
          %min3A_116 = arith.constant 2047 : i32
          %min3A_117 = vector.broadcast %min3A_116 : i32 to vector<16xi32>
          %min3A_118 = arith.minsi %add3A_113, %min3A_117 : vector<16xi32>
          %gather3A = tpu.vector_load_idx %arg8[%min3A_118] : memref<2048xi32, #tpu.memory_space<vmem>>[vector<16xi32>], vector<16xi32>,
          %gather3A_119 = tpu.vector_load_idx %arg9[%min3A_118] : memref<2048xi32, #tpu.memory_space<vmem>>[vector<16xi32>], vector<16xi32>,
          %sub3A = vector.broadcast %mul3A_61 : i32 to vector<16xi32>
          %sub3A_120 = arith.subi %gather3A, %sub3A : vector<16xi32>
          %jit3A_121 = arith.constant 0 : i32
          %broadcast_in_dim3A = vector.broadcast %jit3A_121 : i32 to vector<16xi32>
          %select_n3A_122 = arith.select %lt3A_115, %sub3A_120, %broadcast_in_dim3A : vector<16xi1>, vector<16xi32>
          %convert_element_type3A_123 = arith.extui %lt3A_115 : vector<16xi1> to vector<16xi32>
          %broadcast_in_dim3A_124 = arith.constant true
          %broadcast_in_dim3A_125 = vector.broadcast %broadcast_in_dim3A_124 : i1 to vector<16xi1>
          %masked_cumsum3A = tpu.scan <sum>, %convert_element_type3A_123 masked %broadcast_in_dim3A_125 : vector<16xi32>, vector<16xi1> -> vector<16xi32>
          %add3A_126 = vector.broadcast %cond3A_109 : i32 to vector<16xi32>
          %add3A_127 = arith.addi %add3A_126, %masked_cumsum3A : vector<16xi32>
          %sub3A_128 = arith.constant 1 : i32
          %sub3A_129 = vector.broadcast %sub3A_128 : i32 to vector<16xi32>
          %sub3A_130 = arith.subi %add3A_127, %sub3A_129 : vector<16xi32>
          %add3A_131 = arith.constant 128 : i32
          %add3A_132 = vector.broadcast %add3A_131 : i32 to vector<16xi32>
          %add3A_133 = arith.addi %add3A_132, %iota3A : vector<16xi32>
          %select_n3A_134 = arith.select %lt3A_115, %sub3A_130, %add3A_133 : vector<16xi1>, vector<16xi32>
          %min3A_135 = arith.constant 127 : i32
          %min3A_136 = vector.broadcast %min3A_135 : i32 to vector<16xi32>
          %min3A_137 = arith.minsi %select_n3A_134, %min3A_136 : vector<16xi32>
          tpu.vector_store_idx %arg13[%min3A_137], %gather3A_119 masked %lt3A_115 : memref<128xi32, #tpu.memory_space<vmem>>[vector<16xi32>], vector<16xi32>, vector<16xi1>
          %broadcast_in_dim3A_138 = arith.constant 0 : i32
          %broadcast_in_dim3A_139 = vector.broadcast %broadcast_in_dim3A_138 : i32 to vector<16xi32>
          %gather3A_140 = tpu.vector_load_idx %arg11[%broadcast_in_dim3A_139, %select_n3A_122] : memref<64x512xf32, #tpu.memory_space<vmem>>[vector<16xi32>, vector<16xi32>], vector<16xf32>,
          tpu.vector_store_idx %arg12[%select_n3A_134, %broadcast_in_dim3A_139], %gather3A_140 : memref<144x128xf32, #tpu.memory_space<vmem>>[vector<16xi32>, vector<16xi32>], vector<16xf32>,
          %broadcast_in_dim3A_141 = arith.constant 1 : i32
          %broadcast_in_dim3A_142 = vector.broadcast %broadcast_in_dim3A_141 : i32 to vector<16xi32>
          %gather3A_143 = tpu.vector_load_idx %arg11[%broadcast_in_dim3A_142, %select_n3A_122] : memref<64x512xf32, #tpu.memory_space<vmem>>[vector<16xi32>, vector<16xi32>], vector<16xf32>,
          tpu.vector_store_idx %arg12[%select_n3A_134, %broadcast_in_dim3A_142], %gather3A_143 : memref<144x128xf32, #tpu.memory_space<vmem>>[vector<16xi32>, vector<16xi32>], vector<16xf32>,
          %broadcast_in_dim3A_144 = arith.constant 2 : i32
          %broadcast_in_dim3A_145 = vector.broadcast %broadcast_in_dim3A_144 : i32 to vector<16xi32>
          %gather3A_146 = tpu.vector_load_idx %arg11[%broadcast_in_dim3A_145, %select_n3A_122] : memref<64x512xf32, #tpu.memory_space<vmem>>[vector<16xi32>, vector<16xi32>], vector<16xf32>,
          tpu.vector_store_idx %arg12[%select_n3A_134, %broadcast_in_dim3A_145], %gather3A_146 : memref<144x128xf32, #tpu.memory_space<vmem>>[vector<16xi32>, vector<16xi32>], vector<16xf32>,
          %broadcast_in_dim3A_147 = arith.constant 3 : i32
          %broadcast_in_dim3A_148 = vector.broadcast %broadcast_in_dim3A_147 : i32 to vector<16xi32>
          %gather3A_149 = tpu.vector_load_idx %arg11[%broadcast_in_dim3A_148, %select_n3A_122] : memref<64x512xf32, #tpu.memory_space<vmem>>[vector<16xi32>, vector<16xi32>], vector<16xf32>,
          tpu.vector_store_idx %arg12[%select_n3A_134, %broadcast_in_dim3A_148], %gather3A_149 : memref<144x128xf32, #tpu.memory_space<vmem>>[vector<16xi32>, vector<16xi32>], vector<16xf32>,
          %broadcast_in_dim3A_150 = arith.constant 4 : i32
          %broadcast_in_dim3A_151 = vector.broadcast %broadcast_in_dim3A_150 : i32 to vector<16xi32>
          %gather3A_152 = tpu.vector_load_idx %arg11[%broadcast_in_dim3A_151, %select_n3A_122] : memref<64x512xf32, #tpu.memory_space<vmem>>[vector<16xi32>, vector<16xi32>], vector<16xf32>,
          tpu.vector_store_idx %arg12[%select_n3A_134, %broadcast_in_dim3A_151], %gather3A_152 : memref<144x128xf32, #tpu.memory_space<vmem>>[vector<16xi32>, vector<16xi32>], vector<16xf32>,
          %broadcast_in_dim3A_153 = arith.constant 5 : i32
          %broadcast_in_dim3A_154 = vector.broadcast %broadcast_in_dim3A_153 : i32 to vector<16xi32>
          %gather3A_155 = tpu.vector_load_idx %arg11[%broadcast_in_dim3A_154, %select_n3A_122] : memref<64x512xf32, #tpu.memory_space<vmem>>[vector<16xi32>, vector<16xi32>], vector<16xf32>,
          tpu.vector_store_idx %arg12[%select_n3A_134, %broadcast_in_dim3A_154], %gather3A_155 : memref<144x128xf32, #tpu.memory_space<vmem>>[vector<16xi32>, vector<16xi32>], vector<16xf32>,
          %broadcast_in_dim3A_156 = arith.constant 6 : i32
          %broadcast_in_dim3A_157 = vector.broadcast %broadcast_in_dim3A_156 : i32 to vector<16xi32>
          %gather3A_158 = tpu.vector_load_idx %arg11[%broadcast_in_dim3A_157, %select_n3A_122] : memref<64x512xf32, #tpu.memory_space<vmem>>[vector<16xi32>, vector<16xi32>], vector<16xf32>,
          tpu.vector_store_idx %arg12[%select_n3A_134, %broadcast_in_dim3A_157], %gather3A_158 : memref<144x128xf32, #tpu.memory_space<vmem>>[vector<16xi32>, vector<16xi32>], vector<16xf32>,
          %broadcast_in_dim3A_159 = arith.constant 7 : i32
          %broadcast_in_dim3A_160 = vector.broadcast %broadcast_in_dim3A_159 : i32 to vector<16xi32>
          %gather3A_161 = tpu.vector_load_idx %arg11[%broadcast_in_dim3A_160, %select_n3A_122] : memref<64x512xf32, #tpu.memory_space<vmem>>[vector<16xi32>, vector<16xi32>], vector<16xf32>,
          tpu.vector_store_idx %arg12[%select_n3A_134, %broadcast_in_dim3A_160], %gather3A_161 : memref<144x128xf32, #tpu.memory_space<vmem>>[vector<16xi32>, vector<16xi32>], vector<16xf32>,
          %broadcast_in_dim3A_162 = arith.constant 8 : i32
          %broadcast_in_dim3A_163 = vector.broadcast %broadcast_in_dim3A_162 : i32 to vector<16xi32>
          %gather3A_164 = tpu.vector_load_idx %arg11[%broadcast_in_dim3A_163, %select_n3A_122] : memref<64x512xf32, #tpu.memory_space<vmem>>[vector<16xi32>, vector<16xi32>], vector<16xf32>,
          tpu.vector_store_idx %arg12[%select_n3A_134, %broadcast_in_dim3A_163], %gather3A_164 : memref<144x128xf32, #tpu.memory_space<vmem>>[vector<16xi32>, vector<16xi32>], vector<16xf32>,
          %broadcast_in_dim3A_165 = arith.constant 9 : i32
          %broadcast_in_dim3A_166 = vector.broadcast %broadcast_in_dim3A_165 : i32 to vector<16xi32>
          %gather3A_167 = tpu.vector_load_idx %arg11[%broadcast_in_dim3A_166, %select_n3A_122] : memref<64x512xf32, #tpu.memory_space<vmem>>[vector<16xi32>, vector<16xi32>], vector<16xf32>,
          tpu.vector_store_idx %arg12[%select_n3A_134, %broadcast_in_dim3A_166], %gather3A_167 : memref<144x128xf32, #tpu.memory_space<vmem>>[vector<16xi32>, vector<16xi32>], vector<16xf32>,
          %broadcast_in_dim3A_168 = arith.constant 10 : i32
          %broadcast_in_dim3A_169 = vector.broadcast %broadcast_in_dim3A_168 : i32 to vector<16xi32>
          %gather3A_170 = tpu.vector_load_idx %arg11[%broadcast_in_dim3A_169, %select_n3A_122] : memref<64x512xf32, #tpu.memory_space<vmem>>[vector<16xi32>, vector<16xi32>], vector<16xf32>,
          tpu.vector_store_idx %arg12[%select_n3A_134, %broadcast_in_dim3A_169], %gather3A_170 : memref<144x128xf32, #tpu.memory_space<vmem>>[vector<16xi32>, vector<16xi32>], vector<16xf32>,
          %broadcast_in_dim3A_171 = arith.constant 11 : i32
          %broadcast_in_dim3A_172 = vector.broadcast %broadcast_in_dim3A_171 : i32 to vector<16xi32>
          %gather3A_173 = tpu.vector_load_idx %arg11[%broadcast_in_dim3A_172, %select_n3A_122] : memref<64x512xf32, #tpu.memory_space<vmem>>[vector<16xi32>, vector<16xi32>], vector<16xf32>,
          tpu.vector_store_idx %arg12[%select_n3A_134, %broadcast_in_dim3A_172], %gather3A_173 : memref<144x128xf32, #tpu.memory_space<vmem>>[vector<16xi32>, vector<16xi32>], vector<16xf32>,
          %broadcast_in_dim3A_174 = arith.constant 12 : i32
          %broadcast_in_dim3A_175 = vector.broadcast %broadcast_in_dim3A_174 : i32 to vector<16xi32>
          %gather3A_176 = tpu.vector_load_idx %arg11[%broadcast_in_dim3A_175, %select_n3A_122] : memref<64x512xf32, #tpu.memory_space<vmem>>[vector<16xi32>, vector<16xi32>], vector<16xf32>,
          tpu.vector_store_idx %arg12[%select_n3A_134, %broadcast_in_dim3A_175], %gather3A_176 : memref<144x128xf32, #tpu.memory_space<vmem>>[vector<16xi32>, vector<16xi32>], vector<16xf32>,
          %broadcast_in_dim3A_177 = arith.constant 13 : i32
          %broadcast_in_dim3A_178 = vector.broadcast %broadcast_in_dim3A_177 : i32 to vector<16xi32>
          %gather3A_179 = tpu.vector_load_idx %arg11[%broadcast_in_dim3A_178, %select_n3A_122] : memref<64x512xf32, #tpu.memory_space<vmem>>[vector<16xi32>, vector<16xi32>], vector<16xf32>,
          tpu.vector_store_idx %arg12[%select_n3A_134, %broadcast_in_dim3A_178], %gather3A_179 : memref<144x128xf32, #tpu.memory_space<vmem>>[vector<16xi32>, vector<16xi32>], vector<16xf32>,
          %broadcast_in_dim3A_180 = arith.constant 14 : i32
          %broadcast_in_dim3A_181 = vector.broadcast %broadcast_in_dim3A_180 : i32 to vector<16xi32>
          %gather3A_182 = tpu.vector_load_idx %arg11[%broadcast_in_dim3A_181, %select_n3A_122] : memref<64x512xf32, #tpu.memory_space<vmem>>[vector<16xi32>, vector<16xi32>], vector<16xf32>,
          tpu.vector_store_idx %arg12[%select_n3A_134, %broadcast_in_dim3A_181], %gather3A_182 : memref<144x128xf32, #tpu.memory_space<vmem>>[vector<16xi32>, vector<16xi32>], vector<16xf32>,
          %broadcast_in_dim3A_183 = arith.constant 15 : i32
          %broadcast_in_dim3A_184 = vector.broadcast %broadcast_in_dim3A_183 : i32 to vector<16xi32>
          %gather3A_185 = tpu.vector_load_idx %arg11[%broadcast_in_dim3A_184, %select_n3A_122] : memref<64x512xf32, #tpu.memory_space<vmem>>[vector<16xi32>, vector<16xi32>], vector<16xf32>,
          tpu.vector_store_idx %arg12[%select_n3A_134, %broadcast_in_dim3A_184], %gather3A_185 : memref<144x128xf32, #tpu.memory_space<vmem>>[vector<16xi32>, vector<16xi32>], vector<16xf32>,
          %broadcast_in_dim3A_186 = arith.constant 16 : i32
          %broadcast_in_dim3A_187 = vector.broadcast %broadcast_in_dim3A_186 : i32 to vector<16xi32>
          %gather3A_188 = tpu.vector_load_idx %arg11[%broadcast_in_dim3A_187, %select_n3A_122] : memref<64x512xf32, #tpu.memory_space<vmem>>[vector<16xi32>, vector<16xi32>], vector<16xf32>,
          tpu.vector_store_idx %arg12[%select_n3A_134, %broadcast_in_dim3A_187], %gather3A_188 : memref<144x128xf32, #tpu.memory_space<vmem>>[vector<16xi32>, vector<16xi32>], vector<16xf32>,
          %broadcast_in_dim3A_189 = arith.constant 17 : i32
          %broadcast_in_dim3A_190 = vector.broadcast %broadcast_in_dim3A_189 : i32 to vector<16xi32>
          %gather3A_191 = tpu.vector_load_idx %arg11[%broadcast_in_dim3A_190, %select_n3A_122] : memref<64x512xf32, #tpu.memory_space<vmem>>[vector<16xi32>, vector<16xi32>], vector<16xf32>,
          tpu.vector_store_idx %arg12[%select_n3A_134, %broadcast_in_dim3A_190], %gather3A_191 : memref<144x128xf32, #tpu.memory_space<vmem>>[vector<16xi32>, vector<16xi32>], vector<16xf32>,
          %broadcast_in_dim3A_192 = arith.constant 18 : i32
          %broadcast_in_dim3A_193 = vector.broadcast %broadcast_in_dim3A_192 : i32 to vector<16xi32>
          %gather3A_194 = tpu.vector_load_idx %arg11[%broadcast_in_dim3A_193, %select_n3A_122] : memref<64x512xf32, #tpu.memory_space<vmem>>[vector<16xi32>, vector<16xi32>], vector<16xf32>,
          tpu.vector_store_idx %arg12[%select_n3A_134, %broadcast_in_dim3A_193], %gather3A_194 : memref<144x128xf32, #tpu.memory_space<vmem>>[vector<16xi32>, vector<16xi32>], vector<16xf32>,
          %broadcast_in_dim3A_195 = arith.constant 19 : i32
          %broadcast_in_dim3A_196 = vector.broadcast %broadcast_in_dim3A_195 : i32 to vector<16xi32>
          %gather3A_197 = tpu.vector_load_idx %arg11[%broadcast_in_dim3A_196, %select_n3A_122] : memref<64x512xf32, #tpu.memory_space<vmem>>[vector<16xi32>, vector<16xi32>], vector<16xf32>,
          tpu.vector_store_idx %arg12[%select_n3A_134, %broadcast_in_dim3A_196], %gather3A_197 : memref<144x128xf32, #tpu.memory_space<vmem>>[vector<16xi32>, vector<16xi32>], vector<16xf32>,
          %broadcast_in_dim3A_198 = arith.constant 20 : i32
          %broadcast_in_dim3A_199 = vector.broadcast %broadcast_in_dim3A_198 : i32 to vector<16xi32>
          %gather3A_200 = tpu.vector_load_idx %arg11[%broadcast_in_dim3A_199, %select_n3A_122] : memref<64x512xf32, #tpu.memory_space<vmem>>[vector<16xi32>, vector<16xi32>], vector<16xf32>,
          tpu.vector_store_idx %arg12[%select_n3A_134, %broadcast_in_dim3A_199], %gather3A_200 : memref<144x128xf32, #tpu.memory_space<vmem>>[vector<16xi32>, vector<16xi32>], vector<16xf32>,
          %broadcast_in_dim3A_201 = arith.constant 21 : i32
          %broadcast_in_dim3A_202 = vector.broadcast %broadcast_in_dim3A_201 : i32 to vector<16xi32>
          %gather3A_203 = tpu.vector_load_idx %arg11[%broadcast_in_dim3A_202, %select_n3A_122] : memref<64x512xf32, #tpu.memory_space<vmem>>[vector<16xi32>, vector<16xi32>], vector<16xf32>,
          tpu.vector_store_idx %arg12[%select_n3A_134, %broadcast_in_dim3A_202], %gather3A_203 : memref<144x128xf32, #tpu.memory_space<vmem>>[vector<16xi32>, vector<16xi32>], vector<16xf32>,
          %broadcast_in_dim3A_204 = arith.constant 22 : i32
          %broadcast_in_dim3A_205 = vector.broadcast %broadcast_in_dim3A_204 : i32 to vector<16xi32>
          %gather3A_206 = tpu.vector_load_idx %arg11[%broadcast_in_dim3A_205, %select_n3A_122] : memref<64x512xf32, #tpu.memory_space<vmem>>[vector<16xi32>, vector<16xi32>], vector<16xf32>,
          tpu.vector_store_idx %arg12[%select_n3A_134, %broadcast_in_dim3A_205], %gather3A_206 : memref<144x128xf32, #tpu.memory_space<vmem>>[vector<16xi32>, vector<16xi32>], vector<16xf32>,
          %broadcast_in_dim3A_207 = arith.constant 23 : i32
          %broadcast_in_dim3A_208 = vector.broadcast %broadcast_in_dim3A_207 : i32 to vector<16xi32>
          %gather3A_209 = tpu.vector_load_idx %arg11[%broadcast_in_dim3A_208, %select_n3A_122] : memref<64x512xf32, #tpu.memory_space<vmem>>[vector<16xi32>, vector<16xi32>], vector<16xf32>,
          tpu.vector_store_idx %arg12[%select_n3A_134, %broadcast_in_dim3A_208], %gather3A_209 : memref<144x128xf32, #tpu.memory_space<vmem>>[vector<16xi32>, vector<16xi32>], vector<16xf32>,
          %broadcast_in_dim3A_210 = arith.constant 24 : i32
          %broadcast_in_dim3A_211 = vector.broadcast %broadcast_in_dim3A_210 : i32 to vector<16xi32>
          %gather3A_212 = tpu.vector_load_idx %arg11[%broadcast_in_dim3A_211, %select_n3A_122] : memref<64x512xf32, #tpu.memory_space<vmem>>[vector<16xi32>, vector<16xi32>], vector<16xf32>,
          tpu.vector_store_idx %arg12[%select_n3A_134, %broadcast_in_dim3A_211], %gather3A_212 : memref<144x128xf32, #tpu.memory_space<vmem>>[vector<16xi32>, vector<16xi32>], vector<16xf32>,
          %broadcast_in_dim3A_213 = arith.constant 25 : i32
          %broadcast_in_dim3A_214 = vector.broadcast %broadcast_in_dim3A_213 : i32 to vector<16xi32>
          %gather3A_215 = tpu.vector_load_idx %arg11[%broadcast_in_dim3A_214, %select_n3A_122] : memref<64x512xf32, #tpu.memory_space<vmem>>[vector<16xi32>, vector<16xi32>], vector<16xf32>,
          tpu.vector_store_idx %arg12[%select_n3A_134, %broadcast_in_dim3A_214], %gather3A_215 : memref<144x128xf32, #tpu.memory_space<vmem>>[vector<16xi32>, vector<16xi32>], vector<16xf32>,
          %broadcast_in_dim3A_216 = arith.constant 26 : i32
          %broadcast_in_dim3A_217 = vector.broadcast %broadcast_in_dim3A_216 : i32 to vector<16xi32>
          %gather3A_218 = tpu.vector_load_idx %arg11[%broadcast_in_dim3A_217, %select_n3A_122] : memref<64x512xf32, #tpu.memory_space<vmem>>[vector<16xi32>, vector<16xi32>], vector<16xf32>,
          tpu.vector_store_idx %arg12[%select_n3A_134, %broadcast_in_dim3A_217], %gather3A_218 : memref<144x128xf32, #tpu.memory_space<vmem>>[vector<16xi32>, vector<16xi32>], vector<16xf32>,
          %broadcast_in_dim3A_219 = arith.constant 27 : i32
          %broadcast_in_dim3A_220 = vector.broadcast %broadcast_in_dim3A_219 : i32 to vector<16xi32>
          %gather3A_221 = tpu.vector_load_idx %arg11[%broadcast_in_dim3A_220, %select_n3A_122] : memref<64x512xf32, #tpu.memory_space<vmem>>[vector<16xi32>, vector<16xi32>], vector<16xf32>,
          tpu.vector_store_idx %arg12[%select_n3A_134, %broadcast_in_dim3A_220], %gather3A_221 : memref<144x128xf32, #tpu.memory_space<vmem>>[vector<16xi32>, vector<16xi32>], vector<16xf32>,
          %broadcast_in_dim3A_222 = arith.constant 28 : i32
          %broadcast_in_dim3A_223 = vector.broadcast %broadcast_in_dim3A_222 : i32 to vector<16xi32>
          %gather3A_224 = tpu.vector_load_idx %arg11[%broadcast_in_dim3A_223, %select_n3A_122] : memref<64x512xf32, #tpu.memory_space<vmem>>[vector<16xi32>, vector<16xi32>], vector<16xf32>,
          tpu.vector_store_idx %arg12[%select_n3A_134, %broadcast_in_dim3A_223], %gather3A_224 : memref<144x128xf32, #tpu.memory_space<vmem>>[vector<16xi32>, vector<16xi32>], vector<16xf32>,
          %broadcast_in_dim3A_225 = arith.constant 29 : i32
          %broadcast_in_dim3A_226 = vector.broadcast %broadcast_in_dim3A_225 : i32 to vector<16xi32>
          %gather3A_227 = tpu.vector_load_idx %arg11[%broadcast_in_dim3A_226, %select_n3A_122] : memref<64x512xf32, #tpu.memory_space<vmem>>[vector<16xi32>, vector<16xi32>], vector<16xf32>,
          tpu.vector_store_idx %arg12[%select_n3A_134, %broadcast_in_dim3A_226], %gather3A_227 : memref<144x128xf32, #tpu.memory_space<vmem>>[vector<16xi32>, vector<16xi32>], vector<16xf32>,
          %broadcast_in_dim3A_228 = arith.constant 30 : i32
          %broadcast_in_dim3A_229 = vector.broadcast %broadcast_in_dim3A_228 : i32 to vector<16xi32>
          %gather3A_230 = tpu.vector_load_idx %arg11[%broadcast_in_dim3A_229, %select_n3A_122] : memref<64x512xf32, #tpu.memory_space<vmem>>[vector<16xi32>, vector<16xi32>], vector<16xf32>,
          tpu.vector_store_idx %arg12[%select_n3A_134, %broadcast_in_dim3A_229], %gather3A_230 : memref<144x128xf32, #tpu.memory_space<vmem>>[vector<16xi32>, vector<16xi32>], vector<16xf32>,
          %broadcast_in_dim3A_231 = arith.constant 31 : i32
          %broadcast_in_dim3A_232 = vector.broadcast %broadcast_in_dim3A_231 : i32 to vector<16xi32>
          %gather3A_233 = tpu.vector_load_idx %arg11[%broadcast_in_dim3A_232, %select_n3A_122] : memref<64x512xf32, #tpu.memory_space<vmem>>[vector<16xi32>, vector<16xi32>], vector<16xf32>,
          tpu.vector_store_idx %arg12[%select_n3A_134, %broadcast_in_dim3A_232], %gather3A_233 : memref<144x128xf32, #tpu.memory_space<vmem>>[vector<16xi32>, vector<16xi32>], vector<16xf32>,
          %broadcast_in_dim3A_234 = arith.constant 32 : i32
          %broadcast_in_dim3A_235 = vector.broadcast %broadcast_in_dim3A_234 : i32 to vector<16xi32>
          %gather3A_236 = tpu.vector_load_idx %arg11[%broadcast_in_dim3A_235, %select_n3A_122] : memref<64x512xf32, #tpu.memory_space<vmem>>[vector<16xi32>, vector<16xi32>], vector<16xf32>,
          tpu.vector_store_idx %arg12[%select_n3A_134, %broadcast_in_dim3A_235], %gather3A_236 : memref<144x128xf32, #tpu.memory_space<vmem>>[vector<16xi32>, vector<16xi32>], vector<16xf32>,
          %broadcast_in_dim3A_237 = arith.constant 33 : i32
          %broadcast_in_dim3A_238 = vector.broadcast %broadcast_in_dim3A_237 : i32 to vector<16xi32>
          %gather3A_239 = tpu.vector_load_idx %arg11[%broadcast_in_dim3A_238, %select_n3A_122] : memref<64x512xf32, #tpu.memory_space<vmem>>[vector<16xi32>, vector<16xi32>], vector<16xf32>,
          tpu.vector_store_idx %arg12[%select_n3A_134, %broadcast_in_dim3A_238], %gather3A_239 : memref<144x128xf32, #tpu.memory_space<vmem>>[vector<16xi32>, vector<16xi32>], vector<16xf32>,
          %broadcast_in_dim3A_240 = arith.constant 34 : i32
          %broadcast_in_dim3A_241 = vector.broadcast %broadcast_in_dim3A_240 : i32 to vector<16xi32>
          %gather3A_242 = tpu.vector_load_idx %arg11[%broadcast_in_dim3A_241, %select_n3A_122] : memref<64x512xf32, #tpu.memory_space<vmem>>[vector<16xi32>, vector<16xi32>], vector<16xf32>,
          tpu.vector_store_idx %arg12[%select_n3A_134, %broadcast_in_dim3A_241], %gather3A_242 : memref<144x128xf32, #tpu.memory_space<vmem>>[vector<16xi32>, vector<16xi32>], vector<16xf32>,
          %broadcast_in_dim3A_243 = arith.constant 35 : i32
          %broadcast_in_dim3A_244 = vector.broadcast %broadcast_in_dim3A_243 : i32 to vector<16xi32>
          %gather3A_245 = tpu.vector_load_idx %arg11[%broadcast_in_dim3A_244, %select_n3A_122] : memref<64x512xf32, #tpu.memory_space<vmem>>[vector<16xi32>, vector<16xi32>], vector<16xf32>,
          tpu.vector_store_idx %arg12[%select_n3A_134, %broadcast_in_dim3A_244], %gather3A_245 : memref<144x128xf32, #tpu.memory_space<vmem>>[vector<16xi32>, vector<16xi32>], vector<16xf32>,
          %broadcast_in_dim3A_246 = arith.constant 36 : i32
          %broadcast_in_dim3A_247 = vector.broadcast %broadcast_in_dim3A_246 : i32 to vector<16xi32>
          %gather3A_248 = tpu.vector_load_idx %arg11[%broadcast_in_dim3A_247, %select_n3A_122] : memref<64x512xf32, #tpu.memory_space<vmem>>[vector<16xi32>, vector<16xi32>], vector<16xf32>,
          tpu.vector_store_idx %arg12[%select_n3A_134, %broadcast_in_dim3A_247], %gather3A_248 : memref<144x128xf32, #tpu.memory_space<vmem>>[vector<16xi32>, vector<16xi32>], vector<16xf32>,
          %broadcast_in_dim3A_249 = arith.constant 37 : i32
          %broadcast_in_dim3A_250 = vector.broadcast %broadcast_in_dim3A_249 : i32 to vector<16xi32>
          %gather3A_251 = tpu.vector_load_idx %arg11[%broadcast_in_dim3A_250, %select_n3A_122] : memref<64x512xf32, #tpu.memory_space<vmem>>[vector<16xi32>, vector<16xi32>], vector<16xf32>,
          tpu.vector_store_idx %arg12[%select_n3A_134, %broadcast_in_dim3A_250], %gather3A_251 : memref<144x128xf32, #tpu.memory_space<vmem>>[vector<16xi32>, vector<16xi32>], vector<16xf32>,
          %broadcast_in_dim3A_252 = arith.constant 38 : i32
          %broadcast_in_dim3A_253 = vector.broadcast %broadcast_in_dim3A_252 : i32 to vector<16xi32>
          %gather3A_254 = tpu.vector_load_idx %arg11[%broadcast_in_dim3A_253, %select_n3A_122] : memref<64x512xf32, #tpu.memory_space<vmem>>[vector<16xi32>, vector<16xi32>], vector<16xf32>,
          tpu.vector_store_idx %arg12[%select_n3A_134, %broadcast_in_dim3A_253], %gather3A_254 : memref<144x128xf32, #tpu.memory_space<vmem>>[vector<16xi32>, vector<16xi32>], vector<16xf32>,
          %broadcast_in_dim3A_255 = arith.constant 39 : i32
          %broadcast_in_dim3A_256 = vector.broadcast %broadcast_in_dim3A_255 : i32 to vector<16xi32>
          %gather3A_257 = tpu.vector_load_idx %arg11[%broadcast_in_dim3A_256, %select_n3A_122] : memref<64x512xf32, #tpu.memory_space<vmem>>[vector<16xi32>, vector<16xi32>], vector<16xf32>,
          tpu.vector_store_idx %arg12[%select_n3A_134, %broadcast_in_dim3A_256], %gather3A_257 : memref<144x128xf32, #tpu.memory_space<vmem>>[vector<16xi32>, vector<16xi32>], vector<16xf32>,
          %broadcast_in_dim3A_258 = arith.constant 40 : i32
          %broadcast_in_dim3A_259 = vector.broadcast %broadcast_in_dim3A_258 : i32 to vector<16xi32>
          %gather3A_260 = tpu.vector_load_idx %arg11[%broadcast_in_dim3A_259, %select_n3A_122] : memref<64x512xf32, #tpu.memory_space<vmem>>[vector<16xi32>, vector<16xi32>], vector<16xf32>,
          tpu.vector_store_idx %arg12[%select_n3A_134, %broadcast_in_dim3A_259], %gather3A_260 : memref<144x128xf32, #tpu.memory_space<vmem>>[vector<16xi32>, vector<16xi32>], vector<16xf32>,
          %broadcast_in_dim3A_261 = arith.constant 41 : i32
          %broadcast_in_dim3A_262 = vector.broadcast %broadcast_in_dim3A_261 : i32 to vector<16xi32>
          %gather3A_263 = tpu.vector_load_idx %arg11[%broadcast_in_dim3A_262, %select_n3A_122] : memref<64x512xf32, #tpu.memory_space<vmem>>[vector<16xi32>, vector<16xi32>], vector<16xf32>,
          tpu.vector_store_idx %arg12[%select_n3A_134, %broadcast_in_dim3A_262], %gather3A_263 : memref<144x128xf32, #tpu.memory_space<vmem>>[vector<16xi32>, vector<16xi32>], vector<16xf32>,
          %broadcast_in_dim3A_264 = arith.constant 42 : i32
          %broadcast_in_dim3A_265 = vector.broadcast %broadcast_in_dim3A_264 : i32 to vector<16xi32>
          %gather3A_266 = tpu.vector_load_idx %arg11[%broadcast_in_dim3A_265, %select_n3A_122] : memref<64x512xf32, #tpu.memory_space<vmem>>[vector<16xi32>, vector<16xi32>], vector<16xf32>,
          tpu.vector_store_idx %arg12[%select_n3A_134, %broadcast_in_dim3A_265], %gather3A_266 : memref<144x128xf32, #tpu.memory_space<vmem>>[vector<16xi32>, vector<16xi32>], vector<16xf32>,
          %broadcast_in_dim3A_267 = arith.constant 43 : i32
          %broadcast_in_dim3A_268 = vector.broadcast %broadcast_in_dim3A_267 : i32 to vector<16xi32>
          %gather3A_269 = tpu.vector_load_idx %arg11[%broadcast_in_dim3A_268, %select_n3A_122] : memref<64x512xf32, #tpu.memory_space<vmem>>[vector<16xi32>, vector<16xi32>], vector<16xf32>,
          tpu.vector_store_idx %arg12[%select_n3A_134, %broadcast_in_dim3A_268], %gather3A_269 : memref<144x128xf32, #tpu.memory_space<vmem>>[vector<16xi32>, vector<16xi32>], vector<16xf32>,
          %broadcast_in_dim3A_270 = arith.constant 44 : i32
          %broadcast_in_dim3A_271 = vector.broadcast %broadcast_in_dim3A_270 : i32 to vector<16xi32>
          %gather3A_272 = tpu.vector_load_idx %arg11[%broadcast_in_dim3A_271, %select_n3A_122] : memref<64x512xf32, #tpu.memory_space<vmem>>[vector<16xi32>, vector<16xi32>], vector<16xf32>,
          tpu.vector_store_idx %arg12[%select_n3A_134, %broadcast_in_dim3A_271], %gather3A_272 : memref<144x128xf32, #tpu.memory_space<vmem>>[vector<16xi32>, vector<16xi32>], vector<16xf32>,
          %broadcast_in_dim3A_273 = arith.constant 45 : i32
          %broadcast_in_dim3A_274 = vector.broadcast %broadcast_in_dim3A_273 : i32 to vector<16xi32>
          %gather3A_275 = tpu.vector_load_idx %arg11[%broadcast_in_dim3A_274, %select_n3A_122] : memref<64x512xf32, #tpu.memory_space<vmem>>[vector<16xi32>, vector<16xi32>], vector<16xf32>,
          tpu.vector_store_idx %arg12[%select_n3A_134, %broadcast_in_dim3A_274], %gather3A_275 : memref<144x128xf32, #tpu.memory_space<vmem>>[vector<16xi32>, vector<16xi32>], vector<16xf32>,
          %broadcast_in_dim3A_276 = arith.constant 46 : i32
          %broadcast_in_dim3A_277 = vector.broadcast %broadcast_in_dim3A_276 : i32 to vector<16xi32>
          %gather3A_278 = tpu.vector_load_idx %arg11[%broadcast_in_dim3A_277, %select_n3A_122] : memref<64x512xf32, #tpu.memory_space<vmem>>[vector<16xi32>, vector<16xi32>], vector<16xf32>,
          tpu.vector_store_idx %arg12[%select_n3A_134, %broadcast_in_dim3A_277], %gather3A_278 : memref<144x128xf32, #tpu.memory_space<vmem>>[vector<16xi32>, vector<16xi32>], vector<16xf32>,
          %broadcast_in_dim3A_279 = arith.constant 47 : i32
          %broadcast_in_dim3A_280 = vector.broadcast %broadcast_in_dim3A_279 : i32 to vector<16xi32>
          %gather3A_281 = tpu.vector_load_idx %arg11[%broadcast_in_dim3A_280, %select_n3A_122] : memref<64x512xf32, #tpu.memory_space<vmem>>[vector<16xi32>, vector<16xi32>], vector<16xf32>,
          tpu.vector_store_idx %arg12[%select_n3A_134, %broadcast_in_dim3A_280], %gather3A_281 : memref<144x128xf32, #tpu.memory_space<vmem>>[vector<16xi32>, vector<16xi32>], vector<16xf32>,
          %broadcast_in_dim3A_282 = arith.constant 48 : i32
          %broadcast_in_dim3A_283 = vector.broadcast %broadcast_in_dim3A_282 : i32 to vector<16xi32>
          %gather3A_284 = tpu.vector_load_idx %arg11[%broadcast_in_dim3A_283, %select_n3A_122] : memref<64x512xf32, #tpu.memory_space<vmem>>[vector<16xi32>, vector<16xi32>], vector<16xf32>,
          tpu.vector_store_idx %arg12[%select_n3A_134, %broadcast_in_dim3A_283], %gather3A_284 : memref<144x128xf32, #tpu.memory_space<vmem>>[vector<16xi32>, vector<16xi32>], vector<16xf32>,
          %broadcast_in_dim3A_285 = arith.constant 49 : i32
          %broadcast_in_dim3A_286 = vector.broadcast %broadcast_in_dim3A_285 : i32 to vector<16xi32>
          %gather3A_287 = tpu.vector_load_idx %arg11[%broadcast_in_dim3A_286, %select_n3A_122] : memref<64x512xf32, #tpu.memory_space<vmem>>[vector<16xi32>, vector<16xi32>], vector<16xf32>,
          tpu.vector_store_idx %arg12[%select_n3A_134, %broadcast_in_dim3A_286], %gather3A_287 : memref<144x128xf32, #tpu.memory_space<vmem>>[vector<16xi32>, vector<16xi32>], vector<16xf32>,
          %broadcast_in_dim3A_288 = arith.constant 50 : i32
          %broadcast_in_dim3A_289 = vector.broadcast %broadcast_in_dim3A_288 : i32 to vector<16xi32>
          %gather3A_290 = tpu.vector_load_idx %arg11[%broadcast_in_dim3A_289, %select_n3A_122] : memref<64x512xf32, #tpu.memory_space<vmem>>[vector<16xi32>, vector<16xi32>], vector<16xf32>,
          tpu.vector_store_idx %arg12[%select_n3A_134, %broadcast_in_dim3A_289], %gather3A_290 : memref<144x128xf32, #tpu.memory_space<vmem>>[vector<16xi32>, vector<16xi32>], vector<16xf32>,
          %broadcast_in_dim3A_291 = arith.constant 51 : i32
          %broadcast_in_dim3A_292 = vector.broadcast %broadcast_in_dim3A_291 : i32 to vector<16xi32>
          %gather3A_293 = tpu.vector_load_idx %arg11[%broadcast_in_dim3A_292, %select_n3A_122] : memref<64x512xf32, #tpu.memory_space<vmem>>[vector<16xi32>, vector<16xi32>], vector<16xf32>,
          tpu.vector_store_idx %arg12[%select_n3A_134, %broadcast_in_dim3A_292], %gather3A_293 : memref<144x128xf32, #tpu.memory_space<vmem>>[vector<16xi32>, vector<16xi32>], vector<16xf32>,
          %broadcast_in_dim3A_294 = arith.constant 52 : i32
          %broadcast_in_dim3A_295 = vector.broadcast %broadcast_in_dim3A_294 : i32 to vector<16xi32>
          %gather3A_296 = tpu.vector_load_idx %arg11[%broadcast_in_dim3A_295, %select_n3A_122] : memref<64x512xf32, #tpu.memory_space<vmem>>[vector<16xi32>, vector<16xi32>], vector<16xf32>,
          tpu.vector_store_idx %arg12[%select_n3A_134, %broadcast_in_dim3A_295], %gather3A_296 : memref<144x128xf32, #tpu.memory_space<vmem>>[vector<16xi32>, vector<16xi32>], vector<16xf32>,
          %broadcast_in_dim3A_297 = arith.constant 53 : i32
          %broadcast_in_dim3A_298 = vector.broadcast %broadcast_in_dim3A_297 : i32 to vector<16xi32>
          %gather3A_299 = tpu.vector_load_idx %arg11[%broadcast_in_dim3A_298, %select_n3A_122] : memref<64x512xf32, #tpu.memory_space<vmem>>[vector<16xi32>, vector<16xi32>], vector<16xf32>,
          tpu.vector_store_idx %arg12[%select_n3A_134, %broadcast_in_dim3A_298], %gather3A_299 : memref<144x128xf32, #tpu.memory_space<vmem>>[vector<16xi32>, vector<16xi32>], vector<16xf32>,
          %broadcast_in_dim3A_300 = arith.constant 54 : i32
          %broadcast_in_dim3A_301 = vector.broadcast %broadcast_in_dim3A_300 : i32 to vector<16xi32>
          %gather3A_302 = tpu.vector_load_idx %arg11[%broadcast_in_dim3A_301, %select_n3A_122] : memref<64x512xf32, #tpu.memory_space<vmem>>[vector<16xi32>, vector<16xi32>], vector<16xf32>,
          tpu.vector_store_idx %arg12[%select_n3A_134, %broadcast_in_dim3A_301], %gather3A_302 : memref<144x128xf32, #tpu.memory_space<vmem>>[vector<16xi32>, vector<16xi32>], vector<16xf32>,
          %broadcast_in_dim3A_303 = arith.constant 55 : i32
          %broadcast_in_dim3A_304 = vector.broadcast %broadcast_in_dim3A_303 : i32 to vector<16xi32>
          %gather3A_305 = tpu.vector_load_idx %arg11[%broadcast_in_dim3A_304, %select_n3A_122] : memref<64x512xf32, #tpu.memory_space<vmem>>[vector<16xi32>, vector<16xi32>], vector<16xf32>,
          tpu.vector_store_idx %arg12[%select_n3A_134, %broadcast_in_dim3A_304], %gather3A_305 : memref<144x128xf32, #tpu.memory_space<vmem>>[vector<16xi32>, vector<16xi32>], vector<16xf32>,
          %broadcast_in_dim3A_306 = arith.constant 56 : i32
          %broadcast_in_dim3A_307 = vector.broadcast %broadcast_in_dim3A_306 : i32 to vector<16xi32>
          %gather3A_308 = tpu.vector_load_idx %arg11[%broadcast_in_dim3A_307, %select_n3A_122] : memref<64x512xf32, #tpu.memory_space<vmem>>[vector<16xi32>, vector<16xi32>], vector<16xf32>,
          tpu.vector_store_idx %arg12[%select_n3A_134, %broadcast_in_dim3A_307], %gather3A_308 : memref<144x128xf32, #tpu.memory_space<vmem>>[vector<16xi32>, vector<16xi32>], vector<16xf32>,
          %broadcast_in_dim3A_309 = arith.constant 57 : i32
          %broadcast_in_dim3A_310 = vector.broadcast %broadcast_in_dim3A_309 : i32 to vector<16xi32>
          %gather3A_311 = tpu.vector_load_idx %arg11[%broadcast_in_dim3A_310, %select_n3A_122] : memref<64x512xf32, #tpu.memory_space<vmem>>[vector<16xi32>, vector<16xi32>], vector<16xf32>,
          tpu.vector_store_idx %arg12[%select_n3A_134, %broadcast_in_dim3A_310], %gather3A_311 : memref<144x128xf32, #tpu.memory_space<vmem>>[vector<16xi32>, vector<16xi32>], vector<16xf32>,
          %broadcast_in_dim3A_312 = arith.constant 58 : i32
          %broadcast_in_dim3A_313 = vector.broadcast %broadcast_in_dim3A_312 : i32 to vector<16xi32>
          %gather3A_314 = tpu.vector_load_idx %arg11[%broadcast_in_dim3A_313, %select_n3A_122] : memref<64x512xf32, #tpu.memory_space<vmem>>[vector<16xi32>, vector<16xi32>], vector<16xf32>,
          tpu.vector_store_idx %arg12[%select_n3A_134, %broadcast_in_dim3A_313], %gather3A_314 : memref<144x128xf32, #tpu.memory_space<vmem>>[vector<16xi32>, vector<16xi32>], vector<16xf32>,
          %broadcast_in_dim3A_315 = arith.constant 59 : i32
          %broadcast_in_dim3A_316 = vector.broadcast %broadcast_in_dim3A_315 : i32 to vector<16xi32>
          %gather3A_317 = tpu.vector_load_idx %arg11[%broadcast_in_dim3A_316, %select_n3A_122] : memref<64x512xf32, #tpu.memory_space<vmem>>[vector<16xi32>, vector<16xi32>], vector<16xf32>,
          tpu.vector_store_idx %arg12[%select_n3A_134, %broadcast_in_dim3A_316], %gather3A_317 : memref<144x128xf32, #tpu.memory_space<vmem>>[vector<16xi32>, vector<16xi32>], vector<16xf32>,
          %broadcast_in_dim3A_318 = arith.constant 60 : i32
          %broadcast_in_dim3A_319 = vector.broadcast %broadcast_in_dim3A_318 : i32 to vector<16xi32>
          %gather3A_320 = tpu.vector_load_idx %arg11[%broadcast_in_dim3A_319, %select_n3A_122] : memref<64x512xf32, #tpu.memory_space<vmem>>[vector<16xi32>, vector<16xi32>], vector<16xf32>,
          tpu.vector_store_idx %arg12[%select_n3A_134, %broadcast_in_dim3A_319], %gather3A_320 : memref<144x128xf32, #tpu.memory_space<vmem>>[vector<16xi32>, vector<16xi32>], vector<16xf32>,
          %broadcast_in_dim3A_321 = arith.constant 61 : i32
          %broadcast_in_dim3A_322 = vector.broadcast %broadcast_in_dim3A_321 : i32 to vector<16xi32>
          %gather3A_323 = tpu.vector_load_idx %arg11[%broadcast_in_dim3A_322, %select_n3A_122] : memref<64x512xf32, #tpu.memory_space<vmem>>[vector<16xi32>, vector<16xi32>], vector<16xf32>,
          tpu.vector_store_idx %arg12[%select_n3A_134, %broadcast_in_dim3A_322], %gather3A_323 : memref<144x128xf32, #tpu.memory_space<vmem>>[vector<16xi32>, vector<16xi32>], vector<16xf32>,
          %broadcast_in_dim3A_324 = arith.constant 62 : i32
          %broadcast_in_dim3A_325 = vector.broadcast %broadcast_in_dim3A_324 : i32 to vector<16xi32>
          %gather3A_326 = tpu.vector_load_idx %arg11[%broadcast_in_dim3A_325, %select_n3A_122] : memref<64x512xf32, #tpu.memory_space<vmem>>[vector<16xi32>, vector<16xi32>], vector<16xf32>,
          tpu.vector_store_idx %arg12[%select_n3A_134, %broadcast_in_dim3A_325], %gather3A_326 : memref<144x128xf32, #tpu.memory_space<vmem>>[vector<16xi32>, vector<16xi32>], vector<16xf32>,
          %broadcast_in_dim3A_327 = arith.constant 63 : i32
          %broadcast_in_dim3A_328 = vector.broadcast %broadcast_in_dim3A_327 : i32 to vector<16xi32>
          %gather3A_329 = tpu.vector_load_idx %arg11[%broadcast_in_dim3A_328, %select_n3A_122] : memref<64x512xf32, #tpu.memory_space<vmem>>[vector<16xi32>, vector<16xi32>], vector<16xf32>,
          tpu.vector_store_idx %arg12[%select_n3A_134, %broadcast_in_dim3A_328], %gather3A_329 : memref<144x128xf32, #tpu.memory_space<vmem>>[vector<16xi32>, vector<16xi32>], vector<16xf32>,
          %slice3A = vector.extract_strided_slice %masked_cumsum3A {offsets = [15], sizes = [1], strides = [1]} : vector<16xi32> to vector<1xi32>
          %squeeze3A = vector.extract %slice3A[0] : i32 from vector<1xi32>
          %add3A_330 = arith.addi %cond3A_109, %squeeze3A : i32
          scf.yield %add3A_330 : i32
        }
        %while3A_93 = arith.constant 1 : i32
        %while3A_94 = scf.for %while3A_103 = %while3A_90 to %while3A_86 step %while3A_93 iter_args(%while3A_104 = %while3A_92) -> (i32)  : i32 {
          %ge3A = arith.constant 112 : i32
          %ge3A_105 = arith.cmpi sge, %while3A_104, %ge3A : i32
          %convert_element_type3A_106 = arith.extui %ge3A_105 : i1 to i32
          %cond3A_107 = arith.constant 0 : i32
          %cond3A_108 = arith.cmpi ne, %convert_element_type3A_106, %cond3A_107 : i32
          %cond3A_109 = scf.if %cond3A_108 -> (i32) {
            %add3A_331 = vector.broadcast %while3A_104 : i32 to vector<16xi32>
            %add3A_332 = arith.addi %add3A_331, %iota3A : vector<16xi32>
            %lt3A_333 = arith.constant 128 : i32
            %lt3A_334 = vector.broadcast %lt3A_333 : i32 to vector<16xi32>
            %lt3A_335 = arith.cmpi slt, %add3A_332, %lt3A_334 : vector<16xi32>
            %min3A_336 = arith.constant 127 : i32
            %min3A_337 = vector.broadcast %min3A_336 : i32 to vector<16xi32>
            %min3A_338 = arith.minsi %add3A_332, %min3A_337 : vector<16xi32>
            %add3A_339 = arith.constant 16384 : i32
            %add3A_340 = vector.broadcast %add3A_339 : i32 to vector<16xi32>
            %add3A_341 = arith.addi %add3A_340, %iota3A : vector<16xi32>
            tpu.vector_store_idx %arg13[%min3A_338], %add3A_341 masked %lt3A_335 : memref<128xi32, #tpu.memory_space<vmem>>[vector<16xi32>], vector<16xi32>, vector<16xi1>
            "tpu.region"() ({
              %run_scoped3A = tpu.sem_alloc : memref<!tpu.dma_semaphore, #tpu.memory_space<semaphore_mem>>
              %dma_start3A_343 = arith.constant 0 : i32
              %dma_start3A_344 = arith.constant 0 : i32
              %dma_start3A_345 = tpu.memref_slice %arg12[%dma_start3A_343, %dma_start3A_344] : memref<144x128xf32, #tpu.memory_space<vmem>> -> memref<128x128xf32, #tpu.memory_space<vmem>>
              %dma_start3A_346 = arith.constant 0 : i32
              %dma_start3A_347 = arith.constant 0 : i32
              %dma_start3A_348 = tpu.memref_slice %arg4[%dma_start3A_346, %dma_start3A_347] : memref<16512x128xf32, #tpu.memory_space<hbm>> -> memref<16512x128xf32, #tpu.memory_space<hbm>>
              tpu.enqueue_indirect_dma source(%dma_start3A_345 : memref<128x128xf32, #tpu.memory_space<vmem>>) target(%dma_start3A_348 : memref<16512x128xf32, #tpu.memory_space<hbm>>) offsets(%arg13 : memref<128xi32, #tpu.memory_space<vmem>>) semaphore(%run_scoped3A : memref<!tpu.dma_semaphore, #tpu.memory_space<semaphore_mem>>)
              %dma_wait3A_349 = arith.constant 0 : i32
              %dma_wait3A_350 = arith.constant 0 : i32
              %dma_wait3A_351 = tpu.memref_slice %arg12[%dma_wait3A_349, %dma_wait3A_350] : memref<144x128xf32, #tpu.memory_space<vmem>> -> memref<128x128xf32, #tpu.memory_space<vmem>>
              %dma_wait3A_352 = arith.constant 0 : i32
              %dma_wait3A_353 = arith.constant 0 : i32
              %dma_wait3A_354 = tpu.memref_slice %arg4[%dma_wait3A_352, %dma_wait3A_353] : memref<16512x128xf32, #tpu.memory_space<hbm>> -> memref<16512x128xf32, #tpu.memory_space<hbm>>
              tpu.wait_indirect_dma semaphore(%run_scoped3A : memref<!tpu.dma_semaphore, #tpu.memory_space<semaphore_mem>>) src(%dma_wait3A_351 : memref<128x128xf32, #tpu.memory_space<vmem>>) dst(%dma_wait3A_354 : memref<16512x128xf32, #tpu.memory_space<hbm>>)
              tpu.yield
            }) : () -> ()
            %cond3A_342 = arith.constant 0 : i32
            scf.yield %cond3A_342 : i32
          } else {
            scf.yield %while3A_104 : i32
          }
          %mul3A_110 = arith.constant 16 : i32
          %mul3A_111 = arith.muli %while3A_103, %mul3A_110 : i32
          %add3A_112 = vector.broadcast %mul3A_111 : i32 to vector<16xi32>
          %add3A_113 = arith.addi %add3A_112, %iota3A : vector<16xi32>
          %lt3A_114 = vector.broadcast %min3A_79 : i32 to vector<16xi32>
          %lt3A_115 = arith.cmpi slt, %add3A_113, %lt3A_114 : vector<16xi32>
          %min3A_116 = arith.constant 2047 : i32
          %min3A_117 = vector.broadcast %min3A_116 : i32 to vector<16xi32>
          %min3A_118 = arith.minsi %add3A_113, %min3A_117 : vector<16xi32>
          %gather3A = tpu.vector_load_idx %arg8[%min3A_118] : memref<2048xi32, #tpu.memory_space<vmem>>[vector<16xi32>], vector<16xi32>,
          %gather3A_119 = tpu.vector_load_idx %arg9[%min3A_118] : memref<2048xi32, #tpu.memory_space<vmem>>[vector<16xi32>], vector<16xi32>,
          %sub3A = vector.broadcast %mul3A_61 : i32 to vector<16xi32>
          %sub3A_120 = arith.subi %gather3A, %sub3A : vector<16xi32>
          %jit3A_121 = arith.constant 0 : i32
          %broadcast_in_dim3A = vector.broadcast %jit3A_121 : i32 to vector<16xi32>
          %select_n3A_122 = arith.select %lt3A_115, %sub3A_120, %broadcast_in_dim3A : vector<16xi1>, vector<16xi32>
          %convert_element_type3A_123 = arith.extui %lt3A_115 : vector<16xi1> to vector<16xi32>
          %broadcast_in_dim3A_124 = arith.constant true
          %broadcast_in_dim3A_125 = vector.broadcast %broadcast_in_dim3A_124 : i1 to vector<16xi1>
          %masked_cumsum3A = tpu.scan <sum>, %convert_element_type3A_123 masked %broadcast_in_dim3A_125 : vector<16xi32>, vector<16xi1> -> vector<16xi32>
          %add3A_126 = vector.broadcast %cond3A_109 : i32 to vector<16xi32>
          %add3A_127 = arith.addi %add3A_126, %masked_cumsum3A : vector<16xi32>
          %sub3A_128 = arith.constant 1 : i32
          %sub3A_129 = vector.broadcast %sub3A_128 : i32 to vector<16xi32>
          %sub3A_130 = arith.subi %add3A_127, %sub3A_129 : vector<16xi32>
          %add3A_131 = arith.constant 128 : i32
          %add3A_132 = vector.broadcast %add3A_131 : i32 to vector<16xi32>
          %add3A_133 = arith.addi %add3A_132, %iota3A : vector<16xi32>
          %select_n3A_134 = arith.select %lt3A_115, %sub3A_130, %add3A_133 : vector<16xi1>, vector<16xi32>
          %min3A_135 = arith.constant 127 : i32
          %min3A_136 = vector.broadcast %min3A_135 : i32 to vector<16xi32>
          %min3A_137 = arith.minsi %select_n3A_134, %min3A_136 : vector<16xi32>
          tpu.vector_store_idx %arg13[%min3A_137], %gather3A_119 masked %lt3A_115 : memref<128xi32, #tpu.memory_space<vmem>>[vector<16xi32>], vector<16xi32>, vector<16xi1>
          %broadcast_in_dim3A_138 = arith.constant 0 : i32
          %broadcast_in_dim3A_139 = vector.broadcast %broadcast_in_dim3A_138 : i32 to vector<16xi32>
          %gather3A_140 = tpu.vector_load_idx %arg11[%broadcast_in_dim3A_139, %select_n3A_122] : memref<64x512xf32, #tpu.memory_space<vmem>>[vector<16xi32>, vector<16xi32>], vector<16xf32>,
          tpu.vector_store_idx %arg12[%select_n3A_134, %broadcast_in_dim3A_139], %gather3A_140 : memref<144x128xf32, #tpu.memory_space<vmem>>[vector<16xi32>, vector<16xi32>], vector<16xf32>,
          %broadcast_in_dim3A_141 = arith.constant 1 : i32
          %broadcast_in_dim3A_142 = vector.broadcast %broadcast_in_dim3A_141 : i32 to vector<16xi32>
          %gather3A_143 = tpu.vector_load_idx %arg11[%broadcast_in_dim3A_142, %select_n3A_122] : memref<64x512xf32, #tpu.memory_space<vmem>>[vector<16xi32>, vector<16xi32>], vector<16xf32>,
          tpu.vector_store_idx %arg12[%select_n3A_134, %broadcast_in_dim3A_142], %gather3A_143 : memref<144x128xf32, #tpu.memory_space<vmem>>[vector<16xi32>, vector<16xi32>], vector<16xf32>,
          %broadcast_in_dim3A_144 = arith.constant 2 : i32
          %broadcast_in_dim3A_145 = vector.broadcast %broadcast_in_dim3A_144 : i32 to vector<16xi32>
          %gather3A_146 = tpu.vector_load_idx %arg11[%broadcast_in_dim3A_145, %select_n3A_122] : memref<64x512xf32, #tpu.memory_space<vmem>>[vector<16xi32>, vector<16xi32>], vector<16xf32>,
          tpu.vector_store_idx %arg12[%select_n3A_134, %broadcast_in_dim3A_145], %gather3A_146 : memref<144x128xf32, #tpu.memory_space<vmem>>[vector<16xi32>, vector<16xi32>], vector<16xf32>,
          %broadcast_in_dim3A_147 = arith.constant 3 : i32
          %broadcast_in_dim3A_148 = vector.broadcast %broadcast_in_dim3A_147 : i32 to vector<16xi32>
          %gather3A_149 = tpu.vector_load_idx %arg11[%broadcast_in_dim3A_148, %select_n3A_122] : memref<64x512xf32, #tpu.memory_space<vmem>>[vector<16xi32>, vector<16xi32>], vector<16xf32>,
          tpu.vector_store_idx %arg12[%select_n3A_134, %broadcast_in_dim3A_148], %gather3A_149 : memref<144x128xf32, #tpu.memory_space<vmem>>[vector<16xi32>, vector<16xi32>], vector<16xf32>,
          %broadcast_in_dim3A_150 = arith.constant 4 : i32
          %broadcast_in_dim3A_151 = vector.broadcast %broadcast_in_dim3A_150 : i32 to vector<16xi32>
          %gather3A_152 = tpu.vector_load_idx %arg11[%broadcast_in_dim3A_151, %select_n3A_122] : memref<64x512xf32, #tpu.memory_space<vmem>>[vector<16xi32>, vector<16xi32>], vector<16xf32>,
          tpu.vector_store_idx %arg12[%select_n3A_134, %broadcast_in_dim3A_151], %gather3A_152 : memref<144x128xf32, #tpu.memory_space<vmem>>[vector<16xi32>, vector<16xi32>], vector<16xf32>,
          %broadcast_in_dim3A_153 = arith.constant 5 : i32
          %broadcast_in_dim3A_154 = vector.broadcast %broadcast_in_dim3A_153 : i32 to vector<16xi32>
          %gather3A_155 = tpu.vector_load_idx %arg11[%broadcast_in_dim3A_154, %select_n3A_122] : memref<64x512xf32, #tpu.memory_space<vmem>>[vector<16xi32>, vector<16xi32>], vector<16xf32>,
          tpu.vector_store_idx %arg12[%select_n3A_134, %broadcast_in_dim3A_154], %gather3A_155 : memref<144x128xf32, #tpu.memory_space<vmem>>[vector<16xi32>, vector<16xi32>], vector<16xf32>,
          %broadcast_in_dim3A_156 = arith.constant 6 : i32
          %broadcast_in_dim3A_157 = vector.broadcast %broadcast_in_dim3A_156 : i32 to vector<16xi32>
          %gather3A_158 = tpu.vector_load_idx %arg11[%broadcast_in_dim3A_157, %select_n3A_122] : memref<64x512xf32, #tpu.memory_space<vmem>>[vector<16xi32>, vector<16xi32>], vector<16xf32>,
          tpu.vector_store_idx %arg12[%select_n3A_134, %broadcast_in_dim3A_157], %gather3A_158 : memref<144x128xf32, #tpu.memory_space<vmem>>[vector<16xi32>, vector<16xi32>], vector<16xf32>,
          %broadcast_in_dim3A_159 = arith.constant 7 : i32
          %broadcast_in_dim3A_160 = vector.broadcast %broadcast_in_dim3A_159 : i32 to vector<16xi32>
          %gather3A_161 = tpu.vector_load_idx %arg11[%broadcast_in_dim3A_160, %select_n3A_122] : memref<64x512xf32, #tpu.memory_space<vmem>>[vector<16xi32>, vector<16xi32>], vector<16xf32>,
          tpu.vector_store_idx %arg12[%select_n3A_134, %broadcast_in_dim3A_160], %gather3A_161 : memref<144x128xf32, #tpu.memory_space<vmem>>[vector<16xi32>, vector<16xi32>], vector<16xf32>,
          %broadcast_in_dim3A_162 = arith.constant 8 : i32
          %broadcast_in_dim3A_163 = vector.broadcast %broadcast_in_dim3A_162 : i32 to vector<16xi32>
          %gather3A_164 = tpu.vector_load_idx %arg11[%broadcast_in_dim3A_163, %select_n3A_122] : memref<64x512xf32, #tpu.memory_space<vmem>>[vector<16xi32>, vector<16xi32>], vector<16xf32>,
          tpu.vector_store_idx %arg12[%select_n3A_134, %broadcast_in_dim3A_163], %gather3A_164 : memref<144x128xf32, #tpu.memory_space<vmem>>[vector<16xi32>, vector<16xi32>], vector<16xf32>,
          %broadcast_in_dim3A_165 = arith.constant 9 : i32
          %broadcast_in_dim3A_166 = vector.broadcast %broadcast_in_dim3A_165 : i32 to vector<16xi32>
          %gather3A_167 = tpu.vector_load_idx %arg11[%broadcast_in_dim3A_166, %select_n3A_122] : memref<64x512xf32, #tpu.memory_space<vmem>>[vector<16xi32>, vector<16xi32>], vector<16xf32>,
          tpu.vector_store_idx %arg12[%select_n3A_134, %broadcast_in_dim3A_166], %gather3A_167 : memref<144x128xf32, #tpu.memory_space<vmem>>[vector<16xi32>, vector<16xi32>], vector<16xf32>,
          %broadcast_in_dim3A_168 = arith.constant 10 : i32
          %broadcast_in_dim3A_169 = vector.broadcast %broadcast_in_dim3A_168 : i32 to vector<16xi32>
          %gather3A_170 = tpu.vector_load_idx %arg11[%broadcast_in_dim3A_169, %select_n3A_122] : memref<64x512xf32, #tpu.memory_space<vmem>>[vector<16xi32>, vector<16xi32>], vector<16xf32>,
          tpu.vector_store_idx %arg12[%select_n3A_134, %broadcast_in_dim3A_169], %gather3A_170 : memref<144x128xf32, #tpu.memory_space<vmem>>[vector<16xi32>, vector<16xi32>], vector<16xf32>,
          %broadcast_in_dim3A_171 = arith.constant 11 : i32
          %broadcast_in_dim3A_172 = vector.broadcast %broadcast_in_dim3A_171 : i32 to vector<16xi32>
          %gather3A_173 = tpu.vector_load_idx %arg11[%broadcast_in_dim3A_172, %select_n3A_122] : memref<64x512xf32, #tpu.memory_space<vmem>>[vector<16xi32>, vector<16xi32>], vector<16xf32>,
          tpu.vector_store_idx %arg12[%select_n3A_134, %broadcast_in_dim3A_172], %gather3A_173 : memref<144x128xf32, #tpu.memory_space<vmem>>[vector<16xi32>, vector<16xi32>], vector<16xf32>,
          %broadcast_in_dim3A_174 = arith.constant 12 : i32
          %broadcast_in_dim3A_175 = vector.broadcast %broadcast_in_dim3A_174 : i32 to vector<16xi32>
          %gather3A_176 = tpu.vector_load_idx %arg11[%broadcast_in_dim3A_175, %select_n3A_122] : memref<64x512xf32, #tpu.memory_space<vmem>>[vector<16xi32>, vector<16xi32>], vector<16xf32>,
          tpu.vector_store_idx %arg12[%select_n3A_134, %broadcast_in_dim3A_175], %gather3A_176 : memref<144x128xf32, #tpu.memory_space<vmem>>[vector<16xi32>, vector<16xi32>], vector<16xf32>,
          %broadcast_in_dim3A_177 = arith.constant 13 : i32
          %broadcast_in_dim3A_178 = vector.broadcast %broadcast_in_dim3A_177 : i32 to vector<16xi32>
          %gather3A_179 = tpu.vector_load_idx %arg11[%broadcast_in_dim3A_178, %select_n3A_122] : memref<64x512xf32, #tpu.memory_space<vmem>>[vector<16xi32>, vector<16xi32>], vector<16xf32>,
          tpu.vector_store_idx %arg12[%select_n3A_134, %broadcast_in_dim3A_178], %gather3A_179 : memref<144x128xf32, #tpu.memory_space<vmem>>[vector<16xi32>, vector<16xi32>], vector<16xf32>,
          %broadcast_in_dim3A_180 = arith.constant 14 : i32
          %broadcast_in_dim3A_181 = vector.broadcast %broadcast_in_dim3A_180 : i32 to vector<16xi32>
          %gather3A_182 = tpu.vector_load_idx %arg11[%broadcast_in_dim3A_181, %select_n3A_122] : memref<64x512xf32, #tpu.memory_space<vmem>>[vector<16xi32>, vector<16xi32>], vector<16xf32>,
          tpu.vector_store_idx %arg12[%select_n3A_134, %broadcast_in_dim3A_181], %gather3A_182 : memref<144x128xf32, #tpu.memory_space<vmem>>[vector<16xi32>, vector<16xi32>], vector<16xf32>,
          %broadcast_in_dim3A_183 = arith.constant 15 : i32
          %broadcast_in_dim3A_184 = vector.broadcast %broadcast_in_dim3A_183 : i32 to vector<16xi32>
          %gather3A_185 = tpu.vector_load_idx %arg11[%broadcast_in_dim3A_184, %select_n3A_122] : memref<64x512xf32, #tpu.memory_space<vmem>>[vector<16xi32>, vector<16xi32>], vector<16xf32>,
          tpu.vector_store_idx %arg12[%select_n3A_134, %broadcast_in_dim3A_184], %gather3A_185 : memref<144x128xf32, #tpu.memory_space<vmem>>[vector<16xi32>, vector<16xi32>], vector<16xf32>,
          %broadcast_in_dim3A_186 = arith.constant 16 : i32
          %broadcast_in_dim3A_187 = vector.broadcast %broadcast_in_dim3A_186 : i32 to vector<16xi32>
          %gather3A_188 = tpu.vector_load_idx %arg11[%broadcast_in_dim3A_187, %select_n3A_122] : memref<64x512xf32, #tpu.memory_space<vmem>>[vector<16xi32>, vector<16xi32>], vector<16xf32>,
          tpu.vector_store_idx %arg12[%select_n3A_134, %broadcast_in_dim3A_187], %gather3A_188 : memref<144x128xf32, #tpu.memory_space<vmem>>[vector<16xi32>, vector<16xi32>], vector<16xf32>,
          %broadcast_in_dim3A_189 = arith.constant 17 : i32
          %broadcast_in_dim3A_190 = vector.broadcast %broadcast_in_dim3A_189 : i32 to vector<16xi32>
          %gather3A_191 = tpu.vector_load_idx %arg11[%broadcast_in_dim3A_190, %select_n3A_122] : memref<64x512xf32, #tpu.memory_space<vmem>>[vector<16xi32>, vector<16xi32>], vector<16xf32>,
          tpu.vector_store_idx %arg12[%select_n3A_134, %broadcast_in_dim3A_190], %gather3A_191 : memref<144x128xf32, #tpu.memory_space<vmem>>[vector<16xi32>, vector<16xi32>], vector<16xf32>,
          %broadcast_in_dim3A_192 = arith.constant 18 : i32
          %broadcast_in_dim3A_193 = vector.broadcast %broadcast_in_dim3A_192 : i32 to vector<16xi32>
          %gather3A_194 = tpu.vector_load_idx %arg11[%broadcast_in_dim3A_193, %select_n3A_122] : memref<64x512xf32, #tpu.memory_space<vmem>>[vector<16xi32>, vector<16xi32>], vector<16xf32>,
          tpu.vector_store_idx %arg12[%select_n3A_134, %broadcast_in_dim3A_193], %gather3A_194 : memref<144x128xf32, #tpu.memory_space<vmem>>[vector<16xi32>, vector<16xi32>], vector<16xf32>,
          %broadcast_in_dim3A_195 = arith.constant 19 : i32
          %broadcast_in_dim3A_196 = vector.broadcast %broadcast_in_dim3A_195 : i32 to vector<16xi32>
          %gather3A_197 = tpu.vector_load_idx %arg11[%broadcast_in_dim3A_196, %select_n3A_122] : memref<64x512xf32, #tpu.memory_space<vmem>>[vector<16xi32>, vector<16xi32>], vector<16xf32>,
          tpu.vector_store_idx %arg12[%select_n3A_134, %broadcast_in_dim3A_196], %gather3A_197 : memref<144x128xf32, #tpu.memory_space<vmem>>[vector<16xi32>, vector<16xi32>], vector<16xf32>,
          %broadcast_in_dim3A_198 = arith.constant 20 : i32
          %broadcast_in_dim3A_199 = vector.broadcast %broadcast_in_dim3A_198 : i32 to vector<16xi32>
          %gather3A_200 = tpu.vector_load_idx %arg11[%broadcast_in_dim3A_199, %select_n3A_122] : memref<64x512xf32, #tpu.memory_space<vmem>>[vector<16xi32>, vector<16xi32>], vector<16xf32>,
          tpu.vector_store_idx %arg12[%select_n3A_134, %broadcast_in_dim3A_199], %gather3A_200 : memref<144x128xf32, #tpu.memory_space<vmem>>[vector<16xi32>, vector<16xi32>], vector<16xf32>,
          %broadcast_in_dim3A_201 = arith.constant 21 : i32
          %broadcast_in_dim3A_202 = vector.broadcast %broadcast_in_dim3A_201 : i32 to vector<16xi32>
          %gather3A_203 = tpu.vector_load_idx %arg11[%broadcast_in_dim3A_202, %select_n3A_122] : memref<64x512xf32, #tpu.memory_space<vmem>>[vector<16xi32>, vector<16xi32>], vector<16xf32>,
          tpu.vector_store_idx %arg12[%select_n3A_134, %broadcast_in_dim3A_202], %gather3A_203 : memref<144x128xf32, #tpu.memory_space<vmem>>[vector<16xi32>, vector<16xi32>], vector<16xf32>,
          %broadcast_in_dim3A_204 = arith.constant 22 : i32
          %broadcast_in_dim3A_205 = vector.broadcast %broadcast_in_dim3A_204 : i32 to vector<16xi32>
          %gather3A_206 = tpu.vector_load_idx %arg11[%broadcast_in_dim3A_205, %select_n3A_122] : memref<64x512xf32, #tpu.memory_space<vmem>>[vector<16xi32>, vector<16xi32>], vector<16xf32>,
          tpu.vector_store_idx %arg12[%select_n3A_134, %broadcast_in_dim3A_205], %gather3A_206 : memref<144x128xf32, #tpu.memory_space<vmem>>[vector<16xi32>, vector<16xi32>], vector<16xf32>,
          %broadcast_in_dim3A_207 = arith.constant 23 : i32
          %broadcast_in_dim3A_208 = vector.broadcast %broadcast_in_dim3A_207 : i32 to vector<16xi32>
          %gather3A_209 = tpu.vector_load_idx %arg11[%broadcast_in_dim3A_208, %select_n3A_122] : memref<64x512xf32, #tpu.memory_space<vmem>>[vector<16xi32>, vector<16xi32>], vector<16xf32>,
          tpu.vector_store_idx %arg12[%select_n3A_134, %broadcast_in_dim3A_208], %gather3A_209 : memref<144x128xf32, #tpu.memory_space<vmem>>[vector<16xi32>, vector<16xi32>], vector<16xf32>,
          %broadcast_in_dim3A_210 = arith.constant 24 : i32
          %broadcast_in_dim3A_211 = vector.broadcast %broadcast_in_dim3A_210 : i32 to vector<16xi32>
          %gather3A_212 = tpu.vector_load_idx %arg11[%broadcast_in_dim3A_211, %select_n3A_122] : memref<64x512xf32, #tpu.memory_space<vmem>>[vector<16xi32>, vector<16xi32>], vector<16xf32>,
          tpu.vector_store_idx %arg12[%select_n3A_134, %broadcast_in_dim3A_211], %gather3A_212 : memref<144x128xf32, #tpu.memory_space<vmem>>[vector<16xi32>, vector<16xi32>], vector<16xf32>,
          %broadcast_in_dim3A_213 = arith.constant 25 : i32
          %broadcast_in_dim3A_214 = vector.broadcast %broadcast_in_dim3A_213 : i32 to vector<16xi32>
          %gather3A_215 = tpu.vector_load_idx %arg11[%broadcast_in_dim3A_214, %select_n3A_122] : memref<64x512xf32, #tpu.memory_space<vmem>>[vector<16xi32>, vector<16xi32>], vector<16xf32>,
          tpu.vector_store_idx %arg12[%select_n3A_134, %broadcast_in_dim3A_214], %gather3A_215 : memref<144x128xf32, #tpu.memory_space<vmem>>[vector<16xi32>, vector<16xi32>], vector<16xf32>,
          %broadcast_in_dim3A_216 = arith.constant 26 : i32
          %broadcast_in_dim3A_217 = vector.broadcast %broadcast_in_dim3A_216 : i32 to vector<16xi32>
          %gather3A_218 = tpu.vector_load_idx %arg11[%broadcast_in_dim3A_217, %select_n3A_122] : memref<64x512xf32, #tpu.memory_space<vmem>>[vector<16xi32>, vector<16xi32>], vector<16xf32>,
          tpu.vector_store_idx %arg12[%select_n3A_134, %broadcast_in_dim3A_217], %gather3A_218 : memref<144x128xf32, #tpu.memory_space<vmem>>[vector<16xi32>, vector<16xi32>], vector<16xf32>,
          %broadcast_in_dim3A_219 = arith.constant 27 : i32
          %broadcast_in_dim3A_220 = vector.broadcast %broadcast_in_dim3A_219 : i32 to vector<16xi32>
          %gather3A_221 = tpu.vector_load_idx %arg11[%broadcast_in_dim3A_220, %select_n3A_122] : memref<64x512xf32, #tpu.memory_space<vmem>>[vector<16xi32>, vector<16xi32>], vector<16xf32>,
          tpu.vector_store_idx %arg12[%select_n3A_134, %broadcast_in_dim3A_220], %gather3A_221 : memref<144x128xf32, #tpu.memory_space<vmem>>[vector<16xi32>, vector<16xi32>], vector<16xf32>,
          %broadcast_in_dim3A_222 = arith.constant 28 : i32
          %broadcast_in_dim3A_223 = vector.broadcast %broadcast_in_dim3A_222 : i32 to vector<16xi32>
          %gather3A_224 = tpu.vector_load_idx %arg11[%broadcast_in_dim3A_223, %select_n3A_122] : memref<64x512xf32, #tpu.memory_space<vmem>>[vector<16xi32>, vector<16xi32>], vector<16xf32>,
          tpu.vector_store_idx %arg12[%select_n3A_134, %broadcast_in_dim3A_223], %gather3A_224 : memref<144x128xf32, #tpu.memory_space<vmem>>[vector<16xi32>, vector<16xi32>], vector<16xf32>,
          %broadcast_in_dim3A_225 = arith.constant 29 : i32
          %broadcast_in_dim3A_226 = vector.broadcast %broadcast_in_dim3A_225 : i32 to vector<16xi32>
          %gather3A_227 = tpu.vector_load_idx %arg11[%broadcast_in_dim3A_226, %select_n3A_122] : memref<64x512xf32, #tpu.memory_space<vmem>>[vector<16xi32>, vector<16xi32>], vector<16xf32>,
          tpu.vector_store_idx %arg12[%select_n3A_134, %broadcast_in_dim3A_226], %gather3A_227 : memref<144x128xf32, #tpu.memory_space<vmem>>[vector<16xi32>, vector<16xi32>], vector<16xf32>,
          %broadcast_in_dim3A_228 = arith.constant 30 : i32
          %broadcast_in_dim3A_229 = vector.broadcast %broadcast_in_dim3A_228 : i32 to vector<16xi32>
          %gather3A_230 = tpu.vector_load_idx %arg11[%broadcast_in_dim3A_229, %select_n3A_122] : memref<64x512xf32, #tpu.memory_space<vmem>>[vector<16xi32>, vector<16xi32>], vector<16xf32>,
          tpu.vector_store_idx %arg12[%select_n3A_134, %broadcast_in_dim3A_229], %gather3A_230 : memref<144x128xf32, #tpu.memory_space<vmem>>[vector<16xi32>, vector<16xi32>], vector<16xf32>,
          %broadcast_in_dim3A_231 = arith.constant 31 : i32
          %broadcast_in_dim3A_232 = vector.broadcast %broadcast_in_dim3A_231 : i32 to vector<16xi32>
          %gather3A_233 = tpu.vector_load_idx %arg11[%broadcast_in_dim3A_232, %select_n3A_122] : memref<64x512xf32, #tpu.memory_space<vmem>>[vector<16xi32>, vector<16xi32>], vector<16xf32>,
          tpu.vector_store_idx %arg12[%select_n3A_134, %broadcast_in_dim3A_232], %gather3A_233 : memref<144x128xf32, #tpu.memory_space<vmem>>[vector<16xi32>, vector<16xi32>], vector<16xf32>,
          %broadcast_in_dim3A_234 = arith.constant 32 : i32
          %broadcast_in_dim3A_235 = vector.broadcast %broadcast_in_dim3A_234 : i32 to vector<16xi32>
          %gather3A_236 = tpu.vector_load_idx %arg11[%broadcast_in_dim3A_235, %select_n3A_122] : memref<64x512xf32, #tpu.memory_space<vmem>>[vector<16xi32>, vector<16xi32>], vector<16xf32>,
          tpu.vector_store_idx %arg12[%select_n3A_134, %broadcast_in_dim3A_235], %gather3A_236 : memref<144x128xf32, #tpu.memory_space<vmem>>[vector<16xi32>, vector<16xi32>], vector<16xf32>,
          %broadcast_in_dim3A_237 = arith.constant 33 : i32
          %broadcast_in_dim3A_238 = vector.broadcast %broadcast_in_dim3A_237 : i32 to vector<16xi32>
          %gather3A_239 = tpu.vector_load_idx %arg11[%broadcast_in_dim3A_238, %select_n3A_122] : memref<64x512xf32, #tpu.memory_space<vmem>>[vector<16xi32>, vector<16xi32>], vector<16xf32>,
          tpu.vector_store_idx %arg12[%select_n3A_134, %broadcast_in_dim3A_238], %gather3A_239 : memref<144x128xf32, #tpu.memory_space<vmem>>[vector<16xi32>, vector<16xi32>], vector<16xf32>,
          %broadcast_in_dim3A_240 = arith.constant 34 : i32
          %broadcast_in_dim3A_241 = vector.broadcast %broadcast_in_dim3A_240 : i32 to vector<16xi32>
          %gather3A_242 = tpu.vector_load_idx %arg11[%broadcast_in_dim3A_241, %select_n3A_122] : memref<64x512xf32, #tpu.memory_space<vmem>>[vector<16xi32>, vector<16xi32>], vector<16xf32>,
          tpu.vector_store_idx %arg12[%select_n3A_134, %broadcast_in_dim3A_241], %gather3A_242 : memref<144x128xf32, #tpu.memory_space<vmem>>[vector<16xi32>, vector<16xi32>], vector<16xf32>,
          %broadcast_in_dim3A_243 = arith.constant 35 : i32
          %broadcast_in_dim3A_244 = vector.broadcast %broadcast_in_dim3A_243 : i32 to vector<16xi32>
          %gather3A_245 = tpu.vector_load_idx %arg11[%broadcast_in_dim3A_244, %select_n3A_122] : memref<64x512xf32, #tpu.memory_space<vmem>>[vector<16xi32>, vector<16xi32>], vector<16xf32>,
          tpu.vector_store_idx %arg12[%select_n3A_134, %broadcast_in_dim3A_244], %gather3A_245 : memref<144x128xf32, #tpu.memory_space<vmem>>[vector<16xi32>, vector<16xi32>], vector<16xf32>,
          %broadcast_in_dim3A_246 = arith.constant 36 : i32
          %broadcast_in_dim3A_247 = vector.broadcast %broadcast_in_dim3A_246 : i32 to vector<16xi32>
          %gather3A_248 = tpu.vector_load_idx %arg11[%broadcast_in_dim3A_247, %select_n3A_122] : memref<64x512xf32, #tpu.memory_space<vmem>>[vector<16xi32>, vector<16xi32>], vector<16xf32>,
          tpu.vector_store_idx %arg12[%select_n3A_134, %broadcast_in_dim3A_247], %gather3A_248 : memref<144x128xf32, #tpu.memory_space<vmem>>[vector<16xi32>, vector<16xi32>], vector<16xf32>,
          %broadcast_in_dim3A_249 = arith.constant 37 : i32
          %broadcast_in_dim3A_250 = vector.broadcast %broadcast_in_dim3A_249 : i32 to vector<16xi32>
          %gather3A_251 = tpu.vector_load_idx %arg11[%broadcast_in_dim3A_250, %select_n3A_122] : memref<64x512xf32, #tpu.memory_space<vmem>>[vector<16xi32>, vector<16xi32>], vector<16xf32>,
          tpu.vector_store_idx %arg12[%select_n3A_134, %broadcast_in_dim3A_250], %gather3A_251 : memref<144x128xf32, #tpu.memory_space<vmem>>[vector<16xi32>, vector<16xi32>], vector<16xf32>,
          %broadcast_in_dim3A_252 = arith.constant 38 : i32
          %broadcast_in_dim3A_253 = vector.broadcast %broadcast_in_dim3A_252 : i32 to vector<16xi32>
          %gather3A_254 = tpu.vector_load_idx %arg11[%broadcast_in_dim3A_253, %select_n3A_122] : memref<64x512xf32, #tpu.memory_space<vmem>>[vector<16xi32>, vector<16xi32>], vector<16xf32>,
          tpu.vector_store_idx %arg12[%select_n3A_134, %broadcast_in_dim3A_253], %gather3A_254 : memref<144x128xf32, #tpu.memory_space<vmem>>[vector<16xi32>, vector<16xi32>], vector<16xf32>,
          %broadcast_in_dim3A_255 = arith.constant 39 : i32
          %broadcast_in_dim3A_256 = vector.broadcast %broadcast_in_dim3A_255 : i32 to vector<16xi32>
          %gather3A_257 = tpu.vector_load_idx %arg11[%broadcast_in_dim3A_256, %select_n3A_122] : memref<64x512xf32, #tpu.memory_space<vmem>>[vector<16xi32>, vector<16xi32>], vector<16xf32>,
          tpu.vector_store_idx %arg12[%select_n3A_134, %broadcast_in_dim3A_256], %gather3A_257 : memref<144x128xf32, #tpu.memory_space<vmem>>[vector<16xi32>, vector<16xi32>], vector<16xf32>,
          %broadcast_in_dim3A_258 = arith.constant 40 : i32
          %broadcast_in_dim3A_259 = vector.broadcast %broadcast_in_dim3A_258 : i32 to vector<16xi32>
          %gather3A_260 = tpu.vector_load_idx %arg11[%broadcast_in_dim3A_259, %select_n3A_122] : memref<64x512xf32, #tpu.memory_space<vmem>>[vector<16xi32>, vector<16xi32>], vector<16xf32>,
          tpu.vector_store_idx %arg12[%select_n3A_134, %broadcast_in_dim3A_259], %gather3A_260 : memref<144x128xf32, #tpu.memory_space<vmem>>[vector<16xi32>, vector<16xi32>], vector<16xf32>,
          %broadcast_in_dim3A_261 = arith.constant 41 : i32
          %broadcast_in_dim3A_262 = vector.broadcast %broadcast_in_dim3A_261 : i32 to vector<16xi32>
          %gather3A_263 = tpu.vector_load_idx %arg11[%broadcast_in_dim3A_262, %select_n3A_122] : memref<64x512xf32, #tpu.memory_space<vmem>>[vector<16xi32>, vector<16xi32>], vector<16xf32>,
          tpu.vector_store_idx %arg12[%select_n3A_134, %broadcast_in_dim3A_262], %gather3A_263 : memref<144x128xf32, #tpu.memory_space<vmem>>[vector<16xi32>, vector<16xi32>], vector<16xf32>,
          %broadcast_in_dim3A_264 = arith.constant 42 : i32
          %broadcast_in_dim3A_265 = vector.broadcast %broadcast_in_dim3A_264 : i32 to vector<16xi32>
          %gather3A_266 = tpu.vector_load_idx %arg11[%broadcast_in_dim3A_265, %select_n3A_122] : memref<64x512xf32, #tpu.memory_space<vmem>>[vector<16xi32>, vector<16xi32>], vector<16xf32>,
          tpu.vector_store_idx %arg12[%select_n3A_134, %broadcast_in_dim3A_265], %gather3A_266 : memref<144x128xf32, #tpu.memory_space<vmem>>[vector<16xi32>, vector<16xi32>], vector<16xf32>,
          %broadcast_in_dim3A_267 = arith.constant 43 : i32
          %broadcast_in_dim3A_268 = vector.broadcast %broadcast_in_dim3A_267 : i32 to vector<16xi32>
          %gather3A_269 = tpu.vector_load_idx %arg11[%broadcast_in_dim3A_268, %select_n3A_122] : memref<64x512xf32, #tpu.memory_space<vmem>>[vector<16xi32>, vector<16xi32>], vector<16xf32>,
          tpu.vector_store_idx %arg12[%select_n3A_134, %broadcast_in_dim3A_268], %gather3A_269 : memref<144x128xf32, #tpu.memory_space<vmem>>[vector<16xi32>, vector<16xi32>], vector<16xf32>,
          %broadcast_in_dim3A_270 = arith.constant 44 : i32
          %broadcast_in_dim3A_271 = vector.broadcast %broadcast_in_dim3A_270 : i32 to vector<16xi32>
          %gather3A_272 = tpu.vector_load_idx %arg11[%broadcast_in_dim3A_271, %select_n3A_122] : memref<64x512xf32, #tpu.memory_space<vmem>>[vector<16xi32>, vector<16xi32>], vector<16xf32>,
          tpu.vector_store_idx %arg12[%select_n3A_134, %broadcast_in_dim3A_271], %gather3A_272 : memref<144x128xf32, #tpu.memory_space<vmem>>[vector<16xi32>, vector<16xi32>], vector<16xf32>,
          %broadcast_in_dim3A_273 = arith.constant 45 : i32
          %broadcast_in_dim3A_274 = vector.broadcast %broadcast_in_dim3A_273 : i32 to vector<16xi32>
          %gather3A_275 = tpu.vector_load_idx %arg11[%broadcast_in_dim3A_274, %select_n3A_122] : memref<64x512xf32, #tpu.memory_space<vmem>>[vector<16xi32>, vector<16xi32>], vector<16xf32>,
          tpu.vector_store_idx %arg12[%select_n3A_134, %broadcast_in_dim3A_274], %gather3A_275 : memref<144x128xf32, #tpu.memory_space<vmem>>[vector<16xi32>, vector<16xi32>], vector<16xf32>,
          %broadcast_in_dim3A_276 = arith.constant 46 : i32
          %broadcast_in_dim3A_277 = vector.broadcast %broadcast_in_dim3A_276 : i32 to vector<16xi32>
          %gather3A_278 = tpu.vector_load_idx %arg11[%broadcast_in_dim3A_277, %select_n3A_122] : memref<64x512xf32, #tpu.memory_space<vmem>>[vector<16xi32>, vector<16xi32>], vector<16xf32>,
          tpu.vector_store_idx %arg12[%select_n3A_134, %broadcast_in_dim3A_277], %gather3A_278 : memref<144x128xf32, #tpu.memory_space<vmem>>[vector<16xi32>, vector<16xi32>], vector<16xf32>,
          %broadcast_in_dim3A_279 = arith.constant 47 : i32
          %broadcast_in_dim3A_280 = vector.broadcast %broadcast_in_dim3A_279 : i32 to vector<16xi32>
          %gather3A_281 = tpu.vector_load_idx %arg11[%broadcast_in_dim3A_280, %select_n3A_122] : memref<64x512xf32, #tpu.memory_space<vmem>>[vector<16xi32>, vector<16xi32>], vector<16xf32>,
          tpu.vector_store_idx %arg12[%select_n3A_134, %broadcast_in_dim3A_280], %gather3A_281 : memref<144x128xf32, #tpu.memory_space<vmem>>[vector<16xi32>, vector<16xi32>], vector<16xf32>,
          %broadcast_in_dim3A_282 = arith.constant 48 : i32
          %broadcast_in_dim3A_283 = vector.broadcast %broadcast_in_dim3A_282 : i32 to vector<16xi32>
          %gather3A_284 = tpu.vector_load_idx %arg11[%broadcast_in_dim3A_283, %select_n3A_122] : memref<64x512xf32, #tpu.memory_space<vmem>>[vector<16xi32>, vector<16xi32>], vector<16xf32>,
          tpu.vector_store_idx %arg12[%select_n3A_134, %broadcast_in_dim3A_283], %gather3A_284 : memref<144x128xf32, #tpu.memory_space<vmem>>[vector<16xi32>, vector<16xi32>], vector<16xf32>,
          %broadcast_in_dim3A_285 = arith.constant 49 : i32
          %broadcast_in_dim3A_286 = vector.broadcast %broadcast_in_dim3A_285 : i32 to vector<16xi32>
          %gather3A_287 = tpu.vector_load_idx %arg11[%broadcast_in_dim3A_286, %select_n3A_122] : memref<64x512xf32, #tpu.memory_space<vmem>>[vector<16xi32>, vector<16xi32>], vector<16xf32>,
          tpu.vector_store_idx %arg12[%select_n3A_134, %broadcast_in_dim3A_286], %gather3A_287 : memref<144x128xf32, #tpu.memory_space<vmem>>[vector<16xi32>, vector<16xi32>], vector<16xf32>,
          %broadcast_in_dim3A_288 = arith.constant 50 : i32
          %broadcast_in_dim3A_289 = vector.broadcast %broadcast_in_dim3A_288 : i32 to vector<16xi32>
          %gather3A_290 = tpu.vector_load_idx %arg11[%broadcast_in_dim3A_289, %select_n3A_122] : memref<64x512xf32, #tpu.memory_space<vmem>>[vector<16xi32>, vector<16xi32>], vector<16xf32>,
          tpu.vector_store_idx %arg12[%select_n3A_134, %broadcast_in_dim3A_289], %gather3A_290 : memref<144x128xf32, #tpu.memory_space<vmem>>[vector<16xi32>, vector<16xi32>], vector<16xf32>,
          %broadcast_in_dim3A_291 = arith.constant 51 : i32
          %broadcast_in_dim3A_292 = vector.broadcast %broadcast_in_dim3A_291 : i32 to vector<16xi32>
          %gather3A_293 = tpu.vector_load_idx %arg11[%broadcast_in_dim3A_292, %select_n3A_122] : memref<64x512xf32, #tpu.memory_space<vmem>>[vector<16xi32>, vector<16xi32>], vector<16xf32>,
          tpu.vector_store_idx %arg12[%select_n3A_134, %broadcast_in_dim3A_292], %gather3A_293 : memref<144x128xf32, #tpu.memory_space<vmem>>[vector<16xi32>, vector<16xi32>], vector<16xf32>,
          %broadcast_in_dim3A_294 = arith.constant 52 : i32
          %broadcast_in_dim3A_295 = vector.broadcast %broadcast_in_dim3A_294 : i32 to vector<16xi32>
          %gather3A_296 = tpu.vector_load_idx %arg11[%broadcast_in_dim3A_295, %select_n3A_122] : memref<64x512xf32, #tpu.memory_space<vmem>>[vector<16xi32>, vector<16xi32>], vector<16xf32>,
          tpu.vector_store_idx %arg12[%select_n3A_134, %broadcast_in_dim3A_295], %gather3A_296 : memref<144x128xf32, #tpu.memory_space<vmem>>[vector<16xi32>, vector<16xi32>], vector<16xf32>,
          %broadcast_in_dim3A_297 = arith.constant 53 : i32
          %broadcast_in_dim3A_298 = vector.broadcast %broadcast_in_dim3A_297 : i32 to vector<16xi32>
          %gather3A_299 = tpu.vector_load_idx %arg11[%broadcast_in_dim3A_298, %select_n3A_122] : memref<64x512xf32, #tpu.memory_space<vmem>>[vector<16xi32>, vector<16xi32>], vector<16xf32>,
          tpu.vector_store_idx %arg12[%select_n3A_134, %broadcast_in_dim3A_298], %gather3A_299 : memref<144x128xf32, #tpu.memory_space<vmem>>[vector<16xi32>, vector<16xi32>], vector<16xf32>,
          %broadcast_in_dim3A_300 = arith.constant 54 : i32
          %broadcast_in_dim3A_301 = vector.broadcast %broadcast_in_dim3A_300 : i32 to vector<16xi32>
          %gather3A_302 = tpu.vector_load_idx %arg11[%broadcast_in_dim3A_301, %select_n3A_122] : memref<64x512xf32, #tpu.memory_space<vmem>>[vector<16xi32>, vector<16xi32>], vector<16xf32>,
          tpu.vector_store_idx %arg12[%select_n3A_134, %broadcast_in_dim3A_301], %gather3A_302 : memref<144x128xf32, #tpu.memory_space<vmem>>[vector<16xi32>, vector<16xi32>], vector<16xf32>,
          %broadcast_in_dim3A_303 = arith.constant 55 : i32
          %broadcast_in_dim3A_304 = vector.broadcast %broadcast_in_dim3A_303 : i32 to vector<16xi32>
          %gather3A_305 = tpu.vector_load_idx %arg11[%broadcast_in_dim3A_304, %select_n3A_122] : memref<64x512xf32, #tpu.memory_space<vmem>>[vector<16xi32>, vector<16xi32>], vector<16xf32>,
          tpu.vector_store_idx %arg12[%select_n3A_134, %broadcast_in_dim3A_304], %gather3A_305 : memref<144x128xf32, #tpu.memory_space<vmem>>[vector<16xi32>, vector<16xi32>], vector<16xf32>,
          %broadcast_in_dim3A_306 = arith.constant 56 : i32
          %broadcast_in_dim3A_307 = vector.broadcast %broadcast_in_dim3A_306 : i32 to vector<16xi32>
          %gather3A_308 = tpu.vector_load_idx %arg11[%broadcast_in_dim3A_307, %select_n3A_122] : memref<64x512xf32, #tpu.memory_space<vmem>>[vector<16xi32>, vector<16xi32>], vector<16xf32>,
          tpu.vector_store_idx %arg12[%select_n3A_134, %broadcast_in_dim3A_307], %gather3A_308 : memref<144x128xf32, #tpu.memory_space<vmem>>[vector<16xi32>, vector<16xi32>], vector<16xf32>,
          %broadcast_in_dim3A_309 = arith.constant 57 : i32
          %broadcast_in_dim3A_310 = vector.broadcast %broadcast_in_dim3A_309 : i32 to vector<16xi32>
          %gather3A_311 = tpu.vector_load_idx %arg11[%broadcast_in_dim3A_310, %select_n3A_122] : memref<64x512xf32, #tpu.memory_space<vmem>>[vector<16xi32>, vector<16xi32>], vector<16xf32>,
          tpu.vector_store_idx %arg12[%select_n3A_134, %broadcast_in_dim3A_310], %gather3A_311 : memref<144x128xf32, #tpu.memory_space<vmem>>[vector<16xi32>, vector<16xi32>], vector<16xf32>,
          %broadcast_in_dim3A_312 = arith.constant 58 : i32
          %broadcast_in_dim3A_313 = vector.broadcast %broadcast_in_dim3A_312 : i32 to vector<16xi32>
          %gather3A_314 = tpu.vector_load_idx %arg11[%broadcast_in_dim3A_313, %select_n3A_122] : memref<64x512xf32, #tpu.memory_space<vmem>>[vector<16xi32>, vector<16xi32>], vector<16xf32>,
          tpu.vector_store_idx %arg12[%select_n3A_134, %broadcast_in_dim3A_313], %gather3A_314 : memref<144x128xf32, #tpu.memory_space<vmem>>[vector<16xi32>, vector<16xi32>], vector<16xf32>,
          %broadcast_in_dim3A_315 = arith.constant 59 : i32
          %broadcast_in_dim3A_316 = vector.broadcast %broadcast_in_dim3A_315 : i32 to vector<16xi32>
          %gather3A_317 = tpu.vector_load_idx %arg11[%broadcast_in_dim3A_316, %select_n3A_122] : memref<64x512xf32, #tpu.memory_space<vmem>>[vector<16xi32>, vector<16xi32>], vector<16xf32>,
          tpu.vector_store_idx %arg12[%select_n3A_134, %broadcast_in_dim3A_316], %gather3A_317 : memref<144x128xf32, #tpu.memory_space<vmem>>[vector<16xi32>, vector<16xi32>], vector<16xf32>,
          %broadcast_in_dim3A_318 = arith.constant 60 : i32
          %broadcast_in_dim3A_319 = vector.broadcast %broadcast_in_dim3A_318 : i32 to vector<16xi32>
          %gather3A_320 = tpu.vector_load_idx %arg11[%broadcast_in_dim3A_319, %select_n3A_122] : memref<64x512xf32, #tpu.memory_space<vmem>>[vector<16xi32>, vector<16xi32>], vector<16xf32>,
          tpu.vector_store_idx %arg12[%select_n3A_134, %broadcast_in_dim3A_319], %gather3A_320 : memref<144x128xf32, #tpu.memory_space<vmem>>[vector<16xi32>, vector<16xi32>], vector<16xf32>,
          %broadcast_in_dim3A_321 = arith.constant 61 : i32
          %broadcast_in_dim3A_322 = vector.broadcast %broadcast_in_dim3A_321 : i32 to vector<16xi32>
          %gather3A_323 = tpu.vector_load_idx %arg11[%broadcast_in_dim3A_322, %select_n3A_122] : memref<64x512xf32, #tpu.memory_space<vmem>>[vector<16xi32>, vector<16xi32>], vector<16xf32>,
          tpu.vector_store_idx %arg12[%select_n3A_134, %broadcast_in_dim3A_322], %gather3A_323 : memref<144x128xf32, #tpu.memory_space<vmem>>[vector<16xi32>, vector<16xi32>], vector<16xf32>,
          %broadcast_in_dim3A_324 = arith.constant 62 : i32
          %broadcast_in_dim3A_325 = vector.broadcast %broadcast_in_dim3A_324 : i32 to vector<16xi32>
          %gather3A_326 = tpu.vector_load_idx %arg11[%broadcast_in_dim3A_325, %select_n3A_122] : memref<64x512xf32, #tpu.memory_space<vmem>>[vector<16xi32>, vector<16xi32>], vector<16xf32>,
          tpu.vector_store_idx %arg12[%select_n3A_134, %broadcast_in_dim3A_325], %gather3A_326 : memref<144x128xf32, #tpu.memory_space<vmem>>[vector<16xi32>, vector<16xi32>], vector<16xf32>,
          %broadcast_in_dim3A_327 = arith.constant 63 : i32
          %broadcast_in_dim3A_328 = vector.broadcast %broadcast_in_dim3A_327 : i32 to vector<16xi32>
          %gather3A_329 = tpu.vector_load_idx %arg11[%broadcast_in_dim3A_328, %select_n3A_122] : memref<64x512xf32, #tpu.memory_space<vmem>>[vector<16xi32>, vector<16xi32>], vector<16xf32>,
          tpu.vector_store_idx %arg12[%select_n3A_134, %broadcast_in_dim3A_328], %gather3A_329 : memref<144x128xf32, #tpu.memory_space<vmem>>[vector<16xi32>, vector<16xi32>], vector<16xf32>,
          %slice3A = vector.extract_strided_slice %masked_cumsum3A {offsets = [15], sizes = [1], strides = [1]} : vector<16xi32> to vector<1xi32>
          %squeeze3A = vector.extract %slice3A[0] : i32 from vector<1xi32>
          %add3A_330 = arith.addi %cond3A_109, %squeeze3A : i32
          scf.yield %add3A_330 : i32
        }
        %while3A_95 = arith.constant 2048 : i32
        %while3A_96:2 = scf.while (%while3A_103 = %while3A_95, %while3A_104 = %while3A_94) : (i32, i32) -> (i32, i32) {
          %lt3A_105 = arith.cmpi slt, %while3A_103, %while3A_73 : i32
          scf.condition(%lt3A_105) %while3A_103, %while3A_104 : i32, i32
        } do {
        ^bb0(%while3A_103: i32, %while3A_104: i32):
          %while3A_105 = arith.constant 0 : i32
          %while3A_106 = arith.constant 0 : i32
          %while3A_107 = arith.subi %shift_right_arithmetic3A_27, %while3A_105 : i32
          %while3A_108 = arith.addi %while3A_105, %while3A_107 : i32
          %while3A_109 = arith.constant 1 : i32
          %while3A_110 = arith.divsi %while3A_107, %while3A_109 : i32
          %while3A_111 = arith.muli %while3A_110, %while3A_109 : i32
          %while3A_112 = arith.addi %while3A_105, %while3A_111 : i32
          %while3A_113 = arith.constant 1 : i32
          %while3A_114 = scf.for %while3A_136 = %while3A_105 to %while3A_112 step %while3A_113 iter_args(%while3A_137 = %while3A_106) -> (i32)  : i32 {
            %mul3A_138 = arith.constant 16 : i32
            %mul3A_139 = arith.muli %while3A_136, %mul3A_138 : i32
            %add3A_140 = vector.broadcast %mul3A_139 : i32 to vector<16xi32>
            %add3A_141 = arith.addi %add3A_140, %iota3A : vector<16xi32>
            %min3A_142 = arith.constant 16383 : i32
            %min3A_143 = vector.broadcast %min3A_142 : i32 to vector<16xi32>
            %min3A_144 = arith.minsi %add3A_141, %min3A_143 : vector<16xi32>
            %gather3A = tpu.vector_load_idx %arg6[%min3A_144] : memref<16400xi32, #tpu.memory_space<vmem>>[vector<16xi32>], vector<16xi32>,
            %gather3A_145 = tpu.vector_load_idx %arg7[%min3A_144] : memref<16400xi32, #tpu.memory_space<vmem>>[vector<16xi32>], vector<16xi32>,
            %lt3A_146 = vector.broadcast %scan3A_23 : i32 to vector<16xi32>
            %lt3A_147 = arith.cmpi slt, %add3A_141, %lt3A_146 : vector<16xi32>
            %shift_right_arithmetic3A_148 = arith.constant 9 : i32
            %shift_right_arithmetic3A_149 = vector.broadcast %shift_right_arithmetic3A_148 : i32 to vector<16xi32>
            %shift_right_arithmetic3A_150 = arith.shrsi %gather3A, %shift_right_arithmetic3A_149 : vector<16xi32>
            %eq3A = vector.broadcast %add3A_59 : i32 to vector<16xi32>
            %eq3A_151 = arith.cmpi eq, %shift_right_arithmetic3A_150, %eq3A : vector<16xi32>
            %and3A = arith.andi %lt3A_147, %eq3A_151 : vector<16xi1>
            %convert_element_type3A_152 = arith.extui %and3A : vector<16xi1> to vector<16xi32>
            %broadcast_in_dim3A = arith.constant true
            %broadcast_in_dim3A_153 = vector.broadcast %broadcast_in_dim3A : i1 to vector<16xi1>
            %masked_cumsum3A = tpu.scan <sum>, %convert_element_type3A_152 masked %broadcast_in_dim3A_153 : vector<16xi32>, vector<16xi1> -> vector<16xi32>
            %add3A_154 = vector.broadcast %while3A_137 : i32 to vector<16xi32>
            %add3A_155 = arith.addi %add3A_154, %masked_cumsum3A : vector<16xi32>
            %sub3A_156 = arith.constant 1 : i32
            %sub3A_157 = vector.broadcast %sub3A_156 : i32 to vector<16xi32>
            %sub3A_158 = arith.subi %add3A_155, %sub3A_157 : vector<16xi32>
            %sub3A_159 = vector.broadcast %while3A_103 : i32 to vector<16xi32>
            %sub3A_160 = arith.subi %sub3A_158, %sub3A_159 : vector<16xi32>
            %ge3A = arith.constant 0 : i32
            %ge3A_161 = vector.broadcast %ge3A : i32 to vector<16xi32>
            %ge3A_162 = arith.cmpi sge, %sub3A_160, %ge3A_161 : vector<16xi32>
            %and3A_163 = arith.andi %and3A, %ge3A_162 : vector<16xi1>
            %lt3A_164 = arith.constant 2048 : i32
            %lt3A_165 = vector.broadcast %lt3A_164 : i32 to vector<16xi32>
            %lt3A_166 = arith.cmpi slt, %sub3A_160, %lt3A_165 : vector<16xi32>
            %and3A_167 = arith.andi %and3A_163, %lt3A_166 : vector<16xi1>
            tpu.vector_store_idx %arg8[%sub3A_160], %gather3A masked %and3A_167 : memref<2048xi32, #tpu.memory_space<vmem>>[vector<16xi32>], vector<16xi32>, vector<16xi1>
            tpu.vector_store_idx %arg9[%sub3A_160], %gather3A_145 masked %and3A_167 : memref<2048xi32, #tpu.memory_space<vmem>>[vector<16xi32>], vector<16xi32>, vector<16xi1>
            %slice3A = vector.extract_strided_slice %masked_cumsum3A {offsets = [15], sizes = [1], strides = [1]} : vector<16xi32> to vector<1xi32>
            %squeeze3A = vector.extract %slice3A[0] : i32 from vector<1xi32>
            %add3A_168 = arith.addi %while3A_137, %squeeze3A : i32
            scf.yield %add3A_168 : i32
          }
          %while3A_115 = arith.constant 1 : i32
          %while3A_116 = scf.for %while3A_136 = %while3A_112 to %while3A_108 step %while3A_115 iter_args(%while3A_137 = %while3A_114) -> (i32)  : i32 {
            %mul3A_138 = arith.constant 16 : i32
            %mul3A_139 = arith.muli %while3A_136, %mul3A_138 : i32
            %add3A_140 = vector.broadcast %mul3A_139 : i32 to vector<16xi32>
            %add3A_141 = arith.addi %add3A_140, %iota3A : vector<16xi32>
            %min3A_142 = arith.constant 16383 : i32
            %min3A_143 = vector.broadcast %min3A_142 : i32 to vector<16xi32>
            %min3A_144 = arith.minsi %add3A_141, %min3A_143 : vector<16xi32>
            %gather3A = tpu.vector_load_idx %arg6[%min3A_144] : memref<16400xi32, #tpu.memory_space<vmem>>[vector<16xi32>], vector<16xi32>,
            %gather3A_145 = tpu.vector_load_idx %arg7[%min3A_144] : memref<16400xi32, #tpu.memory_space<vmem>>[vector<16xi32>], vector<16xi32>,
            %lt3A_146 = vector.broadcast %scan3A_23 : i32 to vector<16xi32>
            %lt3A_147 = arith.cmpi slt, %add3A_141, %lt3A_146 : vector<16xi32>
            %shift_right_arithmetic3A_148 = arith.constant 9 : i32
            %shift_right_arithmetic3A_149 = vector.broadcast %shift_right_arithmetic3A_148 : i32 to vector<16xi32>
            %shift_right_arithmetic3A_150 = arith.shrsi %gather3A, %shift_right_arithmetic3A_149 : vector<16xi32>
            %eq3A = vector.broadcast %add3A_59 : i32 to vector<16xi32>
            %eq3A_151 = arith.cmpi eq, %shift_right_arithmetic3A_150, %eq3A : vector<16xi32>
            %and3A = arith.andi %lt3A_147, %eq3A_151 : vector<16xi1>
            %convert_element_type3A_152 = arith.extui %and3A : vector<16xi1> to vector<16xi32>
            %broadcast_in_dim3A = arith.constant true
            %broadcast_in_dim3A_153 = vector.broadcast %broadcast_in_dim3A : i1 to vector<16xi1>
            %masked_cumsum3A = tpu.scan <sum>, %convert_element_type3A_152 masked %broadcast_in_dim3A_153 : vector<16xi32>, vector<16xi1> -> vector<16xi32>
            %add3A_154 = vector.broadcast %while3A_137 : i32 to vector<16xi32>
            %add3A_155 = arith.addi %add3A_154, %masked_cumsum3A : vector<16xi32>
            %sub3A_156 = arith.constant 1 : i32
            %sub3A_157 = vector.broadcast %sub3A_156 : i32 to vector<16xi32>
            %sub3A_158 = arith.subi %add3A_155, %sub3A_157 : vector<16xi32>
            %sub3A_159 = vector.broadcast %while3A_103 : i32 to vector<16xi32>
            %sub3A_160 = arith.subi %sub3A_158, %sub3A_159 : vector<16xi32>
            %ge3A = arith.constant 0 : i32
            %ge3A_161 = vector.broadcast %ge3A : i32 to vector<16xi32>
            %ge3A_162 = arith.cmpi sge, %sub3A_160, %ge3A_161 : vector<16xi32>
            %and3A_163 = arith.andi %and3A, %ge3A_162 : vector<16xi1>
            %lt3A_164 = arith.constant 2048 : i32
            %lt3A_165 = vector.broadcast %lt3A_164 : i32 to vector<16xi32>
            %lt3A_166 = arith.cmpi slt, %sub3A_160, %lt3A_165 : vector<16xi32>
            %and3A_167 = arith.andi %and3A_163, %lt3A_166 : vector<16xi1>
            tpu.vector_store_idx %arg8[%sub3A_160], %gather3A masked %and3A_167 : memref<2048xi32, #tpu.memory_space<vmem>>[vector<16xi32>], vector<16xi32>, vector<16xi1>
            tpu.vector_store_idx %arg9[%sub3A_160], %gather3A_145 masked %and3A_167 : memref<2048xi32, #tpu.memory_space<vmem>>[vector<16xi32>], vector<16xi32>, vector<16xi1>
            %slice3A = vector.extract_strided_slice %masked_cumsum3A {offsets = [15], sizes = [1], strides = [1]} : vector<16xi32> to vector<1xi32>
            %squeeze3A = vector.extract %slice3A[0] : i32 from vector<1xi32>
            %add3A_168 = arith.addi %while3A_137, %squeeze3A : i32
            scf.yield %add3A_168 : i32
          }
          %sub3A = arith.subi %while3A_73, %while3A_103 : i32
          %min3A_117 = arith.constant 2048 : i32
          %min3A_118 = arith.minsi %sub3A, %min3A_117 : i32
          %add3A_119 = arith.constant 15 : i32
          %add3A_120 = arith.addi %min3A_118, %add3A_119 : i32
          %shift_right_arithmetic3A_121 = arith.constant 4 : i32
          %shift_right_arithmetic3A_122 = arith.shrsi %add3A_120, %shift_right_arithmetic3A_121 : i32
          %while3A_123 = arith.constant 0 : i32
          %while3A_124 = arith.subi %shift_right_arithmetic3A_122, %while3A_123 : i32
          %while3A_125 = arith.addi %while3A_123, %while3A_124 : i32
          %while3A_126 = arith.constant 1 : i32
          %while3A_127 = arith.divsi %while3A_124, %while3A_126 : i32
          %while3A_128 = arith.muli %while3A_127, %while3A_126 : i32
          %while3A_129 = arith.addi %while3A_123, %while3A_128 : i32
          %while3A_130 = arith.constant 1 : i32
          %while3A_131 = scf.for %while3A_136 = %while3A_123 to %while3A_129 step %while3A_130 iter_args(%while3A_137 = %while3A_104) -> (i32)  : i32 {
            %ge3A = arith.constant 112 : i32
            %ge3A_138 = arith.cmpi sge, %while3A_137, %ge3A : i32
            %convert_element_type3A_139 = arith.extui %ge3A_138 : i1 to i32
            %cond3A_140 = arith.constant 0 : i32
            %cond3A_141 = arith.cmpi ne, %convert_element_type3A_139, %cond3A_140 : i32
            %cond3A_142 = scf.if %cond3A_141 -> (i32) {
              %add3A_365 = vector.broadcast %while3A_137 : i32 to vector<16xi32>
              %add3A_366 = arith.addi %add3A_365, %iota3A : vector<16xi32>
              %lt3A_367 = arith.constant 128 : i32
              %lt3A_368 = vector.broadcast %lt3A_367 : i32 to vector<16xi32>
              %lt3A_369 = arith.cmpi slt, %add3A_366, %lt3A_368 : vector<16xi32>
              %min3A_370 = arith.constant 127 : i32
              %min3A_371 = vector.broadcast %min3A_370 : i32 to vector<16xi32>
              %min3A_372 = arith.minsi %add3A_366, %min3A_371 : vector<16xi32>
              %add3A_373 = arith.constant 16384 : i32
              %add3A_374 = vector.broadcast %add3A_373 : i32 to vector<16xi32>
              %add3A_375 = arith.addi %add3A_374, %iota3A : vector<16xi32>
              tpu.vector_store_idx %arg13[%min3A_372], %add3A_375 masked %lt3A_369 : memref<128xi32, #tpu.memory_space<vmem>>[vector<16xi32>], vector<16xi32>, vector<16xi1>
              "tpu.region"() ({
                %run_scoped3A = tpu.sem_alloc : memref<!tpu.dma_semaphore, #tpu.memory_space<semaphore_mem>>
                %dma_start3A_377 = arith.constant 0 : i32
                %dma_start3A_378 = arith.constant 0 : i32
                %dma_start3A_379 = tpu.memref_slice %arg12[%dma_start3A_377, %dma_start3A_378] : memref<144x128xf32, #tpu.memory_space<vmem>> -> memref<128x128xf32, #tpu.memory_space<vmem>>
                %dma_start3A_380 = arith.constant 0 : i32
                %dma_start3A_381 = arith.constant 0 : i32
                %dma_start3A_382 = tpu.memref_slice %arg4[%dma_start3A_380, %dma_start3A_381] : memref<16512x128xf32, #tpu.memory_space<hbm>> -> memref<16512x128xf32, #tpu.memory_space<hbm>>
                tpu.enqueue_indirect_dma source(%dma_start3A_379 : memref<128x128xf32, #tpu.memory_space<vmem>>) target(%dma_start3A_382 : memref<16512x128xf32, #tpu.memory_space<hbm>>) offsets(%arg13 : memref<128xi32, #tpu.memory_space<vmem>>) semaphore(%run_scoped3A : memref<!tpu.dma_semaphore, #tpu.memory_space<semaphore_mem>>)
                %dma_wait3A_383 = arith.constant 0 : i32
                %dma_wait3A_384 = arith.constant 0 : i32
                %dma_wait3A_385 = tpu.memref_slice %arg12[%dma_wait3A_383, %dma_wait3A_384] : memref<144x128xf32, #tpu.memory_space<vmem>> -> memref<128x128xf32, #tpu.memory_space<vmem>>
                %dma_wait3A_386 = arith.constant 0 : i32
                %dma_wait3A_387 = arith.constant 0 : i32
                %dma_wait3A_388 = tpu.memref_slice %arg4[%dma_wait3A_386, %dma_wait3A_387] : memref<16512x128xf32, #tpu.memory_space<hbm>> -> memref<16512x128xf32, #tpu.memory_space<hbm>>
                tpu.wait_indirect_dma semaphore(%run_scoped3A : memref<!tpu.dma_semaphore, #tpu.memory_space<semaphore_mem>>) src(%dma_wait3A_385 : memref<128x128xf32, #tpu.memory_space<vmem>>) dst(%dma_wait3A_388 : memref<16512x128xf32, #tpu.memory_space<hbm>>)
                tpu.yield
              }) : () -> ()
              %cond3A_376 = arith.constant 0 : i32
              scf.yield %cond3A_376 : i32
            } else {
              scf.yield %while3A_137 : i32
            }
            %mul3A_143 = arith.constant 16 : i32
            %mul3A_144 = arith.muli %while3A_136, %mul3A_143 : i32
            %add3A_145 = vector.broadcast %mul3A_144 : i32 to vector<16xi32>
            %add3A_146 = arith.addi %add3A_145, %iota3A : vector<16xi32>
            %lt3A_147 = vector.broadcast %min3A_118 : i32 to vector<16xi32>
            %lt3A_148 = arith.cmpi slt, %add3A_146, %lt3A_147 : vector<16xi32>
            %min3A_149 = arith.constant 2047 : i32
            %min3A_150 = vector.broadcast %min3A_149 : i32 to vector<16xi32>
            %min3A_151 = arith.minsi %add3A_146, %min3A_150 : vector<16xi32>
            %gather3A = tpu.vector_load_idx %arg8[%min3A_151] : memref<2048xi32, #tpu.memory_space<vmem>>[vector<16xi32>], vector<16xi32>,
            %gather3A_152 = tpu.vector_load_idx %arg9[%min3A_151] : memref<2048xi32, #tpu.memory_space<vmem>>[vector<16xi32>], vector<16xi32>,
            %sub3A_153 = vector.broadcast %mul3A_61 : i32 to vector<16xi32>
            %sub3A_154 = arith.subi %gather3A, %sub3A_153 : vector<16xi32>
            %jit3A_155 = arith.constant 0 : i32
            %broadcast_in_dim3A = vector.broadcast %jit3A_155 : i32 to vector<16xi32>
            %select_n3A_156 = arith.select %lt3A_148, %sub3A_154, %broadcast_in_dim3A : vector<16xi1>, vector<16xi32>
            %convert_element_type3A_157 = arith.extui %lt3A_148 : vector<16xi1> to vector<16xi32>
            %broadcast_in_dim3A_158 = arith.constant true
            %broadcast_in_dim3A_159 = vector.broadcast %broadcast_in_dim3A_158 : i1 to vector<16xi1>
            %masked_cumsum3A = tpu.scan <sum>, %convert_element_type3A_157 masked %broadcast_in_dim3A_159 : vector<16xi32>, vector<16xi1> -> vector<16xi32>
            %add3A_160 = vector.broadcast %cond3A_142 : i32 to vector<16xi32>
            %add3A_161 = arith.addi %add3A_160, %masked_cumsum3A : vector<16xi32>
            %sub3A_162 = arith.constant 1 : i32
            %sub3A_163 = vector.broadcast %sub3A_162 : i32 to vector<16xi32>
            %sub3A_164 = arith.subi %add3A_161, %sub3A_163 : vector<16xi32>
            %add3A_165 = arith.constant 128 : i32
            %add3A_166 = vector.broadcast %add3A_165 : i32 to vector<16xi32>
            %add3A_167 = arith.addi %add3A_166, %iota3A : vector<16xi32>
            %select_n3A_168 = arith.select %lt3A_148, %sub3A_164, %add3A_167 : vector<16xi1>, vector<16xi32>
            %min3A_169 = arith.constant 127 : i32
            %min3A_170 = vector.broadcast %min3A_169 : i32 to vector<16xi32>
            %min3A_171 = arith.minsi %select_n3A_168, %min3A_170 : vector<16xi32>
            tpu.vector_store_idx %arg13[%min3A_171], %gather3A_152 masked %lt3A_148 : memref<128xi32, #tpu.memory_space<vmem>>[vector<16xi32>], vector<16xi32>, vector<16xi1>
            %broadcast_in_dim3A_172 = arith.constant 0 : i32
            %broadcast_in_dim3A_173 = vector.broadcast %broadcast_in_dim3A_172 : i32 to vector<16xi32>
            %gather3A_174 = tpu.vector_load_idx %arg11[%broadcast_in_dim3A_173, %select_n3A_156] : memref<64x512xf32, #tpu.memory_space<vmem>>[vector<16xi32>, vector<16xi32>], vector<16xf32>,
            tpu.vector_store_idx %arg12[%select_n3A_168, %broadcast_in_dim3A_173], %gather3A_174 : memref<144x128xf32, #tpu.memory_space<vmem>>[vector<16xi32>, vector<16xi32>], vector<16xf32>,
            %broadcast_in_dim3A_175 = arith.constant 1 : i32
            %broadcast_in_dim3A_176 = vector.broadcast %broadcast_in_dim3A_175 : i32 to vector<16xi32>
            %gather3A_177 = tpu.vector_load_idx %arg11[%broadcast_in_dim3A_176, %select_n3A_156] : memref<64x512xf32, #tpu.memory_space<vmem>>[vector<16xi32>, vector<16xi32>], vector<16xf32>,
            tpu.vector_store_idx %arg12[%select_n3A_168, %broadcast_in_dim3A_176], %gather3A_177 : memref<144x128xf32, #tpu.memory_space<vmem>>[vector<16xi32>, vector<16xi32>], vector<16xf32>,
            %broadcast_in_dim3A_178 = arith.constant 2 : i32
            %broadcast_in_dim3A_179 = vector.broadcast %broadcast_in_dim3A_178 : i32 to vector<16xi32>
            %gather3A_180 = tpu.vector_load_idx %arg11[%broadcast_in_dim3A_179, %select_n3A_156] : memref<64x512xf32, #tpu.memory_space<vmem>>[vector<16xi32>, vector<16xi32>], vector<16xf32>,
            tpu.vector_store_idx %arg12[%select_n3A_168, %broadcast_in_dim3A_179], %gather3A_180 : memref<144x128xf32, #tpu.memory_space<vmem>>[vector<16xi32>, vector<16xi32>], vector<16xf32>,
            %broadcast_in_dim3A_181 = arith.constant 3 : i32
            %broadcast_in_dim3A_182 = vector.broadcast %broadcast_in_dim3A_181 : i32 to vector<16xi32>
            %gather3A_183 = tpu.vector_load_idx %arg11[%broadcast_in_dim3A_182, %select_n3A_156] : memref<64x512xf32, #tpu.memory_space<vmem>>[vector<16xi32>, vector<16xi32>], vector<16xf32>,
            tpu.vector_store_idx %arg12[%select_n3A_168, %broadcast_in_dim3A_182], %gather3A_183 : memref<144x128xf32, #tpu.memory_space<vmem>>[vector<16xi32>, vector<16xi32>], vector<16xf32>,
            %broadcast_in_dim3A_184 = arith.constant 4 : i32
            %broadcast_in_dim3A_185 = vector.broadcast %broadcast_in_dim3A_184 : i32 to vector<16xi32>
            %gather3A_186 = tpu.vector_load_idx %arg11[%broadcast_in_dim3A_185, %select_n3A_156] : memref<64x512xf32, #tpu.memory_space<vmem>>[vector<16xi32>, vector<16xi32>], vector<16xf32>,
            tpu.vector_store_idx %arg12[%select_n3A_168, %broadcast_in_dim3A_185], %gather3A_186 : memref<144x128xf32, #tpu.memory_space<vmem>>[vector<16xi32>, vector<16xi32>], vector<16xf32>,
            %broadcast_in_dim3A_187 = arith.constant 5 : i32
            %broadcast_in_dim3A_188 = vector.broadcast %broadcast_in_dim3A_187 : i32 to vector<16xi32>
            %gather3A_189 = tpu.vector_load_idx %arg11[%broadcast_in_dim3A_188, %select_n3A_156] : memref<64x512xf32, #tpu.memory_space<vmem>>[vector<16xi32>, vector<16xi32>], vector<16xf32>,
            tpu.vector_store_idx %arg12[%select_n3A_168, %broadcast_in_dim3A_188], %gather3A_189 : memref<144x128xf32, #tpu.memory_space<vmem>>[vector<16xi32>, vector<16xi32>], vector<16xf32>,
            %broadcast_in_dim3A_190 = arith.constant 6 : i32
            %broadcast_in_dim3A_191 = vector.broadcast %broadcast_in_dim3A_190 : i32 to vector<16xi32>
            %gather3A_192 = tpu.vector_load_idx %arg11[%broadcast_in_dim3A_191, %select_n3A_156] : memref<64x512xf32, #tpu.memory_space<vmem>>[vector<16xi32>, vector<16xi32>], vector<16xf32>,
            tpu.vector_store_idx %arg12[%select_n3A_168, %broadcast_in_dim3A_191], %gather3A_192 : memref<144x128xf32, #tpu.memory_space<vmem>>[vector<16xi32>, vector<16xi32>], vector<16xf32>,
            %broadcast_in_dim3A_193 = arith.constant 7 : i32
            %broadcast_in_dim3A_194 = vector.broadcast %broadcast_in_dim3A_193 : i32 to vector<16xi32>
            %gather3A_195 = tpu.vector_load_idx %arg11[%broadcast_in_dim3A_194, %select_n3A_156] : memref<64x512xf32, #tpu.memory_space<vmem>>[vector<16xi32>, vector<16xi32>], vector<16xf32>,
            tpu.vector_store_idx %arg12[%select_n3A_168, %broadcast_in_dim3A_194], %gather3A_195 : memref<144x128xf32, #tpu.memory_space<vmem>>[vector<16xi32>, vector<16xi32>], vector<16xf32>,
            %broadcast_in_dim3A_196 = arith.constant 8 : i32
            %broadcast_in_dim3A_197 = vector.broadcast %broadcast_in_dim3A_196 : i32 to vector<16xi32>
            %gather3A_198 = tpu.vector_load_idx %arg11[%broadcast_in_dim3A_197, %select_n3A_156] : memref<64x512xf32, #tpu.memory_space<vmem>>[vector<16xi32>, vector<16xi32>], vector<16xf32>,
            tpu.vector_store_idx %arg12[%select_n3A_168, %broadcast_in_dim3A_197], %gather3A_198 : memref<144x128xf32, #tpu.memory_space<vmem>>[vector<16xi32>, vector<16xi32>], vector<16xf32>,
            %broadcast_in_dim3A_199 = arith.constant 9 : i32
            %broadcast_in_dim3A_200 = vector.broadcast %broadcast_in_dim3A_199 : i32 to vector<16xi32>
            %gather3A_201 = tpu.vector_load_idx %arg11[%broadcast_in_dim3A_200, %select_n3A_156] : memref<64x512xf32, #tpu.memory_space<vmem>>[vector<16xi32>, vector<16xi32>], vector<16xf32>,
            tpu.vector_store_idx %arg12[%select_n3A_168, %broadcast_in_dim3A_200], %gather3A_201 : memref<144x128xf32, #tpu.memory_space<vmem>>[vector<16xi32>, vector<16xi32>], vector<16xf32>,
            %broadcast_in_dim3A_202 = arith.constant 10 : i32
            %broadcast_in_dim3A_203 = vector.broadcast %broadcast_in_dim3A_202 : i32 to vector<16xi32>
            %gather3A_204 = tpu.vector_load_idx %arg11[%broadcast_in_dim3A_203, %select_n3A_156] : memref<64x512xf32, #tpu.memory_space<vmem>>[vector<16xi32>, vector<16xi32>], vector<16xf32>,
            tpu.vector_store_idx %arg12[%select_n3A_168, %broadcast_in_dim3A_203], %gather3A_204 : memref<144x128xf32, #tpu.memory_space<vmem>>[vector<16xi32>, vector<16xi32>], vector<16xf32>,
            %broadcast_in_dim3A_205 = arith.constant 11 : i32
            %broadcast_in_dim3A_206 = vector.broadcast %broadcast_in_dim3A_205 : i32 to vector<16xi32>
            %gather3A_207 = tpu.vector_load_idx %arg11[%broadcast_in_dim3A_206, %select_n3A_156] : memref<64x512xf32, #tpu.memory_space<vmem>>[vector<16xi32>, vector<16xi32>], vector<16xf32>,
            tpu.vector_store_idx %arg12[%select_n3A_168, %broadcast_in_dim3A_206], %gather3A_207 : memref<144x128xf32, #tpu.memory_space<vmem>>[vector<16xi32>, vector<16xi32>], vector<16xf32>,
            %broadcast_in_dim3A_208 = arith.constant 12 : i32
            %broadcast_in_dim3A_209 = vector.broadcast %broadcast_in_dim3A_208 : i32 to vector<16xi32>
            %gather3A_210 = tpu.vector_load_idx %arg11[%broadcast_in_dim3A_209, %select_n3A_156] : memref<64x512xf32, #tpu.memory_space<vmem>>[vector<16xi32>, vector<16xi32>], vector<16xf32>,
            tpu.vector_store_idx %arg12[%select_n3A_168, %broadcast_in_dim3A_209], %gather3A_210 : memref<144x128xf32, #tpu.memory_space<vmem>>[vector<16xi32>, vector<16xi32>], vector<16xf32>,
            %broadcast_in_dim3A_211 = arith.constant 13 : i32
            %broadcast_in_dim3A_212 = vector.broadcast %broadcast_in_dim3A_211 : i32 to vector<16xi32>
            %gather3A_213 = tpu.vector_load_idx %arg11[%broadcast_in_dim3A_212, %select_n3A_156] : memref<64x512xf32, #tpu.memory_space<vmem>>[vector<16xi32>, vector<16xi32>], vector<16xf32>,
            tpu.vector_store_idx %arg12[%select_n3A_168, %broadcast_in_dim3A_212], %gather3A_213 : memref<144x128xf32, #tpu.memory_space<vmem>>[vector<16xi32>, vector<16xi32>], vector<16xf32>,
            %broadcast_in_dim3A_214 = arith.constant 14 : i32
            %broadcast_in_dim3A_215 = vector.broadcast %broadcast_in_dim3A_214 : i32 to vector<16xi32>
            %gather3A_216 = tpu.vector_load_idx %arg11[%broadcast_in_dim3A_215, %select_n3A_156] : memref<64x512xf32, #tpu.memory_space<vmem>>[vector<16xi32>, vector<16xi32>], vector<16xf32>,
            tpu.vector_store_idx %arg12[%select_n3A_168, %broadcast_in_dim3A_215], %gather3A_216 : memref<144x128xf32, #tpu.memory_space<vmem>>[vector<16xi32>, vector<16xi32>], vector<16xf32>,
            %broadcast_in_dim3A_217 = arith.constant 15 : i32
            %broadcast_in_dim3A_218 = vector.broadcast %broadcast_in_dim3A_217 : i32 to vector<16xi32>
            %gather3A_219 = tpu.vector_load_idx %arg11[%broadcast_in_dim3A_218, %select_n3A_156] : memref<64x512xf32, #tpu.memory_space<vmem>>[vector<16xi32>, vector<16xi32>], vector<16xf32>,
            tpu.vector_store_idx %arg12[%select_n3A_168, %broadcast_in_dim3A_218], %gather3A_219 : memref<144x128xf32, #tpu.memory_space<vmem>>[vector<16xi32>, vector<16xi32>], vector<16xf32>,
            %broadcast_in_dim3A_220 = arith.constant 16 : i32
            %broadcast_in_dim3A_221 = vector.broadcast %broadcast_in_dim3A_220 : i32 to vector<16xi32>
            %gather3A_222 = tpu.vector_load_idx %arg11[%broadcast_in_dim3A_221, %select_n3A_156] : memref<64x512xf32, #tpu.memory_space<vmem>>[vector<16xi32>, vector<16xi32>], vector<16xf32>,
            tpu.vector_store_idx %arg12[%select_n3A_168, %broadcast_in_dim3A_221], %gather3A_222 : memref<144x128xf32, #tpu.memory_space<vmem>>[vector<16xi32>, vector<16xi32>], vector<16xf32>,
            %broadcast_in_dim3A_223 = arith.constant 17 : i32
            %broadcast_in_dim3A_224 = vector.broadcast %broadcast_in_dim3A_223 : i32 to vector<16xi32>
            %gather3A_225 = tpu.vector_load_idx %arg11[%broadcast_in_dim3A_224, %select_n3A_156] : memref<64x512xf32, #tpu.memory_space<vmem>>[vector<16xi32>, vector<16xi32>], vector<16xf32>,
            tpu.vector_store_idx %arg12[%select_n3A_168, %broadcast_in_dim3A_224], %gather3A_225 : memref<144x128xf32, #tpu.memory_space<vmem>>[vector<16xi32>, vector<16xi32>], vector<16xf32>,
            %broadcast_in_dim3A_226 = arith.constant 18 : i32
            %broadcast_in_dim3A_227 = vector.broadcast %broadcast_in_dim3A_226 : i32 to vector<16xi32>
            %gather3A_228 = tpu.vector_load_idx %arg11[%broadcast_in_dim3A_227, %select_n3A_156] : memref<64x512xf32, #tpu.memory_space<vmem>>[vector<16xi32>, vector<16xi32>], vector<16xf32>,
            tpu.vector_store_idx %arg12[%select_n3A_168, %broadcast_in_dim3A_227], %gather3A_228 : memref<144x128xf32, #tpu.memory_space<vmem>>[vector<16xi32>, vector<16xi32>], vector<16xf32>,
            %broadcast_in_dim3A_229 = arith.constant 19 : i32
            %broadcast_in_dim3A_230 = vector.broadcast %broadcast_in_dim3A_229 : i32 to vector<16xi32>
            %gather3A_231 = tpu.vector_load_idx %arg11[%broadcast_in_dim3A_230, %select_n3A_156] : memref<64x512xf32, #tpu.memory_space<vmem>>[vector<16xi32>, vector<16xi32>], vector<16xf32>,
            tpu.vector_store_idx %arg12[%select_n3A_168, %broadcast_in_dim3A_230], %gather3A_231 : memref<144x128xf32, #tpu.memory_space<vmem>>[vector<16xi32>, vector<16xi32>], vector<16xf32>,
            %broadcast_in_dim3A_232 = arith.constant 20 : i32
            %broadcast_in_dim3A_233 = vector.broadcast %broadcast_in_dim3A_232 : i32 to vector<16xi32>
            %gather3A_234 = tpu.vector_load_idx %arg11[%broadcast_in_dim3A_233, %select_n3A_156] : memref<64x512xf32, #tpu.memory_space<vmem>>[vector<16xi32>, vector<16xi32>], vector<16xf32>,
            tpu.vector_store_idx %arg12[%select_n3A_168, %broadcast_in_dim3A_233], %gather3A_234 : memref<144x128xf32, #tpu.memory_space<vmem>>[vector<16xi32>, vector<16xi32>], vector<16xf32>,
            %broadcast_in_dim3A_235 = arith.constant 21 : i32
            %broadcast_in_dim3A_236 = vector.broadcast %broadcast_in_dim3A_235 : i32 to vector<16xi32>
            %gather3A_237 = tpu.vector_load_idx %arg11[%broadcast_in_dim3A_236, %select_n3A_156] : memref<64x512xf32, #tpu.memory_space<vmem>>[vector<16xi32>, vector<16xi32>], vector<16xf32>,
            tpu.vector_store_idx %arg12[%select_n3A_168, %broadcast_in_dim3A_236], %gather3A_237 : memref<144x128xf32, #tpu.memory_space<vmem>>[vector<16xi32>, vector<16xi32>], vector<16xf32>,
            %broadcast_in_dim3A_238 = arith.constant 22 : i32
            %broadcast_in_dim3A_239 = vector.broadcast %broadcast_in_dim3A_238 : i32 to vector<16xi32>
            %gather3A_240 = tpu.vector_load_idx %arg11[%broadcast_in_dim3A_239, %select_n3A_156] : memref<64x512xf32, #tpu.memory_space<vmem>>[vector<16xi32>, vector<16xi32>], vector<16xf32>,
            tpu.vector_store_idx %arg12[%select_n3A_168, %broadcast_in_dim3A_239], %gather3A_240 : memref<144x128xf32, #tpu.memory_space<vmem>>[vector<16xi32>, vector<16xi32>], vector<16xf32>,
            %broadcast_in_dim3A_241 = arith.constant 23 : i32
            %broadcast_in_dim3A_242 = vector.broadcast %broadcast_in_dim3A_241 : i32 to vector<16xi32>
            %gather3A_243 = tpu.vector_load_idx %arg11[%broadcast_in_dim3A_242, %select_n3A_156] : memref<64x512xf32, #tpu.memory_space<vmem>>[vector<16xi32>, vector<16xi32>], vector<16xf32>,
            tpu.vector_store_idx %arg12[%select_n3A_168, %broadcast_in_dim3A_242], %gather3A_243 : memref<144x128xf32, #tpu.memory_space<vmem>>[vector<16xi32>, vector<16xi32>], vector<16xf32>,
            %broadcast_in_dim3A_244 = arith.constant 24 : i32
            %broadcast_in_dim3A_245 = vector.broadcast %broadcast_in_dim3A_244 : i32 to vector<16xi32>
            %gather3A_246 = tpu.vector_load_idx %arg11[%broadcast_in_dim3A_245, %select_n3A_156] : memref<64x512xf32, #tpu.memory_space<vmem>>[vector<16xi32>, vector<16xi32>], vector<16xf32>,
            tpu.vector_store_idx %arg12[%select_n3A_168, %broadcast_in_dim3A_245], %gather3A_246 : memref<144x128xf32, #tpu.memory_space<vmem>>[vector<16xi32>, vector<16xi32>], vector<16xf32>,
            %broadcast_in_dim3A_247 = arith.constant 25 : i32
            %broadcast_in_dim3A_248 = vector.broadcast %broadcast_in_dim3A_247 : i32 to vector<16xi32>
            %gather3A_249 = tpu.vector_load_idx %arg11[%broadcast_in_dim3A_248, %select_n3A_156] : memref<64x512xf32, #tpu.memory_space<vmem>>[vector<16xi32>, vector<16xi32>], vector<16xf32>,
            tpu.vector_store_idx %arg12[%select_n3A_168, %broadcast_in_dim3A_248], %gather3A_249 : memref<144x128xf32, #tpu.memory_space<vmem>>[vector<16xi32>, vector<16xi32>], vector<16xf32>,
            %broadcast_in_dim3A_250 = arith.constant 26 : i32
            %broadcast_in_dim3A_251 = vector.broadcast %broadcast_in_dim3A_250 : i32 to vector<16xi32>
            %gather3A_252 = tpu.vector_load_idx %arg11[%broadcast_in_dim3A_251, %select_n3A_156] : memref<64x512xf32, #tpu.memory_space<vmem>>[vector<16xi32>, vector<16xi32>], vector<16xf32>,
            tpu.vector_store_idx %arg12[%select_n3A_168, %broadcast_in_dim3A_251], %gather3A_252 : memref<144x128xf32, #tpu.memory_space<vmem>>[vector<16xi32>, vector<16xi32>], vector<16xf32>,
            %broadcast_in_dim3A_253 = arith.constant 27 : i32
            %broadcast_in_dim3A_254 = vector.broadcast %broadcast_in_dim3A_253 : i32 to vector<16xi32>
            %gather3A_255 = tpu.vector_load_idx %arg11[%broadcast_in_dim3A_254, %select_n3A_156] : memref<64x512xf32, #tpu.memory_space<vmem>>[vector<16xi32>, vector<16xi32>], vector<16xf32>,
            tpu.vector_store_idx %arg12[%select_n3A_168, %broadcast_in_dim3A_254], %gather3A_255 : memref<144x128xf32, #tpu.memory_space<vmem>>[vector<16xi32>, vector<16xi32>], vector<16xf32>,
            %broadcast_in_dim3A_256 = arith.constant 28 : i32
            %broadcast_in_dim3A_257 = vector.broadcast %broadcast_in_dim3A_256 : i32 to vector<16xi32>
            %gather3A_258 = tpu.vector_load_idx %arg11[%broadcast_in_dim3A_257, %select_n3A_156] : memref<64x512xf32, #tpu.memory_space<vmem>>[vector<16xi32>, vector<16xi32>], vector<16xf32>,
            tpu.vector_store_idx %arg12[%select_n3A_168, %broadcast_in_dim3A_257], %gather3A_258 : memref<144x128xf32, #tpu.memory_space<vmem>>[vector<16xi32>, vector<16xi32>], vector<16xf32>,
            %broadcast_in_dim3A_259 = arith.constant 29 : i32
            %broadcast_in_dim3A_260 = vector.broadcast %broadcast_in_dim3A_259 : i32 to vector<16xi32>
            %gather3A_261 = tpu.vector_load_idx %arg11[%broadcast_in_dim3A_260, %select_n3A_156] : memref<64x512xf32, #tpu.memory_space<vmem>>[vector<16xi32>, vector<16xi32>], vector<16xf32>,
            tpu.vector_store_idx %arg12[%select_n3A_168, %broadcast_in_dim3A_260], %gather3A_261 : memref<144x128xf32, #tpu.memory_space<vmem>>[vector<16xi32>, vector<16xi32>], vector<16xf32>,
            %broadcast_in_dim3A_262 = arith.constant 30 : i32
            %broadcast_in_dim3A_263 = vector.broadcast %broadcast_in_dim3A_262 : i32 to vector<16xi32>
            %gather3A_264 = tpu.vector_load_idx %arg11[%broadcast_in_dim3A_263, %select_n3A_156] : memref<64x512xf32, #tpu.memory_space<vmem>>[vector<16xi32>, vector<16xi32>], vector<16xf32>,
            tpu.vector_store_idx %arg12[%select_n3A_168, %broadcast_in_dim3A_263], %gather3A_264 : memref<144x128xf32, #tpu.memory_space<vmem>>[vector<16xi32>, vector<16xi32>], vector<16xf32>,
            %broadcast_in_dim3A_265 = arith.constant 31 : i32
            %broadcast_in_dim3A_266 = vector.broadcast %broadcast_in_dim3A_265 : i32 to vector<16xi32>
            %gather3A_267 = tpu.vector_load_idx %arg11[%broadcast_in_dim3A_266, %select_n3A_156] : memref<64x512xf32, #tpu.memory_space<vmem>>[vector<16xi32>, vector<16xi32>], vector<16xf32>,
            tpu.vector_store_idx %arg12[%select_n3A_168, %broadcast_in_dim3A_266], %gather3A_267 : memref<144x128xf32, #tpu.memory_space<vmem>>[vector<16xi32>, vector<16xi32>], vector<16xf32>,
            %broadcast_in_dim3A_268 = arith.constant 32 : i32
            %broadcast_in_dim3A_269 = vector.broadcast %broadcast_in_dim3A_268 : i32 to vector<16xi32>
            %gather3A_270 = tpu.vector_load_idx %arg11[%broadcast_in_dim3A_269, %select_n3A_156] : memref<64x512xf32, #tpu.memory_space<vmem>>[vector<16xi32>, vector<16xi32>], vector<16xf32>,
            tpu.vector_store_idx %arg12[%select_n3A_168, %broadcast_in_dim3A_269], %gather3A_270 : memref<144x128xf32, #tpu.memory_space<vmem>>[vector<16xi32>, vector<16xi32>], vector<16xf32>,
            %broadcast_in_dim3A_271 = arith.constant 33 : i32
            %broadcast_in_dim3A_272 = vector.broadcast %broadcast_in_dim3A_271 : i32 to vector<16xi32>
            %gather3A_273 = tpu.vector_load_idx %arg11[%broadcast_in_dim3A_272, %select_n3A_156] : memref<64x512xf32, #tpu.memory_space<vmem>>[vector<16xi32>, vector<16xi32>], vector<16xf32>,
            tpu.vector_store_idx %arg12[%select_n3A_168, %broadcast_in_dim3A_272], %gather3A_273 : memref<144x128xf32, #tpu.memory_space<vmem>>[vector<16xi32>, vector<16xi32>], vector<16xf32>,
            %broadcast_in_dim3A_274 = arith.constant 34 : i32
            %broadcast_in_dim3A_275 = vector.broadcast %broadcast_in_dim3A_274 : i32 to vector<16xi32>
            %gather3A_276 = tpu.vector_load_idx %arg11[%broadcast_in_dim3A_275, %select_n3A_156] : memref<64x512xf32, #tpu.memory_space<vmem>>[vector<16xi32>, vector<16xi32>], vector<16xf32>,
            tpu.vector_store_idx %arg12[%select_n3A_168, %broadcast_in_dim3A_275], %gather3A_276 : memref<144x128xf32, #tpu.memory_space<vmem>>[vector<16xi32>, vector<16xi32>], vector<16xf32>,
            %broadcast_in_dim3A_277 = arith.constant 35 : i32
            %broadcast_in_dim3A_278 = vector.broadcast %broadcast_in_dim3A_277 : i32 to vector<16xi32>
            %gather3A_279 = tpu.vector_load_idx %arg11[%broadcast_in_dim3A_278, %select_n3A_156] : memref<64x512xf32, #tpu.memory_space<vmem>>[vector<16xi32>, vector<16xi32>], vector<16xf32>,
            tpu.vector_store_idx %arg12[%select_n3A_168, %broadcast_in_dim3A_278], %gather3A_279 : memref<144x128xf32, #tpu.memory_space<vmem>>[vector<16xi32>, vector<16xi32>], vector<16xf32>,
            %broadcast_in_dim3A_280 = arith.constant 36 : i32
            %broadcast_in_dim3A_281 = vector.broadcast %broadcast_in_dim3A_280 : i32 to vector<16xi32>
            %gather3A_282 = tpu.vector_load_idx %arg11[%broadcast_in_dim3A_281, %select_n3A_156] : memref<64x512xf32, #tpu.memory_space<vmem>>[vector<16xi32>, vector<16xi32>], vector<16xf32>,
            tpu.vector_store_idx %arg12[%select_n3A_168, %broadcast_in_dim3A_281], %gather3A_282 : memref<144x128xf32, #tpu.memory_space<vmem>>[vector<16xi32>, vector<16xi32>], vector<16xf32>,
            %broadcast_in_dim3A_283 = arith.constant 37 : i32
            %broadcast_in_dim3A_284 = vector.broadcast %broadcast_in_dim3A_283 : i32 to vector<16xi32>
            %gather3A_285 = tpu.vector_load_idx %arg11[%broadcast_in_dim3A_284, %select_n3A_156] : memref<64x512xf32, #tpu.memory_space<vmem>>[vector<16xi32>, vector<16xi32>], vector<16xf32>,
            tpu.vector_store_idx %arg12[%select_n3A_168, %broadcast_in_dim3A_284], %gather3A_285 : memref<144x128xf32, #tpu.memory_space<vmem>>[vector<16xi32>, vector<16xi32>], vector<16xf32>,
            %broadcast_in_dim3A_286 = arith.constant 38 : i32
            %broadcast_in_dim3A_287 = vector.broadcast %broadcast_in_dim3A_286 : i32 to vector<16xi32>
            %gather3A_288 = tpu.vector_load_idx %arg11[%broadcast_in_dim3A_287, %select_n3A_156] : memref<64x512xf32, #tpu.memory_space<vmem>>[vector<16xi32>, vector<16xi32>], vector<16xf32>,
            tpu.vector_store_idx %arg12[%select_n3A_168, %broadcast_in_dim3A_287], %gather3A_288 : memref<144x128xf32, #tpu.memory_space<vmem>>[vector<16xi32>, vector<16xi32>], vector<16xf32>,
            %broadcast_in_dim3A_289 = arith.constant 39 : i32
            %broadcast_in_dim3A_290 = vector.broadcast %broadcast_in_dim3A_289 : i32 to vector<16xi32>
            %gather3A_291 = tpu.vector_load_idx %arg11[%broadcast_in_dim3A_290, %select_n3A_156] : memref<64x512xf32, #tpu.memory_space<vmem>>[vector<16xi32>, vector<16xi32>], vector<16xf32>,
            tpu.vector_store_idx %arg12[%select_n3A_168, %broadcast_in_dim3A_290], %gather3A_291 : memref<144x128xf32, #tpu.memory_space<vmem>>[vector<16xi32>, vector<16xi32>], vector<16xf32>,
            %broadcast_in_dim3A_292 = arith.constant 40 : i32
            %broadcast_in_dim3A_293 = vector.broadcast %broadcast_in_dim3A_292 : i32 to vector<16xi32>
            %gather3A_294 = tpu.vector_load_idx %arg11[%broadcast_in_dim3A_293, %select_n3A_156] : memref<64x512xf32, #tpu.memory_space<vmem>>[vector<16xi32>, vector<16xi32>], vector<16xf32>,
            tpu.vector_store_idx %arg12[%select_n3A_168, %broadcast_in_dim3A_293], %gather3A_294 : memref<144x128xf32, #tpu.memory_space<vmem>>[vector<16xi32>, vector<16xi32>], vector<16xf32>,
            %broadcast_in_dim3A_295 = arith.constant 41 : i32
            %broadcast_in_dim3A_296 = vector.broadcast %broadcast_in_dim3A_295 : i32 to vector<16xi32>
            %gather3A_297 = tpu.vector_load_idx %arg11[%broadcast_in_dim3A_296, %select_n3A_156] : memref<64x512xf32, #tpu.memory_space<vmem>>[vector<16xi32>, vector<16xi32>], vector<16xf32>,
            tpu.vector_store_idx %arg12[%select_n3A_168, %broadcast_in_dim3A_296], %gather3A_297 : memref<144x128xf32, #tpu.memory_space<vmem>>[vector<16xi32>, vector<16xi32>], vector<16xf32>,
            %broadcast_in_dim3A_298 = arith.constant 42 : i32
            %broadcast_in_dim3A_299 = vector.broadcast %broadcast_in_dim3A_298 : i32 to vector<16xi32>
            %gather3A_300 = tpu.vector_load_idx %arg11[%broadcast_in_dim3A_299, %select_n3A_156] : memref<64x512xf32, #tpu.memory_space<vmem>>[vector<16xi32>, vector<16xi32>], vector<16xf32>,
            tpu.vector_store_idx %arg12[%select_n3A_168, %broadcast_in_dim3A_299], %gather3A_300 : memref<144x128xf32, #tpu.memory_space<vmem>>[vector<16xi32>, vector<16xi32>], vector<16xf32>,
            %broadcast_in_dim3A_301 = arith.constant 43 : i32
            %broadcast_in_dim3A_302 = vector.broadcast %broadcast_in_dim3A_301 : i32 to vector<16xi32>
            %gather3A_303 = tpu.vector_load_idx %arg11[%broadcast_in_dim3A_302, %select_n3A_156] : memref<64x512xf32, #tpu.memory_space<vmem>>[vector<16xi32>, vector<16xi32>], vector<16xf32>,
            tpu.vector_store_idx %arg12[%select_n3A_168, %broadcast_in_dim3A_302], %gather3A_303 : memref<144x128xf32, #tpu.memory_space<vmem>>[vector<16xi32>, vector<16xi32>], vector<16xf32>,
            %broadcast_in_dim3A_304 = arith.constant 44 : i32
            %broadcast_in_dim3A_305 = vector.broadcast %broadcast_in_dim3A_304 : i32 to vector<16xi32>
            %gather3A_306 = tpu.vector_load_idx %arg11[%broadcast_in_dim3A_305, %select_n3A_156] : memref<64x512xf32, #tpu.memory_space<vmem>>[vector<16xi32>, vector<16xi32>], vector<16xf32>,
            tpu.vector_store_idx %arg12[%select_n3A_168, %broadcast_in_dim3A_305], %gather3A_306 : memref<144x128xf32, #tpu.memory_space<vmem>>[vector<16xi32>, vector<16xi32>], vector<16xf32>,
            %broadcast_in_dim3A_307 = arith.constant 45 : i32
            %broadcast_in_dim3A_308 = vector.broadcast %broadcast_in_dim3A_307 : i32 to vector<16xi32>
            %gather3A_309 = tpu.vector_load_idx %arg11[%broadcast_in_dim3A_308, %select_n3A_156] : memref<64x512xf32, #tpu.memory_space<vmem>>[vector<16xi32>, vector<16xi32>], vector<16xf32>,
            tpu.vector_store_idx %arg12[%select_n3A_168, %broadcast_in_dim3A_308], %gather3A_309 : memref<144x128xf32, #tpu.memory_space<vmem>>[vector<16xi32>, vector<16xi32>], vector<16xf32>,
            %broadcast_in_dim3A_310 = arith.constant 46 : i32
            %broadcast_in_dim3A_311 = vector.broadcast %broadcast_in_dim3A_310 : i32 to vector<16xi32>
            %gather3A_312 = tpu.vector_load_idx %arg11[%broadcast_in_dim3A_311, %select_n3A_156] : memref<64x512xf32, #tpu.memory_space<vmem>>[vector<16xi32>, vector<16xi32>], vector<16xf32>,
            tpu.vector_store_idx %arg12[%select_n3A_168, %broadcast_in_dim3A_311], %gather3A_312 : memref<144x128xf32, #tpu.memory_space<vmem>>[vector<16xi32>, vector<16xi32>], vector<16xf32>,
            %broadcast_in_dim3A_313 = arith.constant 47 : i32
            %broadcast_in_dim3A_314 = vector.broadcast %broadcast_in_dim3A_313 : i32 to vector<16xi32>
            %gather3A_315 = tpu.vector_load_idx %arg11[%broadcast_in_dim3A_314, %select_n3A_156] : memref<64x512xf32, #tpu.memory_space<vmem>>[vector<16xi32>, vector<16xi32>], vector<16xf32>,
            tpu.vector_store_idx %arg12[%select_n3A_168, %broadcast_in_dim3A_314], %gather3A_315 : memref<144x128xf32, #tpu.memory_space<vmem>>[vector<16xi32>, vector<16xi32>], vector<16xf32>,
            %broadcast_in_dim3A_316 = arith.constant 48 : i32
            %broadcast_in_dim3A_317 = vector.broadcast %broadcast_in_dim3A_316 : i32 to vector<16xi32>
            %gather3A_318 = tpu.vector_load_idx %arg11[%broadcast_in_dim3A_317, %select_n3A_156] : memref<64x512xf32, #tpu.memory_space<vmem>>[vector<16xi32>, vector<16xi32>], vector<16xf32>,
            tpu.vector_store_idx %arg12[%select_n3A_168, %broadcast_in_dim3A_317], %gather3A_318 : memref<144x128xf32, #tpu.memory_space<vmem>>[vector<16xi32>, vector<16xi32>], vector<16xf32>,
            %broadcast_in_dim3A_319 = arith.constant 49 : i32
            %broadcast_in_dim3A_320 = vector.broadcast %broadcast_in_dim3A_319 : i32 to vector<16xi32>
            %gather3A_321 = tpu.vector_load_idx %arg11[%broadcast_in_dim3A_320, %select_n3A_156] : memref<64x512xf32, #tpu.memory_space<vmem>>[vector<16xi32>, vector<16xi32>], vector<16xf32>,
            tpu.vector_store_idx %arg12[%select_n3A_168, %broadcast_in_dim3A_320], %gather3A_321 : memref<144x128xf32, #tpu.memory_space<vmem>>[vector<16xi32>, vector<16xi32>], vector<16xf32>,
            %broadcast_in_dim3A_322 = arith.constant 50 : i32
            %broadcast_in_dim3A_323 = vector.broadcast %broadcast_in_dim3A_322 : i32 to vector<16xi32>
            %gather3A_324 = tpu.vector_load_idx %arg11[%broadcast_in_dim3A_323, %select_n3A_156] : memref<64x512xf32, #tpu.memory_space<vmem>>[vector<16xi32>, vector<16xi32>], vector<16xf32>,
            tpu.vector_store_idx %arg12[%select_n3A_168, %broadcast_in_dim3A_323], %gather3A_324 : memref<144x128xf32, #tpu.memory_space<vmem>>[vector<16xi32>, vector<16xi32>], vector<16xf32>,
            %broadcast_in_dim3A_325 = arith.constant 51 : i32
            %broadcast_in_dim3A_326 = vector.broadcast %broadcast_in_dim3A_325 : i32 to vector<16xi32>
            %gather3A_327 = tpu.vector_load_idx %arg11[%broadcast_in_dim3A_326, %select_n3A_156] : memref<64x512xf32, #tpu.memory_space<vmem>>[vector<16xi32>, vector<16xi32>], vector<16xf32>,
            tpu.vector_store_idx %arg12[%select_n3A_168, %broadcast_in_dim3A_326], %gather3A_327 : memref<144x128xf32, #tpu.memory_space<vmem>>[vector<16xi32>, vector<16xi32>], vector<16xf32>,
            %broadcast_in_dim3A_328 = arith.constant 52 : i32
            %broadcast_in_dim3A_329 = vector.broadcast %broadcast_in_dim3A_328 : i32 to vector<16xi32>
            %gather3A_330 = tpu.vector_load_idx %arg11[%broadcast_in_dim3A_329, %select_n3A_156] : memref<64x512xf32, #tpu.memory_space<vmem>>[vector<16xi32>, vector<16xi32>], vector<16xf32>,
            tpu.vector_store_idx %arg12[%select_n3A_168, %broadcast_in_dim3A_329], %gather3A_330 : memref<144x128xf32, #tpu.memory_space<vmem>>[vector<16xi32>, vector<16xi32>], vector<16xf32>,
            %broadcast_in_dim3A_331 = arith.constant 53 : i32
            %broadcast_in_dim3A_332 = vector.broadcast %broadcast_in_dim3A_331 : i32 to vector<16xi32>
            %gather3A_333 = tpu.vector_load_idx %arg11[%broadcast_in_dim3A_332, %select_n3A_156] : memref<64x512xf32, #tpu.memory_space<vmem>>[vector<16xi32>, vector<16xi32>], vector<16xf32>,
            tpu.vector_store_idx %arg12[%select_n3A_168, %broadcast_in_dim3A_332], %gather3A_333 : memref<144x128xf32, #tpu.memory_space<vmem>>[vector<16xi32>, vector<16xi32>], vector<16xf32>,
            %broadcast_in_dim3A_334 = arith.constant 54 : i32
            %broadcast_in_dim3A_335 = vector.broadcast %broadcast_in_dim3A_334 : i32 to vector<16xi32>
            %gather3A_336 = tpu.vector_load_idx %arg11[%broadcast_in_dim3A_335, %select_n3A_156] : memref<64x512xf32, #tpu.memory_space<vmem>>[vector<16xi32>, vector<16xi32>], vector<16xf32>,
            tpu.vector_store_idx %arg12[%select_n3A_168, %broadcast_in_dim3A_335], %gather3A_336 : memref<144x128xf32, #tpu.memory_space<vmem>>[vector<16xi32>, vector<16xi32>], vector<16xf32>,
            %broadcast_in_dim3A_337 = arith.constant 55 : i32
            %broadcast_in_dim3A_338 = vector.broadcast %broadcast_in_dim3A_337 : i32 to vector<16xi32>
            %gather3A_339 = tpu.vector_load_idx %arg11[%broadcast_in_dim3A_338, %select_n3A_156] : memref<64x512xf32, #tpu.memory_space<vmem>>[vector<16xi32>, vector<16xi32>], vector<16xf32>,
            tpu.vector_store_idx %arg12[%select_n3A_168, %broadcast_in_dim3A_338], %gather3A_339 : memref<144x128xf32, #tpu.memory_space<vmem>>[vector<16xi32>, vector<16xi32>], vector<16xf32>,
            %broadcast_in_dim3A_340 = arith.constant 56 : i32
            %broadcast_in_dim3A_341 = vector.broadcast %broadcast_in_dim3A_340 : i32 to vector<16xi32>
            %gather3A_342 = tpu.vector_load_idx %arg11[%broadcast_in_dim3A_341, %select_n3A_156] : memref<64x512xf32, #tpu.memory_space<vmem>>[vector<16xi32>, vector<16xi32>], vector<16xf32>,
            tpu.vector_store_idx %arg12[%select_n3A_168, %broadcast_in_dim3A_341], %gather3A_342 : memref<144x128xf32, #tpu.memory_space<vmem>>[vector<16xi32>, vector<16xi32>], vector<16xf32>,
            %broadcast_in_dim3A_343 = arith.constant 57 : i32
            %broadcast_in_dim3A_344 = vector.broadcast %broadcast_in_dim3A_343 : i32 to vector<16xi32>
            %gather3A_345 = tpu.vector_load_idx %arg11[%broadcast_in_dim3A_344, %select_n3A_156] : memref<64x512xf32, #tpu.memory_space<vmem>>[vector<16xi32>, vector<16xi32>], vector<16xf32>,
            tpu.vector_store_idx %arg12[%select_n3A_168, %broadcast_in_dim3A_344], %gather3A_345 : memref<144x128xf32, #tpu.memory_space<vmem>>[vector<16xi32>, vector<16xi32>], vector<16xf32>,
            %broadcast_in_dim3A_346 = arith.constant 58 : i32
            %broadcast_in_dim3A_347 = vector.broadcast %broadcast_in_dim3A_346 : i32 to vector<16xi32>
            %gather3A_348 = tpu.vector_load_idx %arg11[%broadcast_in_dim3A_347, %select_n3A_156] : memref<64x512xf32, #tpu.memory_space<vmem>>[vector<16xi32>, vector<16xi32>], vector<16xf32>,
            tpu.vector_store_idx %arg12[%select_n3A_168, %broadcast_in_dim3A_347], %gather3A_348 : memref<144x128xf32, #tpu.memory_space<vmem>>[vector<16xi32>, vector<16xi32>], vector<16xf32>,
            %broadcast_in_dim3A_349 = arith.constant 59 : i32
            %broadcast_in_dim3A_350 = vector.broadcast %broadcast_in_dim3A_349 : i32 to vector<16xi32>
            %gather3A_351 = tpu.vector_load_idx %arg11[%broadcast_in_dim3A_350, %select_n3A_156] : memref<64x512xf32, #tpu.memory_space<vmem>>[vector<16xi32>, vector<16xi32>], vector<16xf32>,
            tpu.vector_store_idx %arg12[%select_n3A_168, %broadcast_in_dim3A_350], %gather3A_351 : memref<144x128xf32, #tpu.memory_space<vmem>>[vector<16xi32>, vector<16xi32>], vector<16xf32>,
            %broadcast_in_dim3A_352 = arith.constant 60 : i32
            %broadcast_in_dim3A_353 = vector.broadcast %broadcast_in_dim3A_352 : i32 to vector<16xi32>
            %gather3A_354 = tpu.vector_load_idx %arg11[%broadcast_in_dim3A_353, %select_n3A_156] : memref<64x512xf32, #tpu.memory_space<vmem>>[vector<16xi32>, vector<16xi32>], vector<16xf32>,
            tpu.vector_store_idx %arg12[%select_n3A_168, %broadcast_in_dim3A_353], %gather3A_354 : memref<144x128xf32, #tpu.memory_space<vmem>>[vector<16xi32>, vector<16xi32>], vector<16xf32>,
            %broadcast_in_dim3A_355 = arith.constant 61 : i32
            %broadcast_in_dim3A_356 = vector.broadcast %broadcast_in_dim3A_355 : i32 to vector<16xi32>
            %gather3A_357 = tpu.vector_load_idx %arg11[%broadcast_in_dim3A_356, %select_n3A_156] : memref<64x512xf32, #tpu.memory_space<vmem>>[vector<16xi32>, vector<16xi32>], vector<16xf32>,
            tpu.vector_store_idx %arg12[%select_n3A_168, %broadcast_in_dim3A_356], %gather3A_357 : memref<144x128xf32, #tpu.memory_space<vmem>>[vector<16xi32>, vector<16xi32>], vector<16xf32>,
            %broadcast_in_dim3A_358 = arith.constant 62 : i32
            %broadcast_in_dim3A_359 = vector.broadcast %broadcast_in_dim3A_358 : i32 to vector<16xi32>
            %gather3A_360 = tpu.vector_load_idx %arg11[%broadcast_in_dim3A_359, %select_n3A_156] : memref<64x512xf32, #tpu.memory_space<vmem>>[vector<16xi32>, vector<16xi32>], vector<16xf32>,
            tpu.vector_store_idx %arg12[%select_n3A_168, %broadcast_in_dim3A_359], %gather3A_360 : memref<144x128xf32, #tpu.memory_space<vmem>>[vector<16xi32>, vector<16xi32>], vector<16xf32>,
            %broadcast_in_dim3A_361 = arith.constant 63 : i32
            %broadcast_in_dim3A_362 = vector.broadcast %broadcast_in_dim3A_361 : i32 to vector<16xi32>
            %gather3A_363 = tpu.vector_load_idx %arg11[%broadcast_in_dim3A_362, %select_n3A_156] : memref<64x512xf32, #tpu.memory_space<vmem>>[vector<16xi32>, vector<16xi32>], vector<16xf32>,
            tpu.vector_store_idx %arg12[%select_n3A_168, %broadcast_in_dim3A_362], %gather3A_363 : memref<144x128xf32, #tpu.memory_space<vmem>>[vector<16xi32>, vector<16xi32>], vector<16xf32>,
            %slice3A = vector.extract_strided_slice %masked_cumsum3A {offsets = [15], sizes = [1], strides = [1]} : vector<16xi32> to vector<1xi32>
            %squeeze3A = vector.extract %slice3A[0] : i32 from vector<1xi32>
            %add3A_364 = arith.addi %cond3A_142, %squeeze3A : i32
            scf.yield %add3A_364 : i32
          }
          %while3A_132 = arith.constant 1 : i32
          %while3A_133 = scf.for %while3A_136 = %while3A_129 to %while3A_125 step %while3A_132 iter_args(%while3A_137 = %while3A_131) -> (i32)  : i32 {
            %ge3A = arith.constant 112 : i32
            %ge3A_138 = arith.cmpi sge, %while3A_137, %ge3A : i32
            %convert_element_type3A_139 = arith.extui %ge3A_138 : i1 to i32
            %cond3A_140 = arith.constant 0 : i32
            %cond3A_141 = arith.cmpi ne, %convert_element_type3A_139, %cond3A_140 : i32
            %cond3A_142 = scf.if %cond3A_141 -> (i32) {
              %add3A_365 = vector.broadcast %while3A_137 : i32 to vector<16xi32>
              %add3A_366 = arith.addi %add3A_365, %iota3A : vector<16xi32>
              %lt3A_367 = arith.constant 128 : i32
              %lt3A_368 = vector.broadcast %lt3A_367 : i32 to vector<16xi32>
              %lt3A_369 = arith.cmpi slt, %add3A_366, %lt3A_368 : vector<16xi32>
              %min3A_370 = arith.constant 127 : i32
              %min3A_371 = vector.broadcast %min3A_370 : i32 to vector<16xi32>
              %min3A_372 = arith.minsi %add3A_366, %min3A_371 : vector<16xi32>
              %add3A_373 = arith.constant 16384 : i32
              %add3A_374 = vector.broadcast %add3A_373 : i32 to vector<16xi32>
              %add3A_375 = arith.addi %add3A_374, %iota3A : vector<16xi32>
              tpu.vector_store_idx %arg13[%min3A_372], %add3A_375 masked %lt3A_369 : memref<128xi32, #tpu.memory_space<vmem>>[vector<16xi32>], vector<16xi32>, vector<16xi1>
              "tpu.region"() ({
                %run_scoped3A = tpu.sem_alloc : memref<!tpu.dma_semaphore, #tpu.memory_space<semaphore_mem>>
                %dma_start3A_377 = arith.constant 0 : i32
                %dma_start3A_378 = arith.constant 0 : i32
                %dma_start3A_379 = tpu.memref_slice %arg12[%dma_start3A_377, %dma_start3A_378] : memref<144x128xf32, #tpu.memory_space<vmem>> -> memref<128x128xf32, #tpu.memory_space<vmem>>
                %dma_start3A_380 = arith.constant 0 : i32
                %dma_start3A_381 = arith.constant 0 : i32
                %dma_start3A_382 = tpu.memref_slice %arg4[%dma_start3A_380, %dma_start3A_381] : memref<16512x128xf32, #tpu.memory_space<hbm>> -> memref<16512x128xf32, #tpu.memory_space<hbm>>
                tpu.enqueue_indirect_dma source(%dma_start3A_379 : memref<128x128xf32, #tpu.memory_space<vmem>>) target(%dma_start3A_382 : memref<16512x128xf32, #tpu.memory_space<hbm>>) offsets(%arg13 : memref<128xi32, #tpu.memory_space<vmem>>) semaphore(%run_scoped3A : memref<!tpu.dma_semaphore, #tpu.memory_space<semaphore_mem>>)
                %dma_wait3A_383 = arith.constant 0 : i32
                %dma_wait3A_384 = arith.constant 0 : i32
                %dma_wait3A_385 = tpu.memref_slice %arg12[%dma_wait3A_383, %dma_wait3A_384] : memref<144x128xf32, #tpu.memory_space<vmem>> -> memref<128x128xf32, #tpu.memory_space<vmem>>
                %dma_wait3A_386 = arith.constant 0 : i32
                %dma_wait3A_387 = arith.constant 0 : i32
                %dma_wait3A_388 = tpu.memref_slice %arg4[%dma_wait3A_386, %dma_wait3A_387] : memref<16512x128xf32, #tpu.memory_space<hbm>> -> memref<16512x128xf32, #tpu.memory_space<hbm>>
                tpu.wait_indirect_dma semaphore(%run_scoped3A : memref<!tpu.dma_semaphore, #tpu.memory_space<semaphore_mem>>) src(%dma_wait3A_385 : memref<128x128xf32, #tpu.memory_space<vmem>>) dst(%dma_wait3A_388 : memref<16512x128xf32, #tpu.memory_space<hbm>>)
                tpu.yield
              }) : () -> ()
              %cond3A_376 = arith.constant 0 : i32
              scf.yield %cond3A_376 : i32
            } else {
              scf.yield %while3A_137 : i32
            }
            %mul3A_143 = arith.constant 16 : i32
            %mul3A_144 = arith.muli %while3A_136, %mul3A_143 : i32
            %add3A_145 = vector.broadcast %mul3A_144 : i32 to vector<16xi32>
            %add3A_146 = arith.addi %add3A_145, %iota3A : vector<16xi32>
            %lt3A_147 = vector.broadcast %min3A_118 : i32 to vector<16xi32>
            %lt3A_148 = arith.cmpi slt, %add3A_146, %lt3A_147 : vector<16xi32>
            %min3A_149 = arith.constant 2047 : i32
            %min3A_150 = vector.broadcast %min3A_149 : i32 to vector<16xi32>
            %min3A_151 = arith.minsi %add3A_146, %min3A_150 : vector<16xi32>
            %gather3A = tpu.vector_load_idx %arg8[%min3A_151] : memref<2048xi32, #tpu.memory_space<vmem>>[vector<16xi32>], vector<16xi32>,
            %gather3A_152 = tpu.vector_load_idx %arg9[%min3A_151] : memref<2048xi32, #tpu.memory_space<vmem>>[vector<16xi32>], vector<16xi32>,
            %sub3A_153 = vector.broadcast %mul3A_61 : i32 to vector<16xi32>
            %sub3A_154 = arith.subi %gather3A, %sub3A_153 : vector<16xi32>
            %jit3A_155 = arith.constant 0 : i32
            %broadcast_in_dim3A = vector.broadcast %jit3A_155 : i32 to vector<16xi32>
            %select_n3A_156 = arith.select %lt3A_148, %sub3A_154, %broadcast_in_dim3A : vector<16xi1>, vector<16xi32>
            %convert_element_type3A_157 = arith.extui %lt3A_148 : vector<16xi1> to vector<16xi32>
            %broadcast_in_dim3A_158 = arith.constant true
            %broadcast_in_dim3A_159 = vector.broadcast %broadcast_in_dim3A_158 : i1 to vector<16xi1>
            %masked_cumsum3A = tpu.scan <sum>, %convert_element_type3A_157 masked %broadcast_in_dim3A_159 : vector<16xi32>, vector<16xi1> -> vector<16xi32>
            %add3A_160 = vector.broadcast %cond3A_142 : i32 to vector<16xi32>
            %add3A_161 = arith.addi %add3A_160, %masked_cumsum3A : vector<16xi32>
            %sub3A_162 = arith.constant 1 : i32
            %sub3A_163 = vector.broadcast %sub3A_162 : i32 to vector<16xi32>
            %sub3A_164 = arith.subi %add3A_161, %sub3A_163 : vector<16xi32>
            %add3A_165 = arith.constant 128 : i32
            %add3A_166 = vector.broadcast %add3A_165 : i32 to vector<16xi32>
            %add3A_167 = arith.addi %add3A_166, %iota3A : vector<16xi32>
            %select_n3A_168 = arith.select %lt3A_148, %sub3A_164, %add3A_167 : vector<16xi1>, vector<16xi32>
            %min3A_169 = arith.constant 127 : i32
            %min3A_170 = vector.broadcast %min3A_169 : i32 to vector<16xi32>
            %min3A_171 = arith.minsi %select_n3A_168, %min3A_170 : vector<16xi32>
            tpu.vector_store_idx %arg13[%min3A_171], %gather3A_152 masked %lt3A_148 : memref<128xi32, #tpu.memory_space<vmem>>[vector<16xi32>], vector<16xi32>, vector<16xi1>
            %broadcast_in_dim3A_172 = arith.constant 0 : i32
            %broadcast_in_dim3A_173 = vector.broadcast %broadcast_in_dim3A_172 : i32 to vector<16xi32>
            %gather3A_174 = tpu.vector_load_idx %arg11[%broadcast_in_dim3A_173, %select_n3A_156] : memref<64x512xf32, #tpu.memory_space<vmem>>[vector<16xi32>, vector<16xi32>], vector<16xf32>,
            tpu.vector_store_idx %arg12[%select_n3A_168, %broadcast_in_dim3A_173], %gather3A_174 : memref<144x128xf32, #tpu.memory_space<vmem>>[vector<16xi32>, vector<16xi32>], vector<16xf32>,
            %broadcast_in_dim3A_175 = arith.constant 1 : i32
            %broadcast_in_dim3A_176 = vector.broadcast %broadcast_in_dim3A_175 : i32 to vector<16xi32>
            %gather3A_177 = tpu.vector_load_idx %arg11[%broadcast_in_dim3A_176, %select_n3A_156] : memref<64x512xf32, #tpu.memory_space<vmem>>[vector<16xi32>, vector<16xi32>], vector<16xf32>,
            tpu.vector_store_idx %arg12[%select_n3A_168, %broadcast_in_dim3A_176], %gather3A_177 : memref<144x128xf32, #tpu.memory_space<vmem>>[vector<16xi32>, vector<16xi32>], vector<16xf32>,
            %broadcast_in_dim3A_178 = arith.constant 2 : i32
            %broadcast_in_dim3A_179 = vector.broadcast %broadcast_in_dim3A_178 : i32 to vector<16xi32>
            %gather3A_180 = tpu.vector_load_idx %arg11[%broadcast_in_dim3A_179, %select_n3A_156] : memref<64x512xf32, #tpu.memory_space<vmem>>[vector<16xi32>, vector<16xi32>], vector<16xf32>,
            tpu.vector_store_idx %arg12[%select_n3A_168, %broadcast_in_dim3A_179], %gather3A_180 : memref<144x128xf32, #tpu.memory_space<vmem>>[vector<16xi32>, vector<16xi32>], vector<16xf32>,
            %broadcast_in_dim3A_181 = arith.constant 3 : i32
            %broadcast_in_dim3A_182 = vector.broadcast %broadcast_in_dim3A_181 : i32 to vector<16xi32>
            %gather3A_183 = tpu.vector_load_idx %arg11[%broadcast_in_dim3A_182, %select_n3A_156] : memref<64x512xf32, #tpu.memory_space<vmem>>[vector<16xi32>, vector<16xi32>], vector<16xf32>,
            tpu.vector_store_idx %arg12[%select_n3A_168, %broadcast_in_dim3A_182], %gather3A_183 : memref<144x128xf32, #tpu.memory_space<vmem>>[vector<16xi32>, vector<16xi32>], vector<16xf32>,
            %broadcast_in_dim3A_184 = arith.constant 4 : i32
            %broadcast_in_dim3A_185 = vector.broadcast %broadcast_in_dim3A_184 : i32 to vector<16xi32>
            %gather3A_186 = tpu.vector_load_idx %arg11[%broadcast_in_dim3A_185, %select_n3A_156] : memref<64x512xf32, #tpu.memory_space<vmem>>[vector<16xi32>, vector<16xi32>], vector<16xf32>,
            tpu.vector_store_idx %arg12[%select_n3A_168, %broadcast_in_dim3A_185], %gather3A_186 : memref<144x128xf32, #tpu.memory_space<vmem>>[vector<16xi32>, vector<16xi32>], vector<16xf32>,
            %broadcast_in_dim3A_187 = arith.constant 5 : i32
            %broadcast_in_dim3A_188 = vector.broadcast %broadcast_in_dim3A_187 : i32 to vector<16xi32>
            %gather3A_189 = tpu.vector_load_idx %arg11[%broadcast_in_dim3A_188, %select_n3A_156] : memref<64x512xf32, #tpu.memory_space<vmem>>[vector<16xi32>, vector<16xi32>], vector<16xf32>,
            tpu.vector_store_idx %arg12[%select_n3A_168, %broadcast_in_dim3A_188], %gather3A_189 : memref<144x128xf32, #tpu.memory_space<vmem>>[vector<16xi32>, vector<16xi32>], vector<16xf32>,
            %broadcast_in_dim3A_190 = arith.constant 6 : i32
            %broadcast_in_dim3A_191 = vector.broadcast %broadcast_in_dim3A_190 : i32 to vector<16xi32>
            %gather3A_192 = tpu.vector_load_idx %arg11[%broadcast_in_dim3A_191, %select_n3A_156] : memref<64x512xf32, #tpu.memory_space<vmem>>[vector<16xi32>, vector<16xi32>], vector<16xf32>,
            tpu.vector_store_idx %arg12[%select_n3A_168, %broadcast_in_dim3A_191], %gather3A_192 : memref<144x128xf32, #tpu.memory_space<vmem>>[vector<16xi32>, vector<16xi32>], vector<16xf32>,
            %broadcast_in_dim3A_193 = arith.constant 7 : i32
            %broadcast_in_dim3A_194 = vector.broadcast %broadcast_in_dim3A_193 : i32 to vector<16xi32>
            %gather3A_195 = tpu.vector_load_idx %arg11[%broadcast_in_dim3A_194, %select_n3A_156] : memref<64x512xf32, #tpu.memory_space<vmem>>[vector<16xi32>, vector<16xi32>], vector<16xf32>,
            tpu.vector_store_idx %arg12[%select_n3A_168, %broadcast_in_dim3A_194], %gather3A_195 : memref<144x128xf32, #tpu.memory_space<vmem>>[vector<16xi32>, vector<16xi32>], vector<16xf32>,
            %broadcast_in_dim3A_196 = arith.constant 8 : i32
            %broadcast_in_dim3A_197 = vector.broadcast %broadcast_in_dim3A_196 : i32 to vector<16xi32>
            %gather3A_198 = tpu.vector_load_idx %arg11[%broadcast_in_dim3A_197, %select_n3A_156] : memref<64x512xf32, #tpu.memory_space<vmem>>[vector<16xi32>, vector<16xi32>], vector<16xf32>,
            tpu.vector_store_idx %arg12[%select_n3A_168, %broadcast_in_dim3A_197], %gather3A_198 : memref<144x128xf32, #tpu.memory_space<vmem>>[vector<16xi32>, vector<16xi32>], vector<16xf32>,
            %broadcast_in_dim3A_199 = arith.constant 9 : i32
            %broadcast_in_dim3A_200 = vector.broadcast %broadcast_in_dim3A_199 : i32 to vector<16xi32>
            %gather3A_201 = tpu.vector_load_idx %arg11[%broadcast_in_dim3A_200, %select_n3A_156] : memref<64x512xf32, #tpu.memory_space<vmem>>[vector<16xi32>, vector<16xi32>], vector<16xf32>,
            tpu.vector_store_idx %arg12[%select_n3A_168, %broadcast_in_dim3A_200], %gather3A_201 : memref<144x128xf32, #tpu.memory_space<vmem>>[vector<16xi32>, vector<16xi32>], vector<16xf32>,
            %broadcast_in_dim3A_202 = arith.constant 10 : i32
            %broadcast_in_dim3A_203 = vector.broadcast %broadcast_in_dim3A_202 : i32 to vector<16xi32>
            %gather3A_204 = tpu.vector_load_idx %arg11[%broadcast_in_dim3A_203, %select_n3A_156] : memref<64x512xf32, #tpu.memory_space<vmem>>[vector<16xi32>, vector<16xi32>], vector<16xf32>,
            tpu.vector_store_idx %arg12[%select_n3A_168, %broadcast_in_dim3A_203], %gather3A_204 : memref<144x128xf32, #tpu.memory_space<vmem>>[vector<16xi32>, vector<16xi32>], vector<16xf32>,
            %broadcast_in_dim3A_205 = arith.constant 11 : i32
            %broadcast_in_dim3A_206 = vector.broadcast %broadcast_in_dim3A_205 : i32 to vector<16xi32>
            %gather3A_207 = tpu.vector_load_idx %arg11[%broadcast_in_dim3A_206, %select_n3A_156] : memref<64x512xf32, #tpu.memory_space<vmem>>[vector<16xi32>, vector<16xi32>], vector<16xf32>,
            tpu.vector_store_idx %arg12[%select_n3A_168, %broadcast_in_dim3A_206], %gather3A_207 : memref<144x128xf32, #tpu.memory_space<vmem>>[vector<16xi32>, vector<16xi32>], vector<16xf32>,
            %broadcast_in_dim3A_208 = arith.constant 12 : i32
            %broadcast_in_dim3A_209 = vector.broadcast %broadcast_in_dim3A_208 : i32 to vector<16xi32>
            %gather3A_210 = tpu.vector_load_idx %arg11[%broadcast_in_dim3A_209, %select_n3A_156] : memref<64x512xf32, #tpu.memory_space<vmem>>[vector<16xi32>, vector<16xi32>], vector<16xf32>,
            tpu.vector_store_idx %arg12[%select_n3A_168, %broadcast_in_dim3A_209], %gather3A_210 : memref<144x128xf32, #tpu.memory_space<vmem>>[vector<16xi32>, vector<16xi32>], vector<16xf32>,
            %broadcast_in_dim3A_211 = arith.constant 13 : i32
            %broadcast_in_dim3A_212 = vector.broadcast %broadcast_in_dim3A_211 : i32 to vector<16xi32>
            %gather3A_213 = tpu.vector_load_idx %arg11[%broadcast_in_dim3A_212, %select_n3A_156] : memref<64x512xf32, #tpu.memory_space<vmem>>[vector<16xi32>, vector<16xi32>], vector<16xf32>,
            tpu.vector_store_idx %arg12[%select_n3A_168, %broadcast_in_dim3A_212], %gather3A_213 : memref<144x128xf32, #tpu.memory_space<vmem>>[vector<16xi32>, vector<16xi32>], vector<16xf32>,
            %broadcast_in_dim3A_214 = arith.constant 14 : i32
            %broadcast_in_dim3A_215 = vector.broadcast %broadcast_in_dim3A_214 : i32 to vector<16xi32>
            %gather3A_216 = tpu.vector_load_idx %arg11[%broadcast_in_dim3A_215, %select_n3A_156] : memref<64x512xf32, #tpu.memory_space<vmem>>[vector<16xi32>, vector<16xi32>], vector<16xf32>,
            tpu.vector_store_idx %arg12[%select_n3A_168, %broadcast_in_dim3A_215], %gather3A_216 : memref<144x128xf32, #tpu.memory_space<vmem>>[vector<16xi32>, vector<16xi32>], vector<16xf32>,
            %broadcast_in_dim3A_217 = arith.constant 15 : i32
            %broadcast_in_dim3A_218 = vector.broadcast %broadcast_in_dim3A_217 : i32 to vector<16xi32>
            %gather3A_219 = tpu.vector_load_idx %arg11[%broadcast_in_dim3A_218, %select_n3A_156] : memref<64x512xf32, #tpu.memory_space<vmem>>[vector<16xi32>, vector<16xi32>], vector<16xf32>,
            tpu.vector_store_idx %arg12[%select_n3A_168, %broadcast_in_dim3A_218], %gather3A_219 : memref<144x128xf32, #tpu.memory_space<vmem>>[vector<16xi32>, vector<16xi32>], vector<16xf32>,
            %broadcast_in_dim3A_220 = arith.constant 16 : i32
            %broadcast_in_dim3A_221 = vector.broadcast %broadcast_in_dim3A_220 : i32 to vector<16xi32>
            %gather3A_222 = tpu.vector_load_idx %arg11[%broadcast_in_dim3A_221, %select_n3A_156] : memref<64x512xf32, #tpu.memory_space<vmem>>[vector<16xi32>, vector<16xi32>], vector<16xf32>,
            tpu.vector_store_idx %arg12[%select_n3A_168, %broadcast_in_dim3A_221], %gather3A_222 : memref<144x128xf32, #tpu.memory_space<vmem>>[vector<16xi32>, vector<16xi32>], vector<16xf32>,
            %broadcast_in_dim3A_223 = arith.constant 17 : i32
            %broadcast_in_dim3A_224 = vector.broadcast %broadcast_in_dim3A_223 : i32 to vector<16xi32>
            %gather3A_225 = tpu.vector_load_idx %arg11[%broadcast_in_dim3A_224, %select_n3A_156] : memref<64x512xf32, #tpu.memory_space<vmem>>[vector<16xi32>, vector<16xi32>], vector<16xf32>,
            tpu.vector_store_idx %arg12[%select_n3A_168, %broadcast_in_dim3A_224], %gather3A_225 : memref<144x128xf32, #tpu.memory_space<vmem>>[vector<16xi32>, vector<16xi32>], vector<16xf32>,
            %broadcast_in_dim3A_226 = arith.constant 18 : i32
            %broadcast_in_dim3A_227 = vector.broadcast %broadcast_in_dim3A_226 : i32 to vector<16xi32>
            %gather3A_228 = tpu.vector_load_idx %arg11[%broadcast_in_dim3A_227, %select_n3A_156] : memref<64x512xf32, #tpu.memory_space<vmem>>[vector<16xi32>, vector<16xi32>], vector<16xf32>,
            tpu.vector_store_idx %arg12[%select_n3A_168, %broadcast_in_dim3A_227], %gather3A_228 : memref<144x128xf32, #tpu.memory_space<vmem>>[vector<16xi32>, vector<16xi32>], vector<16xf32>,
            %broadcast_in_dim3A_229 = arith.constant 19 : i32
            %broadcast_in_dim3A_230 = vector.broadcast %broadcast_in_dim3A_229 : i32 to vector<16xi32>
            %gather3A_231 = tpu.vector_load_idx %arg11[%broadcast_in_dim3A_230, %select_n3A_156] : memref<64x512xf32, #tpu.memory_space<vmem>>[vector<16xi32>, vector<16xi32>], vector<16xf32>,
            tpu.vector_store_idx %arg12[%select_n3A_168, %broadcast_in_dim3A_230], %gather3A_231 : memref<144x128xf32, #tpu.memory_space<vmem>>[vector<16xi32>, vector<16xi32>], vector<16xf32>,
            %broadcast_in_dim3A_232 = arith.constant 20 : i32
            %broadcast_in_dim3A_233 = vector.broadcast %broadcast_in_dim3A_232 : i32 to vector<16xi32>
            %gather3A_234 = tpu.vector_load_idx %arg11[%broadcast_in_dim3A_233, %select_n3A_156] : memref<64x512xf32, #tpu.memory_space<vmem>>[vector<16xi32>, vector<16xi32>], vector<16xf32>,
            tpu.vector_store_idx %arg12[%select_n3A_168, %broadcast_in_dim3A_233], %gather3A_234 : memref<144x128xf32, #tpu.memory_space<vmem>>[vector<16xi32>, vector<16xi32>], vector<16xf32>,
            %broadcast_in_dim3A_235 = arith.constant 21 : i32
            %broadcast_in_dim3A_236 = vector.broadcast %broadcast_in_dim3A_235 : i32 to vector<16xi32>
            %gather3A_237 = tpu.vector_load_idx %arg11[%broadcast_in_dim3A_236, %select_n3A_156] : memref<64x512xf32, #tpu.memory_space<vmem>>[vector<16xi32>, vector<16xi32>], vector<16xf32>,
            tpu.vector_store_idx %arg12[%select_n3A_168, %broadcast_in_dim3A_236], %gather3A_237 : memref<144x128xf32, #tpu.memory_space<vmem>>[vector<16xi32>, vector<16xi32>], vector<16xf32>,
            %broadcast_in_dim3A_238 = arith.constant 22 : i32
            %broadcast_in_dim3A_239 = vector.broadcast %broadcast_in_dim3A_238 : i32 to vector<16xi32>
            %gather3A_240 = tpu.vector_load_idx %arg11[%broadcast_in_dim3A_239, %select_n3A_156] : memref<64x512xf32, #tpu.memory_space<vmem>>[vector<16xi32>, vector<16xi32>], vector<16xf32>,
            tpu.vector_store_idx %arg12[%select_n3A_168, %broadcast_in_dim3A_239], %gather3A_240 : memref<144x128xf32, #tpu.memory_space<vmem>>[vector<16xi32>, vector<16xi32>], vector<16xf32>,
            %broadcast_in_dim3A_241 = arith.constant 23 : i32
            %broadcast_in_dim3A_242 = vector.broadcast %broadcast_in_dim3A_241 : i32 to vector<16xi32>
            %gather3A_243 = tpu.vector_load_idx %arg11[%broadcast_in_dim3A_242, %select_n3A_156] : memref<64x512xf32, #tpu.memory_space<vmem>>[vector<16xi32>, vector<16xi32>], vector<16xf32>,
            tpu.vector_store_idx %arg12[%select_n3A_168, %broadcast_in_dim3A_242], %gather3A_243 : memref<144x128xf32, #tpu.memory_space<vmem>>[vector<16xi32>, vector<16xi32>], vector<16xf32>,
            %broadcast_in_dim3A_244 = arith.constant 24 : i32
            %broadcast_in_dim3A_245 = vector.broadcast %broadcast_in_dim3A_244 : i32 to vector<16xi32>
            %gather3A_246 = tpu.vector_load_idx %arg11[%broadcast_in_dim3A_245, %select_n3A_156] : memref<64x512xf32, #tpu.memory_space<vmem>>[vector<16xi32>, vector<16xi32>], vector<16xf32>,
            tpu.vector_store_idx %arg12[%select_n3A_168, %broadcast_in_dim3A_245], %gather3A_246 : memref<144x128xf32, #tpu.memory_space<vmem>>[vector<16xi32>, vector<16xi32>], vector<16xf32>,
            %broadcast_in_dim3A_247 = arith.constant 25 : i32
            %broadcast_in_dim3A_248 = vector.broadcast %broadcast_in_dim3A_247 : i32 to vector<16xi32>
            %gather3A_249 = tpu.vector_load_idx %arg11[%broadcast_in_dim3A_248, %select_n3A_156] : memref<64x512xf32, #tpu.memory_space<vmem>>[vector<16xi32>, vector<16xi32>], vector<16xf32>,
            tpu.vector_store_idx %arg12[%select_n3A_168, %broadcast_in_dim3A_248], %gather3A_249 : memref<144x128xf32, #tpu.memory_space<vmem>>[vector<16xi32>, vector<16xi32>], vector<16xf32>,
            %broadcast_in_dim3A_250 = arith.constant 26 : i32
            %broadcast_in_dim3A_251 = vector.broadcast %broadcast_in_dim3A_250 : i32 to vector<16xi32>
            %gather3A_252 = tpu.vector_load_idx %arg11[%broadcast_in_dim3A_251, %select_n3A_156] : memref<64x512xf32, #tpu.memory_space<vmem>>[vector<16xi32>, vector<16xi32>], vector<16xf32>,
            tpu.vector_store_idx %arg12[%select_n3A_168, %broadcast_in_dim3A_251], %gather3A_252 : memref<144x128xf32, #tpu.memory_space<vmem>>[vector<16xi32>, vector<16xi32>], vector<16xf32>,
            %broadcast_in_dim3A_253 = arith.constant 27 : i32
            %broadcast_in_dim3A_254 = vector.broadcast %broadcast_in_dim3A_253 : i32 to vector<16xi32>
            %gather3A_255 = tpu.vector_load_idx %arg11[%broadcast_in_dim3A_254, %select_n3A_156] : memref<64x512xf32, #tpu.memory_space<vmem>>[vector<16xi32>, vector<16xi32>], vector<16xf32>,
            tpu.vector_store_idx %arg12[%select_n3A_168, %broadcast_in_dim3A_254], %gather3A_255 : memref<144x128xf32, #tpu.memory_space<vmem>>[vector<16xi32>, vector<16xi32>], vector<16xf32>,
            %broadcast_in_dim3A_256 = arith.constant 28 : i32
            %broadcast_in_dim3A_257 = vector.broadcast %broadcast_in_dim3A_256 : i32 to vector<16xi32>
            %gather3A_258 = tpu.vector_load_idx %arg11[%broadcast_in_dim3A_257, %select_n3A_156] : memref<64x512xf32, #tpu.memory_space<vmem>>[vector<16xi32>, vector<16xi32>], vector<16xf32>,
            tpu.vector_store_idx %arg12[%select_n3A_168, %broadcast_in_dim3A_257], %gather3A_258 : memref<144x128xf32, #tpu.memory_space<vmem>>[vector<16xi32>, vector<16xi32>], vector<16xf32>,
            %broadcast_in_dim3A_259 = arith.constant 29 : i32
            %broadcast_in_dim3A_260 = vector.broadcast %broadcast_in_dim3A_259 : i32 to vector<16xi32>
            %gather3A_261 = tpu.vector_load_idx %arg11[%broadcast_in_dim3A_260, %select_n3A_156] : memref<64x512xf32, #tpu.memory_space<vmem>>[vector<16xi32>, vector<16xi32>], vector<16xf32>,
            tpu.vector_store_idx %arg12[%select_n3A_168, %broadcast_in_dim3A_260], %gather3A_261 : memref<144x128xf32, #tpu.memory_space<vmem>>[vector<16xi32>, vector<16xi32>], vector<16xf32>,
            %broadcast_in_dim3A_262 = arith.constant 30 : i32
            %broadcast_in_dim3A_263 = vector.broadcast %broadcast_in_dim3A_262 : i32 to vector<16xi32>
            %gather3A_264 = tpu.vector_load_idx %arg11[%broadcast_in_dim3A_263, %select_n3A_156] : memref<64x512xf32, #tpu.memory_space<vmem>>[vector<16xi32>, vector<16xi32>], vector<16xf32>,
            tpu.vector_store_idx %arg12[%select_n3A_168, %broadcast_in_dim3A_263], %gather3A_264 : memref<144x128xf32, #tpu.memory_space<vmem>>[vector<16xi32>, vector<16xi32>], vector<16xf32>,
            %broadcast_in_dim3A_265 = arith.constant 31 : i32
            %broadcast_in_dim3A_266 = vector.broadcast %broadcast_in_dim3A_265 : i32 to vector<16xi32>
            %gather3A_267 = tpu.vector_load_idx %arg11[%broadcast_in_dim3A_266, %select_n3A_156] : memref<64x512xf32, #tpu.memory_space<vmem>>[vector<16xi32>, vector<16xi32>], vector<16xf32>,
            tpu.vector_store_idx %arg12[%select_n3A_168, %broadcast_in_dim3A_266], %gather3A_267 : memref<144x128xf32, #tpu.memory_space<vmem>>[vector<16xi32>, vector<16xi32>], vector<16xf32>,
            %broadcast_in_dim3A_268 = arith.constant 32 : i32
            %broadcast_in_dim3A_269 = vector.broadcast %broadcast_in_dim3A_268 : i32 to vector<16xi32>
            %gather3A_270 = tpu.vector_load_idx %arg11[%broadcast_in_dim3A_269, %select_n3A_156] : memref<64x512xf32, #tpu.memory_space<vmem>>[vector<16xi32>, vector<16xi32>], vector<16xf32>,
            tpu.vector_store_idx %arg12[%select_n3A_168, %broadcast_in_dim3A_269], %gather3A_270 : memref<144x128xf32, #tpu.memory_space<vmem>>[vector<16xi32>, vector<16xi32>], vector<16xf32>,
            %broadcast_in_dim3A_271 = arith.constant 33 : i32
            %broadcast_in_dim3A_272 = vector.broadcast %broadcast_in_dim3A_271 : i32 to vector<16xi32>
            %gather3A_273 = tpu.vector_load_idx %arg11[%broadcast_in_dim3A_272, %select_n3A_156] : memref<64x512xf32, #tpu.memory_space<vmem>>[vector<16xi32>, vector<16xi32>], vector<16xf32>,
            tpu.vector_store_idx %arg12[%select_n3A_168, %broadcast_in_dim3A_272], %gather3A_273 : memref<144x128xf32, #tpu.memory_space<vmem>>[vector<16xi32>, vector<16xi32>], vector<16xf32>,
            %broadcast_in_dim3A_274 = arith.constant 34 : i32
            %broadcast_in_dim3A_275 = vector.broadcast %broadcast_in_dim3A_274 : i32 to vector<16xi32>
            %gather3A_276 = tpu.vector_load_idx %arg11[%broadcast_in_dim3A_275, %select_n3A_156] : memref<64x512xf32, #tpu.memory_space<vmem>>[vector<16xi32>, vector<16xi32>], vector<16xf32>,
            tpu.vector_store_idx %arg12[%select_n3A_168, %broadcast_in_dim3A_275], %gather3A_276 : memref<144x128xf32, #tpu.memory_space<vmem>>[vector<16xi32>, vector<16xi32>], vector<16xf32>,
            %broadcast_in_dim3A_277 = arith.constant 35 : i32
            %broadcast_in_dim3A_278 = vector.broadcast %broadcast_in_dim3A_277 : i32 to vector<16xi32>
            %gather3A_279 = tpu.vector_load_idx %arg11[%broadcast_in_dim3A_278, %select_n3A_156] : memref<64x512xf32, #tpu.memory_space<vmem>>[vector<16xi32>, vector<16xi32>], vector<16xf32>,
            tpu.vector_store_idx %arg12[%select_n3A_168, %broadcast_in_dim3A_278], %gather3A_279 : memref<144x128xf32, #tpu.memory_space<vmem>>[vector<16xi32>, vector<16xi32>], vector<16xf32>,
            %broadcast_in_dim3A_280 = arith.constant 36 : i32
            %broadcast_in_dim3A_281 = vector.broadcast %broadcast_in_dim3A_280 : i32 to vector<16xi32>
            %gather3A_282 = tpu.vector_load_idx %arg11[%broadcast_in_dim3A_281, %select_n3A_156] : memref<64x512xf32, #tpu.memory_space<vmem>>[vector<16xi32>, vector<16xi32>], vector<16xf32>,
            tpu.vector_store_idx %arg12[%select_n3A_168, %broadcast_in_dim3A_281], %gather3A_282 : memref<144x128xf32, #tpu.memory_space<vmem>>[vector<16xi32>, vector<16xi32>], vector<16xf32>,
            %broadcast_in_dim3A_283 = arith.constant 37 : i32
            %broadcast_in_dim3A_284 = vector.broadcast %broadcast_in_dim3A_283 : i32 to vector<16xi32>
            %gather3A_285 = tpu.vector_load_idx %arg11[%broadcast_in_dim3A_284, %select_n3A_156] : memref<64x512xf32, #tpu.memory_space<vmem>>[vector<16xi32>, vector<16xi32>], vector<16xf32>,
            tpu.vector_store_idx %arg12[%select_n3A_168, %broadcast_in_dim3A_284], %gather3A_285 : memref<144x128xf32, #tpu.memory_space<vmem>>[vector<16xi32>, vector<16xi32>], vector<16xf32>,
            %broadcast_in_dim3A_286 = arith.constant 38 : i32
            %broadcast_in_dim3A_287 = vector.broadcast %broadcast_in_dim3A_286 : i32 to vector<16xi32>
            %gather3A_288 = tpu.vector_load_idx %arg11[%broadcast_in_dim3A_287, %select_n3A_156] : memref<64x512xf32, #tpu.memory_space<vmem>>[vector<16xi32>, vector<16xi32>], vector<16xf32>,
            tpu.vector_store_idx %arg12[%select_n3A_168, %broadcast_in_dim3A_287], %gather3A_288 : memref<144x128xf32, #tpu.memory_space<vmem>>[vector<16xi32>, vector<16xi32>], vector<16xf32>,
            %broadcast_in_dim3A_289 = arith.constant 39 : i32
            %broadcast_in_dim3A_290 = vector.broadcast %broadcast_in_dim3A_289 : i32 to vector<16xi32>
            %gather3A_291 = tpu.vector_load_idx %arg11[%broadcast_in_dim3A_290, %select_n3A_156] : memref<64x512xf32, #tpu.memory_space<vmem>>[vector<16xi32>, vector<16xi32>], vector<16xf32>,
            tpu.vector_store_idx %arg12[%select_n3A_168, %broadcast_in_dim3A_290], %gather3A_291 : memref<144x128xf32, #tpu.memory_space<vmem>>[vector<16xi32>, vector<16xi32>], vector<16xf32>,
            %broadcast_in_dim3A_292 = arith.constant 40 : i32
            %broadcast_in_dim3A_293 = vector.broadcast %broadcast_in_dim3A_292 : i32 to vector<16xi32>
            %gather3A_294 = tpu.vector_load_idx %arg11[%broadcast_in_dim3A_293, %select_n3A_156] : memref<64x512xf32, #tpu.memory_space<vmem>>[vector<16xi32>, vector<16xi32>], vector<16xf32>,
            tpu.vector_store_idx %arg12[%select_n3A_168, %broadcast_in_dim3A_293], %gather3A_294 : memref<144x128xf32, #tpu.memory_space<vmem>>[vector<16xi32>, vector<16xi32>], vector<16xf32>,
            %broadcast_in_dim3A_295 = arith.constant 41 : i32
            %broadcast_in_dim3A_296 = vector.broadcast %broadcast_in_dim3A_295 : i32 to vector<16xi32>
            %gather3A_297 = tpu.vector_load_idx %arg11[%broadcast_in_dim3A_296, %select_n3A_156] : memref<64x512xf32, #tpu.memory_space<vmem>>[vector<16xi32>, vector<16xi32>], vector<16xf32>,
            tpu.vector_store_idx %arg12[%select_n3A_168, %broadcast_in_dim3A_296], %gather3A_297 : memref<144x128xf32, #tpu.memory_space<vmem>>[vector<16xi32>, vector<16xi32>], vector<16xf32>,
            %broadcast_in_dim3A_298 = arith.constant 42 : i32
            %broadcast_in_dim3A_299 = vector.broadcast %broadcast_in_dim3A_298 : i32 to vector<16xi32>
            %gather3A_300 = tpu.vector_load_idx %arg11[%broadcast_in_dim3A_299, %select_n3A_156] : memref<64x512xf32, #tpu.memory_space<vmem>>[vector<16xi32>, vector<16xi32>], vector<16xf32>,
            tpu.vector_store_idx %arg12[%select_n3A_168, %broadcast_in_dim3A_299], %gather3A_300 : memref<144x128xf32, #tpu.memory_space<vmem>>[vector<16xi32>, vector<16xi32>], vector<16xf32>,
            %broadcast_in_dim3A_301 = arith.constant 43 : i32
            %broadcast_in_dim3A_302 = vector.broadcast %broadcast_in_dim3A_301 : i32 to vector<16xi32>
            %gather3A_303 = tpu.vector_load_idx %arg11[%broadcast_in_dim3A_302, %select_n3A_156] : memref<64x512xf32, #tpu.memory_space<vmem>>[vector<16xi32>, vector<16xi32>], vector<16xf32>,
            tpu.vector_store_idx %arg12[%select_n3A_168, %broadcast_in_dim3A_302], %gather3A_303 : memref<144x128xf32, #tpu.memory_space<vmem>>[vector<16xi32>, vector<16xi32>], vector<16xf32>,
            %broadcast_in_dim3A_304 = arith.constant 44 : i32
            %broadcast_in_dim3A_305 = vector.broadcast %broadcast_in_dim3A_304 : i32 to vector<16xi32>
            %gather3A_306 = tpu.vector_load_idx %arg11[%broadcast_in_dim3A_305, %select_n3A_156] : memref<64x512xf32, #tpu.memory_space<vmem>>[vector<16xi32>, vector<16xi32>], vector<16xf32>,
            tpu.vector_store_idx %arg12[%select_n3A_168, %broadcast_in_dim3A_305], %gather3A_306 : memref<144x128xf32, #tpu.memory_space<vmem>>[vector<16xi32>, vector<16xi32>], vector<16xf32>,
            %broadcast_in_dim3A_307 = arith.constant 45 : i32
            %broadcast_in_dim3A_308 = vector.broadcast %broadcast_in_dim3A_307 : i32 to vector<16xi32>
            %gather3A_309 = tpu.vector_load_idx %arg11[%broadcast_in_dim3A_308, %select_n3A_156] : memref<64x512xf32, #tpu.memory_space<vmem>>[vector<16xi32>, vector<16xi32>], vector<16xf32>,
            tpu.vector_store_idx %arg12[%select_n3A_168, %broadcast_in_dim3A_308], %gather3A_309 : memref<144x128xf32, #tpu.memory_space<vmem>>[vector<16xi32>, vector<16xi32>], vector<16xf32>,
            %broadcast_in_dim3A_310 = arith.constant 46 : i32
            %broadcast_in_dim3A_311 = vector.broadcast %broadcast_in_dim3A_310 : i32 to vector<16xi32>
            %gather3A_312 = tpu.vector_load_idx %arg11[%broadcast_in_dim3A_311, %select_n3A_156] : memref<64x512xf32, #tpu.memory_space<vmem>>[vector<16xi32>, vector<16xi32>], vector<16xf32>,
            tpu.vector_store_idx %arg12[%select_n3A_168, %broadcast_in_dim3A_311], %gather3A_312 : memref<144x128xf32, #tpu.memory_space<vmem>>[vector<16xi32>, vector<16xi32>], vector<16xf32>,
            %broadcast_in_dim3A_313 = arith.constant 47 : i32
            %broadcast_in_dim3A_314 = vector.broadcast %broadcast_in_dim3A_313 : i32 to vector<16xi32>
            %gather3A_315 = tpu.vector_load_idx %arg11[%broadcast_in_dim3A_314, %select_n3A_156] : memref<64x512xf32, #tpu.memory_space<vmem>>[vector<16xi32>, vector<16xi32>], vector<16xf32>,
            tpu.vector_store_idx %arg12[%select_n3A_168, %broadcast_in_dim3A_314], %gather3A_315 : memref<144x128xf32, #tpu.memory_space<vmem>>[vector<16xi32>, vector<16xi32>], vector<16xf32>,
            %broadcast_in_dim3A_316 = arith.constant 48 : i32
            %broadcast_in_dim3A_317 = vector.broadcast %broadcast_in_dim3A_316 : i32 to vector<16xi32>
            %gather3A_318 = tpu.vector_load_idx %arg11[%broadcast_in_dim3A_317, %select_n3A_156] : memref<64x512xf32, #tpu.memory_space<vmem>>[vector<16xi32>, vector<16xi32>], vector<16xf32>,
            tpu.vector_store_idx %arg12[%select_n3A_168, %broadcast_in_dim3A_317], %gather3A_318 : memref<144x128xf32, #tpu.memory_space<vmem>>[vector<16xi32>, vector<16xi32>], vector<16xf32>,
            %broadcast_in_dim3A_319 = arith.constant 49 : i32
            %broadcast_in_dim3A_320 = vector.broadcast %broadcast_in_dim3A_319 : i32 to vector<16xi32>
            %gather3A_321 = tpu.vector_load_idx %arg11[%broadcast_in_dim3A_320, %select_n3A_156] : memref<64x512xf32, #tpu.memory_space<vmem>>[vector<16xi32>, vector<16xi32>], vector<16xf32>,
            tpu.vector_store_idx %arg12[%select_n3A_168, %broadcast_in_dim3A_320], %gather3A_321 : memref<144x128xf32, #tpu.memory_space<vmem>>[vector<16xi32>, vector<16xi32>], vector<16xf32>,
            %broadcast_in_dim3A_322 = arith.constant 50 : i32
            %broadcast_in_dim3A_323 = vector.broadcast %broadcast_in_dim3A_322 : i32 to vector<16xi32>
            %gather3A_324 = tpu.vector_load_idx %arg11[%broadcast_in_dim3A_323, %select_n3A_156] : memref<64x512xf32, #tpu.memory_space<vmem>>[vector<16xi32>, vector<16xi32>], vector<16xf32>,
            tpu.vector_store_idx %arg12[%select_n3A_168, %broadcast_in_dim3A_323], %gather3A_324 : memref<144x128xf32, #tpu.memory_space<vmem>>[vector<16xi32>, vector<16xi32>], vector<16xf32>,
            %broadcast_in_dim3A_325 = arith.constant 51 : i32
            %broadcast_in_dim3A_326 = vector.broadcast %broadcast_in_dim3A_325 : i32 to vector<16xi32>
            %gather3A_327 = tpu.vector_load_idx %arg11[%broadcast_in_dim3A_326, %select_n3A_156] : memref<64x512xf32, #tpu.memory_space<vmem>>[vector<16xi32>, vector<16xi32>], vector<16xf32>,
            tpu.vector_store_idx %arg12[%select_n3A_168, %broadcast_in_dim3A_326], %gather3A_327 : memref<144x128xf32, #tpu.memory_space<vmem>>[vector<16xi32>, vector<16xi32>], vector<16xf32>,
            %broadcast_in_dim3A_328 = arith.constant 52 : i32
            %broadcast_in_dim3A_329 = vector.broadcast %broadcast_in_dim3A_328 : i32 to vector<16xi32>
            %gather3A_330 = tpu.vector_load_idx %arg11[%broadcast_in_dim3A_329, %select_n3A_156] : memref<64x512xf32, #tpu.memory_space<vmem>>[vector<16xi32>, vector<16xi32>], vector<16xf32>,
            tpu.vector_store_idx %arg12[%select_n3A_168, %broadcast_in_dim3A_329], %gather3A_330 : memref<144x128xf32, #tpu.memory_space<vmem>>[vector<16xi32>, vector<16xi32>], vector<16xf32>,
            %broadcast_in_dim3A_331 = arith.constant 53 : i32
            %broadcast_in_dim3A_332 = vector.broadcast %broadcast_in_dim3A_331 : i32 to vector<16xi32>
            %gather3A_333 = tpu.vector_load_idx %arg11[%broadcast_in_dim3A_332, %select_n3A_156] : memref<64x512xf32, #tpu.memory_space<vmem>>[vector<16xi32>, vector<16xi32>], vector<16xf32>,
            tpu.vector_store_idx %arg12[%select_n3A_168, %broadcast_in_dim3A_332], %gather3A_333 : memref<144x128xf32, #tpu.memory_space<vmem>>[vector<16xi32>, vector<16xi32>], vector<16xf32>,
            %broadcast_in_dim3A_334 = arith.constant 54 : i32
            %broadcast_in_dim3A_335 = vector.broadcast %broadcast_in_dim3A_334 : i32 to vector<16xi32>
            %gather3A_336 = tpu.vector_load_idx %arg11[%broadcast_in_dim3A_335, %select_n3A_156] : memref<64x512xf32, #tpu.memory_space<vmem>>[vector<16xi32>, vector<16xi32>], vector<16xf32>,
            tpu.vector_store_idx %arg12[%select_n3A_168, %broadcast_in_dim3A_335], %gather3A_336 : memref<144x128xf32, #tpu.memory_space<vmem>>[vector<16xi32>, vector<16xi32>], vector<16xf32>,
            %broadcast_in_dim3A_337 = arith.constant 55 : i32
            %broadcast_in_dim3A_338 = vector.broadcast %broadcast_in_dim3A_337 : i32 to vector<16xi32>
            %gather3A_339 = tpu.vector_load_idx %arg11[%broadcast_in_dim3A_338, %select_n3A_156] : memref<64x512xf32, #tpu.memory_space<vmem>>[vector<16xi32>, vector<16xi32>], vector<16xf32>,
            tpu.vector_store_idx %arg12[%select_n3A_168, %broadcast_in_dim3A_338], %gather3A_339 : memref<144x128xf32, #tpu.memory_space<vmem>>[vector<16xi32>, vector<16xi32>], vector<16xf32>,
            %broadcast_in_dim3A_340 = arith.constant 56 : i32
            %broadcast_in_dim3A_341 = vector.broadcast %broadcast_in_dim3A_340 : i32 to vector<16xi32>
            %gather3A_342 = tpu.vector_load_idx %arg11[%broadcast_in_dim3A_341, %select_n3A_156] : memref<64x512xf32, #tpu.memory_space<vmem>>[vector<16xi32>, vector<16xi32>], vector<16xf32>,
            tpu.vector_store_idx %arg12[%select_n3A_168, %broadcast_in_dim3A_341], %gather3A_342 : memref<144x128xf32, #tpu.memory_space<vmem>>[vector<16xi32>, vector<16xi32>], vector<16xf32>,
            %broadcast_in_dim3A_343 = arith.constant 57 : i32
            %broadcast_in_dim3A_344 = vector.broadcast %broadcast_in_dim3A_343 : i32 to vector<16xi32>
            %gather3A_345 = tpu.vector_load_idx %arg11[%broadcast_in_dim3A_344, %select_n3A_156] : memref<64x512xf32, #tpu.memory_space<vmem>>[vector<16xi32>, vector<16xi32>], vector<16xf32>,
            tpu.vector_store_idx %arg12[%select_n3A_168, %broadcast_in_dim3A_344], %gather3A_345 : memref<144x128xf32, #tpu.memory_space<vmem>>[vector<16xi32>, vector<16xi32>], vector<16xf32>,
            %broadcast_in_dim3A_346 = arith.constant 58 : i32
            %broadcast_in_dim3A_347 = vector.broadcast %broadcast_in_dim3A_346 : i32 to vector<16xi32>
            %gather3A_348 = tpu.vector_load_idx %arg11[%broadcast_in_dim3A_347, %select_n3A_156] : memref<64x512xf32, #tpu.memory_space<vmem>>[vector<16xi32>, vector<16xi32>], vector<16xf32>,
            tpu.vector_store_idx %arg12[%select_n3A_168, %broadcast_in_dim3A_347], %gather3A_348 : memref<144x128xf32, #tpu.memory_space<vmem>>[vector<16xi32>, vector<16xi32>], vector<16xf32>,
            %broadcast_in_dim3A_349 = arith.constant 59 : i32
            %broadcast_in_dim3A_350 = vector.broadcast %broadcast_in_dim3A_349 : i32 to vector<16xi32>
            %gather3A_351 = tpu.vector_load_idx %arg11[%broadcast_in_dim3A_350, %select_n3A_156] : memref<64x512xf32, #tpu.memory_space<vmem>>[vector<16xi32>, vector<16xi32>], vector<16xf32>,
            tpu.vector_store_idx %arg12[%select_n3A_168, %broadcast_in_dim3A_350], %gather3A_351 : memref<144x128xf32, #tpu.memory_space<vmem>>[vector<16xi32>, vector<16xi32>], vector<16xf32>,
            %broadcast_in_dim3A_352 = arith.constant 60 : i32
            %broadcast_in_dim3A_353 = vector.broadcast %broadcast_in_dim3A_352 : i32 to vector<16xi32>
            %gather3A_354 = tpu.vector_load_idx %arg11[%broadcast_in_dim3A_353, %select_n3A_156] : memref<64x512xf32, #tpu.memory_space<vmem>>[vector<16xi32>, vector<16xi32>], vector<16xf32>,
            tpu.vector_store_idx %arg12[%select_n3A_168, %broadcast_in_dim3A_353], %gather3A_354 : memref<144x128xf32, #tpu.memory_space<vmem>>[vector<16xi32>, vector<16xi32>], vector<16xf32>,
            %broadcast_in_dim3A_355 = arith.constant 61 : i32
            %broadcast_in_dim3A_356 = vector.broadcast %broadcast_in_dim3A_355 : i32 to vector<16xi32>
            %gather3A_357 = tpu.vector_load_idx %arg11[%broadcast_in_dim3A_356, %select_n3A_156] : memref<64x512xf32, #tpu.memory_space<vmem>>[vector<16xi32>, vector<16xi32>], vector<16xf32>,
            tpu.vector_store_idx %arg12[%select_n3A_168, %broadcast_in_dim3A_356], %gather3A_357 : memref<144x128xf32, #tpu.memory_space<vmem>>[vector<16xi32>, vector<16xi32>], vector<16xf32>,
            %broadcast_in_dim3A_358 = arith.constant 62 : i32
            %broadcast_in_dim3A_359 = vector.broadcast %broadcast_in_dim3A_358 : i32 to vector<16xi32>
            %gather3A_360 = tpu.vector_load_idx %arg11[%broadcast_in_dim3A_359, %select_n3A_156] : memref<64x512xf32, #tpu.memory_space<vmem>>[vector<16xi32>, vector<16xi32>], vector<16xf32>,
            tpu.vector_store_idx %arg12[%select_n3A_168, %broadcast_in_dim3A_359], %gather3A_360 : memref<144x128xf32, #tpu.memory_space<vmem>>[vector<16xi32>, vector<16xi32>], vector<16xf32>,
            %broadcast_in_dim3A_361 = arith.constant 63 : i32
            %broadcast_in_dim3A_362 = vector.broadcast %broadcast_in_dim3A_361 : i32 to vector<16xi32>
            %gather3A_363 = tpu.vector_load_idx %arg11[%broadcast_in_dim3A_362, %select_n3A_156] : memref<64x512xf32, #tpu.memory_space<vmem>>[vector<16xi32>, vector<16xi32>], vector<16xf32>,
            tpu.vector_store_idx %arg12[%select_n3A_168, %broadcast_in_dim3A_362], %gather3A_363 : memref<144x128xf32, #tpu.memory_space<vmem>>[vector<16xi32>, vector<16xi32>], vector<16xf32>,
            %slice3A = vector.extract_strided_slice %masked_cumsum3A {offsets = [15], sizes = [1], strides = [1]} : vector<16xi32> to vector<1xi32>
            %squeeze3A = vector.extract %slice3A[0] : i32 from vector<1xi32>
            %add3A_364 = arith.addi %cond3A_142, %squeeze3A : i32
            scf.yield %add3A_364 : i32
          }
          %add3A_134 = arith.constant 2048 : i32
          %add3A_135 = arith.addi %while3A_103, %add3A_134 : i32
          scf.yield %add3A_135, %while3A_133 : i32, i32
        }
        %add3A_97 = arith.constant 2 : i32
        %add3A_98 = arith.addi %add3A_51, %add3A_97 : i32
        %lt3A_99 = arith.cmpi slt, %add3A_98, %select_n3A : i32
        %convert_element_type3A_100 = arith.extui %lt3A_99 : i1 to i32
        %cond3A_101 = arith.constant 0 : i32
        %cond3A_102 = arith.cmpi ne, %convert_element_type3A_100, %cond3A_101 : i32
        scf.if %cond3A_102 {
          %add3A_103 = arith.constant 2 : i32
          %add3A_104 = arith.addi %add3A_51, %add3A_103 : i32
          %mul3A_105 = arith.constant 32 : i32
          %mul3A_106 = arith.muli %add3A_104, %mul3A_105 : i32
          %add3A_107 = arith.addi %mul3A_106, %add3A : i32
          %mul3A_108 = arith.constant 512 : i32
          %mul3A_109 = arith.muli %add3A_107, %mul3A_108 : i32
          %multiple_of3A_110 = tpu.assume_multiple %mul3A_109, 128 : i32
          %dma_start3A_111 = arith.constant 0 : i32
          %dma_start3A_112 = tpu.memref_slice %arg2[%dma_start3A_111, %multiple_of3A_110] : memref<64x1000000xf32, #tpu.memory_space<hbm>> -> memref<64x512xf32, #tpu.memory_space<hbm>>
          %dma_start3A_113 = arith.constant 0 : i32
          %dma_start3A_114 = tpu.memref_slice %arg2[%dma_start3A_113, %multiple_of3A_110] : memref<64x1000000xf32, #tpu.memory_space<hbm>> -> memref<64x512xf32, #tpu.memory_space<hbm>>
          tpu.enqueue_dma source(%dma_start3A_114 : memref<64x512xf32, #tpu.memory_space<hbm>>) target(%arg11 : memref<64x512xf32, #tpu.memory_space<vmem>>) target_semaphore(%arg15 : memref<!tpu.dma_semaphore, #tpu.memory_space<semaphore_mem>>)
        } else {
        }
        scf.yield %while3A_96#1 : i32
      } else {
        scf.yield %cond3A_47 : i32
      }
      scf.yield %cond3A_56 : i32
    }
    %scan3A_34 = arith.constant 31 : i32
    %gt3A = arith.constant 0 : i32
    %gt3A_35 = arith.cmpi sgt, %scan3A_33, %gt3A : i32
    %convert_element_type3A = arith.extui %gt3A_35 : i1 to i32
    %cond3A = arith.constant 0 : i32
    %cond3A_36 = arith.cmpi ne, %convert_element_type3A, %cond3A : i32
    scf.if %cond3A_36 {
      %scan3A_37 = arith.constant 0 : i32
      %scan3A_38 = arith.constant 0 : i32
      %scan3A_39 = arith.constant 8 : i32
      %scan3A_40 = arith.addi %scan3A_38, %scan3A_39 : i32
      %scan3A_41 = arith.constant 1 : i32
      scf.for %scan3A_43 = %scan3A_38 to %scan3A_40 step %scan3A_41  : i32 {
        %mul3A_44 = arith.constant 16 : i32
        %mul3A_45 = arith.muli %scan3A_43, %mul3A_44 : i32
        %add3A_46 = arith.addi %scan3A_33, %mul3A_45 : i32
        %add3A_47 = vector.broadcast %add3A_46 : i32 to vector<16xi32>
        %add3A_48 = arith.addi %add3A_47, %iota3A : vector<16xi32>
        %lt3A_49 = arith.constant 128 : i32
        %lt3A_50 = vector.broadcast %lt3A_49 : i32 to vector<16xi32>
        %lt3A_51 = arith.cmpi slt, %add3A_48, %lt3A_50 : vector<16xi32>
        %min3A = arith.constant 127 : i32
        %min3A_52 = vector.broadcast %min3A : i32 to vector<16xi32>
        %min3A_53 = arith.minsi %add3A_48, %min3A_52 : vector<16xi32>
        %mul3A_54 = arith.constant 16 : i32
        %mul3A_55 = arith.muli %scan3A_43, %mul3A_54 : i32
        %add3A_56 = arith.constant 16384 : i32
        %add3A_57 = arith.addi %add3A_56, %mul3A_55 : i32
        %add3A_58 = vector.broadcast %add3A_57 : i32 to vector<16xi32>
        %add3A_59 = arith.addi %add3A_58, %iota3A : vector<16xi32>
        tpu.vector_store_idx %arg13[%min3A_53], %add3A_59 masked %lt3A_51 : memref<128xi32, #tpu.memory_space<vmem>>[vector<16xi32>], vector<16xi32>, vector<16xi1>
      }
      %scan3A_42 = arith.constant 8 : i32
      "tpu.region"() ({
        %run_scoped3A = tpu.sem_alloc : memref<!tpu.dma_semaphore, #tpu.memory_space<semaphore_mem>>
        %dma_start3A_43 = arith.constant 0 : i32
        %dma_start3A_44 = arith.constant 0 : i32
        %dma_start3A_45 = tpu.memref_slice %arg12[%dma_start3A_43, %dma_start3A_44] : memref<144x128xf32, #tpu.memory_space<vmem>> -> memref<128x128xf32, #tpu.memory_space<vmem>>
        %dma_start3A_46 = arith.constant 0 : i32
        %dma_start3A_47 = arith.constant 0 : i32
        %dma_start3A_48 = tpu.memref_slice %arg4[%dma_start3A_46, %dma_start3A_47] : memref<16512x128xf32, #tpu.memory_space<hbm>> -> memref<16512x128xf32, #tpu.memory_space<hbm>>
        tpu.enqueue_indirect_dma source(%dma_start3A_45 : memref<128x128xf32, #tpu.memory_space<vmem>>) target(%dma_start3A_48 : memref<16512x128xf32, #tpu.memory_space<hbm>>) offsets(%arg13 : memref<128xi32, #tpu.memory_space<vmem>>) semaphore(%run_scoped3A : memref<!tpu.dma_semaphore, #tpu.memory_space<semaphore_mem>>)
        %dma_wait3A = arith.constant 0 : i32
        %dma_wait3A_49 = arith.constant 0 : i32
        %dma_wait3A_50 = tpu.memref_slice %arg12[%dma_wait3A, %dma_wait3A_49] : memref<144x128xf32, #tpu.memory_space<vmem>> -> memref<128x128xf32, #tpu.memory_space<vmem>>
        %dma_wait3A_51 = arith.constant 0 : i32
        %dma_wait3A_52 = arith.constant 0 : i32
        %dma_wait3A_53 = tpu.memref_slice %arg4[%dma_wait3A_51, %dma_wait3A_52] : memref<16512x128xf32, #tpu.memory_space<hbm>> -> memref<16512x128xf32, #tpu.memory_space<hbm>>
        tpu.wait_indirect_dma semaphore(%run_scoped3A : memref<!tpu.dma_semaphore, #tpu.memory_space<semaphore_mem>>) src(%dma_wait3A_50 : memref<128x128xf32, #tpu.memory_space<vmem>>) dst(%dma_wait3A_53 : memref<16512x128xf32, #tpu.memory_space<hbm>>)
        tpu.yield
      }) : () -> ()
    } else {
    }
    return
  }
}

</mosaic_0001>

<sc_bundles>
// kernel: kernel.3.cloned.1.call-start
scs
__scs_entry_jumppad:
0x0: {  	(pc) =	sbr.rel $0x88, $3  }
0x1: {  	(tag) =	ssettag $0x0;
	lr =	simm.s32 $0x1  }
0x2: {  	[smem:$0x3F9F] =	sst lr;
	_ =	strace $0xD0000000  }
0x3: {  	_ = 	snop  }
0x4: {  	_ = 	snop  }
0x5: {  	_ = 	snop  }
0x6: {  	_ = 	snop  }
0x7: {  	_ = 	snop  }
__scs_overlays_trampoline_lowered:
0x8: {  	[smem:$0x3FAE] =	sst s0  }
0x9: {  	[smem:$0x3FAF] =	sst s1  }
0xa: {  	[smem:$0x3FB0] =	sst s2  }
0xb: {  	[smem:$0x3FB1] =	sst s3  }
0xc: {  	[smem:$0x3FB2] =	sst s4  }
0xd: {  	[smem:$0x3FB3] =	sst s5  }
0xe: {  	[smem:$0x3FB4] =	sst s6  }
0xf: {  	[smem:$0x3FB5] =	sst s7  }
0x10: {  	[smem:$0x3FB6] =	sst s8  }
0x11: {  	[smem:$0x3FB7] =	sst s9;
	s0 =	simm.s32 @!p0 $0x0  }
0x12: {  	s1 =	sld [smem:$0x3F9D];
	s0 =	simm.s32 @p0 $0x1  }
0x13: {  	[smem:$0x3FB8] =	sst s0;
	s0 =	simm.s32 @!p1 $0x0  }
0x14: {  	s2 =	sld [smem:$0x3F9C];
	s0 =	simm.s32 @p1 $0x1  }
0x15: {  	[smem:$0x3FB9] =	sst s0;
	s0 =	simm.s32 @!p2 $0x0  }
0x16: {  	s3 =	sld [smem:$0x3FDB];
	s0 =	simm.s32 @p2 $0x1  }
0x17: {  	s4 =	simm.s32 $0x1BF5;
	[smem:$0x3FBB] =	sst s0  }
0x18: {  	s0 =	sld [smem:$0x3F9E];
	_ =	swait.ge [sflag:s4], $0x0  }
0x19: {  	s7 =	sld [smem:$0x3F9F]  }
0x1a: {  	s8 =	sadd.s32 $0xFFFFE003, lr  }
0x1b: {  	s9 =	sadd.s32 $0xFFFFFEF7, lr;
	s5 =	simm.s32 $0xFFFFFFFF;
	p2 =	slt.u32 s8, $0xFFFFF086  }
0x1c: {  	p1 =	slt.u32 s9, $0xF7A;
	s5 =	simm.s32 @!p2 $0x0  }
0x1d: {  	s5 =	simm.s32 @p1 $0x1;
	p0 =	seq.s32 s7, s2  }
0x1e: {  	s7 =	smul.u32 @!p0 $0xF7A, s2;
	p2 =	seq.s32 @!p0 s5, $0x0  }
0x1f: {  	s9 =	smul.u32 $0xF7A, s1;
	s8 =	simm.s32 @!p0 $0x1BF5;
	p2 =	por !p2, p0  }
0x20: {  	[sflag:s8] =	ssyncset.s32 @!p0 $0xFFFFF086;
	s6 =	sadd.s32 @!p0 s3, s7;
	s7 =	simm.s32 @!p0 $0x108  }
0x21: {  	s3 =	sadd.s32 s3, s9;
	s6 =	sadd.s32 @!p0 $0x88, s6;
	s7 =	simm.s32 @p2 $0x1082  }
0x22: {  	[simem:s7], [sflag:s8] =	dma.local @!p0 [hbm:s6], $0xF7A  }
0x23: {  	s9 =	sor.u32 $0xD0000000, s2;
	s6 =	simm.s32 $0x108;
	_ =	swait.ge @!p0 [sflag:s8], $0x0  }
0x24: {  	s3 =	sadd.s32 $0x88, s3;
	s6 =	simm.s32 @!p1 $0x1082;
	[sflag:s4] =	ssyncset.s32 $0xFFFFF086  }
0x25: {  	[simem:s6], [sflag:s4] =	dma.local [hbm:s3], $0xF7A  }
0x26: {  	[smem:$0x3F9F] =	sst s1;
	(tag) =	ssettag s2;
	_ =	strace s9  }
0x27: {  	s1 =	sld [smem:$0x3FAF]  }
0x28: {  	s2 =	sld [smem:$0x3FB0]  }
0x29: {  	s4 =	sld [smem:$0x3FB2]  }
0x2a: {  	p0 =	seq.s32 s5, $0x0;
	s5 =	sld [smem:$0x3FB3]  }
0x2b: {  	s6 =	sld [smem:$0x3FB4]  }
0x2c: {  	s7 =	sld [smem:$0x3FB5]  }
0x2d: {  	s3 =	simm.s32 $0x108;
	s8 =	sld [smem:$0x3FB6]  }
0x2e: {  	s3 =	simm.s32 @!p0 $0x1082;
	s9 =	sld [smem:$0x3FB7]  }
0x2f: {  	lr =	sadd.s32 s0, s3;
	s0 =	sld [smem:$0x3FAE]  }
0x30: {  	s3 =	sld [smem:$0x3FB1]  }
0x31: {  	[smem:$0x3FBA] =	sst s10  }
0x32: {  	s10 =	sld [smem:$0x3FB8];
	_ =	sdelay $0x3  }
0x33: {  	p0 =	seq.s32 s10, $0x1;
	s10 =	sld [smem:$0x3FBA];
	_ =	sdelay $0x3  }
0x34: {  	[smem:$0x3FBA] =	sst s10  }
0x35: {  	s10 =	sld [smem:$0x3FB9];
	_ =	sdelay $0x3  }
0x36: {  	p1 =	seq.s32 s10, $0x1;
	s10 =	sld [smem:$0x3FBA];
	_ =	sdelay $0x3  }
0x37: {  	[smem:$0x3FBA] =	sst s10  }
0x38: {  	s10 =	sld [smem:$0x3FBB]  }
0x39: {  	_ = 	snop;
	(pc) =	sbr.ind lr, $3  }
0x3a: {  	_ = 	snop  }
0x3b: {  	_ = 	snop  }
0x3c: {  	p2 =	seq.s32 s10, $0x1;
	s10 =	sld [smem:$0x3FBA]  }
0x3d: {  	_ =	shalt  }
0x3e: {  	_ =	shalt  }
0x3f: {  	_ =	shalt  }
0x40: {  	_ =	shalt  }
0x41: {  	_ =	shalt  }
0x42: {  	_ =	shalt  }
0x43: {  	_ =	shalt  }
0x44: {  	_ =	shalt  }
0x45: {  	_ =	shalt  }
0x46: {  	_ =	shalt  }
0x47: {  	_ =	shalt  }
0x48: {  	_ =	shalt  }
0x49: {  	_ =	shalt  }
0x4a: {  	_ =	shalt  }
0x4b: {  	_ =	shalt  }
0x4c: {  	_ =	shalt  }
0x4d: {  	_ =	shalt  }
0x4e: {  	_ =	shalt  }
0x4f: {  	_ =	shalt  }
0x50: {  	_ =	shalt  }
0x51: {  	_ =	shalt  }
0x52: {  	_ =	shalt  }
0x53: {  	_ =	shalt  }
0x54: {  	_ =	shalt  }
0x55: {  	_ =	shalt  }
0x56: {  	_ =	shalt  }
0x57: {  	_ =	shalt  }
0x58: {  	_ =	shalt  }
0x59: {  	_ =	shalt  }
0x5a: {  	_ =	shalt  }
0x5b: {  	_ =	shalt  }
0x5c: {  	_ =	shalt  }
0x5d: {  	_ =	shalt  }
0x5e: {  	_ =	shalt  }
0x5f: {  	_ =	shalt  }
0x60: {  	_ =	shalt  }
0x61: {  	_ =	shalt  }
0x62: {  	_ =	shalt  }
0x63: {  	_ =	shalt  }
0x64: {  	_ =	shalt  }
0x65: {  	_ =	shalt  }
0x66: {  	_ =	shalt  }
0x67: {  	_ =	shalt  }
0x68: {  	_ =	shalt  }
0x69: {  	_ =	shalt  }
0x6a: {  	_ =	shalt  }
0x6b: {  	_ =	shalt  }
0x6c: {  	_ =	shalt  }
0x6d: {  	_ =	shalt  }
0x6e: {  	_ =	shalt  }
0x6f: {  	_ =	shalt  }
0x70: {  	_ =	shalt  }
0x71: {  	_ =	shalt  }
0x72: {  	_ =	shalt  }
0x73: {  	_ =	shalt  }
0x74: {  	_ =	shalt  }
0x75: {  	_ =	shalt  }
0x76: {  	_ =	shalt  }
0x77: {  	_ =	shalt  }
0x78: {  	_ =	shalt  }
0x79: {  	_ =	shalt  }
0x7a: {  	_ =	shalt  }
0x7b: {  	_ =	shalt  }
0x7c: {  	_ =	shalt  }
0x7d: {  	_ =	shalt  }
0x7e: {  	_ =	shalt  }
0x7f: {  	_ =	shalt  }
0x80: {  	_ =	shalt  }
0x81: {  	_ =	shalt  }
0x82: {  	_ =	shalt  }
0x83: {  	_ =	shalt  }
0x84: {  	_ =	shalt  }
0x85: {  	_ =	shalt  }
0x86: {  	_ =	shalt  }
0x87: {  	_ =	shalt  }
.Lfunc_end0:
.L_simem_size_0:
called_computation_lowered:
.L_overlay_start_0:
0x88: {  	s2 =	sld [smem:$0x3FD9]  }
0x89: {  	s3 =	sld [smem:$0x3FFE];
	_ =	sdelay $0x1  }
0x8a: {  	s1 =	srdreg.scid  }
0x8b: {  	s0 =	sand.u32 $0x1, s1  }
0x8c: {  	s17 =	sshll.u32 s0, $0xA;
	s2 =	sadd.s32 s3, s2  }
0x8d: {  	s2 =	sadd.s32 s2, s17  }
0x8e: {  	[smem:$0x3FC6] =	sst s2  }
0x8f: {  	_ = 	snop  }
0x90: {  	s2 =	sld [smem:$0x3FC9]  }
0x91: {  	s18 =	sld [smem:$0x3FC8];
	(tm) =	ssettm $0x1  }
0x92: {  	s4 =	sld [smem:$0x3FFB];
	_ =	sdelay $0x3  }
0x93: {  	_ =	strace s4  }
0x94: {  	s4 =	sld [smem:$0x3FFC];
	_ =	sdelay $0x3  }
0x95: {  	_ =	strace s4  }
0x96: {  	s4 =	sld [smem:$0x3FFD];
	_ =	sdelay $0x3  }
0x97: {  	_ =	strace s4  }
0x98: {  	_ =	strace $0x8FFFFFFF  }
0x99: {  	s19 =	sld [smem:$0x3FDB];
	_ =	sdelay $0x1  }
0x9a: {  	s5 =	simm.s32 $_scs_section_size  }
0x9b: {  	s6 =	simm.s32 $_size__tile_overlayer_lowered;
	s7 =	simm.s32 $_tile_overlayer_lowered  }
0x9c: {  	s22 =	simm.s32 $0x1BFF;
	s21 =	sshll.u32 s7, $0x1;
	s4 =	sadd.s32 s5, s19  }
0x9d: {  	s8 =	simm.s32 $0x0;
	s20 =	sshll.u32 s6, $0x1;
	s6 =	sadd.s32 s21, s4  }
0x9e: {  	[timem:s8], [sflag:s22] =	dma.local [hbm:s6], s20  }
0x9f: {  	_ =	swait.ge [sflag:s22], s20  }
0xa0: {  	s5 =	ssub.s32 $0x0, s20;
	[sflag:s22] =	ssyncset.done $0x0  }
0xa1: {  	[sflag:s22] =	ssyncadd.s32 s5;
	_ =	sdelay $0x1  }
0xa2: {  	s23 =	simm.s32 $0x1B8B  }
0xa3: {  	_ =	swait.ge [sflag:s23], $0x1  }
0xa4: {  	[sflag:s23] =	ssyncset.done $0x0  }
0xa5: {  	s25 =	simm.s32 $0x1B8E;
	s24 =	sld [smem:$0x3FFE];
	[sflag:s23] =	ssyncadd.s32 $0xFFFFFFFF  }
0xa6: {  	s26 =	simm.s32 $execute0_lowered;
	[smem:$0x3FD2] =	sst s25  }
0xa7: {  	s6 =	sshll.u32 s26, $0x1;
	_ =	strace $0x80000046;
	[dreg:$0x1] =	wrdreg $0xFFFFFFFF  }
0xa8: {  	s28 =	simm.s32 $_size_execute0_lowered;
	s4 =	sadd.s32 s4, s6;
	[dreg:$0x0] =	wrdreg $0x0  }
0xa9: {  	s6 =	sshll.u32 s28, $0x1;
	[dreg:$0x2] =	wrdreg s4  }
0xaa: {  	[dreg:$0x3] =	wrdreg s6  }
0xab: {  	[dreg:$0x4] =	wrdreg $0xC0  }
0xac: {  	_ =	task [dreg:s8], $0x5FFFF  }
0xad: {  	[dreg:$0x1] =	wrdreg $0xFFFFFFFF  }
0xae: {  	[dreg:$0x0] =	wrdreg $0x60  }
0xaf: {  	[dreg:$0x2] =	wrdreg s18  }
0xb0: {  	[dreg:$0x3] =	wrdreg s2  }
0xb1: {  	[dreg:$0x4] =	wrdreg s24  }
0xb2: {  	[dreg:$0x5] =	wrdreg $0x9  }
0xb3: {  	_ =	task.clear_ibuf [dreg:s8], $0x6FFFF;
	_ =	strace $0x90000046  }
0xb4: {  	s29 =	simm.s32 $0x9;
	_ =	strace $0x80000048  }
0xb5: {  	_ =	swait.ge [sflag:s29], $0x1  }
0xb6: {  	[sflag:s29] =	ssyncadd.s32 $0xFFFFFFFF  }
0xb7: {  	_ =	strace $0x90000048  }
0xb8: {  	_ =	sfence  }
0xb9: {  	s30 =	sld [smem:$0x0];
	_ =	sdelay $0x2  }
0xba: {  	s31 =	sshll.u32 s1, $0xD;
	s1 =	sshrl.u32 s1, $0x2  }
0xbb: {  	s3 =	sand.u32 $0x4000, s31;
	s1 =	sadd.s32 s1, s30  }
0xbc: {  	s0 =	sor.u32 s3, s0;
	s1 =	sshll.u32 s1, $0x11  }
0xbd: {  	s0 =	sor.u32 s1, s0  }
0xbe: {  	s0 =	sadd.s32 $0x8F2B, s0  }
0xbf: {  	[sflag:s0] =	ssyncadd.remote.s32 $0x1  }
0xc0: {  	_ =	sfence.sel $0xFFFF  }
0xc1: {  	[dreg:$0x0] =	wrdreg $0xFFFFFFFF;
	(pc) =	sbr.abs _section_cstart, $3  }
0xc2: {  	[dreg:$0x1] =	wrdreg $0xFFFFFFFF  }
0xc3: {  	_ =	task.clear_ibuf [dreg:s8], $0x2FFFF;
	_ =	strace $0x9FFFFFFF  }
0xc4: {  	(tm) =	ssettm $0x7FFFFFFF  }
0xc5: {  	_ =	shalt  }
tec
execute0_lowered:
.L_overlay_start_1:
0x0: {  	(tag) =	ssettag $0x1  }
0x1: {  	s0 =	rddreg [dreg:$0x0]  }
0x2: {  	s1 =	rddreg [dreg:$0x1]  }
0x3: {  	s2 =	rddreg [dreg:$0x2]  }
0x4: {  	s4 =	srdreg.scid;
	s3 =	simm.s32 $0x0;
	s5 =	stileid.u32  }
0x5: {  	s12 =	simm.s32 $0x9900;
	s13 =	simm.s32 $0x11900;
	s14 =	simm.s32 $0x3  }
0x6: {  	s15 =	simm.s32 $0x800;
	s16 =	simm.s32 $0x4880;
	s17 =	simm.s32 $0x8900  }
0x7: {  	s18 =	simm.s32 $0x9100;
	s19 =	simm.s32 $0x1;
	s20 =	simm.s32 $0x1E100  }
0x8: {  	s21 =	simm.s32 $0x19900;
	s22 =	simm.s32 $0x2;
	s24 =	simm.s32 $0x0  }
0x9: {  	s4 =	sand.u32 $0x1, s4;
	[smem:$0x7FF] =	sst s3;
	s5 =	sshll.u32 s5, $0x1  }
.Ltmp0:
0xa: {  	s6 =	ssub.s32 $0x2, s4;
	s4 =	sor.u32 s4, s5;
	(pc) =	sbr.rel .LBB2_1-.Ltmp0, $4  }
0xb: {  	_ =	strace $0x80000047;
	s7 =	sshrl.u32 s6, $0x1;
	s31 =	sshll.u32 s4, $0x9  }
0xc: {  	s5 =	sadd.s32 $0x800, s2;
	s30 =	ssub.s32 s6, s7;
	s7 =	sadd.s32 s0, s31  }
0xd: {  	v0 =	vlaneseq.u32;
	p0 =	seq.s32 s4, $0x0;
	s6 =	simm.s32 $0x3E;
	s0 =	sadd.s32 $0x4000, s7  }
0xe: {  	v2 =	vimm.s32 $0x0;
	v3 =	vor.u32 $0x80, v0;
	v1 =	vmov s4;
	s6 =	simm.s32 @!p0 $0x3D;
	s9 =	smax.u32 s30, $0x1;
	[dreg:$0x4] =	wrdreg s0  }
.LBB2_63:
0xf: {  	s24 =	sadd.s32 $0x1, s24  }
0x10: {  	p0 =	sne.s32 s24, s9  }
.Ltmp1:
0x11: {  	_ = 	snop;
	(pc) =	sbr.rel @!p0 .LBB2_64-.Ltmp1, $1  }
0x12: {  	_ =	sdelay $0x3  }
.LBB2_1:
0x13: {  	s2 =	simm.s32 $0x1000;
	s8 =	simm.s32 $0x7A1400  }
0x14: {  	[tilespmem:s12], [sflag:$0x1] =	stream.strided.gather [hbm4b:s7+s2], $0x8000, s8, s2, $0x38;
	[tilespmem:$0x1E180] =	vst v63  }
0x15: {  	s0 =	rddreg [dreg:$0x4]  }
0x16: {  	[tilespmem:s13], [sflag:$0x2] =	stream.strided.gather [hbm4b:s0+s2], $0x8000, s8, s2, $0x38;
	[tilespmem:$0x1E180] =	vst v63  }
0x17: {  	s23 =	simm.s32 $0x0;
	s0 =	simm.s32 $0x0;
	s2 =	simm.s32 $0x0  }
.LBB2_2:
0x18: {  	s10 =	sshll.u32 s2, $0x8;
	s11 =	simm.s32 $0x0  }
0x19: {  	s10 =	sadd.s32 s1, s10;
	v4 =	vor.u32 s11, v0  }
0x1a: {  	[tilespmem:s11], [sflag:$0x3] =	stream.linear.gather [hbm4b:s10+s11], $0x800, $0x38;
	[tilespmem:$0x1E180] =	vst v63  }
0x1b: {  	_ =	swait.ge [sflag:s14], $0x800  }
0x1c: {  	[sflag:s14] =	ssyncset.done $0x0  }
0x1d: {  	[sflag:s14] =	ssyncadd.s32 $0xFFFFF800  }
0x1e: {  	v4 =	vld.idx.msk [tilespmem:v4+s3+$0x0], $0xffff;
	_ =	sdelay $0x4  }
0x1f: {  	v5 =	vshrl.u32 v4, $0x9  }
0x20: {  	v5 =	vand.u32 $0x1F, v5  }
0x21: {  	vm0 =	veq.s32 v5, v1  }
0x22: {  	v6 =	vmpcnt.ones.xlane vm0  }
0x23: {  	s10 =	simm.s32 $0x10  }
0x24: {  	s25 =	sadd.s32 $0x0, s0;
	s11 =	simm.s32 $0x20;
	v5 =	vor.u32 s10, v0;
	(v2sf) =	vpush v6, $0x0  }
.LBB2_3:
0x25: {  	p0 =	sne.s32 s11, $0x7F0;
	v6 =	vor.u32 s25, v0;
	[tilespmem:s23+$0x800] =	vst.msk vm0, v4;
	s25 =	smov.u32 s10;
	s10 =	smov.u32 s11  }
0x26: {  	[tilespmem:s23+$0x4880] =	vst.msk vm0, v6;
	_ =	sdelay $0x2  }
0x27: {  	v4 =	vld.idx.msk [tilespmem:v5+s3+$0x0], $0xffff;
	_ =	sdelay $0x5  }
0x28: {  	v5 =	vshrl.u32 v4, $0x9  }
.Ltmp2:
0x29: {  	v5 =	vand.u32 $0x1F, v5;
	(pc) =	sbr.rel @p0 .LBB2_3-.Ltmp2, $4  }
0x2a: {  	vm0 =	veq.s32 v5, v1  }
0x2b: {  	v6 =	vmpcnt.ones.xlane vm0  }
0x2c: {  	s26 =	spop (v2sf)  }
0x2d: {  	s11 =	sadd.s32 $0x10, s11;
	s25 =	sadd.s32 s25, s0;
	v5 =	vor.u32 s10, v0;
	(v2sf) =	vpush v6, $0x0;
	s23 =	sadd.s32 s23, s26  }
0x2e: {  	_ =	sdelay $0x1  }
0x2f: {  	v6 =	vor.u32 s25, v0;
	[tilespmem:s23+$0x800] =	vst.msk vm0, v4  }
0x30: {  	[tilespmem:s23+$0x4880] =	vst.msk vm0, v6  }
0x31: {  	v4 =	vld.idx.msk [tilespmem:v5+s3+$0x0], $0xffff;
	_ =	sdelay $0x4  }
0x32: {  	v5 =	vshrl.u32 v4, $0x9  }
0x33: {  	v5 =	vand.u32 $0x1F, v5  }
0x34: {  	vm15 =	veq.s32 v5, v1  }
0x35: {  	v5 =	vmpcnt.ones.xlane vm15;
	_ =	sdelay $0x1  }
0x36: {  	(v2sf) =	vpush v5, $0x0;
	_ =	sdelay $0x9  }
0x37: {  	s2 =	sadd.s32 $0x1, s2  }
0x38: {  	p0 =	sne.s32 s2, $0x8  }
.Ltmp3:
0x39: {  	_ = 	snop;
	(pc) =	sbr.rel @p0 .LBB2_2-.Ltmp3, $4  }
0x3a: {  	s11 =	spop (v2sf)  }
0x3b: {  	s10 =	sadd.s32 s10, s0;
	s11 =	sadd.s32 s23, s11  }
0x3c: {  	v5 =	vor.u32 s10, v0;
	[tilespmem:s11+$0x800] =	vst.msk vm15, v4;
	s31 =	spop (v2sf)  }
0x3d: {  	s0 =	sadd.s32 $0x800, s0;
	[tilespmem:s11+$0x4880] =	vst.msk vm15, v5;
	s23 =	sadd.s32 s11, s31  }
.Ltmp4:
0x3e: {  	(pc) =	sbr.rel .LBB2_6-.Ltmp4, $4  }
0x3f: {  	_ = 	snop  }
0x40: {  	s0 =	sadd.s32 $0xF, s23  }
0x41: {  	s26 =	sshra.s32 s0, $0x4  }
0x42: {  	v4 =	vmov s23;
	s25 =	simm.s32 $0x0;
	s28 =	simm.s32 $0x0;
	p0 =	slt.s32 s26, $0x1  }
.LBB2_57:
0x43: {  	s0 =	sadd.s32 $0x3, s29  }
0x44: {  	p1 =	sge.u32 s0, s6  }
0x45: {  	s0 =	sshll.u32 @!p1 s0, $0xE;
	s2 =	simm.s32 @!p1 $0x1000  }
0x46: {  	s8 =	simm.s32 @!p1 $0x7A1400;
	s10 =	simm.s32 @!p1 $0x11900;
	s0 =	sadd.s32 @!p1 s0, s7  }
0x47: {  	[tilespmem:s10], [sflag:$0x2] =	stream.strided.gather @!p1 [hbm4b:s0+s2], $0x8000, s8, s2, $0x38;
	[tilespmem:$0x1E180] =	vst v63  }
.LBB2_58:
0x48: {  	s28 =	sadd.s32 $0x1, s28  }
0x49: {  	p1 =	sne.s32 s28, $0x1F  }
.Ltmp5:
0x4a: {  	_ = 	snop;
	(pc) =	sbr.rel @!p1 .LBB2_59-.Ltmp5, $1  }
0x4b: {  	_ =	sdelay $0x3  }
.LBB2_6:
0x4c: {  	s29 =	sshll.u32 s28, $0x1  }
0x4d: {  	p1 =	sge.u32 s29, s6  }
.Ltmp6:
0x4e: {  	_ = 	snop;
	(pc) =	sbr.rel @p1 .LBB2_32-.Ltmp6, $1  }
0x4f: {  	_ =	sdelay $0x3  }
.Ltmp7:
0x50: {  	(pc) =	sbr.rel @p0 .LBB2_8-.Ltmp7, $4  }
0x51: {  	_ = 	snop  }
0x52: {  	s0 =	sshll.u32 s28, $0x6  }
0x53: {  	s2 =	sor.u32 s4, s0  }
0x54: {  	v5 =	vmov s2  }
0x55: {  	p2 =	sne.s32 s26, $0x1  }
.Ltmp8:
0x56: {  	_ = 	snop;
	(pc) =	sbr.rel @!p2 .LBB2_10-.Ltmp8, $3  }
0x57: {  	_ =	sdelay $0x1  }
0x58: {  	s0 =	simm.s32 $0x0  }
0x59: {  	s10 =	sadd.s32 $0xFFFFFFFF, s26;
	p1 =	por $0x0, $0x0;
	v7 =	vor.u32 s0, v0  }
0x5a: {  	vm0 =	vlt.s32 v7, $0x3FFF  }
0x5b: {  	v9 =	vnsel vm0, $0x3FFF, v7;
	_ =	sdelay $0x4  }
0x5c: {  	v6 =	vld.idx.msk [tilespmem:v9+s15+$0x0], $0xffff;
	_ =	sdelay $0x4  }
0x5d: {  	v8 =	vshra.s32 v6, $0x9  }
0x5e: {  	vm0 =	vlt.s32 v7, v4;
	vm1 =	veq.s32 v8, v5  }
0x5f: {  	vm0 =	vmand vm0, vm1  }
0x60: {  	v7 =	vsel vm0, $0x1, v2  }
0x61: {  	(xrf0) =	vadd.scan.msk.s32 $0xffff, v7;
	_ =	sdelay $0x2  }
0x62: {  	v7 =	vmov s0  }
0x63: {  	v7 =	vadd.s32 $0xFFFFFFFF, v7  }
0x64: {  	p2 =	sne.s32 s10, $0x1;
	v7 =	vbroadcast v7, $0x0  }
.Ltmp9:
0x65: {  	v10, _, _ =	vpop (xrf0);
	(pc) =	sbr.rel @!p2 .LBB2_12-.Ltmp9, $4  }
0x66: {  	v8 =	vadd.s32 v10, v7;
	(v2sf) =	vpush v10, $0xF  }
0x67: {  	vm1 =	vlt.u32 v8, $0x800  }
0x68: {  	s30 =	simm.s32 $0x10;
	vm0 =	vmand vm0, vm1  }
0x69: {  	s10 =	sadd.s32 $0xFFFFFFFF, s10;
	p1 =	por $0x1, $0x1;
	s23 =	simm.s32 $0x0;
	v9 =	vld.idx.msk [tilespmem:v9+s16+$0x0], $0xffff;
	v7 =	vor.u32 s30, v0  }
.LBB2_13:
0x6a: {  	p2 =	sne.s32 s10, $0x1;
	vm1 =	vlt.s32 v7, $0x3FFF  }
0x6b: {  	v10 =	vnsel vm1, $0x3FFF, v7;
	_ =	sdelay $0x2  }
0x6c: {  	[tilespmem:v8+s17+$0x0] =	vst.idx.msk vm0, v6  }
0x6d: {  	[tilespmem:v8+s18+$0x0] =	vst.idx.msk vm0, v9  }
0x6e: {  	v6 =	vld.idx.msk [tilespmem:v10+s15+$0x0], $0xffff;
	_ =	sdelay $0x4  }
0x6f: {  	s11 =	spop (v2sf)  }
0x70: {  	v8 =	vshra.s32 v6, $0x9;
	s23 =	sadd.s32 s23, s11  }
0x71: {  	vm0 =	vlt.s32 v7, v4;
	vm1 =	veq.s32 v8, v5;
	v7 =	vmov s23  }
0x72: {  	vm0 =	vmand vm0, vm1;
	v7 =	vadd.s32 $0xFFFFFFFF, v7  }
0x73: {  	v8 =	vsel vm0, $0x1, v2;
	v7 =	vbroadcast v7, $0x0  }
0x74: {  	(xrf0) =	vadd.scan.msk.s32 $0xffff, v8;
	_ =	sdelay $0x5  }
.Ltmp10:
0x75: {  	v9, _, _ =	vpop (xrf0);
	(pc) =	sbr.rel @p2 .LBB2_13-.Ltmp10, $4  }
0x76: {  	v8 =	vadd.s32 v9, v7;
	(v2sf) =	vpush v9, $0xF  }
0x77: {  	vm1 =	vlt.u32 v8, $0x800  }
0x78: {  	s30 =	sadd.s32 $0x10, s30;
	vm0 =	vmand vm0, vm1  }
0x79: {  	s10 =	sadd.s32 $0xFFFFFFFF, s10;
	v7 =	vor.u32 s30, v0;
	v9 =	vld.idx.msk [tilespmem:v10+s16+$0x0], $0xffff  }
.LBB2_14:
0x7a: {  	_ = 	snop  }
0x7b: {  	vm1 =	vlt.s32 v7, $0x3FFF  }
0x7c: {  	v10 =	vnsel vm1, $0x3FFF, v7;
	_ =	sdelay $0x2  }
0x7d: {  	[tilespmem:v8+s17+$0x0] =	vst.idx.msk @p1 vm0, v6  }
0x7e: {  	[tilespmem:v8+s18+$0x0] =	vst.idx.msk @p1 vm0, v9  }
0x7f: {  	v6 =	vld.idx.msk [tilespmem:v10+s15+$0x0], $0xffff;
	_ =	sdelay $0x4  }
0x80: {  	v61 =	vshra.s32 v6, $0x9  }
0x81: {  	vm13 =	vlt.s32 v7, v4;
	vm14 =	veq.s32 v61, v5  }
0x82: {  	vm0 =	vmand vm13, vm14  }
0x83: {  	v7 =	vsel vm0, $0x1, v2  }
0x84: {  	(xrf0) =	vadd.scan.msk.s32 $0xffff, v7;
	_ =	sdelay $0x5  }
0x85: {  	v7, _, _ =	vpop (xrf0)  }
0x86: {  	s10 =	spop @p1 (v2sf);
	(v2sf) =	vpush v7, $0xF  }
0x87: {  	s10 =	sadd.s32 @p1 s23, s10  }
0x88: {  	s0 =	smov.u32 @p1 s10  }
0x89: {  	v62 =	vmov s0  }
0x8a: {  	v8 =	vadd.s32 $0xFFFFFFFF, v62  }
0x8b: {  	v8 =	vbroadcast v8, $0x0;
	_ =	sdelay $0x1  }
0x8c: {  	v7 =	vadd.s32 v7, v8  }
0x8d: {  	vm15 =	vlt.u32 v7, $0x800  }
0x8e: {  	vm0 =	vmand vm0, vm15;
	_ =	sdelay $0x1  }
0x8f: {  	v63 =	vld.idx.msk [tilespmem:v10+s16+$0x0], $0xffff  }
.Ltmp11:
0x90: {  	_ = 	snop;
	(pc) =	sbr.rel .LBB2_15-.Ltmp11, $3  }
0x91: {  	_ =	sdelay $0x1  }
0x92: {  	[tilespmem:v7+s17+$0x0] =	vst.idx.msk vm0, v6;
	s31 =	spop (v2sf)  }
0x93: {  	[tilespmem:v7+s18+$0x0] =	vst.idx.msk vm0, v63;
	s30 =	sadd.s32 s0, s31  }
.LBB2_8:
0x94: {  	s30 =	simm.s32 $0x0  }
.LBB2_15:
0x95: {  	p1 =	slt.s32 s30, $0x800;
	s10 =	smov.u32 s30  }
0x96: {  	s10 =	simm.s32 @!p1 $0x800  }
0x97: {  	s0 =	sadd.s32 $0xF, s10  }
0x98: {  	s0 =	sshra.s32 s0, $0x4  }
0x99: {  	p1 =	slt.s32 s0, $0x1  }
.Ltmp12:
0x9a: {  	_ = 	snop;
	(pc) =	sbr.rel @p1 .LBB2_18-.Ltmp12, $4  }
0x9b: {  	_ = 	snop  }
0x9c: {  	_ =	swait.ge [sflag:s19], $0x8000  }
0x9d: {  	s2 =	sshll.u32 s2, $0x9;
	[sflag:s19] =	ssyncset.done $0x0  }
0x9e: {  	v6 =	vmov s2;
	[sflag:s19] =	ssyncadd.s32 $0xFFFF8000  }
0x9f: {  	v7 =	vmov s10;
	s2 =	simm.s32 $0x0  }
.LBB2_17:
0xa0: {  	p1 =	slt.s32 s25, $0x70  }
0xa1: {  	v8 =	vlaneseq.u32 @!p1  }
0xa2: {  	v9 =	vadd.s32 @!p1 s25, v8  }
0xa3: {  	vm0 =	vlt.s32 @!p1 v9, $0x80;
	vm1 =	vlt.s32 @!p1 v9, $0x7F  }
0xa4: {  	v9 =	vnsel @!p1 vm1, $0x7F, v9;
	_ =	sdelay $0x3  }
0xa5: {  	v10 =	vor.u32 s2, v0;
	s10 =	simm.s32 @!p1 $0x1E100;
	v8 =	vor.u32 @!p1 $0x4000, v8  }
0xa6: {  	s11 =	simm.s32 @!p1 $0x80;
	s23 =	simm.s32 @!p1 $0x19900;
	vm13 =	vlt.s32 v10, $0x7FF;
	[tilespmem:v9+s10+$0x0] =	vst.idx.msk @!p1 vm0, v8  }
0xa7: {  	v31 =	vnsel vm13, $0x7FF, v10;
	[hbm4b:s5+s11] =	stream.indirect.scatter @!p1 [tilespmem:s23], [sflag:$0x3], $0x80, s10, s11, $0xb8;
	[tilespmem:$0x1E180] =	vst v63  }
0xa8: {  	vm14 =	vlt.s32 v10, v7;
	s10 =	simm.s32 @!p1 $0x3  }
0xa9: {  	v8 =	vsel vm14, $0x1, v2;
	_ =	swait.ge @!p1 [sflag:s10], $0x4000  }
0xaa: {  	p2 =	sgt.s32 s25, $0x6F;
	[sflag:s10] =	ssyncset.done @!p1 $0x0;
	(xrf0) =	vadd.scan.msk.s32 $0xffff, v8  }
0xab: {  	s25 =	simm.s32 @p2 $0x0;
	[sflag:s10] =	ssyncadd.s32 @!p1 $0xFFFFC000  }
0xac: {  	v8 =	vmov s25;
	v32 =	vld.idx.msk [tilespmem:v31+s17+$0x0], $0xffff  }
0xad: {  	v8 =	vadd.s32 $0xFFFFFFFF, v8;
	_ =	sdelay $0x1  }
0xae: {  	v11 =	vbroadcast v8, $0x0  }
0xaf: {  	v8, _, _ =	vpop (xrf0)  }
0xb0: {  	v10 =	vsub.s32 v32, v6;
	v11 =	vadd.s32 v8, v11  }
0xb1: {  	v10 =	vnsel vm14, $0x0, v10;
	v11 =	vsel vm14, v11, v3  }
0xb2: {  	vm15 =	vlt.s32 v11, $0x7F;
	v12 =	vshll.u32 v10, $0x3  }
0xb3: {  	v13 =	vld.idx.msk [tilespmem:v31+s18+$0x0], $0xffff;
	v33 =	vand.u32 $0x7F, v10;
	v14 =	vnsel vm15, $0x7F, v11;
	v34 =	vand.u32 $0xFFFFFC00, v12  }
0xb4: {  	v9 =	vor.u32 v33, v34;
	_ =	sdelay $0x3  }
0xb5: {  	[tilespmem:v14+s20+$0x0] =	vst.idx.msk vm14, v13  }
0xb6: {  	v10 =	vshll.u32 v11, $0x7;
	v35 =	vld.idx.msk [tilespmem:v9+s12+$0x0], $0xffff  }
0xb7: {  	v36 =	vor.u32 $0x80, v9;
	_ =	sdelay $0x3  }
0xb8: {  	[tilespmem:v10+s21+$0x0] =	vst.idx.msk $0xffff, v35  }
0xb9: {  	v37 =	vor.u32 $0x1, v10;
	v11 =	vld.idx.msk [tilespmem:v36+s12+$0x0], $0xffff  }
0xba: {  	v38 =	vor.u32 $0x100, v9;
	_ =	sdelay $0x3  }
0xbb: {  	[tilespmem:v37+s21+$0x0] =	vst.idx.msk $0xffff, v11  }
0xbc: {  	v39 =	vor.u32 $0x2, v10;
	v11 =	vld.idx.msk [tilespmem:v38+s12+$0x0], $0xffff  }
0xbd: {  	v40 =	vor.u32 $0x180, v9;
	_ =	sdelay $0x3  }
0xbe: {  	[tilespmem:v39+s21+$0x0] =	vst.idx.msk $0xffff, v11  }
0xbf: {  	v41 =	vor.u32 $0x3, v10;
	v11 =	vld.idx.msk [tilespmem:v40+s12+$0x0], $0xffff  }
0xc0: {  	v42 =	vor.u32 $0x200, v9;
	_ =	sdelay $0x3  }
0xc1: {  	[tilespmem:v41+s21+$0x0] =	vst.idx.msk $0xffff, v11  }
0xc2: {  	v43 =	vor.u32 $0x4, v10;
	v11 =	vld.idx.msk [tilespmem:v42+s12+$0x0], $0xffff  }
0xc3: {  	v44 =	vor.u32 $0x280, v9;
	_ =	sdelay $0x3  }
0xc4: {  	[tilespmem:v43+s21+$0x0] =	vst.idx.msk $0xffff, v11  }
0xc5: {  	v45 =	vor.u32 $0x5, v10;
	v11 =	vld.idx.msk [tilespmem:v44+s12+$0x0], $0xffff  }
0xc6: {  	v46 =	vor.u32 $0x300, v9;
	_ =	sdelay $0x3  }
0xc7: {  	[tilespmem:v45+s21+$0x0] =	vst.idx.msk $0xffff, v11  }
0xc8: {  	v47 =	vor.u32 $0x6, v10;
	v11 =	vld.idx.msk [tilespmem:v46+s12+$0x0], $0xffff  }
0xc9: {  	v48 =	vor.u32 $0x380, v9;
	_ =	sdelay $0x3  }
0xca: {  	[tilespmem:v47+s21+$0x0] =	vst.idx.msk $0xffff, v11  }
0xcb: {  	v49 =	vor.u32 $0x7, v10;
	v11 =	vld.idx.msk [tilespmem:v48+s12+$0x0], $0xffff  }
0xcc: {  	v50 =	vadd.s32 $0x1000, v9;
	_ =	sdelay $0x3  }
0xcd: {  	[tilespmem:v49+s21+$0x0] =	vst.idx.msk $0xffff, v11  }
0xce: {  	v51 =	vor.u32 $0x8, v10;
	v11 =	vld.idx.msk [tilespmem:v50+s12+$0x0], $0xffff  }
0xcf: {  	v52 =	vadd.s32 $0x1080, v9;
	_ =	sdelay $0x3  }
0xd0: {  	[tilespmem:v51+s21+$0x0] =	vst.idx.msk $0xffff, v11  }
0xd1: {  	v53 =	vor.u32 $0x9, v10;
	v11 =	vld.idx.msk [tilespmem:v52+s12+$0x0], $0xffff  }
0xd2: {  	v54 =	vadd.s32 $0x1100, v9;
	_ =	sdelay $0x3  }
0xd3: {  	[tilespmem:v53+s21+$0x0] =	vst.idx.msk $0xffff, v11  }
0xd4: {  	v55 =	vor.u32 $0xA, v10;
	v11 =	vld.idx.msk [tilespmem:v54+s12+$0x0], $0xffff  }
0xd5: {  	v56 =	vadd.s32 $0x1180, v9;
	_ =	sdelay $0x3  }
0xd6: {  	[tilespmem:v55+s21+$0x0] =	vst.idx.msk $0xffff, v11  }
0xd7: {  	v57 =	vor.u32 $0xB, v10;
	v11 =	vld.idx.msk [tilespmem:v56+s12+$0x0], $0xffff  }
0xd8: {  	v58 =	vadd.s32 $0x1200, v9;
	_ =	sdelay $0x3  }
0xd9: {  	[tilespmem:v57+s21+$0x0] =	vst.idx.msk $0xffff, v11  }
0xda: {  	v59 =	vor.u32 $0xC, v10;
	v11 =	vld.idx.msk [tilespmem:v58+s12+$0x0], $0xffff  }
0xdb: {  	v60 =	vadd.s32 $0x1280, v9;
	_ =	sdelay $0x3  }
0xdc: {  	[tilespmem:v59+s21+$0x0] =	vst.idx.msk $0xffff, v11  }
0xdd: {  	v61 =	vor.u32 $0xD, v10;
	v11 =	vld.idx.msk [tilespmem:v60+s12+$0x0], $0xffff  }
0xde: {  	v62 =	vadd.s32 $0x1300, v9;
	_ =	sdelay $0x3  }
0xdf: {  	[tilespmem:v61+s21+$0x0] =	vst.idx.msk $0xffff, v11  }
0xe0: {  	v63 =	vor.u32 $0xE, v10;
	v11 =	vld.idx.msk [tilespmem:v62+s12+$0x0], $0xffff  }
0xe1: {  	v16 =	vadd.s32 $0x1380, v9;
	_ =	sdelay $0x3  }
0xe2: {  	[tilespmem:v63+s21+$0x0] =	vst.idx.msk $0xffff, v11  }
0xe3: {  	v17 =	vor.u32 $0xF, v10;
	v11 =	vld.idx.msk [tilespmem:v16+s12+$0x0], $0xffff  }
0xe4: {  	v18 =	vadd.s32 $0x2000, v9;
	_ =	sdelay $0x3  }
0xe5: {  	[tilespmem:v17+s21+$0x0] =	vst.idx.msk $0xffff, v11  }
0xe6: {  	v19 =	vor.u32 $0x10, v10;
	v11 =	vld.idx.msk [tilespmem:v18+s12+$0x0], $0xffff  }
0xe7: {  	v20 =	vadd.s32 $0x2080, v9;
	_ =	sdelay $0x3  }
0xe8: {  	[tilespmem:v19+s21+$0x0] =	vst.idx.msk $0xffff, v11  }
0xe9: {  	v21 =	vor.u32 $0x11, v10;
	v11 =	vld.idx.msk [tilespmem:v20+s12+$0x0], $0xffff  }
0xea: {  	v22 =	vadd.s32 $0x2100, v9;
	_ =	sdelay $0x3  }
0xeb: {  	[tilespmem:v21+s21+$0x0] =	vst.idx.msk $0xffff, v11  }
0xec: {  	v23 =	vor.u32 $0x12, v10;
	v11 =	vld.idx.msk [tilespmem:v22+s12+$0x0], $0xffff  }
0xed: {  	v24 =	vadd.s32 $0x2180, v9;
	_ =	sdelay $0x3  }
0xee: {  	[tilespmem:v23+s21+$0x0] =	vst.idx.msk $0xffff, v11  }
0xef: {  	v25 =	vor.u32 $0x13, v10;
	v11 =	vld.idx.msk [tilespmem:v24+s12+$0x0], $0xffff  }
0xf0: {  	v26 =	vadd.s32 $0x2200, v9;
	_ =	sdelay $0x3  }
0xf1: {  	[tilespmem:v25+s21+$0x0] =	vst.idx.msk $0xffff, v11  }
0xf2: {  	v27 =	vor.u32 $0x14, v10;
	v11 =	vld.idx.msk [tilespmem:v26+s12+$0x0], $0xffff  }
0xf3: {  	v28 =	vadd.s32 $0x2280, v9;
	_ =	sdelay $0x3  }
0xf4: {  	[tilespmem:v27+s21+$0x0] =	vst.idx.msk $0xffff, v11  }
0xf5: {  	v29 =	vor.u32 $0x15, v10;
	v11 =	vld.idx.msk [tilespmem:v28+s12+$0x0], $0xffff  }
0xf6: {  	v30 =	vadd.s32 $0x2300, v9;
	_ =	sdelay $0x3  }
0xf7: {  	[tilespmem:v29+s21+$0x0] =	vst.idx.msk $0xffff, v11  }
0xf8: {  	v31 =	vor.u32 $0x16, v10;
	v11 =	vld.idx.msk [tilespmem:v30+s12+$0x0], $0xffff  }
0xf9: {  	v32 =	vadd.s32 $0x2380, v9;
	_ =	sdelay $0x3  }
0xfa: {  	[tilespmem:v31+s21+$0x0] =	vst.idx.msk $0xffff, v11  }
0xfb: {  	v33 =	vor.u32 $0x17, v10;
	v11 =	vld.idx.msk [tilespmem:v32+s12+$0x0], $0xffff  }
0xfc: {  	v34 =	vadd.s32 $0x3000, v9;
	_ =	sdelay $0x3  }
0xfd: {  	[tilespmem:v33+s21+$0x0] =	vst.idx.msk $0xffff, v11  }
0xfe: {  	v35 =	vor.u32 $0x18, v10;
	v11 =	vld.idx.msk [tilespmem:v34+s12+$0x0], $0xffff  }
0xff: {  	v36 =	vadd.s32 $0x3080, v9;
	_ =	sdelay $0x3  }
0x100: {  	[tilespmem:v35+s21+$0x0] =	vst.idx.msk $0xffff, v11  }
0x101: {  	v37 =	vor.u32 $0x19, v10;
	v11 =	vld.idx.msk [tilespmem:v36+s12+$0x0], $0xffff  }
0x102: {  	v38 =	vadd.s32 $0x3100, v9;
	_ =	sdelay $0x3  }
0x103: {  	[tilespmem:v37+s21+$0x0] =	vst.idx.msk $0xffff, v11  }
0x104: {  	v39 =	vor.u32 $0x1A, v10;
	v11 =	vld.idx.msk [tilespmem:v38+s12+$0x0], $0xffff  }
0x105: {  	v40 =	vadd.s32 $0x3180, v9;
	_ =	sdelay $0x3  }
0x106: {  	[tilespmem:v39+s21+$0x0] =	vst.idx.msk $0xffff, v11  }
0x107: {  	v41 =	vor.u32 $0x1B, v10;
	v11 =	vld.idx.msk [tilespmem:v40+s12+$0x0], $0xffff  }
0x108: {  	v42 =	vadd.s32 $0x3200, v9;
	_ =	sdelay $0x3  }
0x109: {  	[tilespmem:v41+s21+$0x0] =	vst.idx.msk $0xffff, v11  }
0x10a: {  	v43 =	vor.u32 $0x1C, v10;
	v11 =	vld.idx.msk [tilespmem:v42+s12+$0x0], $0xffff  }
0x10b: {  	v44 =	vadd.s32 $0x3280, v9;
	_ =	sdelay $0x3  }
0x10c: {  	[tilespmem:v43+s21+$0x0] =	vst.idx.msk $0xffff, v11  }
0x10d: {  	v45 =	vor.u32 $0x1D, v10;
	v11 =	vld.idx.msk [tilespmem:v44+s12+$0x0], $0xffff  }
0x10e: {  	v46 =	vadd.s32 $0x3300, v9;
	_ =	sdelay $0x3  }
0x10f: {  	[tilespmem:v45+s21+$0x0] =	vst.idx.msk $0xffff, v11  }
0x110: {  	v47 =	vor.u32 $0x1E, v10;
	v11 =	vld.idx.msk [tilespmem:v46+s12+$0x0], $0xffff  }
0x111: {  	v48 =	vadd.s32 $0x3380, v9;
	_ =	sdelay $0x3  }
0x112: {  	[tilespmem:v47+s21+$0x0] =	vst.idx.msk $0xffff, v11  }
0x113: {  	v49 =	vor.u32 $0x1F, v10;
	v11 =	vld.idx.msk [tilespmem:v48+s12+$0x0], $0xffff  }
0x114: {  	v50 =	vadd.s32 $0x4000, v9;
	_ =	sdelay $0x3  }
0x115: {  	[tilespmem:v49+s21+$0x0] =	vst.idx.msk $0xffff, v11  }
0x116: {  	v51 =	vor.u32 $0x20, v10;
	v11 =	vld.idx.msk [tilespmem:v50+s12+$0x0], $0xffff  }
0x117: {  	v52 =	vadd.s32 $0x4080, v9;
	_ =	sdelay $0x3  }
0x118: {  	[tilespmem:v51+s21+$0x0] =	vst.idx.msk $0xffff, v11  }
0x119: {  	v53 =	vor.u32 $0x21, v10;
	v11 =	vld.idx.msk [tilespmem:v52+s12+$0x0], $0xffff  }
0x11a: {  	v54 =	vadd.s32 $0x4100, v9;
	_ =	sdelay $0x3  }
0x11b: {  	[tilespmem:v53+s21+$0x0] =	vst.idx.msk $0xffff, v11  }
0x11c: {  	v55 =	vor.u32 $0x22, v10;
	v11 =	vld.idx.msk [tilespmem:v54+s12+$0x0], $0xffff  }
0x11d: {  	v56 =	vadd.s32 $0x4180, v9;
	_ =	sdelay $0x3  }
0x11e: {  	[tilespmem:v55+s21+$0x0] =	vst.idx.msk $0xffff, v11  }
0x11f: {  	v57 =	vor.u32 $0x23, v10;
	v11 =	vld.idx.msk [tilespmem:v56+s12+$0x0], $0xffff  }
0x120: {  	v58 =	vadd.s32 $0x4200, v9;
	_ =	sdelay $0x3  }
0x121: {  	[tilespmem:v57+s21+$0x0] =	vst.idx.msk $0xffff, v11  }
0x122: {  	v59 =	vor.u32 $0x24, v10;
	v11 =	vld.idx.msk [tilespmem:v58+s12+$0x0], $0xffff  }
0x123: {  	v60 =	vadd.s32 $0x4280, v9;
	_ =	sdelay $0x3  }
0x124: {  	[tilespmem:v59+s21+$0x0] =	vst.idx.msk $0xffff, v11  }
0x125: {  	v61 =	vor.u32 $0x25, v10;
	v11 =	vld.idx.msk [tilespmem:v60+s12+$0x0], $0xffff  }
0x126: {  	v62 =	vadd.s32 $0x4300, v9;
	_ =	sdelay $0x3  }
0x127: {  	[tilespmem:v61+s21+$0x0] =	vst.idx.msk $0xffff, v11  }
0x128: {  	v63 =	vor.u32 $0x26, v10;
	v11 =	vld.idx.msk [tilespmem:v62+s12+$0x0], $0xffff  }
0x129: {  	v16 =	vadd.s32 $0x4380, v9;
	_ =	sdelay $0x3  }
0x12a: {  	[tilespmem:v63+s21+$0x0] =	vst.idx.msk $0xffff, v11  }
0x12b: {  	v17 =	vor.u32 $0x27, v10;
	v11 =	vld.idx.msk [tilespmem:v16+s12+$0x0], $0xffff  }
0x12c: {  	v18 =	vadd.s32 $0x5000, v9;
	_ =	sdelay $0x3  }
0x12d: {  	[tilespmem:v17+s21+$0x0] =	vst.idx.msk $0xffff, v11  }
0x12e: {  	v19 =	vor.u32 $0x28, v10;
	v11 =	vld.idx.msk [tilespmem:v18+s12+$0x0], $0xffff  }
0x12f: {  	v20 =	vadd.s32 $0x5080, v9;
	_ =	sdelay $0x3  }
0x130: {  	[tilespmem:v19+s21+$0x0] =	vst.idx.msk $0xffff, v11  }
0x131: {  	v21 =	vor.u32 $0x29, v10;
	v11 =	vld.idx.msk [tilespmem:v20+s12+$0x0], $0xffff  }
0x132: {  	v22 =	vadd.s32 $0x5100, v9;
	_ =	sdelay $0x3  }
0x133: {  	[tilespmem:v21+s21+$0x0] =	vst.idx.msk $0xffff, v11  }
0x134: {  	v23 =	vor.u32 $0x2A, v10;
	v11 =	vld.idx.msk [tilespmem:v22+s12+$0x0], $0xffff  }
0x135: {  	v24 =	vadd.s32 $0x5180, v9;
	_ =	sdelay $0x3  }
0x136: {  	[tilespmem:v23+s21+$0x0] =	vst.idx.msk $0xffff, v11  }
0x137: {  	v25 =	vor.u32 $0x2B, v10;
	v11 =	vld.idx.msk [tilespmem:v24+s12+$0x0], $0xffff  }
0x138: {  	v26 =	vadd.s32 $0x5200, v9;
	_ =	sdelay $0x3  }
0x139: {  	[tilespmem:v25+s21+$0x0] =	vst.idx.msk $0xffff, v11  }
0x13a: {  	v27 =	vor.u32 $0x2C, v10;
	v11 =	vld.idx.msk [tilespmem:v26+s12+$0x0], $0xffff  }
0x13b: {  	v28 =	vadd.s32 $0x5280, v9;
	_ =	sdelay $0x3  }
0x13c: {  	[tilespmem:v27+s21+$0x0] =	vst.idx.msk $0xffff, v11  }
0x13d: {  	v29 =	vor.u32 $0x2D, v10;
	v11 =	vld.idx.msk [tilespmem:v28+s12+$0x0], $0xffff  }
0x13e: {  	v30 =	vadd.s32 $0x5300, v9;
	_ =	sdelay $0x3  }
0x13f: {  	[tilespmem:v29+s21+$0x0] =	vst.idx.msk $0xffff, v11  }
0x140: {  	v31 =	vor.u32 $0x2E, v10;
	v11 =	vld.idx.msk [tilespmem:v30+s12+$0x0], $0xffff  }
0x141: {  	v32 =	vadd.s32 $0x5380, v9;
	_ =	sdelay $0x3  }
0x142: {  	[tilespmem:v31+s21+$0x0] =	vst.idx.msk $0xffff, v11  }
0x143: {  	v33 =	vor.u32 $0x2F, v10;
	v11 =	vld.idx.msk [tilespmem:v32+s12+$0x0], $0xffff  }
0x144: {  	v34 =	vadd.s32 $0x6000, v9;
	_ =	sdelay $0x3  }
0x145: {  	[tilespmem:v33+s21+$0x0] =	vst.idx.msk $0xffff, v11  }
0x146: {  	v35 =	vor.u32 $0x30, v10;
	v11 =	vld.idx.msk [tilespmem:v34+s12+$0x0], $0xffff  }
0x147: {  	v36 =	vadd.s32 $0x6080, v9;
	_ =	sdelay $0x3  }
0x148: {  	[tilespmem:v35+s21+$0x0] =	vst.idx.msk $0xffff, v11  }
0x149: {  	v37 =	vor.u32 $0x31, v10;
	v11 =	vld.idx.msk [tilespmem:v36+s12+$0x0], $0xffff  }
0x14a: {  	v38 =	vadd.s32 $0x6100, v9;
	_ =	sdelay $0x3  }
0x14b: {  	[tilespmem:v37+s21+$0x0] =	vst.idx.msk $0xffff, v11  }
0x14c: {  	v39 =	vor.u32 $0x32, v10;
	v11 =	vld.idx.msk [tilespmem:v38+s12+$0x0], $0xffff  }
0x14d: {  	v40 =	vadd.s32 $0x6180, v9;
	_ =	sdelay $0x3  }
0x14e: {  	[tilespmem:v39+s21+$0x0] =	vst.idx.msk $0xffff, v11  }
0x14f: {  	v41 =	vor.u32 $0x33, v10;
	v11 =	vld.idx.msk [tilespmem:v40+s12+$0x0], $0xffff  }
0x150: {  	v42 =	vadd.s32 $0x6200, v9;
	_ =	sdelay $0x3  }
0x151: {  	[tilespmem:v41+s21+$0x0] =	vst.idx.msk $0xffff, v11  }
0x152: {  	v43 =	vor.u32 $0x34, v10;
	v11 =	vld.idx.msk [tilespmem:v42+s12+$0x0], $0xffff  }
0x153: {  	v44 =	vadd.s32 $0x6280, v9;
	_ =	sdelay $0x3  }
0x154: {  	[tilespmem:v43+s21+$0x0] =	vst.idx.msk $0xffff, v11  }
0x155: {  	v45 =	vor.u32 $0x35, v10;
	v11 =	vld.idx.msk [tilespmem:v44+s12+$0x0], $0xffff  }
0x156: {  	v46 =	vadd.s32 $0x6300, v9;
	_ =	sdelay $0x3  }
0x157: {  	[tilespmem:v45+s21+$0x0] =	vst.idx.msk $0xffff, v11  }
0x158: {  	v47 =	vor.u32 $0x36, v10;
	v11 =	vld.idx.msk [tilespmem:v46+s12+$0x0], $0xffff  }
0x159: {  	v48 =	vadd.s32 $0x6380, v9;
	_ =	sdelay $0x3  }
0x15a: {  	[tilespmem:v47+s21+$0x0] =	vst.idx.msk $0xffff, v11  }
0x15b: {  	v49 =	vor.u32 $0x37, v10;
	v11 =	vld.idx.msk [tilespmem:v48+s12+$0x0], $0xffff  }
0x15c: {  	v50 =	vadd.s32 $0x7000, v9;
	_ =	sdelay $0x3  }
0x15d: {  	[tilespmem:v49+s21+$0x0] =	vst.idx.msk $0xffff, v11  }
0x15e: {  	v51 =	vor.u32 $0x38, v10;
	v11 =	vld.idx.msk [tilespmem:v50+s12+$0x0], $0xffff  }
0x15f: {  	v52 =	vadd.s32 $0x7080, v9;
	_ =	sdelay $0x3  }
0x160: {  	[tilespmem:v51+s21+$0x0] =	vst.idx.msk $0xffff, v11  }
0x161: {  	v53 =	vor.u32 $0x39, v10;
	v11 =	vld.idx.msk [tilespmem:v52+s12+$0x0], $0xffff  }
0x162: {  	v54 =	vadd.s32 $0x7100, v9;
	_ =	sdelay $0x3  }
0x163: {  	[tilespmem:v53+s21+$0x0] =	vst.idx.msk $0xffff, v11  }
0x164: {  	v55 =	vor.u32 $0x3A, v10;
	v11 =	vld.idx.msk [tilespmem:v54+s12+$0x0], $0xffff  }
0x165: {  	v56 =	vadd.s32 $0x7180, v9;
	_ =	sdelay $0x3  }
0x166: {  	[tilespmem:v55+s21+$0x0] =	vst.idx.msk $0xffff, v11  }
0x167: {  	v57 =	vor.u32 $0x3B, v10;
	v11 =	vld.idx.msk [tilespmem:v56+s12+$0x0], $0xffff  }
0x168: {  	v58 =	vadd.s32 $0x7200, v9;
	_ =	sdelay $0x3  }
0x169: {  	[tilespmem:v57+s21+$0x0] =	vst.idx.msk $0xffff, v11  }
0x16a: {  	v59 =	vor.u32 $0x3C, v10;
	v11 =	vld.idx.msk [tilespmem:v58+s12+$0x0], $0xffff  }
0x16b: {  	v60 =	vadd.s32 $0x7280, v9;
	_ =	sdelay $0x3  }
0x16c: {  	[tilespmem:v59+s21+$0x0] =	vst.idx.msk $0xffff, v11  }
0x16d: {  	v61 =	vor.u32 $0x3D, v10;
	v11 =	vld.idx.msk [tilespmem:v60+s12+$0x0], $0xffff  }
0x16e: {  	(v2sf) =	vpush v8, $0xF;
	v8 =	vadd.s32 $0x7300, v9;
	_ =	sdelay $0x3  }
0x16f: {  	[tilespmem:v61+s21+$0x0] =	vst.idx.msk $0xffff, v11  }
0x170: {  	v62 =	vor.u32 $0x3E, v10;
	v8 =	vld.idx.msk [tilespmem:v8+s12+$0x0], $0xffff  }
0x171: {  	v9 =	vadd.s32 $0x7380, v9;
	_ =	sdelay $0x3  }
0x172: {  	s0 =	sadd.s32 $0xFFFFFFFF, s0;
	[tilespmem:v62+s21+$0x0] =	vst.idx.msk $0xffff, v8  }
0x173: {  	p1 =	seq.s32 s0, $0x0;
	v63 =	vor.u32 $0x3F, v10;
	v8 =	vld.idx.msk [tilespmem:v9+s12+$0x0], $0xffff  }
.Ltmp13:
0x174: {  	_ = 	snop;
	(pc) =	sbr.rel @!p1 .LBB2_17-.Ltmp13, $3  }
0x175: {  	_ =	sdelay $0x1  }
0x176: {  	s31 =	spop (v2sf)  }
0x177: {  	s2 =	sadd.s32 $0x10, s2;
	s25 =	sadd.s32 s25, s31;
	[tilespmem:v63+s21+$0x0] =	vst.idx.msk $0xffff, v8  }
.LBB2_18:
0x178: {  	p1 =	slt.s32 s30, $0x801  }
.Ltmp14:
0x179: {  	_ = 	snop;
	(pc) =	sbr.rel @p1 .LBB2_31-.Ltmp14, $1  }
0x17a: {  	_ =	sdelay $0x3  }
.Ltmp15:
0x17b: {  	(pc) =	sbr.rel .LBB2_20-.Ltmp15, $2  }
0x17c: {  	_ =	sdelay $0x2  }
0x17d: {  	s31 =	simm.s32 $0x800  }
.LBB2_30:
0x17e: {  	s31 =	sadd.s32 $0x800, s31  }
0x17f: {  	p1 =	slt.s32 s31, s30  }
.Ltmp16:
0x180: {  	_ = 	snop;
	(pc) =	sbr.rel @!p1 .LBB2_31-.Ltmp16, $1  }
0x181: {  	_ =	sdelay $0x3  }
.LBB2_20:
.Ltmp17:
0x182: {  	(pc) =	sbr.rel @p0 .LBB2_27-.Ltmp17, $1  }
0x183: {  	_ =	sdelay $0x3  }
0x184: {  	p2 =	sne.s32 s26, $0x1  }
.Ltmp18:
0x185: {  	_ = 	snop;
	(pc) =	sbr.rel @!p2 .LBB2_22-.Ltmp18, $3  }
0x186: {  	_ =	sdelay $0x1  }
0x187: {  	v7 =	vmov s31;
	s0 =	simm.s32 $0x0  }
0x188: {  	s2 =	sadd.s32 $0xFFFFFFFF, s26;
	p1 =	por $0x0, $0x0;
	v7 =	vxor.u32 $0xFFFFFFFF, v7;
	v9 =	vor.u32 s0, v0  }
0x189: {  	vm0 =	vlt.s32 v9, $0x3FFF  }
0x18a: {  	v11 =	vnsel vm0, $0x3FFF, v9;
	_ =	sdelay $0x4  }
0x18b: {  	v8 =	vld.idx.msk [tilespmem:v11+s15+$0x0], $0xffff;
	_ =	sdelay $0x4  }
0x18c: {  	v10 =	vshra.s32 v8, $0x9  }
0x18d: {  	vm0 =	vlt.s32 v9, v4;
	vm1 =	veq.s32 v10, v5  }
0x18e: {  	vm0 =	vmand vm0, vm1  }
0x18f: {  	v9 =	vsel vm0, $0x1, v2  }
0x190: {  	(xrf0) =	vadd.scan.msk.s32 $0xffff, v9;
	_ =	sdelay $0x3  }
0x191: {  	v9 =	vadd.s32 s0, v7  }
0x192: {  	p2 =	sne.s32 s2, $0x1;
	v9 =	vbroadcast v9, $0x0  }
.Ltmp19:
0x193: {  	v12, _, _ =	vpop (xrf0);
	(pc) =	sbr.rel @!p2 .LBB2_24-.Ltmp19, $4  }
0x194: {  	v10 =	vadd.s32 v9, v12;
	(v2sf) =	vpush v12, $0xF  }
0x195: {  	vm1 =	vlt.u32 v10, $0x800  }
0x196: {  	s23 =	simm.s32 $0x10;
	vm0 =	vmand vm0, vm1  }
0x197: {  	s10 =	sadd.s32 $0xFFFFFFFF, s2;
	p1 =	por $0x1, $0x1;
	s2 =	simm.s32 $0x0;
	v11 =	vld.idx.msk [tilespmem:v11+s16+$0x0], $0xffff;
	v9 =	vor.u32 s23, v0  }
.LBB2_25:
0x198: {  	p2 =	sne.s32 s10, $0x1;
	vm1 =	vlt.s32 v9, $0x3FFF  }
0x199: {  	v12 =	vnsel vm1, $0x3FFF, v9;
	_ =	sdelay $0x2  }
0x19a: {  	[tilespmem:v10+s17+$0x0] =	vst.idx.msk vm0, v8  }
0x19b: {  	[tilespmem:v10+s18+$0x0] =	vst.idx.msk vm0, v11  }
0x19c: {  	v8 =	vld.idx.msk [tilespmem:v12+s15+$0x0], $0xffff;
	_ =	sdelay $0x4  }
0x19d: {  	s11 =	spop (v2sf)  }
0x19e: {  	v10 =	vshra.s32 v8, $0x9;
	s2 =	sadd.s32 s2, s11  }
0x19f: {  	vm0 =	vlt.s32 v9, v4;
	vm1 =	veq.s32 v10, v5;
	v9 =	vadd.s32 s2, v7  }
0x1a0: {  	vm0 =	vmand vm0, vm1;
	v9 =	vbroadcast v9, $0x0  }
0x1a1: {  	v10 =	vsel vm0, $0x1, v2  }
0x1a2: {  	(xrf0) =	vadd.scan.msk.s32 $0xffff, v10;
	_ =	sdelay $0x5  }
.Ltmp20:
0x1a3: {  	v11, _, _ =	vpop (xrf0);
	(pc) =	sbr.rel @p2 .LBB2_25-.Ltmp20, $4  }
0x1a4: {  	v10 =	vadd.s32 v9, v11;
	(v2sf) =	vpush v11, $0xF  }
0x1a5: {  	vm1 =	vlt.u32 v10, $0x800  }
0x1a6: {  	s23 =	sadd.s32 $0x10, s23;
	vm0 =	vmand vm0, vm1  }
0x1a7: {  	s10 =	sadd.s32 $0xFFFFFFFF, s10;
	v9 =	vor.u32 s23, v0;
	v11 =	vld.idx.msk [tilespmem:v12+s16+$0x0], $0xffff  }
.LBB2_26:
0x1a8: {  	_ = 	snop  }
0x1a9: {  	vm1 =	vlt.s32 v9, $0x3FFF  }
0x1aa: {  	v12 =	vnsel vm1, $0x3FFF, v9;
	_ =	sdelay $0x2  }
0x1ab: {  	[tilespmem:v10+s17+$0x0] =	vst.idx.msk @p1 vm0, v8  }
0x1ac: {  	[tilespmem:v10+s18+$0x0] =	vst.idx.msk @p1 vm0, v11  }
0x1ad: {  	v8 =	vld.idx.msk [tilespmem:v12+s15+$0x0], $0xffff;
	_ =	sdelay $0x4  }
0x1ae: {  	v61 =	vshra.s32 v8, $0x9  }
0x1af: {  	vm13 =	vlt.s32 v9, v4;
	vm14 =	veq.s32 v61, v5  }
0x1b0: {  	vm0 =	vmand vm13, vm14  }
0x1b1: {  	v62 =	vsel vm0, $0x1, v2  }
0x1b2: {  	(xrf0) =	vadd.scan.msk.s32 $0xffff, v62;
	_ =	sdelay $0x5  }
0x1b3: {  	v9, _, _ =	vpop (xrf0)  }
0x1b4: {  	s10 =	spop @p1 (v2sf);
	(v2sf) =	vpush v9, $0xF  }
0x1b5: {  	s2 =	sadd.s32 @p1 s2, s10  }
0x1b6: {  	s0 =	smov.u32 @p1 s2  }
0x1b7: {  	v7 =	vadd.s32 s0, v7  }
0x1b8: {  	v7 =	vbroadcast v7, $0x0;
	_ =	sdelay $0x1  }
0x1b9: {  	v7 =	vadd.s32 v7, v9  }
0x1ba: {  	vm15 =	vlt.u32 v7, $0x800  }
0x1bb: {  	vm0 =	vmand vm0, vm15;
	_ =	sdelay $0x1  }
0x1bc: {  	v63 =	vld.idx.msk [tilespmem:v12+s16+$0x0], $0xffff;
	_ =	sdelay $0x3  }
0x1bd: {  	[tilespmem:v7+s17+$0x0] =	vst.idx.msk vm0, v8  }
0x1be: {  	[tilespmem:v7+s18+$0x0] =	vst.idx.msk vm0, v63;
	s23 =	spop (v2sf)  }
.LBB2_27:
0x1bf: {  	s2 =	ssub.s32 s30, s31  }
0x1c0: {  	p1 =	slt.s32 s2, $0x800  }
0x1c1: {  	s2 =	simm.s32 @!p1 $0x800  }
0x1c2: {  	s0 =	sadd.s32 $0xF, s2  }
0x1c3: {  	s0 =	sshra.s32 s0, $0x4  }
0x1c4: {  	p1 =	slt.s32 s0, $0x1  }
.Ltmp21:
0x1c5: {  	_ = 	snop;
	(pc) =	sbr.rel @p1 .LBB2_30-.Ltmp21, $1  }
0x1c6: {  	_ =	sdelay $0x3  }
0x1c7: {  	v7 =	vmov s2;
	s2 =	simm.s32 $0x0  }
.LBB2_29:
0x1c8: {  	p1 =	slt.s32 s25, $0x70  }
0x1c9: {  	v8 =	vlaneseq.u32 @!p1  }
0x1ca: {  	v9 =	vadd.s32 @!p1 s25, v8  }
0x1cb: {  	vm0 =	vlt.s32 @!p1 v9, $0x80;
	vm1 =	vlt.s32 @!p1 v9, $0x7F  }
0x1cc: {  	v9 =	vnsel @!p1 vm1, $0x7F, v9;
	_ =	sdelay $0x3  }
0x1cd: {  	v10 =	vor.u32 s2, v0;
	s10 =	simm.s32 @!p1 $0x1E100;
	v8 =	vor.u32 @!p1 $0x4000, v8  }
0x1ce: {  	s11 =	simm.s32 @!p1 $0x80;
	s23 =	simm.s32 @!p1 $0x19900;
	vm13 =	vlt.s32 v10, $0x7FF;
	[tilespmem:v9+s10+$0x0] =	vst.idx.msk @!p1 vm0, v8  }
0x1cf: {  	v31 =	vnsel vm13, $0x7FF, v10;
	[hbm4b:s5+s11] =	stream.indirect.scatter @!p1 [tilespmem:s23], [sflag:$0x3], $0x80, s10, s11, $0xb8;
	[tilespmem:$0x1E180] =	vst v63  }
0x1d0: {  	vm14 =	vlt.s32 v10, v7;
	s10 =	simm.s32 @!p1 $0x3  }
0x1d1: {  	v8 =	vsel vm14, $0x1, v2;
	_ =	swait.ge @!p1 [sflag:s10], $0x4000  }
0x1d2: {  	p2 =	sgt.s32 s25, $0x6F;
	[sflag:s10] =	ssyncset.done @!p1 $0x0;
	(xrf0) =	vadd.scan.msk.s32 $0xffff, v8  }
0x1d3: {  	s25 =	simm.s32 @p2 $0x0;
	[sflag:s10] =	ssyncadd.s32 @!p1 $0xFFFFC000  }
0x1d4: {  	v8 =	vmov s25;
	v32 =	vld.idx.msk [tilespmem:v31+s17+$0x0], $0xffff  }
0x1d5: {  	v8 =	vadd.s32 $0xFFFFFFFF, v8;
	_ =	sdelay $0x1  }
0x1d6: {  	v11 =	vbroadcast v8, $0x0  }
0x1d7: {  	v8, _, _ =	vpop (xrf0)  }
0x1d8: {  	v10 =	vsub.s32 v32, v6;
	v11 =	vadd.s32 v8, v11  }
0x1d9: {  	v10 =	vnsel vm14, $0x0, v10;
	v11 =	vsel vm14, v11, v3  }
0x1da: {  	vm15 =	vlt.s32 v11, $0x7F;
	v12 =	vshll.u32 v10, $0x3  }
0x1db: {  	v13 =	vld.idx.msk [tilespmem:v31+s18+$0x0], $0xffff;
	v33 =	vand.u32 $0x7F, v10;
	v14 =	vnsel vm15, $0x7F, v11;
	v34 =	vand.u32 $0xFFFFFC00, v12  }
0x1dc: {  	v9 =	vor.u32 v33, v34;
	_ =	sdelay $0x3  }
0x1dd: {  	[tilespmem:v14+s20+$0x0] =	vst.idx.msk vm14, v13  }
0x1de: {  	v10 =	vshll.u32 v11, $0x7;
	v35 =	vld.idx.msk [tilespmem:v9+s12+$0x0], $0xffff  }
0x1df: {  	v36 =	vor.u32 $0x80, v9;
	_ =	sdelay $0x3  }
0x1e0: {  	[tilespmem:v10+s21+$0x0] =	vst.idx.msk $0xffff, v35  }
0x1e1: {  	v37 =	vor.u32 $0x1, v10;
	v11 =	vld.idx.msk [tilespmem:v36+s12+$0x0], $0xffff  }
0x1e2: {  	v38 =	vor.u32 $0x100, v9;
	_ =	sdelay $0x3  }
0x1e3: {  	[tilespmem:v37+s21+$0x0] =	vst.idx.msk $0xffff, v11  }
0x1e4: {  	v39 =	vor.u32 $0x2, v10;
	v11 =	vld.idx.msk [tilespmem:v38+s12+$0x0], $0xffff  }
0x1e5: {  	v40 =	vor.u32 $0x180, v9;
	_ =	sdelay $0x3  }
0x1e6: {  	[tilespmem:v39+s21+$0x0] =	vst.idx.msk $0xffff, v11  }
0x1e7: {  	v41 =	vor.u32 $0x3, v10;
	v11 =	vld.idx.msk [tilespmem:v40+s12+$0x0], $0xffff  }
0x1e8: {  	v42 =	vor.u32 $0x200, v9;
	_ =	sdelay $0x3  }
0x1e9: {  	[tilespmem:v41+s21+$0x0] =	vst.idx.msk $0xffff, v11  }
0x1ea: {  	v43 =	vor.u32 $0x4, v10;
	v11 =	vld.idx.msk [tilespmem:v42+s12+$0x0], $0xffff  }
0x1eb: {  	v44 =	vor.u32 $0x280, v9;
	_ =	sdelay $0x3  }
0x1ec: {  	[tilespmem:v43+s21+$0x0] =	vst.idx.msk $0xffff, v11  }
0x1ed: {  	v45 =	vor.u32 $0x5, v10;
	v11 =	vld.idx.msk [tilespmem:v44+s12+$0x0], $0xffff  }
0x1ee: {  	v46 =	vor.u32 $0x300, v9;
	_ =	sdelay $0x3  }
0x1ef: {  	[tilespmem:v45+s21+$0x0] =	vst.idx.msk $0xffff, v11  }
0x1f0: {  	v47 =	vor.u32 $0x6, v10;
	v11 =	vld.idx.msk [tilespmem:v46+s12+$0x0], $0xffff  }
0x1f1: {  	v48 =	vor.u32 $0x380, v9;
	_ =	sdelay $0x3  }
0x1f2: {  	[tilespmem:v47+s21+$0x0] =	vst.idx.msk $0xffff, v11  }
0x1f3: {  	v49 =	vor.u32 $0x7, v10;
	v11 =	vld.idx.msk [tilespmem:v48+s12+$0x0], $0xffff  }
0x1f4: {  	v50 =	vadd.s32 $0x1000, v9;
	_ =	sdelay $0x3  }
0x1f5: {  	[tilespmem:v49+s21+$0x0] =	vst.idx.msk $0xffff, v11  }
0x1f6: {  	v51 =	vor.u32 $0x8, v10;
	v11 =	vld.idx.msk [tilespmem:v50+s12+$0x0], $0xffff  }
0x1f7: {  	v52 =	vadd.s32 $0x1080, v9;
	_ =	sdelay $0x3  }
0x1f8: {  	[tilespmem:v51+s21+$0x0] =	vst.idx.msk $0xffff, v11  }
0x1f9: {  	v53 =	vor.u32 $0x9, v10;
	v11 =	vld.idx.msk [tilespmem:v52+s12+$0x0], $0xffff  }
0x1fa: {  	v54 =	vadd.s32 $0x1100, v9;
	_ =	sdelay $0x3  }
0x1fb: {  	[tilespmem:v53+s21+$0x0] =	vst.idx.msk $0xffff, v11  }
0x1fc: {  	v55 =	vor.u32 $0xA, v10;
	v11 =	vld.idx.msk [tilespmem:v54+s12+$0x0], $0xffff  }
0x1fd: {  	v56 =	vadd.s32 $0x1180, v9;
	_ =	sdelay $0x3  }
0x1fe: {  	[tilespmem:v55+s21+$0x0] =	vst.idx.msk $0xffff, v11  }
0x1ff: {  	v57 =	vor.u32 $0xB, v10;
	v11 =	vld.idx.msk [tilespmem:v56+s12+$0x0], $0xffff  }
0x200: {  	v58 =	vadd.s32 $0x1200, v9;
	_ =	sdelay $0x3  }
0x201: {  	[tilespmem:v57+s21+$0x0] =	vst.idx.msk $0xffff, v11  }
0x202: {  	v59 =	vor.u32 $0xC, v10;
	v11 =	vld.idx.msk [tilespmem:v58+s12+$0x0], $0xffff  }
0x203: {  	v60 =	vadd.s32 $0x1280, v9;
	_ =	sdelay $0x3  }
0x204: {  	[tilespmem:v59+s21+$0x0] =	vst.idx.msk $0xffff, v11  }
0x205: {  	v61 =	vor.u32 $0xD, v10;
	v11 =	vld.idx.msk [tilespmem:v60+s12+$0x0], $0xffff  }
0x206: {  	v62 =	vadd.s32 $0x1300, v9;
	_ =	sdelay $0x3  }
0x207: {  	[tilespmem:v61+s21+$0x0] =	vst.idx.msk $0xffff, v11  }
0x208: {  	v63 =	vor.u32 $0xE, v10;
	v11 =	vld.idx.msk [tilespmem:v62+s12+$0x0], $0xffff  }
0x209: {  	v16 =	vadd.s32 $0x1380, v9;
	_ =	sdelay $0x3  }
0x20a: {  	[tilespmem:v63+s21+$0x0] =	vst.idx.msk $0xffff, v11  }
0x20b: {  	v17 =	vor.u32 $0xF, v10;
	v11 =	vld.idx.msk [tilespmem:v16+s12+$0x0], $0xffff  }
0x20c: {  	v18 =	vadd.s32 $0x2000, v9;
	_ =	sdelay $0x3  }
0x20d: {  	[tilespmem:v17+s21+$0x0] =	vst.idx.msk $0xffff, v11  }
0x20e: {  	v19 =	vor.u32 $0x10, v10;
	v11 =	vld.idx.msk [tilespmem:v18+s12+$0x0], $0xffff  }
0x20f: {  	v20 =	vadd.s32 $0x2080, v9;
	_ =	sdelay $0x3  }
0x210: {  	[tilespmem:v19+s21+$0x0] =	vst.idx.msk $0xffff, v11  }
0x211: {  	v21 =	vor.u32 $0x11, v10;
	v11 =	vld.idx.msk [tilespmem:v20+s12+$0x0], $0xffff  }
0x212: {  	v22 =	vadd.s32 $0x2100, v9;
	_ =	sdelay $0x3  }
0x213: {  	[tilespmem:v21+s21+$0x0] =	vst.idx.msk $0xffff, v11  }
0x214: {  	v23 =	vor.u32 $0x12, v10;
	v11 =	vld.idx.msk [tilespmem:v22+s12+$0x0], $0xffff  }
0x215: {  	v24 =	vadd.s32 $0x2180, v9;
	_ =	sdelay $0x3  }
0x216: {  	[tilespmem:v23+s21+$0x0] =	vst.idx.msk $0xffff, v11  }
0x217: {  	v25 =	vor.u32 $0x13, v10;
	v11 =	vld.idx.msk [tilespmem:v24+s12+$0x0], $0xffff  }
0x218: {  	v26 =	vadd.s32 $0x2200, v9;
	_ =	sdelay $0x3  }
0x219: {  	[tilespmem:v25+s21+$0x0] =	vst.idx.msk $0xffff, v11  }
0x21a: {  	v27 =	vor.u32 $0x14, v10;
	v11 =	vld.idx.msk [tilespmem:v26+s12+$0x0], $0xffff  }
0x21b: {  	v28 =	vadd.s32 $0x2280, v9;
	_ =	sdelay $0x3  }
0x21c: {  	[tilespmem:v27+s21+$0x0] =	vst.idx.msk $0xffff, v11  }
0x21d: {  	v29 =	vor.u32 $0x15, v10;
	v11 =	vld.idx.msk [tilespmem:v28+s12+$0x0], $0xffff  }
0x21e: {  	v30 =	vadd.s32 $0x2300, v9;
	_ =	sdelay $0x3  }
0x21f: {  	[tilespmem:v29+s21+$0x0] =	vst.idx.msk $0xffff, v11  }
0x220: {  	v31 =	vor.u32 $0x16, v10;
	v11 =	vld.idx.msk [tilespmem:v30+s12+$0x0], $0xffff  }
0x221: {  	v32 =	vadd.s32 $0x2380, v9;
	_ =	sdelay $0x3  }
0x222: {  	[tilespmem:v31+s21+$0x0] =	vst.idx.msk $0xffff, v11  }
0x223: {  	v33 =	vor.u32 $0x17, v10;
	v11 =	vld.idx.msk [tilespmem:v32+s12+$0x0], $0xffff  }
0x224: {  	v34 =	vadd.s32 $0x3000, v9;
	_ =	sdelay $0x3  }
0x225: {  	[tilespmem:v33+s21+$0x0] =	vst.idx.msk $0xffff, v11  }
0x226: {  	v35 =	vor.u32 $0x18, v10;
	v11 =	vld.idx.msk [tilespmem:v34+s12+$0x0], $0xffff  }
0x227: {  	v36 =	vadd.s32 $0x3080, v9;
	_ =	sdelay $0x3  }
0x228: {  	[tilespmem:v35+s21+$0x0] =	vst.idx.msk $0xffff, v11  }
0x229: {  	v37 =	vor.u32 $0x19, v10;
	v11 =	vld.idx.msk [tilespmem:v36+s12+$0x0], $0xffff  }
0x22a: {  	v38 =	vadd.s32 $0x3100, v9;
	_ =	sdelay $0x3  }
0x22b: {  	[tilespmem:v37+s21+$0x0] =	vst.idx.msk $0xffff, v11  }
0x22c: {  	v39 =	vor.u32 $0x1A, v10;
	v11 =	vld.idx.msk [tilespmem:v38+s12+$0x0], $0xffff  }
0x22d: {  	v40 =	vadd.s32 $0x3180, v9;
	_ =	sdelay $0x3  }
0x22e: {  	[tilespmem:v39+s21+$0x0] =	vst.idx.msk $0xffff, v11  }
0x22f: {  	v41 =	vor.u32 $0x1B, v10;
	v11 =	vld.idx.msk [tilespmem:v40+s12+$0x0], $0xffff  }
0x230: {  	v42 =	vadd.s32 $0x3200, v9;
	_ =	sdelay $0x3  }
0x231: {  	[tilespmem:v41+s21+$0x0] =	vst.idx.msk $0xffff, v11  }
0x232: {  	v43 =	vor.u32 $0x1C, v10;
	v11 =	vld.idx.msk [tilespmem:v42+s12+$0x0], $0xffff  }
0x233: {  	v44 =	vadd.s32 $0x3280, v9;
	_ =	sdelay $0x3  }
0x234: {  	[tilespmem:v43+s21+$0x0] =	vst.idx.msk $0xffff, v11  }
0x235: {  	v45 =	vor.u32 $0x1D, v10;
	v11 =	vld.idx.msk [tilespmem:v44+s12+$0x0], $0xffff  }
0x236: {  	v46 =	vadd.s32 $0x3300, v9;
	_ =	sdelay $0x3  }
0x237: {  	[tilespmem:v45+s21+$0x0] =	vst.idx.msk $0xffff, v11  }
0x238: {  	v47 =	vor.u32 $0x1E, v10;
	v11 =	vld.idx.msk [tilespmem:v46+s12+$0x0], $0xffff  }
0x239: {  	v48 =	vadd.s32 $0x3380, v9;
	_ =	sdelay $0x3  }
0x23a: {  	[tilespmem:v47+s21+$0x0] =	vst.idx.msk $0xffff, v11  }
0x23b: {  	v49 =	vor.u32 $0x1F, v10;
	v11 =	vld.idx.msk [tilespmem:v48+s12+$0x0], $0xffff  }
0x23c: {  	v50 =	vadd.s32 $0x4000, v9;
	_ =	sdelay $0x3  }
0x23d: {  	[tilespmem:v49+s21+$0x0] =	vst.idx.msk $0xffff, v11  }
0x23e: {  	v51 =	vor.u32 $0x20, v10;
	v11 =	vld.idx.msk [tilespmem:v50+s12+$0x0], $0xffff  }
0x23f: {  	v52 =	vadd.s32 $0x4080, v9;
	_ =	sdelay $0x3  }
0x240: {  	[tilespmem:v51+s21+$0x0] =	vst.idx.msk $0xffff, v11  }
0x241: {  	v53 =	vor.u32 $0x21, v10;
	v11 =	vld.idx.msk [tilespmem:v52+s12+$0x0], $0xffff  }
0x242: {  	v54 =	vadd.s32 $0x4100, v9;
	_ =	sdelay $0x3  }
0x243: {  	[tilespmem:v53+s21+$0x0] =	vst.idx.msk $0xffff, v11  }
0x244: {  	v55 =	vor.u32 $0x22, v10;
	v11 =	vld.idx.msk [tilespmem:v54+s12+$0x0], $0xffff  }
0x245: {  	v56 =	vadd.s32 $0x4180, v9;
	_ =	sdelay $0x3  }
0x246: {  	[tilespmem:v55+s21+$0x0] =	vst.idx.msk $0xffff, v11  }
0x247: {  	v57 =	vor.u32 $0x23, v10;
	v11 =	vld.idx.msk [tilespmem:v56+s12+$0x0], $0xffff  }
0x248: {  	v58 =	vadd.s32 $0x4200, v9;
	_ =	sdelay $0x3  }
0x249: {  	[tilespmem:v57+s21+$0x0] =	vst.idx.msk $0xffff, v11  }
0x24a: {  	v59 =	vor.u32 $0x24, v10;
	v11 =	vld.idx.msk [tilespmem:v58+s12+$0x0], $0xffff  }
0x24b: {  	v60 =	vadd.s32 $0x4280, v9;
	_ =	sdelay $0x3  }
0x24c: {  	[tilespmem:v59+s21+$0x0] =	vst.idx.msk $0xffff, v11  }
0x24d: {  	v61 =	vor.u32 $0x25, v10;
	v11 =	vld.idx.msk [tilespmem:v60+s12+$0x0], $0xffff  }
0x24e: {  	v62 =	vadd.s32 $0x4300, v9;
	_ =	sdelay $0x3  }
0x24f: {  	[tilespmem:v61+s21+$0x0] =	vst.idx.msk $0xffff, v11  }
0x250: {  	v63 =	vor.u32 $0x26, v10;
	v11 =	vld.idx.msk [tilespmem:v62+s12+$0x0], $0xffff  }
0x251: {  	v16 =	vadd.s32 $0x4380, v9;
	_ =	sdelay $0x3  }
0x252: {  	[tilespmem:v63+s21+$0x0] =	vst.idx.msk $0xffff, v11  }
0x253: {  	v17 =	vor.u32 $0x27, v10;
	v11 =	vld.idx.msk [tilespmem:v16+s12+$0x0], $0xffff  }
0x254: {  	v18 =	vadd.s32 $0x5000, v9;
	_ =	sdelay $0x3  }
0x255: {  	[tilespmem:v17+s21+$0x0] =	vst.idx.msk $0xffff, v11  }
0x256: {  	v19 =	vor.u32 $0x28, v10;
	v11 =	vld.idx.msk [tilespmem:v18+s12+$0x0], $0xffff  }
0x257: {  	v20 =	vadd.s32 $0x5080, v9;
	_ =	sdelay $0x3  }
0x258: {  	[tilespmem:v19+s21+$0x0] =	vst.idx.msk $0xffff, v11  }
0x259: {  	v21 =	vor.u32 $0x29, v10;
	v11 =	vld.idx.msk [tilespmem:v20+s12+$0x0], $0xffff  }
0x25a: {  	v22 =	vadd.s32 $0x5100, v9;
	_ =	sdelay $0x3  }
0x25b: {  	[tilespmem:v21+s21+$0x0] =	vst.idx.msk $0xffff, v11  }
0x25c: {  	v23 =	vor.u32 $0x2A, v10;
	v11 =	vld.idx.msk [tilespmem:v22+s12+$0x0], $0xffff  }
0x25d: {  	v24 =	vadd.s32 $0x5180, v9;
	_ =	sdelay $0x3  }
0x25e: {  	[tilespmem:v23+s21+$0x0] =	vst.idx.msk $0xffff, v11  }
0x25f: {  	v25 =	vor.u32 $0x2B, v10;
	v11 =	vld.idx.msk [tilespmem:v24+s12+$0x0], $0xffff  }
0x260: {  	v26 =	vadd.s32 $0x5200, v9;
	_ =	sdelay $0x3  }
0x261: {  	[tilespmem:v25+s21+$0x0] =	vst.idx.msk $0xffff, v11  }
0x262: {  	v27 =	vor.u32 $0x2C, v10;
	v11 =	vld.idx.msk [tilespmem:v26+s12+$0x0], $0xffff  }
0x263: {  	v28 =	vadd.s32 $0x5280, v9;
	_ =	sdelay $0x3  }
0x264: {  	[tilespmem:v27+s21+$0x0] =	vst.idx.msk $0xffff, v11  }
0x265: {  	v29 =	vor.u32 $0x2D, v10;
	v11 =	vld.idx.msk [tilespmem:v28+s12+$0x0], $0xffff  }
0x266: {  	v30 =	vadd.s32 $0x5300, v9;
	_ =	sdelay $0x3  }
0x267: {  	[tilespmem:v29+s21+$0x0] =	vst.idx.msk $0xffff, v11  }
0x268: {  	v31 =	vor.u32 $0x2E, v10;
	v11 =	vld.idx.msk [tilespmem:v30+s12+$0x0], $0xffff  }
0x269: {  	v32 =	vadd.s32 $0x5380, v9;
	_ =	sdelay $0x3  }
0x26a: {  	[tilespmem:v31+s21+$0x0] =	vst.idx.msk $0xffff, v11  }
0x26b: {  	v33 =	vor.u32 $0x2F, v10;
	v11 =	vld.idx.msk [tilespmem:v32+s12+$0x0], $0xffff  }
0x26c: {  	v34 =	vadd.s32 $0x6000, v9;
	_ =	sdelay $0x3  }
0x26d: {  	[tilespmem:v33+s21+$0x0] =	vst.idx.msk $0xffff, v11  }
0x26e: {  	v35 =	vor.u32 $0x30, v10;
	v11 =	vld.idx.msk [tilespmem:v34+s12+$0x0], $0xffff  }
0x26f: {  	v36 =	vadd.s32 $0x6080, v9;
	_ =	sdelay $0x3  }
0x270: {  	[tilespmem:v35+s21+$0x0] =	vst.idx.msk $0xffff, v11  }
0x271: {  	v37 =	vor.u32 $0x31, v10;
	v11 =	vld.idx.msk [tilespmem:v36+s12+$0x0], $0xffff  }
0x272: {  	v38 =	vadd.s32 $0x6100, v9;
	_ =	sdelay $0x3  }
0x273: {  	[tilespmem:v37+s21+$0x0] =	vst.idx.msk $0xffff, v11  }
0x274: {  	v39 =	vor.u32 $0x32, v10;
	v11 =	vld.idx.msk [tilespmem:v38+s12+$0x0], $0xffff  }
0x275: {  	v40 =	vadd.s32 $0x6180, v9;
	_ =	sdelay $0x3  }
0x276: {  	[tilespmem:v39+s21+$0x0] =	vst.idx.msk $0xffff, v11  }
0x277: {  	v41 =	vor.u32 $0x33, v10;
	v11 =	vld.idx.msk [tilespmem:v40+s12+$0x0], $0xffff  }
0x278: {  	v42 =	vadd.s32 $0x6200, v9;
	_ =	sdelay $0x3  }
0x279: {  	[tilespmem:v41+s21+$0x0] =	vst.idx.msk $0xffff, v11  }
0x27a: {  	v43 =	vor.u32 $0x34, v10;
	v11 =	vld.idx.msk [tilespmem:v42+s12+$0x0], $0xffff  }
0x27b: {  	v44 =	vadd.s32 $0x6280, v9;
	_ =	sdelay $0x3  }
0x27c: {  	[tilespmem:v43+s21+$0x0] =	vst.idx.msk $0xffff, v11  }
0x27d: {  	v45 =	vor.u32 $0x35, v10;
	v11 =	vld.idx.msk [tilespmem:v44+s12+$0x0], $0xffff  }
0x27e: {  	v46 =	vadd.s32 $0x6300, v9;
	_ =	sdelay $0x3  }
0x27f: {  	[tilespmem:v45+s21+$0x0] =	vst.idx.msk $0xffff, v11  }
0x280: {  	v47 =	vor.u32 $0x36, v10;
	v11 =	vld.idx.msk [tilespmem:v46+s12+$0x0], $0xffff  }
0x281: {  	v48 =	vadd.s32 $0x6380, v9;
	_ =	sdelay $0x3  }
0x282: {  	[tilespmem:v47+s21+$0x0] =	vst.idx.msk $0xffff, v11  }
0x283: {  	v49 =	vor.u32 $0x37, v10;
	v11 =	vld.idx.msk [tilespmem:v48+s12+$0x0], $0xffff  }
0x284: {  	v50 =	vadd.s32 $0x7000, v9;
	_ =	sdelay $0x3  }
0x285: {  	[tilespmem:v49+s21+$0x0] =	vst.idx.msk $0xffff, v11  }
0x286: {  	v51 =	vor.u32 $0x38, v10;
	v11 =	vld.idx.msk [tilespmem:v50+s12+$0x0], $0xffff  }
0x287: {  	v52 =	vadd.s32 $0x7080, v9;
	_ =	sdelay $0x3  }
0x288: {  	[tilespmem:v51+s21+$0x0] =	vst.idx.msk $0xffff, v11  }
0x289: {  	v53 =	vor.u32 $0x39, v10;
	v11 =	vld.idx.msk [tilespmem:v52+s12+$0x0], $0xffff  }
0x28a: {  	v54 =	vadd.s32 $0x7100, v9;
	_ =	sdelay $0x3  }
0x28b: {  	[tilespmem:v53+s21+$0x0] =	vst.idx.msk $0xffff, v11  }
0x28c: {  	v55 =	vor.u32 $0x3A, v10;
	v11 =	vld.idx.msk [tilespmem:v54+s12+$0x0], $0xffff  }
0x28d: {  	v56 =	vadd.s32 $0x7180, v9;
	_ =	sdelay $0x3  }
0x28e: {  	[tilespmem:v55+s21+$0x0] =	vst.idx.msk $0xffff, v11  }
0x28f: {  	v57 =	vor.u32 $0x3B, v10;
	v11 =	vld.idx.msk [tilespmem:v56+s12+$0x0], $0xffff  }
0x290: {  	v58 =	vadd.s32 $0x7200, v9;
	_ =	sdelay $0x3  }
0x291: {  	[tilespmem:v57+s21+$0x0] =	vst.idx.msk $0xffff, v11  }
0x292: {  	v59 =	vor.u32 $0x3C, v10;
	v11 =	vld.idx.msk [tilespmem:v58+s12+$0x0], $0xffff  }
0x293: {  	v60 =	vadd.s32 $0x7280, v9;
	_ =	sdelay $0x3  }
0x294: {  	[tilespmem:v59+s21+$0x0] =	vst.idx.msk $0xffff, v11  }
0x295: {  	v61 =	vor.u32 $0x3D, v10;
	v11 =	vld.idx.msk [tilespmem:v60+s12+$0x0], $0xffff  }
0x296: {  	(v2sf) =	vpush v8, $0xF;
	v8 =	vadd.s32 $0x7300, v9;
	_ =	sdelay $0x3  }
0x297: {  	[tilespmem:v61+s21+$0x0] =	vst.idx.msk $0xffff, v11  }
0x298: {  	v62 =	vor.u32 $0x3E, v10;
	v8 =	vld.idx.msk [tilespmem:v8+s12+$0x0], $0xffff  }
0x299: {  	v9 =	vadd.s32 $0x7380, v9;
	_ =	sdelay $0x3  }
0x29a: {  	s0 =	sadd.s32 $0xFFFFFFFF, s0;
	[tilespmem:v62+s21+$0x0] =	vst.idx.msk $0xffff, v8  }
0x29b: {  	p1 =	sne.s32 s0, $0x0;
	v63 =	vor.u32 $0x3F, v10;
	v8 =	vld.idx.msk [tilespmem:v9+s12+$0x0], $0xffff  }
.Ltmp22:
0x29c: {  	_ = 	snop;
	(pc) =	sbr.rel @p1 .LBB2_29-.Ltmp22, $3  }
0x29d: {  	_ =	sdelay $0x1  }
0x29e: {  	s23 =	spop (v2sf)  }
0x29f: {  	s2 =	sadd.s32 $0x10, s2;
	s25 =	sadd.s32 s25, s23;
	[tilespmem:v63+s21+$0x0] =	vst.idx.msk $0xffff, v8  }
.Ltmp23:
0x2a0: {  	_ = 	snop;
	(pc) =	sbr.rel .LBB2_30-.Ltmp23, $1  }
0x2a1: {  	_ =	sdelay $0x3  }
.LBB2_22:
.Ltmp24:
0x2a2: {  	(pc) =	sbr.rel .LBB2_26-.Ltmp24, $2  }
0x2a3: {  	_ =	sdelay $0x2  }
0x2a4: {  	s2 =	simm.s32 $0x0  }
.LBB2_24:
.Ltmp25:
0x2a5: {  	(pc) =	sbr.rel .LBB2_26-.Ltmp25, $2  }
0x2a6: {  	_ =	sdelay $0x2  }
0x2a7: {  	s2 =	simm.s32 $0x0  }
.LBB2_31:
0x2a8: {  	s0 =	sadd.s32 $0x2, s29  }
0x2a9: {  	p1 =	sge.u32 s0, s6  }
0x2aa: {  	s0 =	sshll.u32 @!p1 s0, $0xE;
	s2 =	simm.s32 @!p1 $0x1000  }
0x2ab: {  	s10 =	simm.s32 @!p1 $0x7A1400;
	s11 =	simm.s32 @!p1 $0x9900;
	s0 =	sadd.s32 @!p1 s0, s7  }
0x2ac: {  	[tilespmem:s11], [sflag:$0x1] =	stream.strided.gather @!p1 [hbm4b:s0+s2], $0x8000, s10, s2, $0x38;
	[tilespmem:$0x1E180] =	vst v63  }
.LBB2_32:
0x2ad: {  	s0 =	sor.u32 $0x1, s29  }
0x2ae: {  	p1 =	sge.u32 s0, s6  }
.Ltmp26:
0x2af: {  	_ = 	snop;
	(pc) =	sbr.rel @p1 .LBB2_58-.Ltmp26, $1  }
0x2b0: {  	_ =	sdelay $0x3  }
.Ltmp27:
0x2b1: {  	(pc) =	sbr.rel @p0 .LBB2_34-.Ltmp27, $4  }
0x2b2: {  	_ = 	snop  }
0x2b3: {  	s0 =	sshll.u32 s0, $0x5  }
0x2b4: {  	s2 =	sor.u32 s4, s0  }
0x2b5: {  	p1 =	sne.s32 s26, $0x1;
	s30 =	sadd.s32 $0xFFFFFFFF, s26;
	v5 =	vmov s2  }
.Ltmp28:
0x2b6: {  	(pc) =	sbr.rel @!p1 .LBB2_36-.Ltmp28, $3  }
0x2b7: {  	_ =	sdelay $0x1  }
0x2b8: {  	s0 =	simm.s32 $0x0  }
0x2b9: {  	p2 =	por $0x0, $0x0;
	v7 =	vor.u32 s0, v0  }
0x2ba: {  	vm0 =	vlt.s32 v7, $0x3FFF  }
0x2bb: {  	v9 =	vnsel vm0, $0x3FFF, v7;
	_ =	sdelay $0x4  }
0x2bc: {  	v6 =	vld.idx.msk [tilespmem:v9+s15+$0x0], $0xffff;
	_ =	sdelay $0x4  }
0x2bd: {  	v8 =	vshra.s32 v6, $0x9  }
0x2be: {  	vm0 =	vlt.s32 v7, v4;
	vm1 =	veq.s32 v8, v5  }
0x2bf: {  	vm0 =	vmand vm0, vm1  }
0x2c0: {  	v7 =	vsel vm0, $0x1, v2  }
0x2c1: {  	(xrf0) =	vadd.scan.msk.s32 $0xffff, v7;
	_ =	sdelay $0x2  }
0x2c2: {  	v7 =	vmov s0  }
0x2c3: {  	v7 =	vadd.s32 $0xFFFFFFFF, v7  }
0x2c4: {  	p3 =	sne.s32 s30, $0x1;
	v7 =	vbroadcast v7, $0x0  }
.Ltmp29:
0x2c5: {  	v10, _, _ =	vpop (xrf0);
	(pc) =	sbr.rel @!p3 .LBB2_38-.Ltmp29, $4  }
0x2c6: {  	v8 =	vadd.s32 v10, v7;
	(v2sf) =	vpush v10, $0xF  }
0x2c7: {  	vm1 =	vlt.u32 v8, $0x800  }
0x2c8: {  	s31 =	simm.s32 $0x10;
	vm0 =	vmand vm0, vm1  }
0x2c9: {  	s10 =	sadd.s32 $0xFFFFFFFF, s30;
	p2 =	por $0x1, $0x1;
	s23 =	simm.s32 $0x0;
	v9 =	vld.idx.msk [tilespmem:v9+s16+$0x0], $0xffff;
	v7 =	vor.u32 s31, v0  }
.LBB2_39:
0x2ca: {  	p3 =	sne.s32 s10, $0x1;
	vm1 =	vlt.s32 v7, $0x3FFF  }
0x2cb: {  	v10 =	vnsel vm1, $0x3FFF, v7;
	_ =	sdelay $0x2  }
0x2cc: {  	[tilespmem:v8+s17+$0x0] =	vst.idx.msk vm0, v6  }
0x2cd: {  	[tilespmem:v8+s18+$0x0] =	vst.idx.msk vm0, v9  }
0x2ce: {  	v6 =	vld.idx.msk [tilespmem:v10+s15+$0x0], $0xffff;
	_ =	sdelay $0x4  }
0x2cf: {  	s11 =	spop (v2sf)  }
0x2d0: {  	v8 =	vshra.s32 v6, $0x9;
	s23 =	sadd.s32 s23, s11  }
0x2d1: {  	vm0 =	vlt.s32 v7, v4;
	vm1 =	veq.s32 v8, v5;
	v7 =	vmov s23  }
0x2d2: {  	vm0 =	vmand vm0, vm1;
	v7 =	vadd.s32 $0xFFFFFFFF, v7  }
0x2d3: {  	v8 =	vsel vm0, $0x1, v2;
	v7 =	vbroadcast v7, $0x0  }
0x2d4: {  	(xrf0) =	vadd.scan.msk.s32 $0xffff, v8;
	_ =	sdelay $0x5  }
.Ltmp30:
0x2d5: {  	v9, _, _ =	vpop (xrf0);
	(pc) =	sbr.rel @p3 .LBB2_39-.Ltmp30, $4  }
0x2d6: {  	v8 =	vadd.s32 v9, v7;
	(v2sf) =	vpush v9, $0xF  }
0x2d7: {  	vm1 =	vlt.u32 v8, $0x800  }
0x2d8: {  	s31 =	sadd.s32 $0x10, s31;
	vm0 =	vmand vm0, vm1  }
0x2d9: {  	s10 =	sadd.s32 $0xFFFFFFFF, s10;
	v7 =	vor.u32 s31, v0;
	v9 =	vld.idx.msk [tilespmem:v10+s16+$0x0], $0xffff  }
.LBB2_40:
0x2da: {  	_ = 	snop  }
0x2db: {  	vm1 =	vlt.s32 v7, $0x3FFF  }
0x2dc: {  	v10 =	vnsel vm1, $0x3FFF, v7;
	_ =	sdelay $0x2  }
0x2dd: {  	[tilespmem:v8+s17+$0x0] =	vst.idx.msk @p2 vm0, v6  }
0x2de: {  	[tilespmem:v8+s18+$0x0] =	vst.idx.msk @p2 vm0, v9  }
0x2df: {  	v6 =	vld.idx.msk [tilespmem:v10+s15+$0x0], $0xffff;
	_ =	sdelay $0x4  }
0x2e0: {  	v61 =	vshra.s32 v6, $0x9  }
0x2e1: {  	vm13 =	vlt.s32 v7, v4;
	vm14 =	veq.s32 v61, v5  }
0x2e2: {  	vm0 =	vmand vm13, vm14  }
0x2e3: {  	v7 =	vsel vm0, $0x1, v2  }
0x2e4: {  	(xrf0) =	vadd.scan.msk.s32 $0xffff, v7;
	_ =	sdelay $0x5  }
0x2e5: {  	v7, _, _ =	vpop (xrf0)  }
0x2e6: {  	s10 =	spop @p2 (v2sf);
	(v2sf) =	vpush v7, $0xF  }
0x2e7: {  	s10 =	sadd.s32 @p2 s23, s10  }
0x2e8: {  	s0 =	smov.u32 @p2 s10  }
0x2e9: {  	v62 =	vmov s0  }
0x2ea: {  	v8 =	vadd.s32 $0xFFFFFFFF, v62  }
0x2eb: {  	v8 =	vbroadcast v8, $0x0;
	_ =	sdelay $0x1  }
0x2ec: {  	v7 =	vadd.s32 v7, v8  }
0x2ed: {  	vm15 =	vlt.u32 v7, $0x800  }
0x2ee: {  	vm0 =	vmand vm0, vm15;
	_ =	sdelay $0x1  }
0x2ef: {  	v63 =	vld.idx.msk [tilespmem:v10+s16+$0x0], $0xffff  }
.Ltmp31:
0x2f0: {  	_ = 	snop;
	(pc) =	sbr.rel .LBB2_41-.Ltmp31, $3  }
0x2f1: {  	_ =	sdelay $0x1  }
0x2f2: {  	[tilespmem:v7+s17+$0x0] =	vst.idx.msk vm0, v6;
	s23 =	spop (v2sf)  }
0x2f3: {  	[tilespmem:v7+s18+$0x0] =	vst.idx.msk vm0, v63;
	s31 =	sadd.s32 s0, s23  }
.LBB2_34:
0x2f4: {  	s31 =	simm.s32 $0x0  }
.LBB2_41:
0x2f5: {  	p2 =	slt.s32 s31, $0x800;
	s10 =	smov.u32 s31  }
0x2f6: {  	s10 =	simm.s32 @!p2 $0x800  }
0x2f7: {  	s0 =	sadd.s32 $0xF, s10  }
0x2f8: {  	s0 =	sshra.s32 s0, $0x4  }
0x2f9: {  	p2 =	slt.s32 s0, $0x1  }
.Ltmp32:
0x2fa: {  	_ = 	snop;
	(pc) =	sbr.rel @p2 .LBB2_44-.Ltmp32, $4  }
0x2fb: {  	_ = 	snop  }
0x2fc: {  	_ =	swait.ge [sflag:s22], $0x8000  }
0x2fd: {  	s2 =	sshll.u32 s2, $0x9;
	[sflag:s22] =	ssyncset.done $0x0  }
0x2fe: {  	v6 =	vmov s2;
	[sflag:s22] =	ssyncadd.s32 $0xFFFF8000  }
0x2ff: {  	v7 =	vmov s10;
	s2 =	simm.s32 $0x0  }
.LBB2_43:
0x300: {  	p2 =	slt.s32 s25, $0x70  }
0x301: {  	v8 =	vlaneseq.u32 @!p2  }
0x302: {  	v9 =	vadd.s32 @!p2 s25, v8  }
0x303: {  	vm0 =	vlt.s32 @!p2 v9, $0x80;
	vm1 =	vlt.s32 @!p2 v9, $0x7F  }
0x304: {  	v9 =	vnsel @!p2 vm1, $0x7F, v9;
	_ =	sdelay $0x3  }
0x305: {  	v10 =	vor.u32 s2, v0;
	s10 =	simm.s32 @!p2 $0x1E100;
	v8 =	vor.u32 @!p2 $0x4000, v8  }
0x306: {  	s11 =	simm.s32 @!p2 $0x80;
	s23 =	simm.s32 @!p2 $0x19900;
	vm13 =	vlt.s32 v10, $0x7FF;
	[tilespmem:v9+s10+$0x0] =	vst.idx.msk @!p2 vm0, v8  }
0x307: {  	v31 =	vnsel vm13, $0x7FF, v10;
	[hbm4b:s5+s11] =	stream.indirect.scatter @!p2 [tilespmem:s23], [sflag:$0x3], $0x80, s10, s11, $0xb8;
	[tilespmem:$0x1E180] =	vst v63  }
0x308: {  	vm14 =	vlt.s32 v10, v7;
	s10 =	simm.s32 @!p2 $0x3  }
0x309: {  	v8 =	vsel vm14, $0x1, v2;
	_ =	swait.ge @!p2 [sflag:s10], $0x4000  }
0x30a: {  	p3 =	sgt.s32 s25, $0x6F;
	[sflag:s10] =	ssyncset.done @!p2 $0x0;
	(xrf0) =	vadd.scan.msk.s32 $0xffff, v8  }
0x30b: {  	s25 =	simm.s32 @p3 $0x0;
	[sflag:s10] =	ssyncadd.s32 @!p2 $0xFFFFC000  }
0x30c: {  	v8 =	vmov s25;
	v32 =	vld.idx.msk [tilespmem:v31+s17+$0x0], $0xffff  }
0x30d: {  	v8 =	vadd.s32 $0xFFFFFFFF, v8;
	_ =	sdelay $0x1  }
0x30e: {  	v11 =	vbroadcast v8, $0x0  }
0x30f: {  	v8, _, _ =	vpop (xrf0)  }
0x310: {  	v10 =	vsub.s32 v32, v6;
	v11 =	vadd.s32 v8, v11  }
0x311: {  	v10 =	vnsel vm14, $0x0, v10;
	v11 =	vsel vm14, v11, v3  }
0x312: {  	vm15 =	vlt.s32 v11, $0x7F;
	v12 =	vshll.u32 v10, $0x3  }
0x313: {  	v13 =	vld.idx.msk [tilespmem:v31+s18+$0x0], $0xffff;
	v33 =	vand.u32 $0x7F, v10;
	v14 =	vnsel vm15, $0x7F, v11;
	v34 =	vand.u32 $0xFFFFFC00, v12  }
0x314: {  	v9 =	vor.u32 v33, v34;
	_ =	sdelay $0x3  }
0x315: {  	[tilespmem:v14+s20+$0x0] =	vst.idx.msk vm14, v13  }
0x316: {  	v10 =	vshll.u32 v11, $0x7;
	v35 =	vld.idx.msk [tilespmem:v9+s13+$0x0], $0xffff  }
0x317: {  	v36 =	vor.u32 $0x80, v9;
	_ =	sdelay $0x3  }
0x318: {  	[tilespmem:v10+s21+$0x0] =	vst.idx.msk $0xffff, v35  }
0x319: {  	v37 =	vor.u32 $0x1, v10;
	v11 =	vld.idx.msk [tilespmem:v36+s13+$0x0], $0xffff  }
0x31a: {  	v38 =	vor.u32 $0x100, v9;
	_ =	sdelay $0x3  }
0x31b: {  	[tilespmem:v37+s21+$0x0] =	vst.idx.msk $0xffff, v11  }
0x31c: {  	v39 =	vor.u32 $0x2, v10;
	v11 =	vld.idx.msk [tilespmem:v38+s13+$0x0], $0xffff  }
0x31d: {  	v40 =	vor.u32 $0x180, v9;
	_ =	sdelay $0x3  }
0x31e: {  	[tilespmem:v39+s21+$0x0] =	vst.idx.msk $0xffff, v11  }
0x31f: {  	v41 =	vor.u32 $0x3, v10;
	v11 =	vld.idx.msk [tilespmem:v40+s13+$0x0], $0xffff  }
0x320: {  	v42 =	vor.u32 $0x200, v9;
	_ =	sdelay $0x3  }
0x321: {  	[tilespmem:v41+s21+$0x0] =	vst.idx.msk $0xffff, v11  }
0x322: {  	v43 =	vor.u32 $0x4, v10;
	v11 =	vld.idx.msk [tilespmem:v42+s13+$0x0], $0xffff  }
0x323: {  	v44 =	vor.u32 $0x280, v9;
	_ =	sdelay $0x3  }
0x324: {  	[tilespmem:v43+s21+$0x0] =	vst.idx.msk $0xffff, v11  }
0x325: {  	v45 =	vor.u32 $0x5, v10;
	v11 =	vld.idx.msk [tilespmem:v44+s13+$0x0], $0xffff  }
0x326: {  	v46 =	vor.u32 $0x300, v9;
	_ =	sdelay $0x3  }
0x327: {  	[tilespmem:v45+s21+$0x0] =	vst.idx.msk $0xffff, v11  }
0x328: {  	v47 =	vor.u32 $0x6, v10;
	v11 =	vld.idx.msk [tilespmem:v46+s13+$0x0], $0xffff  }
0x329: {  	v48 =	vor.u32 $0x380, v9;
	_ =	sdelay $0x3  }
0x32a: {  	[tilespmem:v47+s21+$0x0] =	vst.idx.msk $0xffff, v11  }
0x32b: {  	v49 =	vor.u32 $0x7, v10;
	v11 =	vld.idx.msk [tilespmem:v48+s13+$0x0], $0xffff  }
0x32c: {  	v50 =	vadd.s32 $0x1000, v9;
	_ =	sdelay $0x3  }
0x32d: {  	[tilespmem:v49+s21+$0x0] =	vst.idx.msk $0xffff, v11  }
0x32e: {  	v51 =	vor.u32 $0x8, v10;
	v11 =	vld.idx.msk [tilespmem:v50+s13+$0x0], $0xffff  }
0x32f: {  	v52 =	vadd.s32 $0x1080, v9;
	_ =	sdelay $0x3  }
0x330: {  	[tilespmem:v51+s21+$0x0] =	vst.idx.msk $0xffff, v11  }
0x331: {  	v53 =	vor.u32 $0x9, v10;
	v11 =	vld.idx.msk [tilespmem:v52+s13+$0x0], $0xffff  }
0x332: {  	v54 =	vadd.s32 $0x1100, v9;
	_ =	sdelay $0x3  }
0x333: {  	[tilespmem:v53+s21+$0x0] =	vst.idx.msk $0xffff, v11  }
0x334: {  	v55 =	vor.u32 $0xA, v10;
	v11 =	vld.idx.msk [tilespmem:v54+s13+$0x0], $0xffff  }
0x335: {  	v56 =	vadd.s32 $0x1180, v9;
	_ =	sdelay $0x3  }
0x336: {  	[tilespmem:v55+s21+$0x0] =	vst.idx.msk $0xffff, v11  }
0x337: {  	v57 =	vor.u32 $0xB, v10;
	v11 =	vld.idx.msk [tilespmem:v56+s13+$0x0], $0xffff  }
0x338: {  	v58 =	vadd.s32 $0x1200, v9;
	_ =	sdelay $0x3  }
0x339: {  	[tilespmem:v57+s21+$0x0] =	vst.idx.msk $0xffff, v11  }
0x33a: {  	v59 =	vor.u32 $0xC, v10;
	v11 =	vld.idx.msk [tilespmem:v58+s13+$0x0], $0xffff  }
0x33b: {  	v60 =	vadd.s32 $0x1280, v9;
	_ =	sdelay $0x3  }
0x33c: {  	[tilespmem:v59+s21+$0x0] =	vst.idx.msk $0xffff, v11  }
0x33d: {  	v61 =	vor.u32 $0xD, v10;
	v11 =	vld.idx.msk [tilespmem:v60+s13+$0x0], $0xffff  }
0x33e: {  	v62 =	vadd.s32 $0x1300, v9;
	_ =	sdelay $0x3  }
0x33f: {  	[tilespmem:v61+s21+$0x0] =	vst.idx.msk $0xffff, v11  }
0x340: {  	v63 =	vor.u32 $0xE, v10;
	v11 =	vld.idx.msk [tilespmem:v62+s13+$0x0], $0xffff  }
0x341: {  	v16 =	vadd.s32 $0x1380, v9;
	_ =	sdelay $0x3  }
0x342: {  	[tilespmem:v63+s21+$0x0] =	vst.idx.msk $0xffff, v11  }
0x343: {  	v17 =	vor.u32 $0xF, v10;
	v11 =	vld.idx.msk [tilespmem:v16+s13+$0x0], $0xffff  }
0x344: {  	v18 =	vadd.s32 $0x2000, v9;
	_ =	sdelay $0x3  }
0x345: {  	[tilespmem:v17+s21+$0x0] =	vst.idx.msk $0xffff, v11  }
0x346: {  	v19 =	vor.u32 $0x10, v10;
	v11 =	vld.idx.msk [tilespmem:v18+s13+$0x0], $0xffff  }
0x347: {  	v20 =	vadd.s32 $0x2080, v9;
	_ =	sdelay $0x3  }
0x348: {  	[tilespmem:v19+s21+$0x0] =	vst.idx.msk $0xffff, v11  }
0x349: {  	v21 =	vor.u32 $0x11, v10;
	v11 =	vld.idx.msk [tilespmem:v20+s13+$0x0], $0xffff  }
0x34a: {  	v22 =	vadd.s32 $0x2100, v9;
	_ =	sdelay $0x3  }
0x34b: {  	[tilespmem:v21+s21+$0x0] =	vst.idx.msk $0xffff, v11  }
0x34c: {  	v23 =	vor.u32 $0x12, v10;
	v11 =	vld.idx.msk [tilespmem:v22+s13+$0x0], $0xffff  }
0x34d: {  	v24 =	vadd.s32 $0x2180, v9;
	_ =	sdelay $0x3  }
0x34e: {  	[tilespmem:v23+s21+$0x0] =	vst.idx.msk $0xffff, v11  }
0x34f: {  	v25 =	vor.u32 $0x13, v10;
	v11 =	vld.idx.msk [tilespmem:v24+s13+$0x0], $0xffff  }
0x350: {  	v26 =	vadd.s32 $0x2200, v9;
	_ =	sdelay $0x3  }
0x351: {  	[tilespmem:v25+s21+$0x0] =	vst.idx.msk $0xffff, v11  }
0x352: {  	v27 =	vor.u32 $0x14, v10;
	v11 =	vld.idx.msk [tilespmem:v26+s13+$0x0], $0xffff  }
0x353: {  	v28 =	vadd.s32 $0x2280, v9;
	_ =	sdelay $0x3  }
0x354: {  	[tilespmem:v27+s21+$0x0] =	vst.idx.msk $0xffff, v11  }
0x355: {  	v29 =	vor.u32 $0x15, v10;
	v11 =	vld.idx.msk [tilespmem:v28+s13+$0x0], $0xffff  }
0x356: {  	v30 =	vadd.s32 $0x2300, v9;
	_ =	sdelay $0x3  }
0x357: {  	[tilespmem:v29+s21+$0x0] =	vst.idx.msk $0xffff, v11  }
0x358: {  	v31 =	vor.u32 $0x16, v10;
	v11 =	vld.idx.msk [tilespmem:v30+s13+$0x0], $0xffff  }
0x359: {  	v32 =	vadd.s32 $0x2380, v9;
	_ =	sdelay $0x3  }
0x35a: {  	[tilespmem:v31+s21+$0x0] =	vst.idx.msk $0xffff, v11  }
0x35b: {  	v33 =	vor.u32 $0x17, v10;
	v11 =	vld.idx.msk [tilespmem:v32+s13+$0x0], $0xffff  }
0x35c: {  	v34 =	vadd.s32 $0x3000, v9;
	_ =	sdelay $0x3  }
0x35d: {  	[tilespmem:v33+s21+$0x0] =	vst.idx.msk $0xffff, v11  }
0x35e: {  	v35 =	vor.u32 $0x18, v10;
	v11 =	vld.idx.msk [tilespmem:v34+s13+$0x0], $0xffff  }
0x35f: {  	v36 =	vadd.s32 $0x3080, v9;
	_ =	sdelay $0x3  }
0x360: {  	[tilespmem:v35+s21+$0x0] =	vst.idx.msk $0xffff, v11  }
0x361: {  	v37 =	vor.u32 $0x19, v10;
	v11 =	vld.idx.msk [tilespmem:v36+s13+$0x0], $0xffff  }
0x362: {  	v38 =	vadd.s32 $0x3100, v9;
	_ =	sdelay $0x3  }
0x363: {  	[tilespmem:v37+s21+$0x0] =	vst.idx.msk $0xffff, v11  }
0x364: {  	v39 =	vor.u32 $0x1A, v10;
	v11 =	vld.idx.msk [tilespmem:v38+s13+$0x0], $0xffff  }
0x365: {  	v40 =	vadd.s32 $0x3180, v9;
	_ =	sdelay $0x3  }
0x366: {  	[tilespmem:v39+s21+$0x0] =	vst.idx.msk $0xffff, v11  }
0x367: {  	v41 =	vor.u32 $0x1B, v10;
	v11 =	vld.idx.msk [tilespmem:v40+s13+$0x0], $0xffff  }
0x368: {  	v42 =	vadd.s32 $0x3200, v9;
	_ =	sdelay $0x3  }
0x369: {  	[tilespmem:v41+s21+$0x0] =	vst.idx.msk $0xffff, v11  }
0x36a: {  	v43 =	vor.u32 $0x1C, v10;
	v11 =	vld.idx.msk [tilespmem:v42+s13+$0x0], $0xffff  }
0x36b: {  	v44 =	vadd.s32 $0x3280, v9;
	_ =	sdelay $0x3  }
0x36c: {  	[tilespmem:v43+s21+$0x0] =	vst.idx.msk $0xffff, v11  }
0x36d: {  	v45 =	vor.u32 $0x1D, v10;
	v11 =	vld.idx.msk [tilespmem:v44+s13+$0x0], $0xffff  }
0x36e: {  	v46 =	vadd.s32 $0x3300, v9;
	_ =	sdelay $0x3  }
0x36f: {  	[tilespmem:v45+s21+$0x0] =	vst.idx.msk $0xffff, v11  }
0x370: {  	v47 =	vor.u32 $0x1E, v10;
	v11 =	vld.idx.msk [tilespmem:v46+s13+$0x0], $0xffff  }
0x371: {  	v48 =	vadd.s32 $0x3380, v9;
	_ =	sdelay $0x3  }
0x372: {  	[tilespmem:v47+s21+$0x0] =	vst.idx.msk $0xffff, v11  }
0x373: {  	v49 =	vor.u32 $0x1F, v10;
	v11 =	vld.idx.msk [tilespmem:v48+s13+$0x0], $0xffff  }
0x374: {  	v50 =	vadd.s32 $0x4000, v9;
	_ =	sdelay $0x3  }
0x375: {  	[tilespmem:v49+s21+$0x0] =	vst.idx.msk $0xffff, v11  }
0x376: {  	v51 =	vor.u32 $0x20, v10;
	v11 =	vld.idx.msk [tilespmem:v50+s13+$0x0], $0xffff  }
0x377: {  	v52 =	vadd.s32 $0x4080, v9;
	_ =	sdelay $0x3  }
0x378: {  	[tilespmem:v51+s21+$0x0] =	vst.idx.msk $0xffff, v11  }
0x379: {  	v53 =	vor.u32 $0x21, v10;
	v11 =	vld.idx.msk [tilespmem:v52+s13+$0x0], $0xffff  }
0x37a: {  	v54 =	vadd.s32 $0x4100, v9;
	_ =	sdelay $0x3  }
0x37b: {  	[tilespmem:v53+s21+$0x0] =	vst.idx.msk $0xffff, v11  }
0x37c: {  	v55 =	vor.u32 $0x22, v10;
	v11 =	vld.idx.msk [tilespmem:v54+s13+$0x0], $0xffff  }
0x37d: {  	v56 =	vadd.s32 $0x4180, v9;
	_ =	sdelay $0x3  }
0x37e: {  	[tilespmem:v55+s21+$0x0] =	vst.idx.msk $0xffff, v11  }
0x37f: {  	v57 =	vor.u32 $0x23, v10;
	v11 =	vld.idx.msk [tilespmem:v56+s13+$0x0], $0xffff  }
0x380: {  	v58 =	vadd.s32 $0x4200, v9;
	_ =	sdelay $0x3  }
0x381: {  	[tilespmem:v57+s21+$0x0] =	vst.idx.msk $0xffff, v11  }
0x382: {  	v59 =	vor.u32 $0x24, v10;
	v11 =	vld.idx.msk [tilespmem:v58+s13+$0x0], $0xffff  }
0x383: {  	v60 =	vadd.s32 $0x4280, v9;
	_ =	sdelay $0x3  }
0x384: {  	[tilespmem:v59+s21+$0x0] =	vst.idx.msk $0xffff, v11  }
0x385: {  	v61 =	vor.u32 $0x25, v10;
	v11 =	vld.idx.msk [tilespmem:v60+s13+$0x0], $0xffff  }
0x386: {  	v62 =	vadd.s32 $0x4300, v9;
	_ =	sdelay $0x3  }
0x387: {  	[tilespmem:v61+s21+$0x0] =	vst.idx.msk $0xffff, v11  }
0x388: {  	v63 =	vor.u32 $0x26, v10;
	v11 =	vld.idx.msk [tilespmem:v62+s13+$0x0], $0xffff  }
0x389: {  	v16 =	vadd.s32 $0x4380, v9;
	_ =	sdelay $0x3  }
0x38a: {  	[tilespmem:v63+s21+$0x0] =	vst.idx.msk $0xffff, v11  }
0x38b: {  	v17 =	vor.u32 $0x27, v10;
	v11 =	vld.idx.msk [tilespmem:v16+s13+$0x0], $0xffff  }
0x38c: {  	v18 =	vadd.s32 $0x5000, v9;
	_ =	sdelay $0x3  }
0x38d: {  	[tilespmem:v17+s21+$0x0] =	vst.idx.msk $0xffff, v11  }
0x38e: {  	v19 =	vor.u32 $0x28, v10;
	v11 =	vld.idx.msk [tilespmem:v18+s13+$0x0], $0xffff  }
0x38f: {  	v20 =	vadd.s32 $0x5080, v9;
	_ =	sdelay $0x3  }
0x390: {  	[tilespmem:v19+s21+$0x0] =	vst.idx.msk $0xffff, v11  }
0x391: {  	v21 =	vor.u32 $0x29, v10;
	v11 =	vld.idx.msk [tilespmem:v20+s13+$0x0], $0xffff  }
0x392: {  	v22 =	vadd.s32 $0x5100, v9;
	_ =	sdelay $0x3  }
0x393: {  	[tilespmem:v21+s21+$0x0] =	vst.idx.msk $0xffff, v11  }
0x394: {  	v23 =	vor.u32 $0x2A, v10;
	v11 =	vld.idx.msk [tilespmem:v22+s13+$0x0], $0xffff  }
0x395: {  	v24 =	vadd.s32 $0x5180, v9;
	_ =	sdelay $0x3  }
0x396: {  	[tilespmem:v23+s21+$0x0] =	vst.idx.msk $0xffff, v11  }
0x397: {  	v25 =	vor.u32 $0x2B, v10;
	v11 =	vld.idx.msk [tilespmem:v24+s13+$0x0], $0xffff  }
0x398: {  	v26 =	vadd.s32 $0x5200, v9;
	_ =	sdelay $0x3  }
0x399: {  	[tilespmem:v25+s21+$0x0] =	vst.idx.msk $0xffff, v11  }
0x39a: {  	v27 =	vor.u32 $0x2C, v10;
	v11 =	vld.idx.msk [tilespmem:v26+s13+$0x0], $0xffff  }
0x39b: {  	v28 =	vadd.s32 $0x5280, v9;
	_ =	sdelay $0x3  }
0x39c: {  	[tilespmem:v27+s21+$0x0] =	vst.idx.msk $0xffff, v11  }
0x39d: {  	v29 =	vor.u32 $0x2D, v10;
	v11 =	vld.idx.msk [tilespmem:v28+s13+$0x0], $0xffff  }
0x39e: {  	v30 =	vadd.s32 $0x5300, v9;
	_ =	sdelay $0x3  }
0x39f: {  	[tilespmem:v29+s21+$0x0] =	vst.idx.msk $0xffff, v11  }
0x3a0: {  	v31 =	vor.u32 $0x2E, v10;
	v11 =	vld.idx.msk [tilespmem:v30+s13+$0x0], $0xffff  }
0x3a1: {  	v32 =	vadd.s32 $0x5380, v9;
	_ =	sdelay $0x3  }
0x3a2: {  	[tilespmem:v31+s21+$0x0] =	vst.idx.msk $0xffff, v11  }
0x3a3: {  	v33 =	vor.u32 $0x2F, v10;
	v11 =	vld.idx.msk [tilespmem:v32+s13+$0x0], $0xffff  }
0x3a4: {  	v34 =	vadd.s32 $0x6000, v9;
	_ =	sdelay $0x3  }
0x3a5: {  	[tilespmem:v33+s21+$0x0] =	vst.idx.msk $0xffff, v11  }
0x3a6: {  	v35 =	vor.u32 $0x30, v10;
	v11 =	vld.idx.msk [tilespmem:v34+s13+$0x0], $0xffff  }
0x3a7: {  	v36 =	vadd.s32 $0x6080, v9;
	_ =	sdelay $0x3  }
0x3a8: {  	[tilespmem:v35+s21+$0x0] =	vst.idx.msk $0xffff, v11  }
0x3a9: {  	v37 =	vor.u32 $0x31, v10;
	v11 =	vld.idx.msk [tilespmem:v36+s13+$0x0], $0xffff  }
0x3aa: {  	v38 =	vadd.s32 $0x6100, v9;
	_ =	sdelay $0x3  }
0x3ab: {  	[tilespmem:v37+s21+$0x0] =	vst.idx.msk $0xffff, v11  }
0x3ac: {  	v39 =	vor.u32 $0x32, v10;
	v11 =	vld.idx.msk [tilespmem:v38+s13+$0x0], $0xffff  }
0x3ad: {  	v40 =	vadd.s32 $0x6180, v9;
	_ =	sdelay $0x3  }
0x3ae: {  	[tilespmem:v39+s21+$0x0] =	vst.idx.msk $0xffff, v11  }
0x3af: {  	v41 =	vor.u32 $0x33, v10;
	v11 =	vld.idx.msk [tilespmem:v40+s13+$0x0], $0xffff  }
0x3b0: {  	v42 =	vadd.s32 $0x6200, v9;
	_ =	sdelay $0x3  }
0x3b1: {  	[tilespmem:v41+s21+$0x0] =	vst.idx.msk $0xffff, v11  }
0x3b2: {  	v43 =	vor.u32 $0x34, v10;
	v11 =	vld.idx.msk [tilespmem:v42+s13+$0x0], $0xffff  }
0x3b3: {  	v44 =	vadd.s32 $0x6280, v9;
	_ =	sdelay $0x3  }
0x3b4: {  	[tilespmem:v43+s21+$0x0] =	vst.idx.msk $0xffff, v11  }
0x3b5: {  	v45 =	vor.u32 $0x35, v10;
	v11 =	vld.idx.msk [tilespmem:v44+s13+$0x0], $0xffff  }
0x3b6: {  	v46 =	vadd.s32 $0x6300, v9;
	_ =	sdelay $0x3  }
0x3b7: {  	[tilespmem:v45+s21+$0x0] =	vst.idx.msk $0xffff, v11  }
0x3b8: {  	v47 =	vor.u32 $0x36, v10;
	v11 =	vld.idx.msk [tilespmem:v46+s13+$0x0], $0xffff  }
0x3b9: {  	v48 =	vadd.s32 $0x6380, v9;
	_ =	sdelay $0x3  }
0x3ba: {  	[tilespmem:v47+s21+$0x0] =	vst.idx.msk $0xffff, v11  }
0x3bb: {  	v49 =	vor.u32 $0x37, v10;
	v11 =	vld.idx.msk [tilespmem:v48+s13+$0x0], $0xffff  }
0x3bc: {  	v50 =	vadd.s32 $0x7000, v9;
	_ =	sdelay $0x3  }
0x3bd: {  	[tilespmem:v49+s21+$0x0] =	vst.idx.msk $0xffff, v11  }
0x3be: {  	v51 =	vor.u32 $0x38, v10;
	v11 =	vld.idx.msk [tilespmem:v50+s13+$0x0], $0xffff  }
0x3bf: {  	v52 =	vadd.s32 $0x7080, v9;
	_ =	sdelay $0x3  }
0x3c0: {  	[tilespmem:v51+s21+$0x0] =	vst.idx.msk $0xffff, v11  }
0x3c1: {  	v53 =	vor.u32 $0x39, v10;
	v11 =	vld.idx.msk [tilespmem:v52+s13+$0x0], $0xffff  }
0x3c2: {  	v54 =	vadd.s32 $0x7100, v9;
	_ =	sdelay $0x3  }
0x3c3: {  	[tilespmem:v53+s21+$0x0] =	vst.idx.msk $0xffff, v11  }
0x3c4: {  	v55 =	vor.u32 $0x3A, v10;
	v11 =	vld.idx.msk [tilespmem:v54+s13+$0x0], $0xffff  }
0x3c5: {  	v56 =	vadd.s32 $0x7180, v9;
	_ =	sdelay $0x3  }
0x3c6: {  	[tilespmem:v55+s21+$0x0] =	vst.idx.msk $0xffff, v11  }
0x3c7: {  	v57 =	vor.u32 $0x3B, v10;
	v11 =	vld.idx.msk [tilespmem:v56+s13+$0x0], $0xffff  }
0x3c8: {  	v58 =	vadd.s32 $0x7200, v9;
	_ =	sdelay $0x3  }
0x3c9: {  	[tilespmem:v57+s21+$0x0] =	vst.idx.msk $0xffff, v11  }
0x3ca: {  	v59 =	vor.u32 $0x3C, v10;
	v11 =	vld.idx.msk [tilespmem:v58+s13+$0x0], $0xffff  }
0x3cb: {  	v60 =	vadd.s32 $0x7280, v9;
	_ =	sdelay $0x3  }
0x3cc: {  	[tilespmem:v59+s21+$0x0] =	vst.idx.msk $0xffff, v11  }
0x3cd: {  	v61 =	vor.u32 $0x3D, v10;
	v11 =	vld.idx.msk [tilespmem:v60+s13+$0x0], $0xffff  }
0x3ce: {  	(v2sf) =	vpush v8, $0xF;
	v8 =	vadd.s32 $0x7300, v9;
	_ =	sdelay $0x3  }
0x3cf: {  	[tilespmem:v61+s21+$0x0] =	vst.idx.msk $0xffff, v11  }
0x3d0: {  	v62 =	vor.u32 $0x3E, v10;
	v8 =	vld.idx.msk [tilespmem:v8+s13+$0x0], $0xffff  }
0x3d1: {  	v9 =	vadd.s32 $0x7380, v9;
	_ =	sdelay $0x3  }
0x3d2: {  	s0 =	sadd.s32 $0xFFFFFFFF, s0;
	[tilespmem:v62+s21+$0x0] =	vst.idx.msk $0xffff, v8  }
0x3d3: {  	p2 =	seq.s32 s0, $0x0;
	v63 =	vor.u32 $0x3F, v10;
	v8 =	vld.idx.msk [tilespmem:v9+s13+$0x0], $0xffff  }
.Ltmp33:
0x3d4: {  	_ = 	snop;
	(pc) =	sbr.rel @!p2 .LBB2_43-.Ltmp33, $3  }
0x3d5: {  	_ =	sdelay $0x1  }
0x3d6: {  	s23 =	spop (v2sf)  }
0x3d7: {  	s2 =	sadd.s32 $0x10, s2;
	s25 =	sadd.s32 s25, s23;
	[tilespmem:v63+s21+$0x0] =	vst.idx.msk $0xffff, v8  }
.LBB2_44:
0x3d8: {  	p2 =	slt.s32 s31, $0x801  }
.Ltmp34:
0x3d9: {  	_ = 	snop;
	(pc) =	sbr.rel @p2 .LBB2_57-.Ltmp34, $1  }
0x3da: {  	_ =	sdelay $0x3  }
.Ltmp35:
0x3db: {  	(pc) =	sbr.rel .LBB2_46-.Ltmp35, $2  }
0x3dc: {  	_ =	sdelay $0x2  }
0x3dd: {  	s0 =	simm.s32 $0x800  }
.LBB2_56:
0x3de: {  	s0 =	sadd.s32 $0x800, s0  }
0x3df: {  	p2 =	slt.s32 s0, s31  }
.Ltmp36:
0x3e0: {  	_ = 	snop;
	(pc) =	sbr.rel @!p2 .LBB2_57-.Ltmp36, $1  }
0x3e1: {  	_ =	sdelay $0x3  }
.LBB2_46:
.Ltmp37:
0x3e2: {  	(pc) =	sbr.rel @p0 .LBB2_53-.Ltmp37, $1  }
0x3e3: {  	_ =	sdelay $0x3  }
.Ltmp38:
0x3e4: {  	(pc) =	sbr.rel @!p1 .LBB2_48-.Ltmp38, $3  }
0x3e5: {  	_ =	sdelay $0x1  }
0x3e6: {  	v7 =	vmov s0;
	s2 =	simm.s32 $0x0  }
0x3e7: {  	p2 =	por $0x0, $0x0;
	v7 =	vxor.u32 $0xFFFFFFFF, v7;
	v9 =	vor.u32 s2, v0  }
0x3e8: {  	vm0 =	vlt.s32 v9, $0x3FFF  }
0x3e9: {  	v11 =	vnsel vm0, $0x3FFF, v9;
	_ =	sdelay $0x4  }
0x3ea: {  	v8 =	vld.idx.msk [tilespmem:v11+s15+$0x0], $0xffff;
	_ =	sdelay $0x4  }
0x3eb: {  	v10 =	vshra.s32 v8, $0x9  }
0x3ec: {  	vm0 =	vlt.s32 v9, v4;
	vm1 =	veq.s32 v10, v5  }
0x3ed: {  	vm0 =	vmand vm0, vm1  }
0x3ee: {  	v9 =	vsel vm0, $0x1, v2  }
0x3ef: {  	(xrf0) =	vadd.scan.msk.s32 $0xffff, v9;
	_ =	sdelay $0x3  }
0x3f0: {  	v9 =	vadd.s32 s2, v7  }
0x3f1: {  	p3 =	sne.s32 s30, $0x1;
	v9 =	vbroadcast v9, $0x0  }
.Ltmp39:
0x3f2: {  	v12, _, _ =	vpop (xrf0);
	(pc) =	sbr.rel @!p3 .LBB2_50-.Ltmp39, $4  }
0x3f3: {  	v10 =	vadd.s32 v9, v12;
	(v2sf) =	vpush v12, $0xF  }
0x3f4: {  	vm1 =	vlt.u32 v10, $0x800  }
0x3f5: {  	s10 =	simm.s32 $0x10;
	vm0 =	vmand vm0, vm1  }
0x3f6: {  	s11 =	sadd.s32 $0xFFFFFFFF, s30;
	p2 =	por $0x1, $0x1;
	s23 =	simm.s32 $0x0;
	v11 =	vld.idx.msk [tilespmem:v11+s16+$0x0], $0xffff;
	v9 =	vor.u32 s10, v0  }
.LBB2_51:
0x3f7: {  	p3 =	sne.s32 s11, $0x1;
	vm1 =	vlt.s32 v9, $0x3FFF  }
0x3f8: {  	v12 =	vnsel vm1, $0x3FFF, v9;
	_ =	sdelay $0x2  }
0x3f9: {  	[tilespmem:v10+s17+$0x0] =	vst.idx.msk vm0, v8  }
0x3fa: {  	[tilespmem:v10+s18+$0x0] =	vst.idx.msk vm0, v11  }
0x3fb: {  	v8 =	vld.idx.msk [tilespmem:v12+s15+$0x0], $0xffff;
	_ =	sdelay $0x4  }
0x3fc: {  	s8 =	spop (v2sf)  }
0x3fd: {  	v10 =	vshra.s32 v8, $0x9;
	s23 =	sadd.s32 s23, s8  }
0x3fe: {  	vm0 =	vlt.s32 v9, v4;
	vm1 =	veq.s32 v10, v5;
	v9 =	vadd.s32 s23, v7  }
0x3ff: {  	vm0 =	vmand vm0, vm1;
	v9 =	vbroadcast v9, $0x0  }
0x400: {  	v10 =	vsel vm0, $0x1, v2  }
0x401: {  	(xrf0) =	vadd.scan.msk.s32 $0xffff, v10;
	_ =	sdelay $0x5  }
.Ltmp40:
0x402: {  	v11, _, _ =	vpop (xrf0);
	(pc) =	sbr.rel @p3 .LBB2_51-.Ltmp40, $4  }
0x403: {  	v10 =	vadd.s32 v9, v11;
	(v2sf) =	vpush v11, $0xF  }
0x404: {  	vm1 =	vlt.u32 v10, $0x800  }
0x405: {  	s10 =	sadd.s32 $0x10, s10;
	vm0 =	vmand vm0, vm1  }
0x406: {  	s11 =	sadd.s32 $0xFFFFFFFF, s11;
	v9 =	vor.u32 s10, v0;
	v11 =	vld.idx.msk [tilespmem:v12+s16+$0x0], $0xffff  }
.LBB2_52:
0x407: {  	_ = 	snop  }
0x408: {  	vm1 =	vlt.s32 v9, $0x3FFF  }
0x409: {  	v12 =	vnsel vm1, $0x3FFF, v9;
	_ =	sdelay $0x2  }
0x40a: {  	[tilespmem:v10+s17+$0x0] =	vst.idx.msk @p2 vm0, v8  }
0x40b: {  	[tilespmem:v10+s18+$0x0] =	vst.idx.msk @p2 vm0, v11  }
0x40c: {  	v8 =	vld.idx.msk [tilespmem:v12+s15+$0x0], $0xffff;
	_ =	sdelay $0x4  }
0x40d: {  	v61 =	vshra.s32 v8, $0x9  }
0x40e: {  	vm13 =	vlt.s32 v9, v4;
	vm14 =	veq.s32 v61, v5  }
0x40f: {  	vm0 =	vmand vm13, vm14  }
0x410: {  	v62 =	vsel vm0, $0x1, v2  }
0x411: {  	(xrf0) =	vadd.scan.msk.s32 $0xffff, v62;
	_ =	sdelay $0x5  }
0x412: {  	v9, _, _ =	vpop (xrf0)  }
0x413: {  	s8 =	spop @p2 (v2sf);
	(v2sf) =	vpush v9, $0xF  }
0x414: {  	s8 =	sadd.s32 @p2 s23, s8  }
0x415: {  	s2 =	smov.u32 @p2 s8  }
0x416: {  	v7 =	vadd.s32 s2, v7  }
0x417: {  	v7 =	vbroadcast v7, $0x0;
	_ =	sdelay $0x1  }
0x418: {  	v7 =	vadd.s32 v7, v9  }
0x419: {  	vm15 =	vlt.u32 v7, $0x800  }
0x41a: {  	vm0 =	vmand vm0, vm15;
	_ =	sdelay $0x1  }
0x41b: {  	v63 =	vld.idx.msk [tilespmem:v12+s16+$0x0], $0xffff;
	_ =	sdelay $0x3  }
0x41c: {  	[tilespmem:v7+s17+$0x0] =	vst.idx.msk vm0, v8  }
0x41d: {  	[tilespmem:v7+s18+$0x0] =	vst.idx.msk vm0, v63;
	s23 =	spop (v2sf)  }
.LBB2_53:
0x41e: {  	s10 =	ssub.s32 s31, s0  }
0x41f: {  	p2 =	slt.s32 s10, $0x800  }
0x420: {  	s10 =	simm.s32 @!p2 $0x800  }
0x421: {  	s2 =	sadd.s32 $0xF, s10  }
0x422: {  	s2 =	sshra.s32 s2, $0x4  }
0x423: {  	p2 =	slt.s32 s2, $0x1  }
.Ltmp41:
0x424: {  	_ = 	snop;
	(pc) =	sbr.rel @p2 .LBB2_56-.Ltmp41, $1  }
0x425: {  	_ =	sdelay $0x3  }
0x426: {  	v7 =	vmov s10;
	s23 =	simm.s32 $0x0  }
.LBB2_55:
0x427: {  	p2 =	slt.s32 s25, $0x70  }
0x428: {  	v8 =	vlaneseq.u32 @!p2  }
0x429: {  	v9 =	vadd.s32 @!p2 s25, v8  }
0x42a: {  	vm0 =	vlt.s32 @!p2 v9, $0x80;
	vm1 =	vlt.s32 @!p2 v9, $0x7F  }
0x42b: {  	v9 =	vnsel @!p2 vm1, $0x7F, v9;
	_ =	sdelay $0x3  }
0x42c: {  	v10 =	vor.u32 s23, v0;
	s8 =	simm.s32 @!p2 $0x1E100;
	v8 =	vor.u32 @!p2 $0x4000, v8  }
0x42d: {  	s10 =	simm.s32 @!p2 $0x80;
	s11 =	simm.s32 @!p2 $0x19900;
	vm13 =	vlt.s32 v10, $0x7FF;
	[tilespmem:v9+s8+$0x0] =	vst.idx.msk @!p2 vm0, v8  }
0x42e: {  	v31 =	vnsel vm13, $0x7FF, v10;
	[hbm4b:s5+s10] =	stream.indirect.scatter @!p2 [tilespmem:s11], [sflag:$0x3], $0x80, s8, s10, $0xb8;
	[tilespmem:$0x1E180] =	vst v63  }
0x42f: {  	vm14 =	vlt.s32 v10, v7;
	s8 =	simm.s32 @!p2 $0x3  }
0x430: {  	v8 =	vsel vm14, $0x1, v2;
	_ =	swait.ge @!p2 [sflag:s8], $0x4000  }
0x431: {  	p3 =	sgt.s32 s25, $0x6F;
	[sflag:s8] =	ssyncset.done @!p2 $0x0;
	(xrf0) =	vadd.scan.msk.s32 $0xffff, v8  }
0x432: {  	s25 =	simm.s32 @p3 $0x0;
	[sflag:s8] =	ssyncadd.s32 @!p2 $0xFFFFC000  }
0x433: {  	v8 =	vmov s25;
	v32 =	vld.idx.msk [tilespmem:v31+s17+$0x0], $0xffff  }
0x434: {  	v8 =	vadd.s32 $0xFFFFFFFF, v8;
	_ =	sdelay $0x1  }
0x435: {  	v11 =	vbroadcast v8, $0x0  }
0x436: {  	v8, _, _ =	vpop (xrf0)  }
0x437: {  	v10 =	vsub.s32 v32, v6;
	v11 =	vadd.s32 v8, v11  }
0x438: {  	v10 =	vnsel vm14, $0x0, v10;
	v11 =	vsel vm14, v11, v3  }
0x439: {  	vm15 =	vlt.s32 v11, $0x7F;
	v12 =	vshll.u32 v10, $0x3  }
0x43a: {  	v13 =	vld.idx.msk [tilespmem:v31+s18+$0x0], $0xffff;
	v33 =	vand.u32 $0x7F, v10;
	v14 =	vnsel vm15, $0x7F, v11;
	v34 =	vand.u32 $0xFFFFFC00, v12  }
0x43b: {  	v9 =	vor.u32 v33, v34;
	_ =	sdelay $0x3  }
0x43c: {  	[tilespmem:v14+s20+$0x0] =	vst.idx.msk vm14, v13  }
0x43d: {  	v10 =	vshll.u32 v11, $0x7;
	v35 =	vld.idx.msk [tilespmem:v9+s13+$0x0], $0xffff  }
0x43e: {  	v36 =	vor.u32 $0x80, v9;
	_ =	sdelay $0x3  }
0x43f: {  	[tilespmem:v10+s21+$0x0] =	vst.idx.msk $0xffff, v35  }
0x440: {  	v37 =	vor.u32 $0x1, v10;
	v11 =	vld.idx.msk [tilespmem:v36+s13+$0x0], $0xffff  }
0x441: {  	v38 =	vor.u32 $0x100, v9;
	_ =	sdelay $0x3  }
0x442: {  	[tilespmem:v37+s21+$0x0] =	vst.idx.msk $0xffff, v11  }
0x443: {  	v39 =	vor.u32 $0x2, v10;
	v11 =	vld.idx.msk [tilespmem:v38+s13+$0x0], $0xffff  }
0x444: {  	v40 =	vor.u32 $0x180, v9;
	_ =	sdelay $0x3  }
0x445: {  	[tilespmem:v39+s21+$0x0] =	vst.idx.msk $0xffff, v11  }
0x446: {  	v41 =	vor.u32 $0x3, v10;
	v11 =	vld.idx.msk [tilespmem:v40+s13+$0x0], $0xffff  }
0x447: {  	v42 =	vor.u32 $0x200, v9;
	_ =	sdelay $0x3  }
0x448: {  	[tilespmem:v41+s21+$0x0] =	vst.idx.msk $0xffff, v11  }
0x449: {  	v43 =	vor.u32 $0x4, v10;
	v11 =	vld.idx.msk [tilespmem:v42+s13+$0x0], $0xffff  }
0x44a: {  	v44 =	vor.u32 $0x280, v9;
	_ =	sdelay $0x3  }
0x44b: {  	[tilespmem:v43+s21+$0x0] =	vst.idx.msk $0xffff, v11  }
0x44c: {  	v45 =	vor.u32 $0x5, v10;
	v11 =	vld.idx.msk [tilespmem:v44+s13+$0x0], $0xffff  }
0x44d: {  	v46 =	vor.u32 $0x300, v9;
	_ =	sdelay $0x3  }
0x44e: {  	[tilespmem:v45+s21+$0x0] =	vst.idx.msk $0xffff, v11  }
0x44f: {  	v47 =	vor.u32 $0x6, v10;
	v11 =	vld.idx.msk [tilespmem:v46+s13+$0x0], $0xffff  }
0x450: {  	v48 =	vor.u32 $0x380, v9;
	_ =	sdelay $0x3  }
0x451: {  	[tilespmem:v47+s21+$0x0] =	vst.idx.msk $0xffff, v11  }
0x452: {  	v49 =	vor.u32 $0x7, v10;
	v11 =	vld.idx.msk [tilespmem:v48+s13+$0x0], $0xffff  }
0x453: {  	v50 =	vadd.s32 $0x1000, v9;
	_ =	sdelay $0x3  }
0x454: {  	[tilespmem:v49+s21+$0x0] =	vst.idx.msk $0xffff, v11  }
0x455: {  	v51 =	vor.u32 $0x8, v10;
	v11 =	vld.idx.msk [tilespmem:v50+s13+$0x0], $0xffff  }
0x456: {  	v52 =	vadd.s32 $0x1080, v9;
	_ =	sdelay $0x3  }
0x457: {  	[tilespmem:v51+s21+$0x0] =	vst.idx.msk $0xffff, v11  }
0x458: {  	v53 =	vor.u32 $0x9, v10;
	v11 =	vld.idx.msk [tilespmem:v52+s13+$0x0], $0xffff  }
0x459: {  	v54 =	vadd.s32 $0x1100, v9;
	_ =	sdelay $0x3  }
0x45a: {  	[tilespmem:v53+s21+$0x0] =	vst.idx.msk $0xffff, v11  }
0x45b: {  	v55 =	vor.u32 $0xA, v10;
	v11 =	vld.idx.msk [tilespmem:v54+s13+$0x0], $0xffff  }
0x45c: {  	v56 =	vadd.s32 $0x1180, v9;
	_ =	sdelay $0x3  }
0x45d: {  	[tilespmem:v55+s21+$0x0] =	vst.idx.msk $0xffff, v11  }
0x45e: {  	v57 =	vor.u32 $0xB, v10;
	v11 =	vld.idx.msk [tilespmem:v56+s13+$0x0], $0xffff  }
0x45f: {  	v58 =	vadd.s32 $0x1200, v9;
	_ =	sdelay $0x3  }
0x460: {  	[tilespmem:v57+s21+$0x0] =	vst.idx.msk $0xffff, v11  }
0x461: {  	v59 =	vor.u32 $0xC, v10;
	v11 =	vld.idx.msk [tilespmem:v58+s13+$0x0], $0xffff  }
0x462: {  	v60 =	vadd.s32 $0x1280, v9;
	_ =	sdelay $0x3  }
0x463: {  	[tilespmem:v59+s21+$0x0] =	vst.idx.msk $0xffff, v11  }
0x464: {  	v61 =	vor.u32 $0xD, v10;
	v11 =	vld.idx.msk [tilespmem:v60+s13+$0x0], $0xffff  }
0x465: {  	v62 =	vadd.s32 $0x1300, v9;
	_ =	sdelay $0x3  }
0x466: {  	[tilespmem:v61+s21+$0x0] =	vst.idx.msk $0xffff, v11  }
0x467: {  	v63 =	vor.u32 $0xE, v10;
	v11 =	vld.idx.msk [tilespmem:v62+s13+$0x0], $0xffff  }
0x468: {  	v16 =	vadd.s32 $0x1380, v9;
	_ =	sdelay $0x3  }
0x469: {  	[tilespmem:v63+s21+$0x0] =	vst.idx.msk $0xffff, v11  }
0x46a: {  	v17 =	vor.u32 $0xF, v10;
	v11 =	vld.idx.msk [tilespmem:v16+s13+$0x0], $0xffff  }
0x46b: {  	v18 =	vadd.s32 $0x2000, v9;
	_ =	sdelay $0x3  }
0x46c: {  	[tilespmem:v17+s21+$0x0] =	vst.idx.msk $0xffff, v11  }
0x46d: {  	v19 =	vor.u32 $0x10, v10;
	v11 =	vld.idx.msk [tilespmem:v18+s13+$0x0], $0xffff  }
0x46e: {  	v20 =	vadd.s32 $0x2080, v9;
	_ =	sdelay $0x3  }
0x46f: {  	[tilespmem:v19+s21+$0x0] =	vst.idx.msk $0xffff, v11  }
0x470: {  	v21 =	vor.u32 $0x11, v10;
	v11 =	vld.idx.msk [tilespmem:v20+s13+$0x0], $0xffff  }
0x471: {  	v22 =	vadd.s32 $0x2100, v9;
	_ =	sdelay $0x3  }
0x472: {  	[tilespmem:v21+s21+$0x0] =	vst.idx.msk $0xffff, v11  }
0x473: {  	v23 =	vor.u32 $0x12, v10;
	v11 =	vld.idx.msk [tilespmem:v22+s13+$0x0], $0xffff  }
0x474: {  	v24 =	vadd.s32 $0x2180, v9;
	_ =	sdelay $0x3  }
0x475: {  	[tilespmem:v23+s21+$0x0] =	vst.idx.msk $0xffff, v11  }
0x476: {  	v25 =	vor.u32 $0x13, v10;
	v11 =	vld.idx.msk [tilespmem:v24+s13+$0x0], $0xffff  }
0x477: {  	v26 =	vadd.s32 $0x2200, v9;
	_ =	sdelay $0x3  }
0x478: {  	[tilespmem:v25+s21+$0x0] =	vst.idx.msk $0xffff, v11  }
0x479: {  	v27 =	vor.u32 $0x14, v10;
	v11 =	vld.idx.msk [tilespmem:v26+s13+$0x0], $0xffff  }
0x47a: {  	v28 =	vadd.s32 $0x2280, v9;
	_ =	sdelay $0x3  }
0x47b: {  	[tilespmem:v27+s21+$0x0] =	vst.idx.msk $0xffff, v11  }
0x47c: {  	v29 =	vor.u32 $0x15, v10;
	v11 =	vld.idx.msk [tilespmem:v28+s13+$0x0], $0xffff  }
0x47d: {  	v30 =	vadd.s32 $0x2300, v9;
	_ =	sdelay $0x3  }
0x47e: {  	[tilespmem:v29+s21+$0x0] =	vst.idx.msk $0xffff, v11  }
0x47f: {  	v31 =	vor.u32 $0x16, v10;
	v11 =	vld.idx.msk [tilespmem:v30+s13+$0x0], $0xffff  }
0x480: {  	v32 =	vadd.s32 $0x2380, v9;
	_ =	sdelay $0x3  }
0x481: {  	[tilespmem:v31+s21+$0x0] =	vst.idx.msk $0xffff, v11  }
0x482: {  	v33 =	vor.u32 $0x17, v10;
	v11 =	vld.idx.msk [tilespmem:v32+s13+$0x0], $0xffff  }
0x483: {  	v34 =	vadd.s32 $0x3000, v9;
	_ =	sdelay $0x3  }
0x484: {  	[tilespmem:v33+s21+$0x0] =	vst.idx.msk $0xffff, v11  }
0x485: {  	v35 =	vor.u32 $0x18, v10;
	v11 =	vld.idx.msk [tilespmem:v34+s13+$0x0], $0xffff  }
0x486: {  	v36 =	vadd.s32 $0x3080, v9;
	_ =	sdelay $0x3  }
0x487: {  	[tilespmem:v35+s21+$0x0] =	vst.idx.msk $0xffff, v11  }
0x488: {  	v37 =	vor.u32 $0x19, v10;
	v11 =	vld.idx.msk [tilespmem:v36+s13+$0x0], $0xffff  }
0x489: {  	v38 =	vadd.s32 $0x3100, v9;
	_ =	sdelay $0x3  }
0x48a: {  	[tilespmem:v37+s21+$0x0] =	vst.idx.msk $0xffff, v11  }
0x48b: {  	v39 =	vor.u32 $0x1A, v10;
	v11 =	vld.idx.msk [tilespmem:v38+s13+$0x0], $0xffff  }
0x48c: {  	v40 =	vadd.s32 $0x3180, v9;
	_ =	sdelay $0x3  }
0x48d: {  	[tilespmem:v39+s21+$0x0] =	vst.idx.msk $0xffff, v11  }
0x48e: {  	v41 =	vor.u32 $0x1B, v10;
	v11 =	vld.idx.msk [tilespmem:v40+s13+$0x0], $0xffff  }
0x48f: {  	v42 =	vadd.s32 $0x3200, v9;
	_ =	sdelay $0x3  }
0x490: {  	[tilespmem:v41+s21+$0x0] =	vst.idx.msk $0xffff, v11  }
0x491: {  	v43 =	vor.u32 $0x1C, v10;
	v11 =	vld.idx.msk [tilespmem:v42+s13+$0x0], $0xffff  }
0x492: {  	v44 =	vadd.s32 $0x3280, v9;
	_ =	sdelay $0x3  }
0x493: {  	[tilespmem:v43+s21+$0x0] =	vst.idx.msk $0xffff, v11  }
0x494: {  	v45 =	vor.u32 $0x1D, v10;
	v11 =	vld.idx.msk [tilespmem:v44+s13+$0x0], $0xffff  }
0x495: {  	v46 =	vadd.s32 $0x3300, v9;
	_ =	sdelay $0x3  }
0x496: {  	[tilespmem:v45+s21+$0x0] =	vst.idx.msk $0xffff, v11  }
0x497: {  	v47 =	vor.u32 $0x1E, v10;
	v11 =	vld.idx.msk [tilespmem:v46+s13+$0x0], $0xffff  }
0x498: {  	v48 =	vadd.s32 $0x3380, v9;
	_ =	sdelay $0x3  }
0x499: {  	[tilespmem:v47+s21+$0x0] =	vst.idx.msk $0xffff, v11  }
0x49a: {  	v49 =	vor.u32 $0x1F, v10;
	v11 =	vld.idx.msk [tilespmem:v48+s13+$0x0], $0xffff  }
0x49b: {  	v50 =	vadd.s32 $0x4000, v9;
	_ =	sdelay $0x3  }
0x49c: {  	[tilespmem:v49+s21+$0x0] =	vst.idx.msk $0xffff, v11  }
0x49d: {  	v51 =	vor.u32 $0x20, v10;
	v11 =	vld.idx.msk [tilespmem:v50+s13+$0x0], $0xffff  }
0x49e: {  	v52 =	vadd.s32 $0x4080, v9;
	_ =	sdelay $0x3  }
0x49f: {  	[tilespmem:v51+s21+$0x0] =	vst.idx.msk $0xffff, v11  }
0x4a0: {  	v53 =	vor.u32 $0x21, v10;
	v11 =	vld.idx.msk [tilespmem:v52+s13+$0x0], $0xffff  }
0x4a1: {  	v54 =	vadd.s32 $0x4100, v9;
	_ =	sdelay $0x3  }
0x4a2: {  	[tilespmem:v53+s21+$0x0] =	vst.idx.msk $0xffff, v11  }
0x4a3: {  	v55 =	vor.u32 $0x22, v10;
	v11 =	vld.idx.msk [tilespmem:v54+s13+$0x0], $0xffff  }
0x4a4: {  	v56 =	vadd.s32 $0x4180, v9;
	_ =	sdelay $0x3  }
0x4a5: {  	[tilespmem:v55+s21+$0x0] =	vst.idx.msk $0xffff, v11  }
0x4a6: {  	v57 =	vor.u32 $0x23, v10;
	v11 =	vld.idx.msk [tilespmem:v56+s13+$0x0], $0xffff  }
0x4a7: {  	v58 =	vadd.s32 $0x4200, v9;
	_ =	sdelay $0x3  }
0x4a8: {  	[tilespmem:v57+s21+$0x0] =	vst.idx.msk $0xffff, v11  }
0x4a9: {  	v59 =	vor.u32 $0x24, v10;
	v11 =	vld.idx.msk [tilespmem:v58+s13+$0x0], $0xffff  }
0x4aa: {  	v60 =	vadd.s32 $0x4280, v9;
	_ =	sdelay $0x3  }
0x4ab: {  	[tilespmem:v59+s21+$0x0] =	vst.idx.msk $0xffff, v11  }
0x4ac: {  	v61 =	vor.u32 $0x25, v10;
	v11 =	vld.idx.msk [tilespmem:v60+s13+$0x0], $0xffff  }
0x4ad: {  	v62 =	vadd.s32 $0x4300, v9;
	_ =	sdelay $0x3  }
0x4ae: {  	[tilespmem:v61+s21+$0x0] =	vst.idx.msk $0xffff, v11  }
0x4af: {  	v63 =	vor.u32 $0x26, v10;
	v11 =	vld.idx.msk [tilespmem:v62+s13+$0x0], $0xffff  }
0x4b0: {  	v16 =	vadd.s32 $0x4380, v9;
	_ =	sdelay $0x3  }
0x4b1: {  	[tilespmem:v63+s21+$0x0] =	vst.idx.msk $0xffff, v11  }
0x4b2: {  	v17 =	vor.u32 $0x27, v10;
	v11 =	vld.idx.msk [tilespmem:v16+s13+$0x0], $0xffff  }
0x4b3: {  	v18 =	vadd.s32 $0x5000, v9;
	_ =	sdelay $0x3  }
0x4b4: {  	[tilespmem:v17+s21+$0x0] =	vst.idx.msk $0xffff, v11  }
0x4b5: {  	v19 =	vor.u32 $0x28, v10;
	v11 =	vld.idx.msk [tilespmem:v18+s13+$0x0], $0xffff  }
0x4b6: {  	v20 =	vadd.s32 $0x5080, v9;
	_ =	sdelay $0x3  }
0x4b7: {  	[tilespmem:v19+s21+$0x0] =	vst.idx.msk $0xffff, v11  }
0x4b8: {  	v21 =	vor.u32 $0x29, v10;
	v11 =	vld.idx.msk [tilespmem:v20+s13+$0x0], $0xffff  }
0x4b9: {  	v22 =	vadd.s32 $0x5100, v9;
	_ =	sdelay $0x3  }
0x4ba: {  	[tilespmem:v21+s21+$0x0] =	vst.idx.msk $0xffff, v11  }
0x4bb: {  	v23 =	vor.u32 $0x2A, v10;
	v11 =	vld.idx.msk [tilespmem:v22+s13+$0x0], $0xffff  }
0x4bc: {  	v24 =	vadd.s32 $0x5180, v9;
	_ =	sdelay $0x3  }
0x4bd: {  	[tilespmem:v23+s21+$0x0] =	vst.idx.msk $0xffff, v11  }
0x4be: {  	v25 =	vor.u32 $0x2B, v10;
	v11 =	vld.idx.msk [tilespmem:v24+s13+$0x0], $0xffff  }
0x4bf: {  	v26 =	vadd.s32 $0x5200, v9;
	_ =	sdelay $0x3  }
0x4c0: {  	[tilespmem:v25+s21+$0x0] =	vst.idx.msk $0xffff, v11  }
0x4c1: {  	v27 =	vor.u32 $0x2C, v10;
	v11 =	vld.idx.msk [tilespmem:v26+s13+$0x0], $0xffff  }
0x4c2: {  	v28 =	vadd.s32 $0x5280, v9;
	_ =	sdelay $0x3  }
0x4c3: {  	[tilespmem:v27+s21+$0x0] =	vst.idx.msk $0xffff, v11  }
0x4c4: {  	v29 =	vor.u32 $0x2D, v10;
	v11 =	vld.idx.msk [tilespmem:v28+s13+$0x0], $0xffff  }
0x4c5: {  	v30 =	vadd.s32 $0x5300, v9;
	_ =	sdelay $0x3  }
0x4c6: {  	[tilespmem:v29+s21+$0x0] =	vst.idx.msk $0xffff, v11  }
0x4c7: {  	v31 =	vor.u32 $0x2E, v10;
	v11 =	vld.idx.msk [tilespmem:v30+s13+$0x0], $0xffff  }
0x4c8: {  	v32 =	vadd.s32 $0x5380, v9;
	_ =	sdelay $0x3  }
0x4c9: {  	[tilespmem:v31+s21+$0x0] =	vst.idx.msk $0xffff, v11  }
0x4ca: {  	v33 =	vor.u32 $0x2F, v10;
	v11 =	vld.idx.msk [tilespmem:v32+s13+$0x0], $0xffff  }
0x4cb: {  	v34 =	vadd.s32 $0x6000, v9;
	_ =	sdelay $0x3  }
0x4cc: {  	[tilespmem:v33+s21+$0x0] =	vst.idx.msk $0xffff, v11  }
0x4cd: {  	v35 =	vor.u32 $0x30, v10;
	v11 =	vld.idx.msk [tilespmem:v34+s13+$0x0], $0xffff  }
0x4ce: {  	v36 =	vadd.s32 $0x6080, v9;
	_ =	sdelay $0x3  }
0x4cf: {  	[tilespmem:v35+s21+$0x0] =	vst.idx.msk $0xffff, v11  }
0x4d0: {  	v37 =	vor.u32 $0x31, v10;
	v11 =	vld.idx.msk [tilespmem:v36+s13+$0x0], $0xffff  }
0x4d1: {  	v38 =	vadd.s32 $0x6100, v9;
	_ =	sdelay $0x3  }
0x4d2: {  	[tilespmem:v37+s21+$0x0] =	vst.idx.msk $0xffff, v11  }
0x4d3: {  	v39 =	vor.u32 $0x32, v10;
	v11 =	vld.idx.msk [tilespmem:v38+s13+$0x0], $0xffff  }
0x4d4: {  	v40 =	vadd.s32 $0x6180, v9;
	_ =	sdelay $0x3  }
0x4d5: {  	[tilespmem:v39+s21+$0x0] =	vst.idx.msk $0xffff, v11  }
0x4d6: {  	v41 =	vor.u32 $0x33, v10;
	v11 =	vld.idx.msk [tilespmem:v40+s13+$0x0], $0xffff  }
0x4d7: {  	v42 =	vadd.s32 $0x6200, v9;
	_ =	sdelay $0x3  }
0x4d8: {  	[tilespmem:v41+s21+$0x0] =	vst.idx.msk $0xffff, v11  }
0x4d9: {  	v43 =	vor.u32 $0x34, v10;
	v11 =	vld.idx.msk [tilespmem:v42+s13+$0x0], $0xffff  }
0x4da: {  	v44 =	vadd.s32 $0x6280, v9;
	_ =	sdelay $0x3  }
0x4db: {  	[tilespmem:v43+s21+$0x0] =	vst.idx.msk $0xffff, v11  }
0x4dc: {  	v45 =	vor.u32 $0x35, v10;
	v11 =	vld.idx.msk [tilespmem:v44+s13+$0x0], $0xffff  }
0x4dd: {  	v46 =	vadd.s32 $0x6300, v9;
	_ =	sdelay $0x3  }
0x4de: {  	[tilespmem:v45+s21+$0x0] =	vst.idx.msk $0xffff, v11  }
0x4df: {  	v47 =	vor.u32 $0x36, v10;
	v11 =	vld.idx.msk [tilespmem:v46+s13+$0x0], $0xffff  }
0x4e0: {  	v48 =	vadd.s32 $0x6380, v9;
	_ =	sdelay $0x3  }
0x4e1: {  	[tilespmem:v47+s21+$0x0] =	vst.idx.msk $0xffff, v11  }
0x4e2: {  	v49 =	vor.u32 $0x37, v10;
	v11 =	vld.idx.msk [tilespmem:v48+s13+$0x0], $0xffff  }
0x4e3: {  	v50 =	vadd.s32 $0x7000, v9;
	_ =	sdelay $0x3  }
0x4e4: {  	[tilespmem:v49+s21+$0x0] =	vst.idx.msk $0xffff, v11  }
0x4e5: {  	v51 =	vor.u32 $0x38, v10;
	v11 =	vld.idx.msk [tilespmem:v50+s13+$0x0], $0xffff  }
0x4e6: {  	v52 =	vadd.s32 $0x7080, v9;
	_ =	sdelay $0x3  }
0x4e7: {  	[tilespmem:v51+s21+$0x0] =	vst.idx.msk $0xffff, v11  }
0x4e8: {  	v53 =	vor.u32 $0x39, v10;
	v11 =	vld.idx.msk [tilespmem:v52+s13+$0x0], $0xffff  }
0x4e9: {  	v54 =	vadd.s32 $0x7100, v9;
	_ =	sdelay $0x3  }
0x4ea: {  	[tilespmem:v53+s21+$0x0] =	vst.idx.msk $0xffff, v11  }
0x4eb: {  	v55 =	vor.u32 $0x3A, v10;
	v11 =	vld.idx.msk [tilespmem:v54+s13+$0x0], $0xffff  }
0x4ec: {  	v56 =	vadd.s32 $0x7180, v9;
	_ =	sdelay $0x3  }
0x4ed: {  	[tilespmem:v55+s21+$0x0] =	vst.idx.msk $0xffff, v11  }
0x4ee: {  	v57 =	vor.u32 $0x3B, v10;
	v11 =	vld.idx.msk [tilespmem:v56+s13+$0x0], $0xffff  }
0x4ef: {  	v58 =	vadd.s32 $0x7200, v9;
	_ =	sdelay $0x3  }
0x4f0: {  	[tilespmem:v57+s21+$0x0] =	vst.idx.msk $0xffff, v11  }
0x4f1: {  	v59 =	vor.u32 $0x3C, v10;
	v11 =	vld.idx.msk [tilespmem:v58+s13+$0x0], $0xffff  }
0x4f2: {  	v60 =	vadd.s32 $0x7280, v9;
	_ =	sdelay $0x3  }
0x4f3: {  	[tilespmem:v59+s21+$0x0] =	vst.idx.msk $0xffff, v11  }
0x4f4: {  	v61 =	vor.u32 $0x3D, v10;
	v11 =	vld.idx.msk [tilespmem:v60+s13+$0x0], $0xffff  }
0x4f5: {  	(v2sf) =	vpush v8, $0xF;
	v8 =	vadd.s32 $0x7300, v9;
	_ =	sdelay $0x3  }
0x4f6: {  	[tilespmem:v61+s21+$0x0] =	vst.idx.msk $0xffff, v11  }
0x4f7: {  	v62 =	vor.u32 $0x3E, v10;
	v8 =	vld.idx.msk [tilespmem:v8+s13+$0x0], $0xffff  }
0x4f8: {  	v9 =	vadd.s32 $0x7380, v9;
	_ =	sdelay $0x3  }
0x4f9: {  	s2 =	sadd.s32 $0xFFFFFFFF, s2;
	[tilespmem:v62+s21+$0x0] =	vst.idx.msk $0xffff, v8  }
0x4fa: {  	p2 =	sne.s32 s2, $0x0;
	v63 =	vor.u32 $0x3F, v10;
	v8 =	vld.idx.msk [tilespmem:v9+s13+$0x0], $0xffff  }
.Ltmp42:
0x4fb: {  	_ = 	snop;
	(pc) =	sbr.rel @p2 .LBB2_55-.Ltmp42, $3  }
0x4fc: {  	_ =	sdelay $0x1  }
0x4fd: {  	s11 =	spop (v2sf)  }
0x4fe: {  	s23 =	sadd.s32 $0x10, s23;
	s25 =	sadd.s32 s25, s11;
	[tilespmem:v63+s21+$0x0] =	vst.idx.msk $0xffff, v8  }
.Ltmp43:
0x4ff: {  	_ = 	snop;
	(pc) =	sbr.rel .LBB2_56-.Ltmp43, $1  }
0x500: {  	_ =	sdelay $0x3  }
.LBB2_48:
.Ltmp44:
0x501: {  	(pc) =	sbr.rel .LBB2_52-.Ltmp44, $2  }
0x502: {  	_ =	sdelay $0x2  }
0x503: {  	s23 =	simm.s32 $0x0  }
.LBB2_50:
.Ltmp45:
0x504: {  	(pc) =	sbr.rel .LBB2_52-.Ltmp45, $2  }
0x505: {  	_ =	sdelay $0x2  }
0x506: {  	s23 =	simm.s32 $0x0  }
.LBB2_10:
.Ltmp46:
0x507: {  	(pc) =	sbr.rel .LBB2_14-.Ltmp46, $2  }
0x508: {  	_ =	sdelay $0x2  }
0x509: {  	s23 =	simm.s32 $0x0  }
.LBB2_36:
.Ltmp47:
0x50a: {  	(pc) =	sbr.rel .LBB2_40-.Ltmp47, $2  }
0x50b: {  	_ =	sdelay $0x2  }
0x50c: {  	s23 =	simm.s32 $0x0  }
.LBB2_12:
.Ltmp48:
0x50d: {  	(pc) =	sbr.rel .LBB2_14-.Ltmp48, $2  }
0x50e: {  	_ =	sdelay $0x2  }
0x50f: {  	s23 =	simm.s32 $0x0  }
.LBB2_38:
.Ltmp49:
0x510: {  	(pc) =	sbr.rel .LBB2_40-.Ltmp49, $2  }
0x511: {  	_ =	sdelay $0x2  }
0x512: {  	s23 =	simm.s32 $0x0  }
.LBB2_59:
0x513: {  	p0 =	slt.s32 s25, $0x1  }
.Ltmp50:
0x514: {  	_ = 	snop;
	(pc) =	sbr.rel @p0 .LBB2_63-.Ltmp50, $1  }
0x515: {  	_ =	sdelay $0x3  }
0x516: {  	s0 =	sadd.s32 $0x0, s25  }
0x517: {  	v4 =	vadd.s32 s0, v0  }
0x518: {  	vm1 =	vlt.s32 v4, $0x7F;
	vm0 =	vlt.s32 v4, $0x80  }
0x519: {  	v4 =	vnsel vm1, $0x7F, v4  }
0x51a: {  	s2 =	simm.s32 $0x4000;
	s0 =	simm.s32 $0x10  }
.LBB2_61:
0x51b: {  	s8 =	sadd.s32 s0, s25  }
0x51c: {  	p0 =	sne.s32 s0, $0x70;
	s10 =	smov.u32 s0;
	s0 =	sadd.s32 $0x10, s0  }
.Ltmp51:
0x51d: {  	v6 =	vor.u32 s2, v0;
	v5 =	vadd.s32 s8, v0;
	(pc) =	sbr.rel @p0 .LBB2_61-.Ltmp51, $3  }
0x51e: {  	vm1 =	vlt.s32 v5, $0x7F;
	[tilespmem:v4+s20+$0x0] =	vst.idx.msk vm0, v6;
	vm0 =	vlt.s32 v5, $0x80  }
0x51f: {  	v4 =	vnsel vm1, $0x7F, v5;
	_ =	sdelay $0x1  }
0x520: {  	s2 =	sadd.s32 $0x4000, s10  }
0x521: {  	_ =	sdelay $0x3  }
0x522: {  	v5 =	vor.u32 s2, v0  }
.Ltmp52:
0x523: {  	s0 =	simm.s32 $0x80;
	[tilespmem:v4+s20+$0x0] =	vst.idx.msk vm0, v5;
	(pc) =	sbr.rel .LBB2_63-.Ltmp52, $4  }
0x524: {  	[hbm4b:s5+s0] =	stream.indirect.scatter [tilespmem:s21], [sflag:$0x3], $0x80, s20, s0, $0xb8;
	[tilespmem:$0x1E180] =	vst v63  }
0x525: {  	_ =	swait.ge [sflag:s14], $0x4000  }
0x526: {  	[sflag:s14] =	ssyncset.done $0x0  }
0x527: {  	[sflag:s14] =	ssyncadd.s32 $0xFFFFC000  }
.LBB2_64:
0x528: {  	_ =	sfence.sel $0x180000  }
0x529: {  	[bflag:$0x0] =	sbarrier.arrive $0xFFFF  }
0x52a: {  	_ =	strace $0x90000047  }
0x52b: {  	s0 =	stileid.u32;
	[bflag:$0x2] =	sbarrier.arrive $0xFFFF  }
0x52c: {  	p0 =	sne.s32 s0, $0x0;
	s0 =	rddreg [dreg:$0x3]  }
0x52d: {  	s0 =	sadd.s32 @!p0 $0x100000, s0  }
0x52e: {  	[sflag:s0] =	ssyncadd.tile.s32 @!p0 $0x1;
	_ =	shalt  }
.Lfunc_end2:
_tile_overlayer_lowered:
.L_overlay_start_2:
0x52f: {  	(tag) =	ssettag $0x2  }
0x530: {  	s0 =	rddreg [dreg:$0x0];
	s2 =	stileid.u32  }
0x531: {  	s1 =	rddreg [dreg:$0x1];
	p0 =	sne.s32 s2, $0x0  }
0x532: {  	s3 =	rddreg [dreg:$0x2];
	[bflag:$0x3] =	sbarrier.arrive $0xFFFF;
	s2 =	simm.s32 @!p0 $0x1C03  }
0x533: {  	[timem:s3], [sflag:s2] =	dma.local @!p0 [hbm:s0], s1  }
0x534: {  	s0 =	simm.s32 @!p0 $0x3  }
0x535: {  	_ =	swait.ge @!p0 [sflag:s0], s1  }
0x536: {  	s1 =	ssub.s32 @!p0 $0x0, s1;
	[sflag:s0] =	ssyncset.done @!p0 $0x0  }
0x537: {  	[sflag:s0] =	ssyncadd.s32 @!p0 s1  }
0x538: {  	[bflag:$0x3] =	sbarrier.arrive $0xFFFF  }
0x539: {  	_ =	shalt  }

</sc_bundles>
